<compile_context>
chip_gen: v7x
topology: tpu7x:2x2x1
jax: 0.10.2.dev20260603
libtpu: 0.0.44.dev20260713+nightly
codegen_flags: <defaults>
</compile_context>

<pallas_src>
import jax
import jax.numpy as jnp
from jax import lax
from jax.experimental import pallas as pl
from jax.experimental.pallas import tpu as pltpu
from jax.experimental.pallas import tpu_sc as plsc

D = 64
NSEG = 16
SEQ = 512
NC = 2
NS = 16
NW = NC * NS
CHUNK = 128
NSTREAM = CHUNK // 128
LANES = 16
NBUF = 4


def _body(ids_hbm, segs_hbm, tok_hbm, comb_hbm, out_hbm,
          ids_v, cidx_v, tok_v, comb_v,
          sem_tok, sem_comb, sem_out):
    c = lax.axis_index("c")
    s = lax.axis_index("s")
    wid = c * NS + s
    batch, seq = ids_hbm.shape
    n_tokens = batch * seq
    per_w = n_tokens // NW
    nchunk = per_w // CHUNK
    rows_w = per_w // SEQ
    iota = lax.iota(jnp.int32, LANES)
    wbase = wid * per_w
    wrow = wid * rows_w

    for r in range(per_w // SEQ):
        pltpu.sync_copy(ids_hbm.at[wrow + r], ids_v.at[pl.ds(r * SEQ, SEQ)])
        pltpu.sync_copy(segs_hbm.at[wrow + r], cidx_v.at[pl.ds(r * SEQ, SEQ)])

    def idx_group(g, carry):
        sl = pl.ds(g * LANES, LANES)
        cidx_v[sl] = (cidx_v[sl] * SEQ
                      + (lax.rem(g, SEQ // LANES) * LANES) + iota)
        return carry

    lax.fori_loop(0, per_w // LANES, idx_group, 0)

    def gather_descs(b, i):
        local = i * CHUNK
        descs = []
        for j in range(NSTREAM):
            sl = pl.ds(local + j * 128, 128)
            dst_sl = pl.ds(j * 128, 128)
            descs.append(pltpu.make_async_copy(
                tok_hbm.at[ids_v.at[sl]], tok_v[b].at[dst_sl], sem_tok[b]))
            descs.append(pltpu.make_async_copy(
                comb_hbm.at[cidx_v.at[sl]], comb_v[b].at[dst_sl],
                sem_comb[b]))
        return descs

    def out_slot(i):
        base = wbase + i * CHUNK
        return out_hbm.at[base // SEQ, pl.ds(lax.rem(base, SEQ), CHUNK)]

    def start(i, b):
        @pl.when(i >= NBUF)
        def _():
            pltpu.make_async_copy(tok_v[b], out_slot(i), sem_out[b]).wait()

        for d in gather_descs(b, i):
            d.start()

    def finish(i, b):
        for d in gather_descs(b, i):
            d.wait()

        def add_row(r, carry):
            for j in range(D // LANES):
                sl = pl.ds(j * LANES, LANES)
                tok_v[b][r, sl] = tok_v[b][r, sl] + comb_v[b][r, sl]
            return carry

        lax.fori_loop(0, CHUNK, add_row, 0)
        pltpu.async_copy(tok_v[b], out_slot(i), sem_out[b])

    for b in range(NBUF):
        start(b, b)

    def pair_step(g, carry):
        for b in range(NBUF):
            i = g * NBUF + b
            finish(i, b)

            @pl.when(i + NBUF < nchunk)
            def _():
                start(i + NBUF, b)
        return carry

    lax.fori_loop(0, nchunk // NBUF, pair_step, 0)
    for b in range(NBUF):
        pltpu.make_async_copy(tok_v[b], out_slot(0), sem_out[b]).wait()


def kernel(input_ids, segment_ids, token_embedding_matrix,
           segment_embedding_matrix, position_embedding_matrix):
    batch, seq = input_ids.shape
    comb = (segment_embedding_matrix.astype(jnp.float32)[:, None, :]
            + position_embedding_matrix.astype(jnp.float32)[None, :, :]
            ).reshape(NSEG * SEQ, D)
    per_w = batch * seq // NW

    mesh = plsc.VectorSubcoreMesh(core_axis_name="c", subcore_axis_name="s",
                                  num_cores=NC, num_subcores=NS)
    run = pl.kernel(
        _body,
        out_type=jax.ShapeDtypeStruct((batch, seq, D), jnp.float32),
        mesh=mesh,
        compiler_params=pltpu.CompilerParams(use_tc_tiling_on_sc=False),
        scratch_types=(
            pltpu.VMEM((per_w,), jnp.int32),
            pltpu.VMEM((per_w,), jnp.int32),
            [pltpu.VMEM((CHUNK, D), jnp.float32)] * NBUF,
            [pltpu.VMEM((CHUNK, D), jnp.float32)] * NBUF,
            [pltpu.SemaphoreType.DMA] * NBUF,
            [pltpu.SemaphoreType.DMA] * NBUF,
            [pltpu.SemaphoreType.DMA] * NBUF,
        ),
    )
    out = run(input_ids.astype(jnp.int32), segment_ids.astype(jnp.int32),
              token_embedding_matrix.astype(jnp.float32), comb)
    return out

# --- scband reference (transcript-rebuilt; emitter-appended) ---
"""Pipeline reference for scband-embedding-5866925326490 (READ-ONLY COPY).

The authoritative reference and input builder live on the scoring server;
editing this copy changes nothing except your own understanding.
"""

import jax, jax.numpy as jnp
import numpy as np

VOCAB_SIZE = 1000000
EMBED_DIM = 64
SEGMENT_TYPES = 16
MAX_POS = 512
BATCH = 1024
SEQ_LEN = 512


def setup_inputs(seed: int = 0) -> dict:
    key = jax.random.key(seed)
    k1, k2, k3, k4, k5 = jax.random.split(key, 5)
    input_ids = jax.random.randint(k1, (BATCH, SEQ_LEN), 0, VOCAB_SIZE, dtype=jnp.int64 if jax.config.jax_enable_x64 else jnp.int32)
    segment_ids = jax.random.randint(k2, (BATCH, SEQ_LEN), 0, SEGMENT_TYPES, dtype=jnp.int64 if jax.config.jax_enable_x64 else jnp.int32)
    token_embedding_matrix = jax.random.normal(k3, (VOCAB_SIZE, EMBED_DIM), dtype=jnp.float32) * 0.02
    segment_embedding_matrix = jax.random.normal(k4, (SEGMENT_TYPES, EMBED_DIM), dtype=jnp.float32) * 0.02
    position_embedding_matrix = jax.random.normal(k5, (MAX_POS, EMBED_DIM), dtype=jnp.float32) * 0.02
    return {
        "input_ids": input_ids,
        "segment_ids": segment_ids,
        "token_embedding_matrix": token_embedding_matrix,
        "segment_embedding_matrix": segment_embedding_matrix,
        "position_embedding_matrix": position_embedding_matrix,
    }


def reference(input_ids, segment_ids, token_embedding_matrix, segment_embedding_matrix, position_embedding_matrix):
    seq_len = input_ids.shape[1]
    # token embedding lookup (gather)
    token_embeddings = jnp.take(token_embedding_matrix, input_ids, axis=0)
    # segment embedding lookup (gather)
    segment_embeddings = jnp.take(segment_embedding_matrix, segment_ids, axis=0)
    # position embedding slice, broadcast over batch
    position_embeddings = position_embedding_matrix[:seq_len, :]
    all_embeddings = token_embeddings + segment_embeddings + position_embeddings[None, :, :]
    # training=False -> no dropout
    return all_embeddings

if __name__ == "__main__":
    import jax
    _d = setup_inputs()
    print(jax.jit(kernel)(*tuple(_d.values())))

</pallas_src>

<mosaic_0001>
#map = affine_map<(d0, d1) -> (0, 0)>
#map1 = affine_map<(d0, d1) -> (0, 0, 0)>
module attributes {stable_mosaic.version = 14 : i64} {
  func.func @_body(%arg0: i32, %arg1: i32, %arg2: memref<1024x512xi32, #tpu.memory_space<hbm>>, %arg3: memref<1024x512xi32, #tpu.memory_space<hbm>>, %arg4: memref<1000000x64xf32, #tpu.memory_space<hbm>>, %arg5: memref<8192x64xf32, #tpu.memory_space<hbm>>, %arg6: memref<1024x512x64xf32, #tpu.memory_space<hbm>>, %arg7: memref<16384xi32, #tpu.memory_space<vmem>>, %arg8: memref<16384xi32, #tpu.memory_space<vmem>>, %arg9: memref<128x64xf32, #tpu.memory_space<vmem>>, %arg10: memref<128x64xf32, #tpu.memory_space<vmem>>, %arg11: memref<128x64xf32, #tpu.memory_space<vmem>>, %arg12: memref<128x64xf32, #tpu.memory_space<vmem>>, %arg13: memref<128x64xf32, #tpu.memory_space<vmem>>, %arg14: memref<128x64xf32, #tpu.memory_space<vmem>>, %arg15: memref<128x64xf32, #tpu.memory_space<vmem>>, %arg16: memref<128x64xf32, #tpu.memory_space<vmem>>, %arg17: memref<!tpu.dma_semaphore, #tpu.memory_space<semaphore_mem>>, %arg18: memref<!tpu.dma_semaphore, #tpu.memory_space<semaphore_mem>>, %arg19: memref<!tpu.dma_semaphore, #tpu.memory_space<semaphore_mem>>, %arg20: memref<!tpu.dma_semaphore, #tpu.memory_space<semaphore_mem>>, %arg21: memref<!tpu.dma_semaphore, #tpu.memory_space<semaphore_mem>>, %arg22: memref<!tpu.dma_semaphore, #tpu.memory_space<semaphore_mem>>, %arg23: memref<!tpu.dma_semaphore, #tpu.memory_space<semaphore_mem>>, %arg24: memref<!tpu.dma_semaphore, #tpu.memory_space<semaphore_mem>>, %arg25: memref<!tpu.dma_semaphore, #tpu.memory_space<semaphore_mem>>, %arg26: memref<!tpu.dma_semaphore, #tpu.memory_space<semaphore_mem>>, %arg27: memref<!tpu.dma_semaphore, #tpu.memory_space<semaphore_mem>>, %arg28: memref<!tpu.dma_semaphore, #tpu.memory_space<semaphore_mem>>) attributes {dimension_semantics = [#tpu.dimension_semantics<core_parallel>, #tpu.dimension_semantics<subcore_parallel>], iteration_bounds = array<i64: 2, 16>, scalar_prefetch = 0 : i64, scratch_operands = 22 : i64, tpu.core_type = #tpu.core_type<sc_vector_subcore>, window_params = [{transform_indices = #map}, {transform_indices = #map}, {transform_indices = #map}, {transform_indices = #map}, {transform_indices = #map1}]} {
    %mul3A = arith.constant 16 : i32
    %mul3A_0 = arith.muli %arg0, %mul3A : i32
    %add3A = arith.addi %mul3A_0, %arg1 : i32
    %iota3A = tpu.iota {dimensions = array<i32: 0>} : vector<16xi32>
    %mul3A_1 = arith.constant 16384 : i32
    %mul3A_2 = arith.muli %add3A, %mul3A_1 : i32
    %mul3A_3 = arith.constant 32 : i32
    %mul3A_4 = arith.muli %add3A, %mul3A_3 : i32
    %add3A_5 = arith.constant 0 : i32
    %add3A_6 = arith.addi %mul3A_4, %add3A_5 : i32
    "tpu.region"() ({
      %run_scoped3A = tpu.sem_alloc : memref<!tpu.dma_semaphore, #tpu.memory_space<semaphore_mem>>
      %dma_start3A_334 = arith.constant 0 : i32
      %dma_start3A_335 = tpu.memref_slice %arg7[%dma_start3A_334] : memref<16384xi32, #tpu.memory_space<vmem>> -> memref<512xi32, #tpu.memory_space<vmem>>
      %dma_start3A_336 = arith.constant 0 : i32
      %dma_start3A_337 = tpu.memref_slice %arg2[%add3A_6, %dma_start3A_336] : memref<1024x512xi32, #tpu.memory_space<hbm>> -> memref<1x512xi32, #tpu.memory_space<hbm>>
      %dma_start3A_338 = tpu.memref_squeeze %dma_start3A_337 : memref<1x512xi32, #tpu.memory_space<hbm>> -> memref<512xi32, #tpu.memory_space<hbm>>
      %dma_start3A_339 = arith.constant 0 : i32
      %dma_start3A_340 = tpu.memref_slice %arg7[%dma_start3A_339] : memref<16384xi32, #tpu.memory_space<vmem>> -> memref<512xi32, #tpu.memory_space<vmem>>
      %dma_start3A_341 = arith.constant 0 : i32
      %dma_start3A_342 = tpu.memref_slice %arg2[%add3A_6, %dma_start3A_341] : memref<1024x512xi32, #tpu.memory_space<hbm>> -> memref<1x512xi32, #tpu.memory_space<hbm>>
      %dma_start3A_343 = tpu.memref_squeeze %dma_start3A_342 : memref<1x512xi32, #tpu.memory_space<hbm>> -> memref<512xi32, #tpu.memory_space<hbm>>
      tpu.enqueue_dma source(%dma_start3A_343 : memref<512xi32, #tpu.memory_space<hbm>>) target(%dma_start3A_340 : memref<512xi32, #tpu.memory_space<vmem>>) target_semaphore(%run_scoped3A : memref<!tpu.dma_semaphore, #tpu.memory_space<semaphore_mem>>)
      %dma_wait3A_344 = arith.constant 0 : i32
      %dma_wait3A_345 = tpu.memref_slice %arg7[%dma_wait3A_344] : memref<16384xi32, #tpu.memory_space<vmem>> -> memref<512xi32, #tpu.memory_space<vmem>>
      %dma_wait3A_346 = arith.constant 0 : i32
      %dma_wait3A_347 = tpu.memref_slice %arg2[%add3A_6, %dma_wait3A_346] : memref<1024x512xi32, #tpu.memory_space<hbm>> -> memref<1x512xi32, #tpu.memory_space<hbm>>
      %dma_wait3A_348 = tpu.memref_squeeze %dma_wait3A_347 : memref<1x512xi32, #tpu.memory_space<hbm>> -> memref<512xi32, #tpu.memory_space<hbm>>
      %dma_wait3A_349 = arith.constant 0 : i32
      %dma_wait3A_350 = tpu.memref_slice %arg7[%dma_wait3A_349] : memref<16384xi32, #tpu.memory_space<vmem>> -> memref<512xi32, #tpu.memory_space<vmem>>
      %dma_wait3A_351 = arith.constant 0 : i32
      %dma_wait3A_352 = tpu.memref_slice %arg2[%add3A_6, %dma_wait3A_351] : memref<1024x512xi32, #tpu.memory_space<hbm>> -> memref<1x512xi32, #tpu.memory_space<hbm>>
      %dma_wait3A_353 = tpu.memref_squeeze %dma_wait3A_352 : memref<1x512xi32, #tpu.memory_space<hbm>> -> memref<512xi32, #tpu.memory_space<hbm>>
      tpu.wait_dma2 semaphore(%run_scoped3A : memref<!tpu.dma_semaphore, #tpu.memory_space<semaphore_mem>>) src(%dma_wait3A_353 : memref<512xi32, #tpu.memory_space<hbm>>) dst(%dma_wait3A_350 : memref<512xi32, #tpu.memory_space<vmem>>)
      tpu.yield
    }) : () -> ()
    %add3A_7 = arith.constant 0 : i32
    %add3A_8 = arith.addi %mul3A_4, %add3A_7 : i32
    "tpu.region"() ({
      %run_scoped3A = tpu.sem_alloc : memref<!tpu.dma_semaphore, #tpu.memory_space<semaphore_mem>>
      %dma_start3A_334 = arith.constant 0 : i32
      %dma_start3A_335 = tpu.memref_slice %arg8[%dma_start3A_334] : memref<16384xi32, #tpu.memory_space<vmem>> -> memref<512xi32, #tpu.memory_space<vmem>>
      %dma_start3A_336 = arith.constant 0 : i32
      %dma_start3A_337 = tpu.memref_slice %arg3[%add3A_8, %dma_start3A_336] : memref<1024x512xi32, #tpu.memory_space<hbm>> -> memref<1x512xi32, #tpu.memory_space<hbm>>
      %dma_start3A_338 = tpu.memref_squeeze %dma_start3A_337 : memref<1x512xi32, #tpu.memory_space<hbm>> -> memref<512xi32, #tpu.memory_space<hbm>>
      %dma_start3A_339 = arith.constant 0 : i32
      %dma_start3A_340 = tpu.memref_slice %arg8[%dma_start3A_339] : memref<16384xi32, #tpu.memory_space<vmem>> -> memref<512xi32, #tpu.memory_space<vmem>>
      %dma_start3A_341 = arith.constant 0 : i32
      %dma_start3A_342 = tpu.memref_slice %arg3[%add3A_8, %dma_start3A_341] : memref<1024x512xi32, #tpu.memory_space<hbm>> -> memref<1x512xi32, #tpu.memory_space<hbm>>
      %dma_start3A_343 = tpu.memref_squeeze %dma_start3A_342 : memref<1x512xi32, #tpu.memory_space<hbm>> -> memref<512xi32, #tpu.memory_space<hbm>>
      tpu.enqueue_dma source(%dma_start3A_343 : memref<512xi32, #tpu.memory_space<hbm>>) target(%dma_start3A_340 : memref<512xi32, #tpu.memory_space<vmem>>) target_semaphore(%run_scoped3A : memref<!tpu.dma_semaphore, #tpu.memory_space<semaphore_mem>>)
      %dma_wait3A_344 = arith.constant 0 : i32
      %dma_wait3A_345 = tpu.memref_slice %arg8[%dma_wait3A_344] : memref<16384xi32, #tpu.memory_space<vmem>> -> memref<512xi32, #tpu.memory_space<vmem>>
      %dma_wait3A_346 = arith.constant 0 : i32
      %dma_wait3A_347 = tpu.memref_slice %arg3[%add3A_8, %dma_wait3A_346] : memref<1024x512xi32, #tpu.memory_space<hbm>> -> memref<1x512xi32, #tpu.memory_space<hbm>>
      %dma_wait3A_348 = tpu.memref_squeeze %dma_wait3A_347 : memref<1x512xi32, #tpu.memory_space<hbm>> -> memref<512xi32, #tpu.memory_space<hbm>>
      %dma_wait3A_349 = arith.constant 0 : i32
      %dma_wait3A_350 = tpu.memref_slice %arg8[%dma_wait3A_349] : memref<16384xi32, #tpu.memory_space<vmem>> -> memref<512xi32, #tpu.memory_space<vmem>>
      %dma_wait3A_351 = arith.constant 0 : i32
      %dma_wait3A_352 = tpu.memref_slice %arg3[%add3A_8, %dma_wait3A_351] : memref<1024x512xi32, #tpu.memory_space<hbm>> -> memref<1x512xi32, #tpu.memory_space<hbm>>
      %dma_wait3A_353 = tpu.memref_squeeze %dma_wait3A_352 : memref<1x512xi32, #tpu.memory_space<hbm>> -> memref<512xi32, #tpu.memory_space<hbm>>
      tpu.wait_dma2 semaphore(%run_scoped3A : memref<!tpu.dma_semaphore, #tpu.memory_space<semaphore_mem>>) src(%dma_wait3A_353 : memref<512xi32, #tpu.memory_space<hbm>>) dst(%dma_wait3A_350 : memref<512xi32, #tpu.memory_space<vmem>>)
      tpu.yield
    }) : () -> ()
    %add3A_9 = arith.constant 1 : i32
    %add3A_10 = arith.addi %mul3A_4, %add3A_9 : i32
    "tpu.region"() ({
      %run_scoped3A = tpu.sem_alloc : memref<!tpu.dma_semaphore, #tpu.memory_space<semaphore_mem>>
      %dma_start3A_334 = arith.constant 512 : i32
      %dma_start3A_335 = tpu.memref_slice %arg7[%dma_start3A_334] : memref<16384xi32, #tpu.memory_space<vmem>> -> memref<512xi32, #tpu.memory_space<vmem>>
      %dma_start3A_336 = arith.constant 0 : i32
      %dma_start3A_337 = tpu.memref_slice %arg2[%add3A_10, %dma_start3A_336] : memref<1024x512xi32, #tpu.memory_space<hbm>> -> memref<1x512xi32, #tpu.memory_space<hbm>>
      %dma_start3A_338 = tpu.memref_squeeze %dma_start3A_337 : memref<1x512xi32, #tpu.memory_space<hbm>> -> memref<512xi32, #tpu.memory_space<hbm>>
      %dma_start3A_339 = arith.constant 512 : i32
      %dma_start3A_340 = tpu.memref_slice %arg7[%dma_start3A_339] : memref<16384xi32, #tpu.memory_space<vmem>> -> memref<512xi32, #tpu.memory_space<vmem>>
      %dma_start3A_341 = arith.constant 0 : i32
      %dma_start3A_342 = tpu.memref_slice %arg2[%add3A_10, %dma_start3A_341] : memref<1024x512xi32, #tpu.memory_space<hbm>> -> memref<1x512xi32, #tpu.memory_space<hbm>>
      %dma_start3A_343 = tpu.memref_squeeze %dma_start3A_342 : memref<1x512xi32, #tpu.memory_space<hbm>> -> memref<512xi32, #tpu.memory_space<hbm>>
      tpu.enqueue_dma source(%dma_start3A_343 : memref<512xi32, #tpu.memory_space<hbm>>) target(%dma_start3A_340 : memref<512xi32, #tpu.memory_space<vmem>>) target_semaphore(%run_scoped3A : memref<!tpu.dma_semaphore, #tpu.memory_space<semaphore_mem>>)
      %dma_wait3A_344 = arith.constant 512 : i32
      %dma_wait3A_345 = tpu.memref_slice %arg7[%dma_wait3A_344] : memref<16384xi32, #tpu.memory_space<vmem>> -> memref<512xi32, #tpu.memory_space<vmem>>
      %dma_wait3A_346 = arith.constant 0 : i32
      %dma_wait3A_347 = tpu.memref_slice %arg2[%add3A_10, %dma_wait3A_346] : memref<1024x512xi32, #tpu.memory_space<hbm>> -> memref<1x512xi32, #tpu.memory_space<hbm>>
      %dma_wait3A_348 = tpu.memref_squeeze %dma_wait3A_347 : memref<1x512xi32, #tpu.memory_space<hbm>> -> memref<512xi32, #tpu.memory_space<hbm>>
      %dma_wait3A_349 = arith.constant 512 : i32
      %dma_wait3A_350 = tpu.memref_slice %arg7[%dma_wait3A_349] : memref<16384xi32, #tpu.memory_space<vmem>> -> memref<512xi32, #tpu.memory_space<vmem>>
      %dma_wait3A_351 = arith.constant 0 : i32
      %dma_wait3A_352 = tpu.memref_slice %arg2[%add3A_10, %dma_wait3A_351] : memref<1024x512xi32, #tpu.memory_space<hbm>> -> memref<1x512xi32, #tpu.memory_space<hbm>>
      %dma_wait3A_353 = tpu.memref_squeeze %dma_wait3A_352 : memref<1x512xi32, #tpu.memory_space<hbm>> -> memref<512xi32, #tpu.memory_space<hbm>>
      tpu.wait_dma2 semaphore(%run_scoped3A : memref<!tpu.dma_semaphore, #tpu.memory_space<semaphore_mem>>) src(%dma_wait3A_353 : memref<512xi32, #tpu.memory_space<hbm>>) dst(%dma_wait3A_350 : memref<512xi32, #tpu.memory_space<vmem>>)
      tpu.yield
    }) : () -> ()
    %add3A_11 = arith.constant 1 : i32
    %add3A_12 = arith.addi %mul3A_4, %add3A_11 : i32
    "tpu.region"() ({
      %run_scoped3A = tpu.sem_alloc : memref<!tpu.dma_semaphore, #tpu.memory_space<semaphore_mem>>
      %dma_start3A_334 = arith.constant 512 : i32
      %dma_start3A_335 = tpu.memref_slice %arg8[%dma_start3A_334] : memref<16384xi32, #tpu.memory_space<vmem>> -> memref<512xi32, #tpu.memory_space<vmem>>
      %dma_start3A_336 = arith.constant 0 : i32
      %dma_start3A_337 = tpu.memref_slice %arg3[%add3A_12, %dma_start3A_336] : memref<1024x512xi32, #tpu.memory_space<hbm>> -> memref<1x512xi32, #tpu.memory_space<hbm>>
      %dma_start3A_338 = tpu.memref_squeeze %dma_start3A_337 : memref<1x512xi32, #tpu.memory_space<hbm>> -> memref<512xi32, #tpu.memory_space<hbm>>
      %dma_start3A_339 = arith.constant 512 : i32
      %dma_start3A_340 = tpu.memref_slice %arg8[%dma_start3A_339] : memref<16384xi32, #tpu.memory_space<vmem>> -> memref<512xi32, #tpu.memory_space<vmem>>
      %dma_start3A_341 = arith.constant 0 : i32
      %dma_start3A_342 = tpu.memref_slice %arg3[%add3A_12, %dma_start3A_341] : memref<1024x512xi32, #tpu.memory_space<hbm>> -> memref<1x512xi32, #tpu.memory_space<hbm>>
      %dma_start3A_343 = tpu.memref_squeeze %dma_start3A_342 : memref<1x512xi32, #tpu.memory_space<hbm>> -> memref<512xi32, #tpu.memory_space<hbm>>
      tpu.enqueue_dma source(%dma_start3A_343 : memref<512xi32, #tpu.memory_space<hbm>>) target(%dma_start3A_340 : memref<512xi32, #tpu.memory_space<vmem>>) target_semaphore(%run_scoped3A : memref<!tpu.dma_semaphore, #tpu.memory_space<semaphore_mem>>)
      %dma_wait3A_344 = arith.constant 512 : i32
      %dma_wait3A_345 = tpu.memref_slice %arg8[%dma_wait3A_344] : memref<16384xi32, #tpu.memory_space<vmem>> -> memref<512xi32, #tpu.memory_space<vmem>>
      %dma_wait3A_346 = arith.constant 0 : i32
      %dma_wait3A_347 = tpu.memref_slice %arg3[%add3A_12, %dma_wait3A_346] : memref<1024x512xi32, #tpu.memory_space<hbm>> -> memref<1x512xi32, #tpu.memory_space<hbm>>
      %dma_wait3A_348 = tpu.memref_squeeze %dma_wait3A_347 : memref<1x512xi32, #tpu.memory_space<hbm>> -> memref<512xi32, #tpu.memory_space<hbm>>
      %dma_wait3A_349 = arith.constant 512 : i32
      %dma_wait3A_350 = tpu.memref_slice %arg8[%dma_wait3A_349] : memref<16384xi32, #tpu.memory_space<vmem>> -> memref<512xi32, #tpu.memory_space<vmem>>
      %dma_wait3A_351 = arith.constant 0 : i32
      %dma_wait3A_352 = tpu.memref_slice %arg3[%add3A_12, %dma_wait3A_351] : memref<1024x512xi32, #tpu.memory_space<hbm>> -> memref<1x512xi32, #tpu.memory_space<hbm>>
      %dma_wait3A_353 = tpu.memref_squeeze %dma_wait3A_352 : memref<1x512xi32, #tpu.memory_space<hbm>> -> memref<512xi32, #tpu.memory_space<hbm>>
      tpu.wait_dma2 semaphore(%run_scoped3A : memref<!tpu.dma_semaphore, #tpu.memory_space<semaphore_mem>>) src(%dma_wait3A_353 : memref<512xi32, #tpu.memory_space<hbm>>) dst(%dma_wait3A_350 : memref<512xi32, #tpu.memory_space<vmem>>)
      tpu.yield
    }) : () -> ()
    %add3A_13 = arith.constant 2 : i32
    %add3A_14 = arith.addi %mul3A_4, %add3A_13 : i32
    "tpu.region"() ({
      %run_scoped3A = tpu.sem_alloc : memref<!tpu.dma_semaphore, #tpu.memory_space<semaphore_mem>>
      %dma_start3A_334 = arith.constant 1024 : i32
      %dma_start3A_335 = tpu.memref_slice %arg7[%dma_start3A_334] : memref<16384xi32, #tpu.memory_space<vmem>> -> memref<512xi32, #tpu.memory_space<vmem>>
      %dma_start3A_336 = arith.constant 0 : i32
      %dma_start3A_337 = tpu.memref_slice %arg2[%add3A_14, %dma_start3A_336] : memref<1024x512xi32, #tpu.memory_space<hbm>> -> memref<1x512xi32, #tpu.memory_space<hbm>>
      %dma_start3A_338 = tpu.memref_squeeze %dma_start3A_337 : memref<1x512xi32, #tpu.memory_space<hbm>> -> memref<512xi32, #tpu.memory_space<hbm>>
      %dma_start3A_339 = arith.constant 1024 : i32
      %dma_start3A_340 = tpu.memref_slice %arg7[%dma_start3A_339] : memref<16384xi32, #tpu.memory_space<vmem>> -> memref<512xi32, #tpu.memory_space<vmem>>
      %dma_start3A_341 = arith.constant 0 : i32
      %dma_start3A_342 = tpu.memref_slice %arg2[%add3A_14, %dma_start3A_341] : memref<1024x512xi32, #tpu.memory_space<hbm>> -> memref<1x512xi32, #tpu.memory_space<hbm>>
      %dma_start3A_343 = tpu.memref_squeeze %dma_start3A_342 : memref<1x512xi32, #tpu.memory_space<hbm>> -> memref<512xi32, #tpu.memory_space<hbm>>
      tpu.enqueue_dma source(%dma_start3A_343 : memref<512xi32, #tpu.memory_space<hbm>>) target(%dma_start3A_340 : memref<512xi32, #tpu.memory_space<vmem>>) target_semaphore(%run_scoped3A : memref<!tpu.dma_semaphore, #tpu.memory_space<semaphore_mem>>)
      %dma_wait3A_344 = arith.constant 1024 : i32
      %dma_wait3A_345 = tpu.memref_slice %arg7[%dma_wait3A_344] : memref<16384xi32, #tpu.memory_space<vmem>> -> memref<512xi32, #tpu.memory_space<vmem>>
      %dma_wait3A_346 = arith.constant 0 : i32
      %dma_wait3A_347 = tpu.memref_slice %arg2[%add3A_14, %dma_wait3A_346] : memref<1024x512xi32, #tpu.memory_space<hbm>> -> memref<1x512xi32, #tpu.memory_space<hbm>>
      %dma_wait3A_348 = tpu.memref_squeeze %dma_wait3A_347 : memref<1x512xi32, #tpu.memory_space<hbm>> -> memref<512xi32, #tpu.memory_space<hbm>>
      %dma_wait3A_349 = arith.constant 1024 : i32
      %dma_wait3A_350 = tpu.memref_slice %arg7[%dma_wait3A_349] : memref<16384xi32, #tpu.memory_space<vmem>> -> memref<512xi32, #tpu.memory_space<vmem>>
      %dma_wait3A_351 = arith.constant 0 : i32
      %dma_wait3A_352 = tpu.memref_slice %arg2[%add3A_14, %dma_wait3A_351] : memref<1024x512xi32, #tpu.memory_space<hbm>> -> memref<1x512xi32, #tpu.memory_space<hbm>>
      %dma_wait3A_353 = tpu.memref_squeeze %dma_wait3A_352 : memref<1x512xi32, #tpu.memory_space<hbm>> -> memref<512xi32, #tpu.memory_space<hbm>>
      tpu.wait_dma2 semaphore(%run_scoped3A : memref<!tpu.dma_semaphore, #tpu.memory_space<semaphore_mem>>) src(%dma_wait3A_353 : memref<512xi32, #tpu.memory_space<hbm>>) dst(%dma_wait3A_350 : memref<512xi32, #tpu.memory_space<vmem>>)
      tpu.yield
    }) : () -> ()
    %add3A_15 = arith.constant 2 : i32
    %add3A_16 = arith.addi %mul3A_4, %add3A_15 : i32
    "tpu.region"() ({
      %run_scoped3A = tpu.sem_alloc : memref<!tpu.dma_semaphore, #tpu.memory_space<semaphore_mem>>
      %dma_start3A_334 = arith.constant 1024 : i32
      %dma_start3A_335 = tpu.memref_slice %arg8[%dma_start3A_334] : memref<16384xi32, #tpu.memory_space<vmem>> -> memref<512xi32, #tpu.memory_space<vmem>>
      %dma_start3A_336 = arith.constant 0 : i32
      %dma_start3A_337 = tpu.memref_slice %arg3[%add3A_16, %dma_start3A_336] : memref<1024x512xi32, #tpu.memory_space<hbm>> -> memref<1x512xi32, #tpu.memory_space<hbm>>
      %dma_start3A_338 = tpu.memref_squeeze %dma_start3A_337 : memref<1x512xi32, #tpu.memory_space<hbm>> -> memref<512xi32, #tpu.memory_space<hbm>>
      %dma_start3A_339 = arith.constant 1024 : i32
      %dma_start3A_340 = tpu.memref_slice %arg8[%dma_start3A_339] : memref<16384xi32, #tpu.memory_space<vmem>> -> memref<512xi32, #tpu.memory_space<vmem>>
      %dma_start3A_341 = arith.constant 0 : i32
      %dma_start3A_342 = tpu.memref_slice %arg3[%add3A_16, %dma_start3A_341] : memref<1024x512xi32, #tpu.memory_space<hbm>> -> memref<1x512xi32, #tpu.memory_space<hbm>>
      %dma_start3A_343 = tpu.memref_squeeze %dma_start3A_342 : memref<1x512xi32, #tpu.memory_space<hbm>> -> memref<512xi32, #tpu.memory_space<hbm>>
      tpu.enqueue_dma source(%dma_start3A_343 : memref<512xi32, #tpu.memory_space<hbm>>) target(%dma_start3A_340 : memref<512xi32, #tpu.memory_space<vmem>>) target_semaphore(%run_scoped3A : memref<!tpu.dma_semaphore, #tpu.memory_space<semaphore_mem>>)
      %dma_wait3A_344 = arith.constant 1024 : i32
      %dma_wait3A_345 = tpu.memref_slice %arg8[%dma_wait3A_344] : memref<16384xi32, #tpu.memory_space<vmem>> -> memref<512xi32, #tpu.memory_space<vmem>>
      %dma_wait3A_346 = arith.constant 0 : i32
      %dma_wait3A_347 = tpu.memref_slice %arg3[%add3A_16, %dma_wait3A_346] : memref<1024x512xi32, #tpu.memory_space<hbm>> -> memref<1x512xi32, #tpu.memory_space<hbm>>
      %dma_wait3A_348 = tpu.memref_squeeze %dma_wait3A_347 : memref<1x512xi32, #tpu.memory_space<hbm>> -> memref<512xi32, #tpu.memory_space<hbm>>
      %dma_wait3A_349 = arith.constant 1024 : i32
      %dma_wait3A_350 = tpu.memref_slice %arg8[%dma_wait3A_349] : memref<16384xi32, #tpu.memory_space<vmem>> -> memref<512xi32, #tpu.memory_space<vmem>>
      %dma_wait3A_351 = arith.constant 0 : i32
      %dma_wait3A_352 = tpu.memref_slice %arg3[%add3A_16, %dma_wait3A_351] : memref<1024x512xi32, #tpu.memory_space<hbm>> -> memref<1x512xi32, #tpu.memory_space<hbm>>
      %dma_wait3A_353 = tpu.memref_squeeze %dma_wait3A_352 : memref<1x512xi32, #tpu.memory_space<hbm>> -> memref<512xi32, #tpu.memory_space<hbm>>
      tpu.wait_dma2 semaphore(%run_scoped3A : memref<!tpu.dma_semaphore, #tpu.memory_space<semaphore_mem>>) src(%dma_wait3A_353 : memref<512xi32, #tpu.memory_space<hbm>>) dst(%dma_wait3A_350 : memref<512xi32, #tpu.memory_space<vmem>>)
      tpu.yield
    }) : () -> ()
    %add3A_17 = arith.constant 3 : i32
    %add3A_18 = arith.addi %mul3A_4, %add3A_17 : i32
    "tpu.region"() ({
      %run_scoped3A = tpu.sem_alloc : memref<!tpu.dma_semaphore, #tpu.memory_space<semaphore_mem>>
      %dma_start3A_334 = arith.constant 1536 : i32
      %dma_start3A_335 = tpu.memref_slice %arg7[%dma_start3A_334] : memref<16384xi32, #tpu.memory_space<vmem>> -> memref<512xi32, #tpu.memory_space<vmem>>
      %dma_start3A_336 = arith.constant 0 : i32
      %dma_start3A_337 = tpu.memref_slice %arg2[%add3A_18, %dma_start3A_336] : memref<1024x512xi32, #tpu.memory_space<hbm>> -> memref<1x512xi32, #tpu.memory_space<hbm>>
      %dma_start3A_338 = tpu.memref_squeeze %dma_start3A_337 : memref<1x512xi32, #tpu.memory_space<hbm>> -> memref<512xi32, #tpu.memory_space<hbm>>
      %dma_start3A_339 = arith.constant 1536 : i32
      %dma_start3A_340 = tpu.memref_slice %arg7[%dma_start3A_339] : memref<16384xi32, #tpu.memory_space<vmem>> -> memref<512xi32, #tpu.memory_space<vmem>>
      %dma_start3A_341 = arith.constant 0 : i32
      %dma_start3A_342 = tpu.memref_slice %arg2[%add3A_18, %dma_start3A_341] : memref<1024x512xi32, #tpu.memory_space<hbm>> -> memref<1x512xi32, #tpu.memory_space<hbm>>
      %dma_start3A_343 = tpu.memref_squeeze %dma_start3A_342 : memref<1x512xi32, #tpu.memory_space<hbm>> -> memref<512xi32, #tpu.memory_space<hbm>>
      tpu.enqueue_dma source(%dma_start3A_343 : memref<512xi32, #tpu.memory_space<hbm>>) target(%dma_start3A_340 : memref<512xi32, #tpu.memory_space<vmem>>) target_semaphore(%run_scoped3A : memref<!tpu.dma_semaphore, #tpu.memory_space<semaphore_mem>>)
      %dma_wait3A_344 = arith.constant 1536 : i32
      %dma_wait3A_345 = tpu.memref_slice %arg7[%dma_wait3A_344] : memref<16384xi32, #tpu.memory_space<vmem>> -> memref<512xi32, #tpu.memory_space<vmem>>
      %dma_wait3A_346 = arith.constant 0 : i32
      %dma_wait3A_347 = tpu.memref_slice %arg2[%add3A_18, %dma_wait3A_346] : memref<1024x512xi32, #tpu.memory_space<hbm>> -> memref<1x512xi32, #tpu.memory_space<hbm>>
      %dma_wait3A_348 = tpu.memref_squeeze %dma_wait3A_347 : memref<1x512xi32, #tpu.memory_space<hbm>> -> memref<512xi32, #tpu.memory_space<hbm>>
      %dma_wait3A_349 = arith.constant 1536 : i32
      %dma_wait3A_350 = tpu.memref_slice %arg7[%dma_wait3A_349] : memref<16384xi32, #tpu.memory_space<vmem>> -> memref<512xi32, #tpu.memory_space<vmem>>
      %dma_wait3A_351 = arith.constant 0 : i32
      %dma_wait3A_352 = tpu.memref_slice %arg2[%add3A_18, %dma_wait3A_351] : memref<1024x512xi32, #tpu.memory_space<hbm>> -> memref<1x512xi32, #tpu.memory_space<hbm>>
      %dma_wait3A_353 = tpu.memref_squeeze %dma_wait3A_352 : memref<1x512xi32, #tpu.memory_space<hbm>> -> memref<512xi32, #tpu.memory_space<hbm>>
      tpu.wait_dma2 semaphore(%run_scoped3A : memref<!tpu.dma_semaphore, #tpu.memory_space<semaphore_mem>>) src(%dma_wait3A_353 : memref<512xi32, #tpu.memory_space<hbm>>) dst(%dma_wait3A_350 : memref<512xi32, #tpu.memory_space<vmem>>)
      tpu.yield
    }) : () -> ()
    %add3A_19 = arith.constant 3 : i32
    %add3A_20 = arith.addi %mul3A_4, %add3A_19 : i32
    "tpu.region"() ({
      %run_scoped3A = tpu.sem_alloc : memref<!tpu.dma_semaphore, #tpu.memory_space<semaphore_mem>>
      %dma_start3A_334 = arith.constant 1536 : i32
      %dma_start3A_335 = tpu.memref_slice %arg8[%dma_start3A_334] : memref<16384xi32, #tpu.memory_space<vmem>> -> memref<512xi32, #tpu.memory_space<vmem>>
      %dma_start3A_336 = arith.constant 0 : i32
      %dma_start3A_337 = tpu.memref_slice %arg3[%add3A_20, %dma_start3A_336] : memref<1024x512xi32, #tpu.memory_space<hbm>> -> memref<1x512xi32, #tpu.memory_space<hbm>>
      %dma_start3A_338 = tpu.memref_squeeze %dma_start3A_337 : memref<1x512xi32, #tpu.memory_space<hbm>> -> memref<512xi32, #tpu.memory_space<hbm>>
      %dma_start3A_339 = arith.constant 1536 : i32
      %dma_start3A_340 = tpu.memref_slice %arg8[%dma_start3A_339] : memref<16384xi32, #tpu.memory_space<vmem>> -> memref<512xi32, #tpu.memory_space<vmem>>
      %dma_start3A_341 = arith.constant 0 : i32
      %dma_start3A_342 = tpu.memref_slice %arg3[%add3A_20, %dma_start3A_341] : memref<1024x512xi32, #tpu.memory_space<hbm>> -> memref<1x512xi32, #tpu.memory_space<hbm>>
      %dma_start3A_343 = tpu.memref_squeeze %dma_start3A_342 : memref<1x512xi32, #tpu.memory_space<hbm>> -> memref<512xi32, #tpu.memory_space<hbm>>
      tpu.enqueue_dma source(%dma_start3A_343 : memref<512xi32, #tpu.memory_space<hbm>>) target(%dma_start3A_340 : memref<512xi32, #tpu.memory_space<vmem>>) target_semaphore(%run_scoped3A : memref<!tpu.dma_semaphore, #tpu.memory_space<semaphore_mem>>)
      %dma_wait3A_344 = arith.constant 1536 : i32
      %dma_wait3A_345 = tpu.memref_slice %arg8[%dma_wait3A_344] : memref<16384xi32, #tpu.memory_space<vmem>> -> memref<512xi32, #tpu.memory_space<vmem>>
      %dma_wait3A_346 = arith.constant 0 : i32
      %dma_wait3A_347 = tpu.memref_slice %arg3[%add3A_20, %dma_wait3A_346] : memref<1024x512xi32, #tpu.memory_space<hbm>> -> memref<1x512xi32, #tpu.memory_space<hbm>>
      %dma_wait3A_348 = tpu.memref_squeeze %dma_wait3A_347 : memref<1x512xi32, #tpu.memory_space<hbm>> -> memref<512xi32, #tpu.memory_space<hbm>>
      %dma_wait3A_349 = arith.constant 1536 : i32
      %dma_wait3A_350 = tpu.memref_slice %arg8[%dma_wait3A_349] : memref<16384xi32, #tpu.memory_space<vmem>> -> memref<512xi32, #tpu.memory_space<vmem>>
      %dma_wait3A_351 = arith.constant 0 : i32
      %dma_wait3A_352 = tpu.memref_slice %arg3[%add3A_20, %dma_wait3A_351] : memref<1024x512xi32, #tpu.memory_space<hbm>> -> memref<1x512xi32, #tpu.memory_space<hbm>>
      %dma_wait3A_353 = tpu.memref_squeeze %dma_wait3A_352 : memref<1x512xi32, #tpu.memory_space<hbm>> -> memref<512xi32, #tpu.memory_space<hbm>>
      tpu.wait_dma2 semaphore(%run_scoped3A : memref<!tpu.dma_semaphore, #tpu.memory_space<semaphore_mem>>) src(%dma_wait3A_353 : memref<512xi32, #tpu.memory_space<hbm>>) dst(%dma_wait3A_350 : memref<512xi32, #tpu.memory_space<vmem>>)
      tpu.yield
    }) : () -> ()
    %add3A_21 = arith.constant 4 : i32
    %add3A_22 = arith.addi %mul3A_4, %add3A_21 : i32
    "tpu.region"() ({
      %run_scoped3A = tpu.sem_alloc : memref<!tpu.dma_semaphore, #tpu.memory_space<semaphore_mem>>
      %dma_start3A_334 = arith.constant 2048 : i32
      %dma_start3A_335 = tpu.memref_slice %arg7[%dma_start3A_334] : memref<16384xi32, #tpu.memory_space<vmem>> -> memref<512xi32, #tpu.memory_space<vmem>>
      %dma_start3A_336 = arith.constant 0 : i32
      %dma_start3A_337 = tpu.memref_slice %arg2[%add3A_22, %dma_start3A_336] : memref<1024x512xi32, #tpu.memory_space<hbm>> -> memref<1x512xi32, #tpu.memory_space<hbm>>
      %dma_start3A_338 = tpu.memref_squeeze %dma_start3A_337 : memref<1x512xi32, #tpu.memory_space<hbm>> -> memref<512xi32, #tpu.memory_space<hbm>>
      %dma_start3A_339 = arith.constant 2048 : i32
      %dma_start3A_340 = tpu.memref_slice %arg7[%dma_start3A_339] : memref<16384xi32, #tpu.memory_space<vmem>> -> memref<512xi32, #tpu.memory_space<vmem>>
      %dma_start3A_341 = arith.constant 0 : i32
      %dma_start3A_342 = tpu.memref_slice %arg2[%add3A_22, %dma_start3A_341] : memref<1024x512xi32, #tpu.memory_space<hbm>> -> memref<1x512xi32, #tpu.memory_space<hbm>>
      %dma_start3A_343 = tpu.memref_squeeze %dma_start3A_342 : memref<1x512xi32, #tpu.memory_space<hbm>> -> memref<512xi32, #tpu.memory_space<hbm>>
      tpu.enqueue_dma source(%dma_start3A_343 : memref<512xi32, #tpu.memory_space<hbm>>) target(%dma_start3A_340 : memref<512xi32, #tpu.memory_space<vmem>>) target_semaphore(%run_scoped3A : memref<!tpu.dma_semaphore, #tpu.memory_space<semaphore_mem>>)
      %dma_wait3A_344 = arith.constant 2048 : i32
      %dma_wait3A_345 = tpu.memref_slice %arg7[%dma_wait3A_344] : memref<16384xi32, #tpu.memory_space<vmem>> -> memref<512xi32, #tpu.memory_space<vmem>>
      %dma_wait3A_346 = arith.constant 0 : i32
      %dma_wait3A_347 = tpu.memref_slice %arg2[%add3A_22, %dma_wait3A_346] : memref<1024x512xi32, #tpu.memory_space<hbm>> -> memref<1x512xi32, #tpu.memory_space<hbm>>
      %dma_wait3A_348 = tpu.memref_squeeze %dma_wait3A_347 : memref<1x512xi32, #tpu.memory_space<hbm>> -> memref<512xi32, #tpu.memory_space<hbm>>
      %dma_wait3A_349 = arith.constant 2048 : i32
      %dma_wait3A_350 = tpu.memref_slice %arg7[%dma_wait3A_349] : memref<16384xi32, #tpu.memory_space<vmem>> -> memref<512xi32, #tpu.memory_space<vmem>>
      %dma_wait3A_351 = arith.constant 0 : i32
      %dma_wait3A_352 = tpu.memref_slice %arg2[%add3A_22, %dma_wait3A_351] : memref<1024x512xi32, #tpu.memory_space<hbm>> -> memref<1x512xi32, #tpu.memory_space<hbm>>
      %dma_wait3A_353 = tpu.memref_squeeze %dma_wait3A_352 : memref<1x512xi32, #tpu.memory_space<hbm>> -> memref<512xi32, #tpu.memory_space<hbm>>
      tpu.wait_dma2 semaphore(%run_scoped3A : memref<!tpu.dma_semaphore, #tpu.memory_space<semaphore_mem>>) src(%dma_wait3A_353 : memref<512xi32, #tpu.memory_space<hbm>>) dst(%dma_wait3A_350 : memref<512xi32, #tpu.memory_space<vmem>>)
      tpu.yield
    }) : () -> ()
    %add3A_23 = arith.constant 4 : i32
    %add3A_24 = arith.addi %mul3A_4, %add3A_23 : i32
    "tpu.region"() ({
      %run_scoped3A = tpu.sem_alloc : memref<!tpu.dma_semaphore, #tpu.memory_space<semaphore_mem>>
      %dma_start3A_334 = arith.constant 2048 : i32
      %dma_start3A_335 = tpu.memref_slice %arg8[%dma_start3A_334] : memref<16384xi32, #tpu.memory_space<vmem>> -> memref<512xi32, #tpu.memory_space<vmem>>
      %dma_start3A_336 = arith.constant 0 : i32
      %dma_start3A_337 = tpu.memref_slice %arg3[%add3A_24, %dma_start3A_336] : memref<1024x512xi32, #tpu.memory_space<hbm>> -> memref<1x512xi32, #tpu.memory_space<hbm>>
      %dma_start3A_338 = tpu.memref_squeeze %dma_start3A_337 : memref<1x512xi32, #tpu.memory_space<hbm>> -> memref<512xi32, #tpu.memory_space<hbm>>
      %dma_start3A_339 = arith.constant 2048 : i32
      %dma_start3A_340 = tpu.memref_slice %arg8[%dma_start3A_339] : memref<16384xi32, #tpu.memory_space<vmem>> -> memref<512xi32, #tpu.memory_space<vmem>>
      %dma_start3A_341 = arith.constant 0 : i32
      %dma_start3A_342 = tpu.memref_slice %arg3[%add3A_24, %dma_start3A_341] : memref<1024x512xi32, #tpu.memory_space<hbm>> -> memref<1x512xi32, #tpu.memory_space<hbm>>
      %dma_start3A_343 = tpu.memref_squeeze %dma_start3A_342 : memref<1x512xi32, #tpu.memory_space<hbm>> -> memref<512xi32, #tpu.memory_space<hbm>>
      tpu.enqueue_dma source(%dma_start3A_343 : memref<512xi32, #tpu.memory_space<hbm>>) target(%dma_start3A_340 : memref<512xi32, #tpu.memory_space<vmem>>) target_semaphore(%run_scoped3A : memref<!tpu.dma_semaphore, #tpu.memory_space<semaphore_mem>>)
      %dma_wait3A_344 = arith.constant 2048 : i32
      %dma_wait3A_345 = tpu.memref_slice %arg8[%dma_wait3A_344] : memref<16384xi32, #tpu.memory_space<vmem>> -> memref<512xi32, #tpu.memory_space<vmem>>
      %dma_wait3A_346 = arith.constant 0 : i32
      %dma_wait3A_347 = tpu.memref_slice %arg3[%add3A_24, %dma_wait3A_346] : memref<1024x512xi32, #tpu.memory_space<hbm>> -> memref<1x512xi32, #tpu.memory_space<hbm>>
      %dma_wait3A_348 = tpu.memref_squeeze %dma_wait3A_347 : memref<1x512xi32, #tpu.memory_space<hbm>> -> memref<512xi32, #tpu.memory_space<hbm>>
      %dma_wait3A_349 = arith.constant 2048 : i32
      %dma_wait3A_350 = tpu.memref_slice %arg8[%dma_wait3A_349] : memref<16384xi32, #tpu.memory_space<vmem>> -> memref<512xi32, #tpu.memory_space<vmem>>
      %dma_wait3A_351 = arith.constant 0 : i32
      %dma_wait3A_352 = tpu.memref_slice %arg3[%add3A_24, %dma_wait3A_351] : memref<1024x512xi32, #tpu.memory_space<hbm>> -> memref<1x512xi32, #tpu.memory_space<hbm>>
      %dma_wait3A_353 = tpu.memref_squeeze %dma_wait3A_352 : memref<1x512xi32, #tpu.memory_space<hbm>> -> memref<512xi32, #tpu.memory_space<hbm>>
      tpu.wait_dma2 semaphore(%run_scoped3A : memref<!tpu.dma_semaphore, #tpu.memory_space<semaphore_mem>>) src(%dma_wait3A_353 : memref<512xi32, #tpu.memory_space<hbm>>) dst(%dma_wait3A_350 : memref<512xi32, #tpu.memory_space<vmem>>)
      tpu.yield
    }) : () -> ()
    %add3A_25 = arith.constant 5 : i32
    %add3A_26 = arith.addi %mul3A_4, %add3A_25 : i32
    "tpu.region"() ({
      %run_scoped3A = tpu.sem_alloc : memref<!tpu.dma_semaphore, #tpu.memory_space<semaphore_mem>>
      %dma_start3A_334 = arith.constant 2560 : i32
      %dma_start3A_335 = tpu.memref_slice %arg7[%dma_start3A_334] : memref<16384xi32, #tpu.memory_space<vmem>> -> memref<512xi32, #tpu.memory_space<vmem>>
      %dma_start3A_336 = arith.constant 0 : i32
      %dma_start3A_337 = tpu.memref_slice %arg2[%add3A_26, %dma_start3A_336] : memref<1024x512xi32, #tpu.memory_space<hbm>> -> memref<1x512xi32, #tpu.memory_space<hbm>>
      %dma_start3A_338 = tpu.memref_squeeze %dma_start3A_337 : memref<1x512xi32, #tpu.memory_space<hbm>> -> memref<512xi32, #tpu.memory_space<hbm>>
      %dma_start3A_339 = arith.constant 2560 : i32
      %dma_start3A_340 = tpu.memref_slice %arg7[%dma_start3A_339] : memref<16384xi32, #tpu.memory_space<vmem>> -> memref<512xi32, #tpu.memory_space<vmem>>
      %dma_start3A_341 = arith.constant 0 : i32
      %dma_start3A_342 = tpu.memref_slice %arg2[%add3A_26, %dma_start3A_341] : memref<1024x512xi32, #tpu.memory_space<hbm>> -> memref<1x512xi32, #tpu.memory_space<hbm>>
      %dma_start3A_343 = tpu.memref_squeeze %dma_start3A_342 : memref<1x512xi32, #tpu.memory_space<hbm>> -> memref<512xi32, #tpu.memory_space<hbm>>
      tpu.enqueue_dma source(%dma_start3A_343 : memref<512xi32, #tpu.memory_space<hbm>>) target(%dma_start3A_340 : memref<512xi32, #tpu.memory_space<vmem>>) target_semaphore(%run_scoped3A : memref<!tpu.dma_semaphore, #tpu.memory_space<semaphore_mem>>)
      %dma_wait3A_344 = arith.constant 2560 : i32
      %dma_wait3A_345 = tpu.memref_slice %arg7[%dma_wait3A_344] : memref<16384xi32, #tpu.memory_space<vmem>> -> memref<512xi32, #tpu.memory_space<vmem>>
      %dma_wait3A_346 = arith.constant 0 : i32
      %dma_wait3A_347 = tpu.memref_slice %arg2[%add3A_26, %dma_wait3A_346] : memref<1024x512xi32, #tpu.memory_space<hbm>> -> memref<1x512xi32, #tpu.memory_space<hbm>>
      %dma_wait3A_348 = tpu.memref_squeeze %dma_wait3A_347 : memref<1x512xi32, #tpu.memory_space<hbm>> -> memref<512xi32, #tpu.memory_space<hbm>>
      %dma_wait3A_349 = arith.constant 2560 : i32
      %dma_wait3A_350 = tpu.memref_slice %arg7[%dma_wait3A_349] : memref<16384xi32, #tpu.memory_space<vmem>> -> memref<512xi32, #tpu.memory_space<vmem>>
      %dma_wait3A_351 = arith.constant 0 : i32
      %dma_wait3A_352 = tpu.memref_slice %arg2[%add3A_26, %dma_wait3A_351] : memref<1024x512xi32, #tpu.memory_space<hbm>> -> memref<1x512xi32, #tpu.memory_space<hbm>>
      %dma_wait3A_353 = tpu.memref_squeeze %dma_wait3A_352 : memref<1x512xi32, #tpu.memory_space<hbm>> -> memref<512xi32, #tpu.memory_space<hbm>>
      tpu.wait_dma2 semaphore(%run_scoped3A : memref<!tpu.dma_semaphore, #tpu.memory_space<semaphore_mem>>) src(%dma_wait3A_353 : memref<512xi32, #tpu.memory_space<hbm>>) dst(%dma_wait3A_350 : memref<512xi32, #tpu.memory_space<vmem>>)
      tpu.yield
    }) : () -> ()
    %add3A_27 = arith.constant 5 : i32
    %add3A_28 = arith.addi %mul3A_4, %add3A_27 : i32
    "tpu.region"() ({
      %run_scoped3A = tpu.sem_alloc : memref<!tpu.dma_semaphore, #tpu.memory_space<semaphore_mem>>
      %dma_start3A_334 = arith.constant 2560 : i32
      %dma_start3A_335 = tpu.memref_slice %arg8[%dma_start3A_334] : memref<16384xi32, #tpu.memory_space<vmem>> -> memref<512xi32, #tpu.memory_space<vmem>>
      %dma_start3A_336 = arith.constant 0 : i32
      %dma_start3A_337 = tpu.memref_slice %arg3[%add3A_28, %dma_start3A_336] : memref<1024x512xi32, #tpu.memory_space<hbm>> -> memref<1x512xi32, #tpu.memory_space<hbm>>
      %dma_start3A_338 = tpu.memref_squeeze %dma_start3A_337 : memref<1x512xi32, #tpu.memory_space<hbm>> -> memref<512xi32, #tpu.memory_space<hbm>>
      %dma_start3A_339 = arith.constant 2560 : i32
      %dma_start3A_340 = tpu.memref_slice %arg8[%dma_start3A_339] : memref<16384xi32, #tpu.memory_space<vmem>> -> memref<512xi32, #tpu.memory_space<vmem>>
      %dma_start3A_341 = arith.constant 0 : i32
      %dma_start3A_342 = tpu.memref_slice %arg3[%add3A_28, %dma_start3A_341] : memref<1024x512xi32, #tpu.memory_space<hbm>> -> memref<1x512xi32, #tpu.memory_space<hbm>>
      %dma_start3A_343 = tpu.memref_squeeze %dma_start3A_342 : memref<1x512xi32, #tpu.memory_space<hbm>> -> memref<512xi32, #tpu.memory_space<hbm>>
      tpu.enqueue_dma source(%dma_start3A_343 : memref<512xi32, #tpu.memory_space<hbm>>) target(%dma_start3A_340 : memref<512xi32, #tpu.memory_space<vmem>>) target_semaphore(%run_scoped3A : memref<!tpu.dma_semaphore, #tpu.memory_space<semaphore_mem>>)
      %dma_wait3A_344 = arith.constant 2560 : i32
      %dma_wait3A_345 = tpu.memref_slice %arg8[%dma_wait3A_344] : memref<16384xi32, #tpu.memory_space<vmem>> -> memref<512xi32, #tpu.memory_space<vmem>>
      %dma_wait3A_346 = arith.constant 0 : i32
      %dma_wait3A_347 = tpu.memref_slice %arg3[%add3A_28, %dma_wait3A_346] : memref<1024x512xi32, #tpu.memory_space<hbm>> -> memref<1x512xi32, #tpu.memory_space<hbm>>
      %dma_wait3A_348 = tpu.memref_squeeze %dma_wait3A_347 : memref<1x512xi32, #tpu.memory_space<hbm>> -> memref<512xi32, #tpu.memory_space<hbm>>
      %dma_wait3A_349 = arith.constant 2560 : i32
      %dma_wait3A_350 = tpu.memref_slice %arg8[%dma_wait3A_349] : memref<16384xi32, #tpu.memory_space<vmem>> -> memref<512xi32, #tpu.memory_space<vmem>>
      %dma_wait3A_351 = arith.constant 0 : i32
      %dma_wait3A_352 = tpu.memref_slice %arg3[%add3A_28, %dma_wait3A_351] : memref<1024x512xi32, #tpu.memory_space<hbm>> -> memref<1x512xi32, #tpu.memory_space<hbm>>
      %dma_wait3A_353 = tpu.memref_squeeze %dma_wait3A_352 : memref<1x512xi32, #tpu.memory_space<hbm>> -> memref<512xi32, #tpu.memory_space<hbm>>
      tpu.wait_dma2 semaphore(%run_scoped3A : memref<!tpu.dma_semaphore, #tpu.memory_space<semaphore_mem>>) src(%dma_wait3A_353 : memref<512xi32, #tpu.memory_space<hbm>>) dst(%dma_wait3A_350 : memref<512xi32, #tpu.memory_space<vmem>>)
      tpu.yield
    }) : () -> ()
    %add3A_29 = arith.constant 6 : i32
    %add3A_30 = arith.addi %mul3A_4, %add3A_29 : i32
    "tpu.region"() ({
      %run_scoped3A = tpu.sem_alloc : memref<!tpu.dma_semaphore, #tpu.memory_space<semaphore_mem>>
      %dma_start3A_334 = arith.constant 3072 : i32
      %dma_start3A_335 = tpu.memref_slice %arg7[%dma_start3A_334] : memref<16384xi32, #tpu.memory_space<vmem>> -> memref<512xi32, #tpu.memory_space<vmem>>
      %dma_start3A_336 = arith.constant 0 : i32
      %dma_start3A_337 = tpu.memref_slice %arg2[%add3A_30, %dma_start3A_336] : memref<1024x512xi32, #tpu.memory_space<hbm>> -> memref<1x512xi32, #tpu.memory_space<hbm>>
      %dma_start3A_338 = tpu.memref_squeeze %dma_start3A_337 : memref<1x512xi32, #tpu.memory_space<hbm>> -> memref<512xi32, #tpu.memory_space<hbm>>
      %dma_start3A_339 = arith.constant 3072 : i32
      %dma_start3A_340 = tpu.memref_slice %arg7[%dma_start3A_339] : memref<16384xi32, #tpu.memory_space<vmem>> -> memref<512xi32, #tpu.memory_space<vmem>>
      %dma_start3A_341 = arith.constant 0 : i32
      %dma_start3A_342 = tpu.memref_slice %arg2[%add3A_30, %dma_start3A_341] : memref<1024x512xi32, #tpu.memory_space<hbm>> -> memref<1x512xi32, #tpu.memory_space<hbm>>
      %dma_start3A_343 = tpu.memref_squeeze %dma_start3A_342 : memref<1x512xi32, #tpu.memory_space<hbm>> -> memref<512xi32, #tpu.memory_space<hbm>>
      tpu.enqueue_dma source(%dma_start3A_343 : memref<512xi32, #tpu.memory_space<hbm>>) target(%dma_start3A_340 : memref<512xi32, #tpu.memory_space<vmem>>) target_semaphore(%run_scoped3A : memref<!tpu.dma_semaphore, #tpu.memory_space<semaphore_mem>>)
      %dma_wait3A_344 = arith.constant 3072 : i32
      %dma_wait3A_345 = tpu.memref_slice %arg7[%dma_wait3A_344] : memref<16384xi32, #tpu.memory_space<vmem>> -> memref<512xi32, #tpu.memory_space<vmem>>
      %dma_wait3A_346 = arith.constant 0 : i32
      %dma_wait3A_347 = tpu.memref_slice %arg2[%add3A_30, %dma_wait3A_346] : memref<1024x512xi32, #tpu.memory_space<hbm>> -> memref<1x512xi32, #tpu.memory_space<hbm>>
      %dma_wait3A_348 = tpu.memref_squeeze %dma_wait3A_347 : memref<1x512xi32, #tpu.memory_space<hbm>> -> memref<512xi32, #tpu.memory_space<hbm>>
      %dma_wait3A_349 = arith.constant 3072 : i32
      %dma_wait3A_350 = tpu.memref_slice %arg7[%dma_wait3A_349] : memref<16384xi32, #tpu.memory_space<vmem>> -> memref<512xi32, #tpu.memory_space<vmem>>
      %dma_wait3A_351 = arith.constant 0 : i32
      %dma_wait3A_352 = tpu.memref_slice %arg2[%add3A_30, %dma_wait3A_351] : memref<1024x512xi32, #tpu.memory_space<hbm>> -> memref<1x512xi32, #tpu.memory_space<hbm>>
      %dma_wait3A_353 = tpu.memref_squeeze %dma_wait3A_352 : memref<1x512xi32, #tpu.memory_space<hbm>> -> memref<512xi32, #tpu.memory_space<hbm>>
      tpu.wait_dma2 semaphore(%run_scoped3A : memref<!tpu.dma_semaphore, #tpu.memory_space<semaphore_mem>>) src(%dma_wait3A_353 : memref<512xi32, #tpu.memory_space<hbm>>) dst(%dma_wait3A_350 : memref<512xi32, #tpu.memory_space<vmem>>)
      tpu.yield
    }) : () -> ()
    %add3A_31 = arith.constant 6 : i32
    %add3A_32 = arith.addi %mul3A_4, %add3A_31 : i32
    "tpu.region"() ({
      %run_scoped3A = tpu.sem_alloc : memref<!tpu.dma_semaphore, #tpu.memory_space<semaphore_mem>>
      %dma_start3A_334 = arith.constant 3072 : i32
      %dma_start3A_335 = tpu.memref_slice %arg8[%dma_start3A_334] : memref<16384xi32, #tpu.memory_space<vmem>> -> memref<512xi32, #tpu.memory_space<vmem>>
      %dma_start3A_336 = arith.constant 0 : i32
      %dma_start3A_337 = tpu.memref_slice %arg3[%add3A_32, %dma_start3A_336] : memref<1024x512xi32, #tpu.memory_space<hbm>> -> memref<1x512xi32, #tpu.memory_space<hbm>>
      %dma_start3A_338 = tpu.memref_squeeze %dma_start3A_337 : memref<1x512xi32, #tpu.memory_space<hbm>> -> memref<512xi32, #tpu.memory_space<hbm>>
      %dma_start3A_339 = arith.constant 3072 : i32
      %dma_start3A_340 = tpu.memref_slice %arg8[%dma_start3A_339] : memref<16384xi32, #tpu.memory_space<vmem>> -> memref<512xi32, #tpu.memory_space<vmem>>
      %dma_start3A_341 = arith.constant 0 : i32
      %dma_start3A_342 = tpu.memref_slice %arg3[%add3A_32, %dma_start3A_341] : memref<1024x512xi32, #tpu.memory_space<hbm>> -> memref<1x512xi32, #tpu.memory_space<hbm>>
      %dma_start3A_343 = tpu.memref_squeeze %dma_start3A_342 : memref<1x512xi32, #tpu.memory_space<hbm>> -> memref<512xi32, #tpu.memory_space<hbm>>
      tpu.enqueue_dma source(%dma_start3A_343 : memref<512xi32, #tpu.memory_space<hbm>>) target(%dma_start3A_340 : memref<512xi32, #tpu.memory_space<vmem>>) target_semaphore(%run_scoped3A : memref<!tpu.dma_semaphore, #tpu.memory_space<semaphore_mem>>)
      %dma_wait3A_344 = arith.constant 3072 : i32
      %dma_wait3A_345 = tpu.memref_slice %arg8[%dma_wait3A_344] : memref<16384xi32, #tpu.memory_space<vmem>> -> memref<512xi32, #tpu.memory_space<vmem>>
      %dma_wait3A_346 = arith.constant 0 : i32
      %dma_wait3A_347 = tpu.memref_slice %arg3[%add3A_32, %dma_wait3A_346] : memref<1024x512xi32, #tpu.memory_space<hbm>> -> memref<1x512xi32, #tpu.memory_space<hbm>>
      %dma_wait3A_348 = tpu.memref_squeeze %dma_wait3A_347 : memref<1x512xi32, #tpu.memory_space<hbm>> -> memref<512xi32, #tpu.memory_space<hbm>>
      %dma_wait3A_349 = arith.constant 3072 : i32
      %dma_wait3A_350 = tpu.memref_slice %arg8[%dma_wait3A_349] : memref<16384xi32, #tpu.memory_space<vmem>> -> memref<512xi32, #tpu.memory_space<vmem>>
      %dma_wait3A_351 = arith.constant 0 : i32
      %dma_wait3A_352 = tpu.memref_slice %arg3[%add3A_32, %dma_wait3A_351] : memref<1024x512xi32, #tpu.memory_space<hbm>> -> memref<1x512xi32, #tpu.memory_space<hbm>>
      %dma_wait3A_353 = tpu.memref_squeeze %dma_wait3A_352 : memref<1x512xi32, #tpu.memory_space<hbm>> -> memref<512xi32, #tpu.memory_space<hbm>>
      tpu.wait_dma2 semaphore(%run_scoped3A : memref<!tpu.dma_semaphore, #tpu.memory_space<semaphore_mem>>) src(%dma_wait3A_353 : memref<512xi32, #tpu.memory_space<hbm>>) dst(%dma_wait3A_350 : memref<512xi32, #tpu.memory_space<vmem>>)
      tpu.yield
    }) : () -> ()
    %add3A_33 = arith.constant 7 : i32
    %add3A_34 = arith.addi %mul3A_4, %add3A_33 : i32
    "tpu.region"() ({
      %run_scoped3A = tpu.sem_alloc : memref<!tpu.dma_semaphore, #tpu.memory_space<semaphore_mem>>
      %dma_start3A_334 = arith.constant 3584 : i32
      %dma_start3A_335 = tpu.memref_slice %arg7[%dma_start3A_334] : memref<16384xi32, #tpu.memory_space<vmem>> -> memref<512xi32, #tpu.memory_space<vmem>>
      %dma_start3A_336 = arith.constant 0 : i32
      %dma_start3A_337 = tpu.memref_slice %arg2[%add3A_34, %dma_start3A_336] : memref<1024x512xi32, #tpu.memory_space<hbm>> -> memref<1x512xi32, #tpu.memory_space<hbm>>
      %dma_start3A_338 = tpu.memref_squeeze %dma_start3A_337 : memref<1x512xi32, #tpu.memory_space<hbm>> -> memref<512xi32, #tpu.memory_space<hbm>>
      %dma_start3A_339 = arith.constant 3584 : i32
      %dma_start3A_340 = tpu.memref_slice %arg7[%dma_start3A_339] : memref<16384xi32, #tpu.memory_space<vmem>> -> memref<512xi32, #tpu.memory_space<vmem>>
      %dma_start3A_341 = arith.constant 0 : i32
      %dma_start3A_342 = tpu.memref_slice %arg2[%add3A_34, %dma_start3A_341] : memref<1024x512xi32, #tpu.memory_space<hbm>> -> memref<1x512xi32, #tpu.memory_space<hbm>>
      %dma_start3A_343 = tpu.memref_squeeze %dma_start3A_342 : memref<1x512xi32, #tpu.memory_space<hbm>> -> memref<512xi32, #tpu.memory_space<hbm>>
      tpu.enqueue_dma source(%dma_start3A_343 : memref<512xi32, #tpu.memory_space<hbm>>) target(%dma_start3A_340 : memref<512xi32, #tpu.memory_space<vmem>>) target_semaphore(%run_scoped3A : memref<!tpu.dma_semaphore, #tpu.memory_space<semaphore_mem>>)
      %dma_wait3A_344 = arith.constant 3584 : i32
      %dma_wait3A_345 = tpu.memref_slice %arg7[%dma_wait3A_344] : memref<16384xi32, #tpu.memory_space<vmem>> -> memref<512xi32, #tpu.memory_space<vmem>>
      %dma_wait3A_346 = arith.constant 0 : i32
      %dma_wait3A_347 = tpu.memref_slice %arg2[%add3A_34, %dma_wait3A_346] : memref<1024x512xi32, #tpu.memory_space<hbm>> -> memref<1x512xi32, #tpu.memory_space<hbm>>
      %dma_wait3A_348 = tpu.memref_squeeze %dma_wait3A_347 : memref<1x512xi32, #tpu.memory_space<hbm>> -> memref<512xi32, #tpu.memory_space<hbm>>
      %dma_wait3A_349 = arith.constant 3584 : i32
      %dma_wait3A_350 = tpu.memref_slice %arg7[%dma_wait3A_349] : memref<16384xi32, #tpu.memory_space<vmem>> -> memref<512xi32, #tpu.memory_space<vmem>>
      %dma_wait3A_351 = arith.constant 0 : i32
      %dma_wait3A_352 = tpu.memref_slice %arg2[%add3A_34, %dma_wait3A_351] : memref<1024x512xi32, #tpu.memory_space<hbm>> -> memref<1x512xi32, #tpu.memory_space<hbm>>
      %dma_wait3A_353 = tpu.memref_squeeze %dma_wait3A_352 : memref<1x512xi32, #tpu.memory_space<hbm>> -> memref<512xi32, #tpu.memory_space<hbm>>
      tpu.wait_dma2 semaphore(%run_scoped3A : memref<!tpu.dma_semaphore, #tpu.memory_space<semaphore_mem>>) src(%dma_wait3A_353 : memref<512xi32, #tpu.memory_space<hbm>>) dst(%dma_wait3A_350 : memref<512xi32, #tpu.memory_space<vmem>>)
      tpu.yield
    }) : () -> ()
    %add3A_35 = arith.constant 7 : i32
    %add3A_36 = arith.addi %mul3A_4, %add3A_35 : i32
    "tpu.region"() ({
      %run_scoped3A = tpu.sem_alloc : memref<!tpu.dma_semaphore, #tpu.memory_space<semaphore_mem>>
      %dma_start3A_334 = arith.constant 3584 : i32
      %dma_start3A_335 = tpu.memref_slice %arg8[%dma_start3A_334] : memref<16384xi32, #tpu.memory_space<vmem>> -> memref<512xi32, #tpu.memory_space<vmem>>
      %dma_start3A_336 = arith.constant 0 : i32
      %dma_start3A_337 = tpu.memref_slice %arg3[%add3A_36, %dma_start3A_336] : memref<1024x512xi32, #tpu.memory_space<hbm>> -> memref<1x512xi32, #tpu.memory_space<hbm>>
      %dma_start3A_338 = tpu.memref_squeeze %dma_start3A_337 : memref<1x512xi32, #tpu.memory_space<hbm>> -> memref<512xi32, #tpu.memory_space<hbm>>
      %dma_start3A_339 = arith.constant 3584 : i32
      %dma_start3A_340 = tpu.memref_slice %arg8[%dma_start3A_339] : memref<16384xi32, #tpu.memory_space<vmem>> -> memref<512xi32, #tpu.memory_space<vmem>>
      %dma_start3A_341 = arith.constant 0 : i32
      %dma_start3A_342 = tpu.memref_slice %arg3[%add3A_36, %dma_start3A_341] : memref<1024x512xi32, #tpu.memory_space<hbm>> -> memref<1x512xi32, #tpu.memory_space<hbm>>
      %dma_start3A_343 = tpu.memref_squeeze %dma_start3A_342 : memref<1x512xi32, #tpu.memory_space<hbm>> -> memref<512xi32, #tpu.memory_space<hbm>>
      tpu.enqueue_dma source(%dma_start3A_343 : memref<512xi32, #tpu.memory_space<hbm>>) target(%dma_start3A_340 : memref<512xi32, #tpu.memory_space<vmem>>) target_semaphore(%run_scoped3A : memref<!tpu.dma_semaphore, #tpu.memory_space<semaphore_mem>>)
      %dma_wait3A_344 = arith.constant 3584 : i32
      %dma_wait3A_345 = tpu.memref_slice %arg8[%dma_wait3A_344] : memref<16384xi32, #tpu.memory_space<vmem>> -> memref<512xi32, #tpu.memory_space<vmem>>
      %dma_wait3A_346 = arith.constant 0 : i32
      %dma_wait3A_347 = tpu.memref_slice %arg3[%add3A_36, %dma_wait3A_346] : memref<1024x512xi32, #tpu.memory_space<hbm>> -> memref<1x512xi32, #tpu.memory_space<hbm>>
      %dma_wait3A_348 = tpu.memref_squeeze %dma_wait3A_347 : memref<1x512xi32, #tpu.memory_space<hbm>> -> memref<512xi32, #tpu.memory_space<hbm>>
      %dma_wait3A_349 = arith.constant 3584 : i32
      %dma_wait3A_350 = tpu.memref_slice %arg8[%dma_wait3A_349] : memref<16384xi32, #tpu.memory_space<vmem>> -> memref<512xi32, #tpu.memory_space<vmem>>
      %dma_wait3A_351 = arith.constant 0 : i32
      %dma_wait3A_352 = tpu.memref_slice %arg3[%add3A_36, %dma_wait3A_351] : memref<1024x512xi32, #tpu.memory_space<hbm>> -> memref<1x512xi32, #tpu.memory_space<hbm>>
      %dma_wait3A_353 = tpu.memref_squeeze %dma_wait3A_352 : memref<1x512xi32, #tpu.memory_space<hbm>> -> memref<512xi32, #tpu.memory_space<hbm>>
      tpu.wait_dma2 semaphore(%run_scoped3A : memref<!tpu.dma_semaphore, #tpu.memory_space<semaphore_mem>>) src(%dma_wait3A_353 : memref<512xi32, #tpu.memory_space<hbm>>) dst(%dma_wait3A_350 : memref<512xi32, #tpu.memory_space<vmem>>)
      tpu.yield
    }) : () -> ()
    %add3A_37 = arith.constant 8 : i32
    %add3A_38 = arith.addi %mul3A_4, %add3A_37 : i32
    "tpu.region"() ({
      %run_scoped3A = tpu.sem_alloc : memref<!tpu.dma_semaphore, #tpu.memory_space<semaphore_mem>>
      %dma_start3A_334 = arith.constant 4096 : i32
      %dma_start3A_335 = tpu.memref_slice %arg7[%dma_start3A_334] : memref<16384xi32, #tpu.memory_space<vmem>> -> memref<512xi32, #tpu.memory_space<vmem>>
      %dma_start3A_336 = arith.constant 0 : i32
      %dma_start3A_337 = tpu.memref_slice %arg2[%add3A_38, %dma_start3A_336] : memref<1024x512xi32, #tpu.memory_space<hbm>> -> memref<1x512xi32, #tpu.memory_space<hbm>>
      %dma_start3A_338 = tpu.memref_squeeze %dma_start3A_337 : memref<1x512xi32, #tpu.memory_space<hbm>> -> memref<512xi32, #tpu.memory_space<hbm>>
      %dma_start3A_339 = arith.constant 4096 : i32
      %dma_start3A_340 = tpu.memref_slice %arg7[%dma_start3A_339] : memref<16384xi32, #tpu.memory_space<vmem>> -> memref<512xi32, #tpu.memory_space<vmem>>
      %dma_start3A_341 = arith.constant 0 : i32
      %dma_start3A_342 = tpu.memref_slice %arg2[%add3A_38, %dma_start3A_341] : memref<1024x512xi32, #tpu.memory_space<hbm>> -> memref<1x512xi32, #tpu.memory_space<hbm>>
      %dma_start3A_343 = tpu.memref_squeeze %dma_start3A_342 : memref<1x512xi32, #tpu.memory_space<hbm>> -> memref<512xi32, #tpu.memory_space<hbm>>
      tpu.enqueue_dma source(%dma_start3A_343 : memref<512xi32, #tpu.memory_space<hbm>>) target(%dma_start3A_340 : memref<512xi32, #tpu.memory_space<vmem>>) target_semaphore(%run_scoped3A : memref<!tpu.dma_semaphore, #tpu.memory_space<semaphore_mem>>)
      %dma_wait3A_344 = arith.constant 4096 : i32
      %dma_wait3A_345 = tpu.memref_slice %arg7[%dma_wait3A_344] : memref<16384xi32, #tpu.memory_space<vmem>> -> memref<512xi32, #tpu.memory_space<vmem>>
      %dma_wait3A_346 = arith.constant 0 : i32
      %dma_wait3A_347 = tpu.memref_slice %arg2[%add3A_38, %dma_wait3A_346] : memref<1024x512xi32, #tpu.memory_space<hbm>> -> memref<1x512xi32, #tpu.memory_space<hbm>>
      %dma_wait3A_348 = tpu.memref_squeeze %dma_wait3A_347 : memref<1x512xi32, #tpu.memory_space<hbm>> -> memref<512xi32, #tpu.memory_space<hbm>>
      %dma_wait3A_349 = arith.constant 4096 : i32
      %dma_wait3A_350 = tpu.memref_slice %arg7[%dma_wait3A_349] : memref<16384xi32, #tpu.memory_space<vmem>> -> memref<512xi32, #tpu.memory_space<vmem>>
      %dma_wait3A_351 = arith.constant 0 : i32
      %dma_wait3A_352 = tpu.memref_slice %arg2[%add3A_38, %dma_wait3A_351] : memref<1024x512xi32, #tpu.memory_space<hbm>> -> memref<1x512xi32, #tpu.memory_space<hbm>>
      %dma_wait3A_353 = tpu.memref_squeeze %dma_wait3A_352 : memref<1x512xi32, #tpu.memory_space<hbm>> -> memref<512xi32, #tpu.memory_space<hbm>>
      tpu.wait_dma2 semaphore(%run_scoped3A : memref<!tpu.dma_semaphore, #tpu.memory_space<semaphore_mem>>) src(%dma_wait3A_353 : memref<512xi32, #tpu.memory_space<hbm>>) dst(%dma_wait3A_350 : memref<512xi32, #tpu.memory_space<vmem>>)
      tpu.yield
    }) : () -> ()
    %add3A_39 = arith.constant 8 : i32
    %add3A_40 = arith.addi %mul3A_4, %add3A_39 : i32
    "tpu.region"() ({
      %run_scoped3A = tpu.sem_alloc : memref<!tpu.dma_semaphore, #tpu.memory_space<semaphore_mem>>
      %dma_start3A_334 = arith.constant 4096 : i32
      %dma_start3A_335 = tpu.memref_slice %arg8[%dma_start3A_334] : memref<16384xi32, #tpu.memory_space<vmem>> -> memref<512xi32, #tpu.memory_space<vmem>>
      %dma_start3A_336 = arith.constant 0 : i32
      %dma_start3A_337 = tpu.memref_slice %arg3[%add3A_40, %dma_start3A_336] : memref<1024x512xi32, #tpu.memory_space<hbm>> -> memref<1x512xi32, #tpu.memory_space<hbm>>
      %dma_start3A_338 = tpu.memref_squeeze %dma_start3A_337 : memref<1x512xi32, #tpu.memory_space<hbm>> -> memref<512xi32, #tpu.memory_space<hbm>>
      %dma_start3A_339 = arith.constant 4096 : i32
      %dma_start3A_340 = tpu.memref_slice %arg8[%dma_start3A_339] : memref<16384xi32, #tpu.memory_space<vmem>> -> memref<512xi32, #tpu.memory_space<vmem>>
      %dma_start3A_341 = arith.constant 0 : i32
      %dma_start3A_342 = tpu.memref_slice %arg3[%add3A_40, %dma_start3A_341] : memref<1024x512xi32, #tpu.memory_space<hbm>> -> memref<1x512xi32, #tpu.memory_space<hbm>>
      %dma_start3A_343 = tpu.memref_squeeze %dma_start3A_342 : memref<1x512xi32, #tpu.memory_space<hbm>> -> memref<512xi32, #tpu.memory_space<hbm>>
      tpu.enqueue_dma source(%dma_start3A_343 : memref<512xi32, #tpu.memory_space<hbm>>) target(%dma_start3A_340 : memref<512xi32, #tpu.memory_space<vmem>>) target_semaphore(%run_scoped3A : memref<!tpu.dma_semaphore, #tpu.memory_space<semaphore_mem>>)
      %dma_wait3A_344 = arith.constant 4096 : i32
      %dma_wait3A_345 = tpu.memref_slice %arg8[%dma_wait3A_344] : memref<16384xi32, #tpu.memory_space<vmem>> -> memref<512xi32, #tpu.memory_space<vmem>>
      %dma_wait3A_346 = arith.constant 0 : i32
      %dma_wait3A_347 = tpu.memref_slice %arg3[%add3A_40, %dma_wait3A_346] : memref<1024x512xi32, #tpu.memory_space<hbm>> -> memref<1x512xi32, #tpu.memory_space<hbm>>
      %dma_wait3A_348 = tpu.memref_squeeze %dma_wait3A_347 : memref<1x512xi32, #tpu.memory_space<hbm>> -> memref<512xi32, #tpu.memory_space<hbm>>
      %dma_wait3A_349 = arith.constant 4096 : i32
      %dma_wait3A_350 = tpu.memref_slice %arg8[%dma_wait3A_349] : memref<16384xi32, #tpu.memory_space<vmem>> -> memref<512xi32, #tpu.memory_space<vmem>>
      %dma_wait3A_351 = arith.constant 0 : i32
      %dma_wait3A_352 = tpu.memref_slice %arg3[%add3A_40, %dma_wait3A_351] : memref<1024x512xi32, #tpu.memory_space<hbm>> -> memref<1x512xi32, #tpu.memory_space<hbm>>
      %dma_wait3A_353 = tpu.memref_squeeze %dma_wait3A_352 : memref<1x512xi32, #tpu.memory_space<hbm>> -> memref<512xi32, #tpu.memory_space<hbm>>
      tpu.wait_dma2 semaphore(%run_scoped3A : memref<!tpu.dma_semaphore, #tpu.memory_space<semaphore_mem>>) src(%dma_wait3A_353 : memref<512xi32, #tpu.memory_space<hbm>>) dst(%dma_wait3A_350 : memref<512xi32, #tpu.memory_space<vmem>>)
      tpu.yield
    }) : () -> ()
    %add3A_41 = arith.constant 9 : i32
    %add3A_42 = arith.addi %mul3A_4, %add3A_41 : i32
    "tpu.region"() ({
      %run_scoped3A = tpu.sem_alloc : memref<!tpu.dma_semaphore, #tpu.memory_space<semaphore_mem>>
      %dma_start3A_334 = arith.constant 4608 : i32
      %dma_start3A_335 = tpu.memref_slice %arg7[%dma_start3A_334] : memref<16384xi32, #tpu.memory_space<vmem>> -> memref<512xi32, #tpu.memory_space<vmem>>
      %dma_start3A_336 = arith.constant 0 : i32
      %dma_start3A_337 = tpu.memref_slice %arg2[%add3A_42, %dma_start3A_336] : memref<1024x512xi32, #tpu.memory_space<hbm>> -> memref<1x512xi32, #tpu.memory_space<hbm>>
      %dma_start3A_338 = tpu.memref_squeeze %dma_start3A_337 : memref<1x512xi32, #tpu.memory_space<hbm>> -> memref<512xi32, #tpu.memory_space<hbm>>
      %dma_start3A_339 = arith.constant 4608 : i32
      %dma_start3A_340 = tpu.memref_slice %arg7[%dma_start3A_339] : memref<16384xi32, #tpu.memory_space<vmem>> -> memref<512xi32, #tpu.memory_space<vmem>>
      %dma_start3A_341 = arith.constant 0 : i32
      %dma_start3A_342 = tpu.memref_slice %arg2[%add3A_42, %dma_start3A_341] : memref<1024x512xi32, #tpu.memory_space<hbm>> -> memref<1x512xi32, #tpu.memory_space<hbm>>
      %dma_start3A_343 = tpu.memref_squeeze %dma_start3A_342 : memref<1x512xi32, #tpu.memory_space<hbm>> -> memref<512xi32, #tpu.memory_space<hbm>>
      tpu.enqueue_dma source(%dma_start3A_343 : memref<512xi32, #tpu.memory_space<hbm>>) target(%dma_start3A_340 : memref<512xi32, #tpu.memory_space<vmem>>) target_semaphore(%run_scoped3A : memref<!tpu.dma_semaphore, #tpu.memory_space<semaphore_mem>>)
      %dma_wait3A_344 = arith.constant 4608 : i32
      %dma_wait3A_345 = tpu.memref_slice %arg7[%dma_wait3A_344] : memref<16384xi32, #tpu.memory_space<vmem>> -> memref<512xi32, #tpu.memory_space<vmem>>
      %dma_wait3A_346 = arith.constant 0 : i32
      %dma_wait3A_347 = tpu.memref_slice %arg2[%add3A_42, %dma_wait3A_346] : memref<1024x512xi32, #tpu.memory_space<hbm>> -> memref<1x512xi32, #tpu.memory_space<hbm>>
      %dma_wait3A_348 = tpu.memref_squeeze %dma_wait3A_347 : memref<1x512xi32, #tpu.memory_space<hbm>> -> memref<512xi32, #tpu.memory_space<hbm>>
      %dma_wait3A_349 = arith.constant 4608 : i32
      %dma_wait3A_350 = tpu.memref_slice %arg7[%dma_wait3A_349] : memref<16384xi32, #tpu.memory_space<vmem>> -> memref<512xi32, #tpu.memory_space<vmem>>
      %dma_wait3A_351 = arith.constant 0 : i32
      %dma_wait3A_352 = tpu.memref_slice %arg2[%add3A_42, %dma_wait3A_351] : memref<1024x512xi32, #tpu.memory_space<hbm>> -> memref<1x512xi32, #tpu.memory_space<hbm>>
      %dma_wait3A_353 = tpu.memref_squeeze %dma_wait3A_352 : memref<1x512xi32, #tpu.memory_space<hbm>> -> memref<512xi32, #tpu.memory_space<hbm>>
      tpu.wait_dma2 semaphore(%run_scoped3A : memref<!tpu.dma_semaphore, #tpu.memory_space<semaphore_mem>>) src(%dma_wait3A_353 : memref<512xi32, #tpu.memory_space<hbm>>) dst(%dma_wait3A_350 : memref<512xi32, #tpu.memory_space<vmem>>)
      tpu.yield
    }) : () -> ()
    %add3A_43 = arith.constant 9 : i32
    %add3A_44 = arith.addi %mul3A_4, %add3A_43 : i32
    "tpu.region"() ({
      %run_scoped3A = tpu.sem_alloc : memref<!tpu.dma_semaphore, #tpu.memory_space<semaphore_mem>>
      %dma_start3A_334 = arith.constant 4608 : i32
      %dma_start3A_335 = tpu.memref_slice %arg8[%dma_start3A_334] : memref<16384xi32, #tpu.memory_space<vmem>> -> memref<512xi32, #tpu.memory_space<vmem>>
      %dma_start3A_336 = arith.constant 0 : i32
      %dma_start3A_337 = tpu.memref_slice %arg3[%add3A_44, %dma_start3A_336] : memref<1024x512xi32, #tpu.memory_space<hbm>> -> memref<1x512xi32, #tpu.memory_space<hbm>>
      %dma_start3A_338 = tpu.memref_squeeze %dma_start3A_337 : memref<1x512xi32, #tpu.memory_space<hbm>> -> memref<512xi32, #tpu.memory_space<hbm>>
      %dma_start3A_339 = arith.constant 4608 : i32
      %dma_start3A_340 = tpu.memref_slice %arg8[%dma_start3A_339] : memref<16384xi32, #tpu.memory_space<vmem>> -> memref<512xi32, #tpu.memory_space<vmem>>
      %dma_start3A_341 = arith.constant 0 : i32
      %dma_start3A_342 = tpu.memref_slice %arg3[%add3A_44, %dma_start3A_341] : memref<1024x512xi32, #tpu.memory_space<hbm>> -> memref<1x512xi32, #tpu.memory_space<hbm>>
      %dma_start3A_343 = tpu.memref_squeeze %dma_start3A_342 : memref<1x512xi32, #tpu.memory_space<hbm>> -> memref<512xi32, #tpu.memory_space<hbm>>
      tpu.enqueue_dma source(%dma_start3A_343 : memref<512xi32, #tpu.memory_space<hbm>>) target(%dma_start3A_340 : memref<512xi32, #tpu.memory_space<vmem>>) target_semaphore(%run_scoped3A : memref<!tpu.dma_semaphore, #tpu.memory_space<semaphore_mem>>)
      %dma_wait3A_344 = arith.constant 4608 : i32
      %dma_wait3A_345 = tpu.memref_slice %arg8[%dma_wait3A_344] : memref<16384xi32, #tpu.memory_space<vmem>> -> memref<512xi32, #tpu.memory_space<vmem>>
      %dma_wait3A_346 = arith.constant 0 : i32
      %dma_wait3A_347 = tpu.memref_slice %arg3[%add3A_44, %dma_wait3A_346] : memref<1024x512xi32, #tpu.memory_space<hbm>> -> memref<1x512xi32, #tpu.memory_space<hbm>>
      %dma_wait3A_348 = tpu.memref_squeeze %dma_wait3A_347 : memref<1x512xi32, #tpu.memory_space<hbm>> -> memref<512xi32, #tpu.memory_space<hbm>>
      %dma_wait3A_349 = arith.constant 4608 : i32
      %dma_wait3A_350 = tpu.memref_slice %arg8[%dma_wait3A_349] : memref<16384xi32, #tpu.memory_space<vmem>> -> memref<512xi32, #tpu.memory_space<vmem>>
      %dma_wait3A_351 = arith.constant 0 : i32
      %dma_wait3A_352 = tpu.memref_slice %arg3[%add3A_44, %dma_wait3A_351] : memref<1024x512xi32, #tpu.memory_space<hbm>> -> memref<1x512xi32, #tpu.memory_space<hbm>>
      %dma_wait3A_353 = tpu.memref_squeeze %dma_wait3A_352 : memref<1x512xi32, #tpu.memory_space<hbm>> -> memref<512xi32, #tpu.memory_space<hbm>>
      tpu.wait_dma2 semaphore(%run_scoped3A : memref<!tpu.dma_semaphore, #tpu.memory_space<semaphore_mem>>) src(%dma_wait3A_353 : memref<512xi32, #tpu.memory_space<hbm>>) dst(%dma_wait3A_350 : memref<512xi32, #tpu.memory_space<vmem>>)
      tpu.yield
    }) : () -> ()
    %add3A_45 = arith.constant 10 : i32
    %add3A_46 = arith.addi %mul3A_4, %add3A_45 : i32
    "tpu.region"() ({
      %run_scoped3A = tpu.sem_alloc : memref<!tpu.dma_semaphore, #tpu.memory_space<semaphore_mem>>
      %dma_start3A_334 = arith.constant 5120 : i32
      %dma_start3A_335 = tpu.memref_slice %arg7[%dma_start3A_334] : memref<16384xi32, #tpu.memory_space<vmem>> -> memref<512xi32, #tpu.memory_space<vmem>>
      %dma_start3A_336 = arith.constant 0 : i32
      %dma_start3A_337 = tpu.memref_slice %arg2[%add3A_46, %dma_start3A_336] : memref<1024x512xi32, #tpu.memory_space<hbm>> -> memref<1x512xi32, #tpu.memory_space<hbm>>
      %dma_start3A_338 = tpu.memref_squeeze %dma_start3A_337 : memref<1x512xi32, #tpu.memory_space<hbm>> -> memref<512xi32, #tpu.memory_space<hbm>>
      %dma_start3A_339 = arith.constant 5120 : i32
      %dma_start3A_340 = tpu.memref_slice %arg7[%dma_start3A_339] : memref<16384xi32, #tpu.memory_space<vmem>> -> memref<512xi32, #tpu.memory_space<vmem>>
      %dma_start3A_341 = arith.constant 0 : i32
      %dma_start3A_342 = tpu.memref_slice %arg2[%add3A_46, %dma_start3A_341] : memref<1024x512xi32, #tpu.memory_space<hbm>> -> memref<1x512xi32, #tpu.memory_space<hbm>>
      %dma_start3A_343 = tpu.memref_squeeze %dma_start3A_342 : memref<1x512xi32, #tpu.memory_space<hbm>> -> memref<512xi32, #tpu.memory_space<hbm>>
      tpu.enqueue_dma source(%dma_start3A_343 : memref<512xi32, #tpu.memory_space<hbm>>) target(%dma_start3A_340 : memref<512xi32, #tpu.memory_space<vmem>>) target_semaphore(%run_scoped3A : memref<!tpu.dma_semaphore, #tpu.memory_space<semaphore_mem>>)
      %dma_wait3A_344 = arith.constant 5120 : i32
      %dma_wait3A_345 = tpu.memref_slice %arg7[%dma_wait3A_344] : memref<16384xi32, #tpu.memory_space<vmem>> -> memref<512xi32, #tpu.memory_space<vmem>>
      %dma_wait3A_346 = arith.constant 0 : i32
      %dma_wait3A_347 = tpu.memref_slice %arg2[%add3A_46, %dma_wait3A_346] : memref<1024x512xi32, #tpu.memory_space<hbm>> -> memref<1x512xi32, #tpu.memory_space<hbm>>
      %dma_wait3A_348 = tpu.memref_squeeze %dma_wait3A_347 : memref<1x512xi32, #tpu.memory_space<hbm>> -> memref<512xi32, #tpu.memory_space<hbm>>
      %dma_wait3A_349 = arith.constant 5120 : i32
      %dma_wait3A_350 = tpu.memref_slice %arg7[%dma_wait3A_349] : memref<16384xi32, #tpu.memory_space<vmem>> -> memref<512xi32, #tpu.memory_space<vmem>>
      %dma_wait3A_351 = arith.constant 0 : i32
      %dma_wait3A_352 = tpu.memref_slice %arg2[%add3A_46, %dma_wait3A_351] : memref<1024x512xi32, #tpu.memory_space<hbm>> -> memref<1x512xi32, #tpu.memory_space<hbm>>
      %dma_wait3A_353 = tpu.memref_squeeze %dma_wait3A_352 : memref<1x512xi32, #tpu.memory_space<hbm>> -> memref<512xi32, #tpu.memory_space<hbm>>
      tpu.wait_dma2 semaphore(%run_scoped3A : memref<!tpu.dma_semaphore, #tpu.memory_space<semaphore_mem>>) src(%dma_wait3A_353 : memref<512xi32, #tpu.memory_space<hbm>>) dst(%dma_wait3A_350 : memref<512xi32, #tpu.memory_space<vmem>>)
      tpu.yield
    }) : () -> ()
    %add3A_47 = arith.constant 10 : i32
    %add3A_48 = arith.addi %mul3A_4, %add3A_47 : i32
    "tpu.region"() ({
      %run_scoped3A = tpu.sem_alloc : memref<!tpu.dma_semaphore, #tpu.memory_space<semaphore_mem>>
      %dma_start3A_334 = arith.constant 5120 : i32
      %dma_start3A_335 = tpu.memref_slice %arg8[%dma_start3A_334] : memref<16384xi32, #tpu.memory_space<vmem>> -> memref<512xi32, #tpu.memory_space<vmem>>
      %dma_start3A_336 = arith.constant 0 : i32
      %dma_start3A_337 = tpu.memref_slice %arg3[%add3A_48, %dma_start3A_336] : memref<1024x512xi32, #tpu.memory_space<hbm>> -> memref<1x512xi32, #tpu.memory_space<hbm>>
      %dma_start3A_338 = tpu.memref_squeeze %dma_start3A_337 : memref<1x512xi32, #tpu.memory_space<hbm>> -> memref<512xi32, #tpu.memory_space<hbm>>
      %dma_start3A_339 = arith.constant 5120 : i32
      %dma_start3A_340 = tpu.memref_slice %arg8[%dma_start3A_339] : memref<16384xi32, #tpu.memory_space<vmem>> -> memref<512xi32, #tpu.memory_space<vmem>>
      %dma_start3A_341 = arith.constant 0 : i32
      %dma_start3A_342 = tpu.memref_slice %arg3[%add3A_48, %dma_start3A_341] : memref<1024x512xi32, #tpu.memory_space<hbm>> -> memref<1x512xi32, #tpu.memory_space<hbm>>
      %dma_start3A_343 = tpu.memref_squeeze %dma_start3A_342 : memref<1x512xi32, #tpu.memory_space<hbm>> -> memref<512xi32, #tpu.memory_space<hbm>>
      tpu.enqueue_dma source(%dma_start3A_343 : memref<512xi32, #tpu.memory_space<hbm>>) target(%dma_start3A_340 : memref<512xi32, #tpu.memory_space<vmem>>) target_semaphore(%run_scoped3A : memref<!tpu.dma_semaphore, #tpu.memory_space<semaphore_mem>>)
      %dma_wait3A_344 = arith.constant 5120 : i32
      %dma_wait3A_345 = tpu.memref_slice %arg8[%dma_wait3A_344] : memref<16384xi32, #tpu.memory_space<vmem>> -> memref<512xi32, #tpu.memory_space<vmem>>
      %dma_wait3A_346 = arith.constant 0 : i32
      %dma_wait3A_347 = tpu.memref_slice %arg3[%add3A_48, %dma_wait3A_346] : memref<1024x512xi32, #tpu.memory_space<hbm>> -> memref<1x512xi32, #tpu.memory_space<hbm>>
      %dma_wait3A_348 = tpu.memref_squeeze %dma_wait3A_347 : memref<1x512xi32, #tpu.memory_space<hbm>> -> memref<512xi32, #tpu.memory_space<hbm>>
      %dma_wait3A_349 = arith.constant 5120 : i32
      %dma_wait3A_350 = tpu.memref_slice %arg8[%dma_wait3A_349] : memref<16384xi32, #tpu.memory_space<vmem>> -> memref<512xi32, #tpu.memory_space<vmem>>
      %dma_wait3A_351 = arith.constant 0 : i32
      %dma_wait3A_352 = tpu.memref_slice %arg3[%add3A_48, %dma_wait3A_351] : memref<1024x512xi32, #tpu.memory_space<hbm>> -> memref<1x512xi32, #tpu.memory_space<hbm>>
      %dma_wait3A_353 = tpu.memref_squeeze %dma_wait3A_352 : memref<1x512xi32, #tpu.memory_space<hbm>> -> memref<512xi32, #tpu.memory_space<hbm>>
      tpu.wait_dma2 semaphore(%run_scoped3A : memref<!tpu.dma_semaphore, #tpu.memory_space<semaphore_mem>>) src(%dma_wait3A_353 : memref<512xi32, #tpu.memory_space<hbm>>) dst(%dma_wait3A_350 : memref<512xi32, #tpu.memory_space<vmem>>)
      tpu.yield
    }) : () -> ()
    %add3A_49 = arith.constant 11 : i32
    %add3A_50 = arith.addi %mul3A_4, %add3A_49 : i32
    "tpu.region"() ({
      %run_scoped3A = tpu.sem_alloc : memref<!tpu.dma_semaphore, #tpu.memory_space<semaphore_mem>>
      %dma_start3A_334 = arith.constant 5632 : i32
      %dma_start3A_335 = tpu.memref_slice %arg7[%dma_start3A_334] : memref<16384xi32, #tpu.memory_space<vmem>> -> memref<512xi32, #tpu.memory_space<vmem>>
      %dma_start3A_336 = arith.constant 0 : i32
      %dma_start3A_337 = tpu.memref_slice %arg2[%add3A_50, %dma_start3A_336] : memref<1024x512xi32, #tpu.memory_space<hbm>> -> memref<1x512xi32, #tpu.memory_space<hbm>>
      %dma_start3A_338 = tpu.memref_squeeze %dma_start3A_337 : memref<1x512xi32, #tpu.memory_space<hbm>> -> memref<512xi32, #tpu.memory_space<hbm>>
      %dma_start3A_339 = arith.constant 5632 : i32
      %dma_start3A_340 = tpu.memref_slice %arg7[%dma_start3A_339] : memref<16384xi32, #tpu.memory_space<vmem>> -> memref<512xi32, #tpu.memory_space<vmem>>
      %dma_start3A_341 = arith.constant 0 : i32
      %dma_start3A_342 = tpu.memref_slice %arg2[%add3A_50, %dma_start3A_341] : memref<1024x512xi32, #tpu.memory_space<hbm>> -> memref<1x512xi32, #tpu.memory_space<hbm>>
      %dma_start3A_343 = tpu.memref_squeeze %dma_start3A_342 : memref<1x512xi32, #tpu.memory_space<hbm>> -> memref<512xi32, #tpu.memory_space<hbm>>
      tpu.enqueue_dma source(%dma_start3A_343 : memref<512xi32, #tpu.memory_space<hbm>>) target(%dma_start3A_340 : memref<512xi32, #tpu.memory_space<vmem>>) target_semaphore(%run_scoped3A : memref<!tpu.dma_semaphore, #tpu.memory_space<semaphore_mem>>)
      %dma_wait3A_344 = arith.constant 5632 : i32
      %dma_wait3A_345 = tpu.memref_slice %arg7[%dma_wait3A_344] : memref<16384xi32, #tpu.memory_space<vmem>> -> memref<512xi32, #tpu.memory_space<vmem>>
      %dma_wait3A_346 = arith.constant 0 : i32
      %dma_wait3A_347 = tpu.memref_slice %arg2[%add3A_50, %dma_wait3A_346] : memref<1024x512xi32, #tpu.memory_space<hbm>> -> memref<1x512xi32, #tpu.memory_space<hbm>>
      %dma_wait3A_348 = tpu.memref_squeeze %dma_wait3A_347 : memref<1x512xi32, #tpu.memory_space<hbm>> -> memref<512xi32, #tpu.memory_space<hbm>>
      %dma_wait3A_349 = arith.constant 5632 : i32
      %dma_wait3A_350 = tpu.memref_slice %arg7[%dma_wait3A_349] : memref<16384xi32, #tpu.memory_space<vmem>> -> memref<512xi32, #tpu.memory_space<vmem>>
      %dma_wait3A_351 = arith.constant 0 : i32
      %dma_wait3A_352 = tpu.memref_slice %arg2[%add3A_50, %dma_wait3A_351] : memref<1024x512xi32, #tpu.memory_space<hbm>> -> memref<1x512xi32, #tpu.memory_space<hbm>>
      %dma_wait3A_353 = tpu.memref_squeeze %dma_wait3A_352 : memref<1x512xi32, #tpu.memory_space<hbm>> -> memref<512xi32, #tpu.memory_space<hbm>>
      tpu.wait_dma2 semaphore(%run_scoped3A : memref<!tpu.dma_semaphore, #tpu.memory_space<semaphore_mem>>) src(%dma_wait3A_353 : memref<512xi32, #tpu.memory_space<hbm>>) dst(%dma_wait3A_350 : memref<512xi32, #tpu.memory_space<vmem>>)
      tpu.yield
    }) : () -> ()
    %add3A_51 = arith.constant 11 : i32
    %add3A_52 = arith.addi %mul3A_4, %add3A_51 : i32
    "tpu.region"() ({
      %run_scoped3A = tpu.sem_alloc : memref<!tpu.dma_semaphore, #tpu.memory_space<semaphore_mem>>
      %dma_start3A_334 = arith.constant 5632 : i32
      %dma_start3A_335 = tpu.memref_slice %arg8[%dma_start3A_334] : memref<16384xi32, #tpu.memory_space<vmem>> -> memref<512xi32, #tpu.memory_space<vmem>>
      %dma_start3A_336 = arith.constant 0 : i32
      %dma_start3A_337 = tpu.memref_slice %arg3[%add3A_52, %dma_start3A_336] : memref<1024x512xi32, #tpu.memory_space<hbm>> -> memref<1x512xi32, #tpu.memory_space<hbm>>
      %dma_start3A_338 = tpu.memref_squeeze %dma_start3A_337 : memref<1x512xi32, #tpu.memory_space<hbm>> -> memref<512xi32, #tpu.memory_space<hbm>>
      %dma_start3A_339 = arith.constant 5632 : i32
      %dma_start3A_340 = tpu.memref_slice %arg8[%dma_start3A_339] : memref<16384xi32, #tpu.memory_space<vmem>> -> memref<512xi32, #tpu.memory_space<vmem>>
      %dma_start3A_341 = arith.constant 0 : i32
      %dma_start3A_342 = tpu.memref_slice %arg3[%add3A_52, %dma_start3A_341] : memref<1024x512xi32, #tpu.memory_space<hbm>> -> memref<1x512xi32, #tpu.memory_space<hbm>>
      %dma_start3A_343 = tpu.memref_squeeze %dma_start3A_342 : memref<1x512xi32, #tpu.memory_space<hbm>> -> memref<512xi32, #tpu.memory_space<hbm>>
      tpu.enqueue_dma source(%dma_start3A_343 : memref<512xi32, #tpu.memory_space<hbm>>) target(%dma_start3A_340 : memref<512xi32, #tpu.memory_space<vmem>>) target_semaphore(%run_scoped3A : memref<!tpu.dma_semaphore, #tpu.memory_space<semaphore_mem>>)
      %dma_wait3A_344 = arith.constant 5632 : i32
      %dma_wait3A_345 = tpu.memref_slice %arg8[%dma_wait3A_344] : memref<16384xi32, #tpu.memory_space<vmem>> -> memref<512xi32, #tpu.memory_space<vmem>>
      %dma_wait3A_346 = arith.constant 0 : i32
      %dma_wait3A_347 = tpu.memref_slice %arg3[%add3A_52, %dma_wait3A_346] : memref<1024x512xi32, #tpu.memory_space<hbm>> -> memref<1x512xi32, #tpu.memory_space<hbm>>
      %dma_wait3A_348 = tpu.memref_squeeze %dma_wait3A_347 : memref<1x512xi32, #tpu.memory_space<hbm>> -> memref<512xi32, #tpu.memory_space<hbm>>
      %dma_wait3A_349 = arith.constant 5632 : i32
      %dma_wait3A_350 = tpu.memref_slice %arg8[%dma_wait3A_349] : memref<16384xi32, #tpu.memory_space<vmem>> -> memref<512xi32, #tpu.memory_space<vmem>>
      %dma_wait3A_351 = arith.constant 0 : i32
      %dma_wait3A_352 = tpu.memref_slice %arg3[%add3A_52, %dma_wait3A_351] : memref<1024x512xi32, #tpu.memory_space<hbm>> -> memref<1x512xi32, #tpu.memory_space<hbm>>
      %dma_wait3A_353 = tpu.memref_squeeze %dma_wait3A_352 : memref<1x512xi32, #tpu.memory_space<hbm>> -> memref<512xi32, #tpu.memory_space<hbm>>
      tpu.wait_dma2 semaphore(%run_scoped3A : memref<!tpu.dma_semaphore, #tpu.memory_space<semaphore_mem>>) src(%dma_wait3A_353 : memref<512xi32, #tpu.memory_space<hbm>>) dst(%dma_wait3A_350 : memref<512xi32, #tpu.memory_space<vmem>>)
      tpu.yield
    }) : () -> ()
    %add3A_53 = arith.constant 12 : i32
    %add3A_54 = arith.addi %mul3A_4, %add3A_53 : i32
    "tpu.region"() ({
      %run_scoped3A = tpu.sem_alloc : memref<!tpu.dma_semaphore, #tpu.memory_space<semaphore_mem>>
      %dma_start3A_334 = arith.constant 6144 : i32
      %dma_start3A_335 = tpu.memref_slice %arg7[%dma_start3A_334] : memref<16384xi32, #tpu.memory_space<vmem>> -> memref<512xi32, #tpu.memory_space<vmem>>
      %dma_start3A_336 = arith.constant 0 : i32
      %dma_start3A_337 = tpu.memref_slice %arg2[%add3A_54, %dma_start3A_336] : memref<1024x512xi32, #tpu.memory_space<hbm>> -> memref<1x512xi32, #tpu.memory_space<hbm>>
      %dma_start3A_338 = tpu.memref_squeeze %dma_start3A_337 : memref<1x512xi32, #tpu.memory_space<hbm>> -> memref<512xi32, #tpu.memory_space<hbm>>
      %dma_start3A_339 = arith.constant 6144 : i32
      %dma_start3A_340 = tpu.memref_slice %arg7[%dma_start3A_339] : memref<16384xi32, #tpu.memory_space<vmem>> -> memref<512xi32, #tpu.memory_space<vmem>>
      %dma_start3A_341 = arith.constant 0 : i32
      %dma_start3A_342 = tpu.memref_slice %arg2[%add3A_54, %dma_start3A_341] : memref<1024x512xi32, #tpu.memory_space<hbm>> -> memref<1x512xi32, #tpu.memory_space<hbm>>
      %dma_start3A_343 = tpu.memref_squeeze %dma_start3A_342 : memref<1x512xi32, #tpu.memory_space<hbm>> -> memref<512xi32, #tpu.memory_space<hbm>>
      tpu.enqueue_dma source(%dma_start3A_343 : memref<512xi32, #tpu.memory_space<hbm>>) target(%dma_start3A_340 : memref<512xi32, #tpu.memory_space<vmem>>) target_semaphore(%run_scoped3A : memref<!tpu.dma_semaphore, #tpu.memory_space<semaphore_mem>>)
      %dma_wait3A_344 = arith.constant 6144 : i32
      %dma_wait3A_345 = tpu.memref_slice %arg7[%dma_wait3A_344] : memref<16384xi32, #tpu.memory_space<vmem>> -> memref<512xi32, #tpu.memory_space<vmem>>
      %dma_wait3A_346 = arith.constant 0 : i32
      %dma_wait3A_347 = tpu.memref_slice %arg2[%add3A_54, %dma_wait3A_346] : memref<1024x512xi32, #tpu.memory_space<hbm>> -> memref<1x512xi32, #tpu.memory_space<hbm>>
      %dma_wait3A_348 = tpu.memref_squeeze %dma_wait3A_347 : memref<1x512xi32, #tpu.memory_space<hbm>> -> memref<512xi32, #tpu.memory_space<hbm>>
      %dma_wait3A_349 = arith.constant 6144 : i32
      %dma_wait3A_350 = tpu.memref_slice %arg7[%dma_wait3A_349] : memref<16384xi32, #tpu.memory_space<vmem>> -> memref<512xi32, #tpu.memory_space<vmem>>
      %dma_wait3A_351 = arith.constant 0 : i32
      %dma_wait3A_352 = tpu.memref_slice %arg2[%add3A_54, %dma_wait3A_351] : memref<1024x512xi32, #tpu.memory_space<hbm>> -> memref<1x512xi32, #tpu.memory_space<hbm>>
      %dma_wait3A_353 = tpu.memref_squeeze %dma_wait3A_352 : memref<1x512xi32, #tpu.memory_space<hbm>> -> memref<512xi32, #tpu.memory_space<hbm>>
      tpu.wait_dma2 semaphore(%run_scoped3A : memref<!tpu.dma_semaphore, #tpu.memory_space<semaphore_mem>>) src(%dma_wait3A_353 : memref<512xi32, #tpu.memory_space<hbm>>) dst(%dma_wait3A_350 : memref<512xi32, #tpu.memory_space<vmem>>)
      tpu.yield
    }) : () -> ()
    %add3A_55 = arith.constant 12 : i32
    %add3A_56 = arith.addi %mul3A_4, %add3A_55 : i32
    "tpu.region"() ({
      %run_scoped3A = tpu.sem_alloc : memref<!tpu.dma_semaphore, #tpu.memory_space<semaphore_mem>>
      %dma_start3A_334 = arith.constant 6144 : i32
      %dma_start3A_335 = tpu.memref_slice %arg8[%dma_start3A_334] : memref<16384xi32, #tpu.memory_space<vmem>> -> memref<512xi32, #tpu.memory_space<vmem>>
      %dma_start3A_336 = arith.constant 0 : i32
      %dma_start3A_337 = tpu.memref_slice %arg3[%add3A_56, %dma_start3A_336] : memref<1024x512xi32, #tpu.memory_space<hbm>> -> memref<1x512xi32, #tpu.memory_space<hbm>>
      %dma_start3A_338 = tpu.memref_squeeze %dma_start3A_337 : memref<1x512xi32, #tpu.memory_space<hbm>> -> memref<512xi32, #tpu.memory_space<hbm>>
      %dma_start3A_339 = arith.constant 6144 : i32
      %dma_start3A_340 = tpu.memref_slice %arg8[%dma_start3A_339] : memref<16384xi32, #tpu.memory_space<vmem>> -> memref<512xi32, #tpu.memory_space<vmem>>
      %dma_start3A_341 = arith.constant 0 : i32
      %dma_start3A_342 = tpu.memref_slice %arg3[%add3A_56, %dma_start3A_341] : memref<1024x512xi32, #tpu.memory_space<hbm>> -> memref<1x512xi32, #tpu.memory_space<hbm>>
      %dma_start3A_343 = tpu.memref_squeeze %dma_start3A_342 : memref<1x512xi32, #tpu.memory_space<hbm>> -> memref<512xi32, #tpu.memory_space<hbm>>
      tpu.enqueue_dma source(%dma_start3A_343 : memref<512xi32, #tpu.memory_space<hbm>>) target(%dma_start3A_340 : memref<512xi32, #tpu.memory_space<vmem>>) target_semaphore(%run_scoped3A : memref<!tpu.dma_semaphore, #tpu.memory_space<semaphore_mem>>)
      %dma_wait3A_344 = arith.constant 6144 : i32
      %dma_wait3A_345 = tpu.memref_slice %arg8[%dma_wait3A_344] : memref<16384xi32, #tpu.memory_space<vmem>> -> memref<512xi32, #tpu.memory_space<vmem>>
      %dma_wait3A_346 = arith.constant 0 : i32
      %dma_wait3A_347 = tpu.memref_slice %arg3[%add3A_56, %dma_wait3A_346] : memref<1024x512xi32, #tpu.memory_space<hbm>> -> memref<1x512xi32, #tpu.memory_space<hbm>>
      %dma_wait3A_348 = tpu.memref_squeeze %dma_wait3A_347 : memref<1x512xi32, #tpu.memory_space<hbm>> -> memref<512xi32, #tpu.memory_space<hbm>>
      %dma_wait3A_349 = arith.constant 6144 : i32
      %dma_wait3A_350 = tpu.memref_slice %arg8[%dma_wait3A_349] : memref<16384xi32, #tpu.memory_space<vmem>> -> memref<512xi32, #tpu.memory_space<vmem>>
      %dma_wait3A_351 = arith.constant 0 : i32
      %dma_wait3A_352 = tpu.memref_slice %arg3[%add3A_56, %dma_wait3A_351] : memref<1024x512xi32, #tpu.memory_space<hbm>> -> memref<1x512xi32, #tpu.memory_space<hbm>>
      %dma_wait3A_353 = tpu.memref_squeeze %dma_wait3A_352 : memref<1x512xi32, #tpu.memory_space<hbm>> -> memref<512xi32, #tpu.memory_space<hbm>>
      tpu.wait_dma2 semaphore(%run_scoped3A : memref<!tpu.dma_semaphore, #tpu.memory_space<semaphore_mem>>) src(%dma_wait3A_353 : memref<512xi32, #tpu.memory_space<hbm>>) dst(%dma_wait3A_350 : memref<512xi32, #tpu.memory_space<vmem>>)
      tpu.yield
    }) : () -> ()
    %add3A_57 = arith.constant 13 : i32
    %add3A_58 = arith.addi %mul3A_4, %add3A_57 : i32
    "tpu.region"() ({
      %run_scoped3A = tpu.sem_alloc : memref<!tpu.dma_semaphore, #tpu.memory_space<semaphore_mem>>
      %dma_start3A_334 = arith.constant 6656 : i32
      %dma_start3A_335 = tpu.memref_slice %arg7[%dma_start3A_334] : memref<16384xi32, #tpu.memory_space<vmem>> -> memref<512xi32, #tpu.memory_space<vmem>>
      %dma_start3A_336 = arith.constant 0 : i32
      %dma_start3A_337 = tpu.memref_slice %arg2[%add3A_58, %dma_start3A_336] : memref<1024x512xi32, #tpu.memory_space<hbm>> -> memref<1x512xi32, #tpu.memory_space<hbm>>
      %dma_start3A_338 = tpu.memref_squeeze %dma_start3A_337 : memref<1x512xi32, #tpu.memory_space<hbm>> -> memref<512xi32, #tpu.memory_space<hbm>>
      %dma_start3A_339 = arith.constant 6656 : i32
      %dma_start3A_340 = tpu.memref_slice %arg7[%dma_start3A_339] : memref<16384xi32, #tpu.memory_space<vmem>> -> memref<512xi32, #tpu.memory_space<vmem>>
      %dma_start3A_341 = arith.constant 0 : i32
      %dma_start3A_342 = tpu.memref_slice %arg2[%add3A_58, %dma_start3A_341] : memref<1024x512xi32, #tpu.memory_space<hbm>> -> memref<1x512xi32, #tpu.memory_space<hbm>>
      %dma_start3A_343 = tpu.memref_squeeze %dma_start3A_342 : memref<1x512xi32, #tpu.memory_space<hbm>> -> memref<512xi32, #tpu.memory_space<hbm>>
      tpu.enqueue_dma source(%dma_start3A_343 : memref<512xi32, #tpu.memory_space<hbm>>) target(%dma_start3A_340 : memref<512xi32, #tpu.memory_space<vmem>>) target_semaphore(%run_scoped3A : memref<!tpu.dma_semaphore, #tpu.memory_space<semaphore_mem>>)
      %dma_wait3A_344 = arith.constant 6656 : i32
      %dma_wait3A_345 = tpu.memref_slice %arg7[%dma_wait3A_344] : memref<16384xi32, #tpu.memory_space<vmem>> -> memref<512xi32, #tpu.memory_space<vmem>>
      %dma_wait3A_346 = arith.constant 0 : i32
      %dma_wait3A_347 = tpu.memref_slice %arg2[%add3A_58, %dma_wait3A_346] : memref<1024x512xi32, #tpu.memory_space<hbm>> -> memref<1x512xi32, #tpu.memory_space<hbm>>
      %dma_wait3A_348 = tpu.memref_squeeze %dma_wait3A_347 : memref<1x512xi32, #tpu.memory_space<hbm>> -> memref<512xi32, #tpu.memory_space<hbm>>
      %dma_wait3A_349 = arith.constant 6656 : i32
      %dma_wait3A_350 = tpu.memref_slice %arg7[%dma_wait3A_349] : memref<16384xi32, #tpu.memory_space<vmem>> -> memref<512xi32, #tpu.memory_space<vmem>>
      %dma_wait3A_351 = arith.constant 0 : i32
      %dma_wait3A_352 = tpu.memref_slice %arg2[%add3A_58, %dma_wait3A_351] : memref<1024x512xi32, #tpu.memory_space<hbm>> -> memref<1x512xi32, #tpu.memory_space<hbm>>
      %dma_wait3A_353 = tpu.memref_squeeze %dma_wait3A_352 : memref<1x512xi32, #tpu.memory_space<hbm>> -> memref<512xi32, #tpu.memory_space<hbm>>
      tpu.wait_dma2 semaphore(%run_scoped3A : memref<!tpu.dma_semaphore, #tpu.memory_space<semaphore_mem>>) src(%dma_wait3A_353 : memref<512xi32, #tpu.memory_space<hbm>>) dst(%dma_wait3A_350 : memref<512xi32, #tpu.memory_space<vmem>>)
      tpu.yield
    }) : () -> ()
    %add3A_59 = arith.constant 13 : i32
    %add3A_60 = arith.addi %mul3A_4, %add3A_59 : i32
    "tpu.region"() ({
      %run_scoped3A = tpu.sem_alloc : memref<!tpu.dma_semaphore, #tpu.memory_space<semaphore_mem>>
      %dma_start3A_334 = arith.constant 6656 : i32
      %dma_start3A_335 = tpu.memref_slice %arg8[%dma_start3A_334] : memref<16384xi32, #tpu.memory_space<vmem>> -> memref<512xi32, #tpu.memory_space<vmem>>
      %dma_start3A_336 = arith.constant 0 : i32
      %dma_start3A_337 = tpu.memref_slice %arg3[%add3A_60, %dma_start3A_336] : memref<1024x512xi32, #tpu.memory_space<hbm>> -> memref<1x512xi32, #tpu.memory_space<hbm>>
      %dma_start3A_338 = tpu.memref_squeeze %dma_start3A_337 : memref<1x512xi32, #tpu.memory_space<hbm>> -> memref<512xi32, #tpu.memory_space<hbm>>
      %dma_start3A_339 = arith.constant 6656 : i32
      %dma_start3A_340 = tpu.memref_slice %arg8[%dma_start3A_339] : memref<16384xi32, #tpu.memory_space<vmem>> -> memref<512xi32, #tpu.memory_space<vmem>>
      %dma_start3A_341 = arith.constant 0 : i32
      %dma_start3A_342 = tpu.memref_slice %arg3[%add3A_60, %dma_start3A_341] : memref<1024x512xi32, #tpu.memory_space<hbm>> -> memref<1x512xi32, #tpu.memory_space<hbm>>
      %dma_start3A_343 = tpu.memref_squeeze %dma_start3A_342 : memref<1x512xi32, #tpu.memory_space<hbm>> -> memref<512xi32, #tpu.memory_space<hbm>>
      tpu.enqueue_dma source(%dma_start3A_343 : memref<512xi32, #tpu.memory_space<hbm>>) target(%dma_start3A_340 : memref<512xi32, #tpu.memory_space<vmem>>) target_semaphore(%run_scoped3A : memref<!tpu.dma_semaphore, #tpu.memory_space<semaphore_mem>>)
      %dma_wait3A_344 = arith.constant 6656 : i32
      %dma_wait3A_345 = tpu.memref_slice %arg8[%dma_wait3A_344] : memref<16384xi32, #tpu.memory_space<vmem>> -> memref<512xi32, #tpu.memory_space<vmem>>
      %dma_wait3A_346 = arith.constant 0 : i32
      %dma_wait3A_347 = tpu.memref_slice %arg3[%add3A_60, %dma_wait3A_346] : memref<1024x512xi32, #tpu.memory_space<hbm>> -> memref<1x512xi32, #tpu.memory_space<hbm>>
      %dma_wait3A_348 = tpu.memref_squeeze %dma_wait3A_347 : memref<1x512xi32, #tpu.memory_space<hbm>> -> memref<512xi32, #tpu.memory_space<hbm>>
      %dma_wait3A_349 = arith.constant 6656 : i32
      %dma_wait3A_350 = tpu.memref_slice %arg8[%dma_wait3A_349] : memref<16384xi32, #tpu.memory_space<vmem>> -> memref<512xi32, #tpu.memory_space<vmem>>
      %dma_wait3A_351 = arith.constant 0 : i32
      %dma_wait3A_352 = tpu.memref_slice %arg3[%add3A_60, %dma_wait3A_351] : memref<1024x512xi32, #tpu.memory_space<hbm>> -> memref<1x512xi32, #tpu.memory_space<hbm>>
      %dma_wait3A_353 = tpu.memref_squeeze %dma_wait3A_352 : memref<1x512xi32, #tpu.memory_space<hbm>> -> memref<512xi32, #tpu.memory_space<hbm>>
      tpu.wait_dma2 semaphore(%run_scoped3A : memref<!tpu.dma_semaphore, #tpu.memory_space<semaphore_mem>>) src(%dma_wait3A_353 : memref<512xi32, #tpu.memory_space<hbm>>) dst(%dma_wait3A_350 : memref<512xi32, #tpu.memory_space<vmem>>)
      tpu.yield
    }) : () -> ()
    %add3A_61 = arith.constant 14 : i32
    %add3A_62 = arith.addi %mul3A_4, %add3A_61 : i32
    "tpu.region"() ({
      %run_scoped3A = tpu.sem_alloc : memref<!tpu.dma_semaphore, #tpu.memory_space<semaphore_mem>>
      %dma_start3A_334 = arith.constant 7168 : i32
      %dma_start3A_335 = tpu.memref_slice %arg7[%dma_start3A_334] : memref<16384xi32, #tpu.memory_space<vmem>> -> memref<512xi32, #tpu.memory_space<vmem>>
      %dma_start3A_336 = arith.constant 0 : i32
      %dma_start3A_337 = tpu.memref_slice %arg2[%add3A_62, %dma_start3A_336] : memref<1024x512xi32, #tpu.memory_space<hbm>> -> memref<1x512xi32, #tpu.memory_space<hbm>>
      %dma_start3A_338 = tpu.memref_squeeze %dma_start3A_337 : memref<1x512xi32, #tpu.memory_space<hbm>> -> memref<512xi32, #tpu.memory_space<hbm>>
      %dma_start3A_339 = arith.constant 7168 : i32
      %dma_start3A_340 = tpu.memref_slice %arg7[%dma_start3A_339] : memref<16384xi32, #tpu.memory_space<vmem>> -> memref<512xi32, #tpu.memory_space<vmem>>
      %dma_start3A_341 = arith.constant 0 : i32
      %dma_start3A_342 = tpu.memref_slice %arg2[%add3A_62, %dma_start3A_341] : memref<1024x512xi32, #tpu.memory_space<hbm>> -> memref<1x512xi32, #tpu.memory_space<hbm>>
      %dma_start3A_343 = tpu.memref_squeeze %dma_start3A_342 : memref<1x512xi32, #tpu.memory_space<hbm>> -> memref<512xi32, #tpu.memory_space<hbm>>
      tpu.enqueue_dma source(%dma_start3A_343 : memref<512xi32, #tpu.memory_space<hbm>>) target(%dma_start3A_340 : memref<512xi32, #tpu.memory_space<vmem>>) target_semaphore(%run_scoped3A : memref<!tpu.dma_semaphore, #tpu.memory_space<semaphore_mem>>)
      %dma_wait3A_344 = arith.constant 7168 : i32
      %dma_wait3A_345 = tpu.memref_slice %arg7[%dma_wait3A_344] : memref<16384xi32, #tpu.memory_space<vmem>> -> memref<512xi32, #tpu.memory_space<vmem>>
      %dma_wait3A_346 = arith.constant 0 : i32
      %dma_wait3A_347 = tpu.memref_slice %arg2[%add3A_62, %dma_wait3A_346] : memref<1024x512xi32, #tpu.memory_space<hbm>> -> memref<1x512xi32, #tpu.memory_space<hbm>>
      %dma_wait3A_348 = tpu.memref_squeeze %dma_wait3A_347 : memref<1x512xi32, #tpu.memory_space<hbm>> -> memref<512xi32, #tpu.memory_space<hbm>>
      %dma_wait3A_349 = arith.constant 7168 : i32
      %dma_wait3A_350 = tpu.memref_slice %arg7[%dma_wait3A_349] : memref<16384xi32, #tpu.memory_space<vmem>> -> memref<512xi32, #tpu.memory_space<vmem>>
      %dma_wait3A_351 = arith.constant 0 : i32
      %dma_wait3A_352 = tpu.memref_slice %arg2[%add3A_62, %dma_wait3A_351] : memref<1024x512xi32, #tpu.memory_space<hbm>> -> memref<1x512xi32, #tpu.memory_space<hbm>>
      %dma_wait3A_353 = tpu.memref_squeeze %dma_wait3A_352 : memref<1x512xi32, #tpu.memory_space<hbm>> -> memref<512xi32, #tpu.memory_space<hbm>>
      tpu.wait_dma2 semaphore(%run_scoped3A : memref<!tpu.dma_semaphore, #tpu.memory_space<semaphore_mem>>) src(%dma_wait3A_353 : memref<512xi32, #tpu.memory_space<hbm>>) dst(%dma_wait3A_350 : memref<512xi32, #tpu.memory_space<vmem>>)
      tpu.yield
    }) : () -> ()
    %add3A_63 = arith.constant 14 : i32
    %add3A_64 = arith.addi %mul3A_4, %add3A_63 : i32
    "tpu.region"() ({
      %run_scoped3A = tpu.sem_alloc : memref<!tpu.dma_semaphore, #tpu.memory_space<semaphore_mem>>
      %dma_start3A_334 = arith.constant 7168 : i32
      %dma_start3A_335 = tpu.memref_slice %arg8[%dma_start3A_334] : memref<16384xi32, #tpu.memory_space<vmem>> -> memref<512xi32, #tpu.memory_space<vmem>>
      %dma_start3A_336 = arith.constant 0 : i32
      %dma_start3A_337 = tpu.memref_slice %arg3[%add3A_64, %dma_start3A_336] : memref<1024x512xi32, #tpu.memory_space<hbm>> -> memref<1x512xi32, #tpu.memory_space<hbm>>
      %dma_start3A_338 = tpu.memref_squeeze %dma_start3A_337 : memref<1x512xi32, #tpu.memory_space<hbm>> -> memref<512xi32, #tpu.memory_space<hbm>>
      %dma_start3A_339 = arith.constant 7168 : i32
      %dma_start3A_340 = tpu.memref_slice %arg8[%dma_start3A_339] : memref<16384xi32, #tpu.memory_space<vmem>> -> memref<512xi32, #tpu.memory_space<vmem>>
      %dma_start3A_341 = arith.constant 0 : i32
      %dma_start3A_342 = tpu.memref_slice %arg3[%add3A_64, %dma_start3A_341] : memref<1024x512xi32, #tpu.memory_space<hbm>> -> memref<1x512xi32, #tpu.memory_space<hbm>>
      %dma_start3A_343 = tpu.memref_squeeze %dma_start3A_342 : memref<1x512xi32, #tpu.memory_space<hbm>> -> memref<512xi32, #tpu.memory_space<hbm>>
      tpu.enqueue_dma source(%dma_start3A_343 : memref<512xi32, #tpu.memory_space<hbm>>) target(%dma_start3A_340 : memref<512xi32, #tpu.memory_space<vmem>>) target_semaphore(%run_scoped3A : memref<!tpu.dma_semaphore, #tpu.memory_space<semaphore_mem>>)
      %dma_wait3A_344 = arith.constant 7168 : i32
      %dma_wait3A_345 = tpu.memref_slice %arg8[%dma_wait3A_344] : memref<16384xi32, #tpu.memory_space<vmem>> -> memref<512xi32, #tpu.memory_space<vmem>>
      %dma_wait3A_346 = arith.constant 0 : i32
      %dma_wait3A_347 = tpu.memref_slice %arg3[%add3A_64, %dma_wait3A_346] : memref<1024x512xi32, #tpu.memory_space<hbm>> -> memref<1x512xi32, #tpu.memory_space<hbm>>
      %dma_wait3A_348 = tpu.memref_squeeze %dma_wait3A_347 : memref<1x512xi32, #tpu.memory_space<hbm>> -> memref<512xi32, #tpu.memory_space<hbm>>
      %dma_wait3A_349 = arith.constant 7168 : i32
      %dma_wait3A_350 = tpu.memref_slice %arg8[%dma_wait3A_349] : memref<16384xi32, #tpu.memory_space<vmem>> -> memref<512xi32, #tpu.memory_space<vmem>>
      %dma_wait3A_351 = arith.constant 0 : i32
      %dma_wait3A_352 = tpu.memref_slice %arg3[%add3A_64, %dma_wait3A_351] : memref<1024x512xi32, #tpu.memory_space<hbm>> -> memref<1x512xi32, #tpu.memory_space<hbm>>
      %dma_wait3A_353 = tpu.memref_squeeze %dma_wait3A_352 : memref<1x512xi32, #tpu.memory_space<hbm>> -> memref<512xi32, #tpu.memory_space<hbm>>
      tpu.wait_dma2 semaphore(%run_scoped3A : memref<!tpu.dma_semaphore, #tpu.memory_space<semaphore_mem>>) src(%dma_wait3A_353 : memref<512xi32, #tpu.memory_space<hbm>>) dst(%dma_wait3A_350 : memref<512xi32, #tpu.memory_space<vmem>>)
      tpu.yield
    }) : () -> ()
    %add3A_65 = arith.constant 15 : i32
    %add3A_66 = arith.addi %mul3A_4, %add3A_65 : i32
    "tpu.region"() ({
      %run_scoped3A = tpu.sem_alloc : memref<!tpu.dma_semaphore, #tpu.memory_space<semaphore_mem>>
      %dma_start3A_334 = arith.constant 7680 : i32
      %dma_start3A_335 = tpu.memref_slice %arg7[%dma_start3A_334] : memref<16384xi32, #tpu.memory_space<vmem>> -> memref<512xi32, #tpu.memory_space<vmem>>
      %dma_start3A_336 = arith.constant 0 : i32
      %dma_start3A_337 = tpu.memref_slice %arg2[%add3A_66, %dma_start3A_336] : memref<1024x512xi32, #tpu.memory_space<hbm>> -> memref<1x512xi32, #tpu.memory_space<hbm>>
      %dma_start3A_338 = tpu.memref_squeeze %dma_start3A_337 : memref<1x512xi32, #tpu.memory_space<hbm>> -> memref<512xi32, #tpu.memory_space<hbm>>
      %dma_start3A_339 = arith.constant 7680 : i32
      %dma_start3A_340 = tpu.memref_slice %arg7[%dma_start3A_339] : memref<16384xi32, #tpu.memory_space<vmem>> -> memref<512xi32, #tpu.memory_space<vmem>>
      %dma_start3A_341 = arith.constant 0 : i32
      %dma_start3A_342 = tpu.memref_slice %arg2[%add3A_66, %dma_start3A_341] : memref<1024x512xi32, #tpu.memory_space<hbm>> -> memref<1x512xi32, #tpu.memory_space<hbm>>
      %dma_start3A_343 = tpu.memref_squeeze %dma_start3A_342 : memref<1x512xi32, #tpu.memory_space<hbm>> -> memref<512xi32, #tpu.memory_space<hbm>>
      tpu.enqueue_dma source(%dma_start3A_343 : memref<512xi32, #tpu.memory_space<hbm>>) target(%dma_start3A_340 : memref<512xi32, #tpu.memory_space<vmem>>) target_semaphore(%run_scoped3A : memref<!tpu.dma_semaphore, #tpu.memory_space<semaphore_mem>>)
      %dma_wait3A_344 = arith.constant 7680 : i32
      %dma_wait3A_345 = tpu.memref_slice %arg7[%dma_wait3A_344] : memref<16384xi32, #tpu.memory_space<vmem>> -> memref<512xi32, #tpu.memory_space<vmem>>
      %dma_wait3A_346 = arith.constant 0 : i32
      %dma_wait3A_347 = tpu.memref_slice %arg2[%add3A_66, %dma_wait3A_346] : memref<1024x512xi32, #tpu.memory_space<hbm>> -> memref<1x512xi32, #tpu.memory_space<hbm>>
      %dma_wait3A_348 = tpu.memref_squeeze %dma_wait3A_347 : memref<1x512xi32, #tpu.memory_space<hbm>> -> memref<512xi32, #tpu.memory_space<hbm>>
      %dma_wait3A_349 = arith.constant 7680 : i32
      %dma_wait3A_350 = tpu.memref_slice %arg7[%dma_wait3A_349] : memref<16384xi32, #tpu.memory_space<vmem>> -> memref<512xi32, #tpu.memory_space<vmem>>
      %dma_wait3A_351 = arith.constant 0 : i32
      %dma_wait3A_352 = tpu.memref_slice %arg2[%add3A_66, %dma_wait3A_351] : memref<1024x512xi32, #tpu.memory_space<hbm>> -> memref<1x512xi32, #tpu.memory_space<hbm>>
      %dma_wait3A_353 = tpu.memref_squeeze %dma_wait3A_352 : memref<1x512xi32, #tpu.memory_space<hbm>> -> memref<512xi32, #tpu.memory_space<hbm>>
      tpu.wait_dma2 semaphore(%run_scoped3A : memref<!tpu.dma_semaphore, #tpu.memory_space<semaphore_mem>>) src(%dma_wait3A_353 : memref<512xi32, #tpu.memory_space<hbm>>) dst(%dma_wait3A_350 : memref<512xi32, #tpu.memory_space<vmem>>)
      tpu.yield
    }) : () -> ()
    %add3A_67 = arith.constant 15 : i32
    %add3A_68 = arith.addi %mul3A_4, %add3A_67 : i32
    "tpu.region"() ({
      %run_scoped3A = tpu.sem_alloc : memref<!tpu.dma_semaphore, #tpu.memory_space<semaphore_mem>>
      %dma_start3A_334 = arith.constant 7680 : i32
      %dma_start3A_335 = tpu.memref_slice %arg8[%dma_start3A_334] : memref<16384xi32, #tpu.memory_space<vmem>> -> memref<512xi32, #tpu.memory_space<vmem>>
      %dma_start3A_336 = arith.constant 0 : i32
      %dma_start3A_337 = tpu.memref_slice %arg3[%add3A_68, %dma_start3A_336] : memref<1024x512xi32, #tpu.memory_space<hbm>> -> memref<1x512xi32, #tpu.memory_space<hbm>>
      %dma_start3A_338 = tpu.memref_squeeze %dma_start3A_337 : memref<1x512xi32, #tpu.memory_space<hbm>> -> memref<512xi32, #tpu.memory_space<hbm>>
      %dma_start3A_339 = arith.constant 7680 : i32
      %dma_start3A_340 = tpu.memref_slice %arg8[%dma_start3A_339] : memref<16384xi32, #tpu.memory_space<vmem>> -> memref<512xi32, #tpu.memory_space<vmem>>
      %dma_start3A_341 = arith.constant 0 : i32
      %dma_start3A_342 = tpu.memref_slice %arg3[%add3A_68, %dma_start3A_341] : memref<1024x512xi32, #tpu.memory_space<hbm>> -> memref<1x512xi32, #tpu.memory_space<hbm>>
      %dma_start3A_343 = tpu.memref_squeeze %dma_start3A_342 : memref<1x512xi32, #tpu.memory_space<hbm>> -> memref<512xi32, #tpu.memory_space<hbm>>
      tpu.enqueue_dma source(%dma_start3A_343 : memref<512xi32, #tpu.memory_space<hbm>>) target(%dma_start3A_340 : memref<512xi32, #tpu.memory_space<vmem>>) target_semaphore(%run_scoped3A : memref<!tpu.dma_semaphore, #tpu.memory_space<semaphore_mem>>)
      %dma_wait3A_344 = arith.constant 7680 : i32
      %dma_wait3A_345 = tpu.memref_slice %arg8[%dma_wait3A_344] : memref<16384xi32, #tpu.memory_space<vmem>> -> memref<512xi32, #tpu.memory_space<vmem>>
      %dma_wait3A_346 = arith.constant 0 : i32
      %dma_wait3A_347 = tpu.memref_slice %arg3[%add3A_68, %dma_wait3A_346] : memref<1024x512xi32, #tpu.memory_space<hbm>> -> memref<1x512xi32, #tpu.memory_space<hbm>>
      %dma_wait3A_348 = tpu.memref_squeeze %dma_wait3A_347 : memref<1x512xi32, #tpu.memory_space<hbm>> -> memref<512xi32, #tpu.memory_space<hbm>>
      %dma_wait3A_349 = arith.constant 7680 : i32
      %dma_wait3A_350 = tpu.memref_slice %arg8[%dma_wait3A_349] : memref<16384xi32, #tpu.memory_space<vmem>> -> memref<512xi32, #tpu.memory_space<vmem>>
      %dma_wait3A_351 = arith.constant 0 : i32
      %dma_wait3A_352 = tpu.memref_slice %arg3[%add3A_68, %dma_wait3A_351] : memref<1024x512xi32, #tpu.memory_space<hbm>> -> memref<1x512xi32, #tpu.memory_space<hbm>>
      %dma_wait3A_353 = tpu.memref_squeeze %dma_wait3A_352 : memref<1x512xi32, #tpu.memory_space<hbm>> -> memref<512xi32, #tpu.memory_space<hbm>>
      tpu.wait_dma2 semaphore(%run_scoped3A : memref<!tpu.dma_semaphore, #tpu.memory_space<semaphore_mem>>) src(%dma_wait3A_353 : memref<512xi32, #tpu.memory_space<hbm>>) dst(%dma_wait3A_350 : memref<512xi32, #tpu.memory_space<vmem>>)
      tpu.yield
    }) : () -> ()
    %add3A_69 = arith.constant 16 : i32
    %add3A_70 = arith.addi %mul3A_4, %add3A_69 : i32
    "tpu.region"() ({
      %run_scoped3A = tpu.sem_alloc : memref<!tpu.dma_semaphore, #tpu.memory_space<semaphore_mem>>
      %dma_start3A_334 = arith.constant 8192 : i32
      %dma_start3A_335 = tpu.memref_slice %arg7[%dma_start3A_334] : memref<16384xi32, #tpu.memory_space<vmem>> -> memref<512xi32, #tpu.memory_space<vmem>>
      %dma_start3A_336 = arith.constant 0 : i32
      %dma_start3A_337 = tpu.memref_slice %arg2[%add3A_70, %dma_start3A_336] : memref<1024x512xi32, #tpu.memory_space<hbm>> -> memref<1x512xi32, #tpu.memory_space<hbm>>
      %dma_start3A_338 = tpu.memref_squeeze %dma_start3A_337 : memref<1x512xi32, #tpu.memory_space<hbm>> -> memref<512xi32, #tpu.memory_space<hbm>>
      %dma_start3A_339 = arith.constant 8192 : i32
      %dma_start3A_340 = tpu.memref_slice %arg7[%dma_start3A_339] : memref<16384xi32, #tpu.memory_space<vmem>> -> memref<512xi32, #tpu.memory_space<vmem>>
      %dma_start3A_341 = arith.constant 0 : i32
      %dma_start3A_342 = tpu.memref_slice %arg2[%add3A_70, %dma_start3A_341] : memref<1024x512xi32, #tpu.memory_space<hbm>> -> memref<1x512xi32, #tpu.memory_space<hbm>>
      %dma_start3A_343 = tpu.memref_squeeze %dma_start3A_342 : memref<1x512xi32, #tpu.memory_space<hbm>> -> memref<512xi32, #tpu.memory_space<hbm>>
      tpu.enqueue_dma source(%dma_start3A_343 : memref<512xi32, #tpu.memory_space<hbm>>) target(%dma_start3A_340 : memref<512xi32, #tpu.memory_space<vmem>>) target_semaphore(%run_scoped3A : memref<!tpu.dma_semaphore, #tpu.memory_space<semaphore_mem>>)
      %dma_wait3A_344 = arith.constant 8192 : i32
      %dma_wait3A_345 = tpu.memref_slice %arg7[%dma_wait3A_344] : memref<16384xi32, #tpu.memory_space<vmem>> -> memref<512xi32, #tpu.memory_space<vmem>>
      %dma_wait3A_346 = arith.constant 0 : i32
      %dma_wait3A_347 = tpu.memref_slice %arg2[%add3A_70, %dma_wait3A_346] : memref<1024x512xi32, #tpu.memory_space<hbm>> -> memref<1x512xi32, #tpu.memory_space<hbm>>
      %dma_wait3A_348 = tpu.memref_squeeze %dma_wait3A_347 : memref<1x512xi32, #tpu.memory_space<hbm>> -> memref<512xi32, #tpu.memory_space<hbm>>
      %dma_wait3A_349 = arith.constant 8192 : i32
      %dma_wait3A_350 = tpu.memref_slice %arg7[%dma_wait3A_349] : memref<16384xi32, #tpu.memory_space<vmem>> -> memref<512xi32, #tpu.memory_space<vmem>>
      %dma_wait3A_351 = arith.constant 0 : i32
      %dma_wait3A_352 = tpu.memref_slice %arg2[%add3A_70, %dma_wait3A_351] : memref<1024x512xi32, #tpu.memory_space<hbm>> -> memref<1x512xi32, #tpu.memory_space<hbm>>
      %dma_wait3A_353 = tpu.memref_squeeze %dma_wait3A_352 : memref<1x512xi32, #tpu.memory_space<hbm>> -> memref<512xi32, #tpu.memory_space<hbm>>
      tpu.wait_dma2 semaphore(%run_scoped3A : memref<!tpu.dma_semaphore, #tpu.memory_space<semaphore_mem>>) src(%dma_wait3A_353 : memref<512xi32, #tpu.memory_space<hbm>>) dst(%dma_wait3A_350 : memref<512xi32, #tpu.memory_space<vmem>>)
      tpu.yield
    }) : () -> ()
    %add3A_71 = arith.constant 16 : i32
    %add3A_72 = arith.addi %mul3A_4, %add3A_71 : i32
    "tpu.region"() ({
      %run_scoped3A = tpu.sem_alloc : memref<!tpu.dma_semaphore, #tpu.memory_space<semaphore_mem>>
      %dma_start3A_334 = arith.constant 8192 : i32
      %dma_start3A_335 = tpu.memref_slice %arg8[%dma_start3A_334] : memref<16384xi32, #tpu.memory_space<vmem>> -> memref<512xi32, #tpu.memory_space<vmem>>
      %dma_start3A_336 = arith.constant 0 : i32
      %dma_start3A_337 = tpu.memref_slice %arg3[%add3A_72, %dma_start3A_336] : memref<1024x512xi32, #tpu.memory_space<hbm>> -> memref<1x512xi32, #tpu.memory_space<hbm>>
      %dma_start3A_338 = tpu.memref_squeeze %dma_start3A_337 : memref<1x512xi32, #tpu.memory_space<hbm>> -> memref<512xi32, #tpu.memory_space<hbm>>
      %dma_start3A_339 = arith.constant 8192 : i32
      %dma_start3A_340 = tpu.memref_slice %arg8[%dma_start3A_339] : memref<16384xi32, #tpu.memory_space<vmem>> -> memref<512xi32, #tpu.memory_space<vmem>>
      %dma_start3A_341 = arith.constant 0 : i32
      %dma_start3A_342 = tpu.memref_slice %arg3[%add3A_72, %dma_start3A_341] : memref<1024x512xi32, #tpu.memory_space<hbm>> -> memref<1x512xi32, #tpu.memory_space<hbm>>
      %dma_start3A_343 = tpu.memref_squeeze %dma_start3A_342 : memref<1x512xi32, #tpu.memory_space<hbm>> -> memref<512xi32, #tpu.memory_space<hbm>>
      tpu.enqueue_dma source(%dma_start3A_343 : memref<512xi32, #tpu.memory_space<hbm>>) target(%dma_start3A_340 : memref<512xi32, #tpu.memory_space<vmem>>) target_semaphore(%run_scoped3A : memref<!tpu.dma_semaphore, #tpu.memory_space<semaphore_mem>>)
      %dma_wait3A_344 = arith.constant 8192 : i32
      %dma_wait3A_345 = tpu.memref_slice %arg8[%dma_wait3A_344] : memref<16384xi32, #tpu.memory_space<vmem>> -> memref<512xi32, #tpu.memory_space<vmem>>
      %dma_wait3A_346 = arith.constant 0 : i32
      %dma_wait3A_347 = tpu.memref_slice %arg3[%add3A_72, %dma_wait3A_346] : memref<1024x512xi32, #tpu.memory_space<hbm>> -> memref<1x512xi32, #tpu.memory_space<hbm>>
      %dma_wait3A_348 = tpu.memref_squeeze %dma_wait3A_347 : memref<1x512xi32, #tpu.memory_space<hbm>> -> memref<512xi32, #tpu.memory_space<hbm>>
      %dma_wait3A_349 = arith.constant 8192 : i32
      %dma_wait3A_350 = tpu.memref_slice %arg8[%dma_wait3A_349] : memref<16384xi32, #tpu.memory_space<vmem>> -> memref<512xi32, #tpu.memory_space<vmem>>
      %dma_wait3A_351 = arith.constant 0 : i32
      %dma_wait3A_352 = tpu.memref_slice %arg3[%add3A_72, %dma_wait3A_351] : memref<1024x512xi32, #tpu.memory_space<hbm>> -> memref<1x512xi32, #tpu.memory_space<hbm>>
      %dma_wait3A_353 = tpu.memref_squeeze %dma_wait3A_352 : memref<1x512xi32, #tpu.memory_space<hbm>> -> memref<512xi32, #tpu.memory_space<hbm>>
      tpu.wait_dma2 semaphore(%run_scoped3A : memref<!tpu.dma_semaphore, #tpu.memory_space<semaphore_mem>>) src(%dma_wait3A_353 : memref<512xi32, #tpu.memory_space<hbm>>) dst(%dma_wait3A_350 : memref<512xi32, #tpu.memory_space<vmem>>)
      tpu.yield
    }) : () -> ()
    %add3A_73 = arith.constant 17 : i32
    %add3A_74 = arith.addi %mul3A_4, %add3A_73 : i32
    "tpu.region"() ({
      %run_scoped3A = tpu.sem_alloc : memref<!tpu.dma_semaphore, #tpu.memory_space<semaphore_mem>>
      %dma_start3A_334 = arith.constant 8704 : i32
      %dma_start3A_335 = tpu.memref_slice %arg7[%dma_start3A_334] : memref<16384xi32, #tpu.memory_space<vmem>> -> memref<512xi32, #tpu.memory_space<vmem>>
      %dma_start3A_336 = arith.constant 0 : i32
      %dma_start3A_337 = tpu.memref_slice %arg2[%add3A_74, %dma_start3A_336] : memref<1024x512xi32, #tpu.memory_space<hbm>> -> memref<1x512xi32, #tpu.memory_space<hbm>>
      %dma_start3A_338 = tpu.memref_squeeze %dma_start3A_337 : memref<1x512xi32, #tpu.memory_space<hbm>> -> memref<512xi32, #tpu.memory_space<hbm>>
      %dma_start3A_339 = arith.constant 8704 : i32
      %dma_start3A_340 = tpu.memref_slice %arg7[%dma_start3A_339] : memref<16384xi32, #tpu.memory_space<vmem>> -> memref<512xi32, #tpu.memory_space<vmem>>
      %dma_start3A_341 = arith.constant 0 : i32
      %dma_start3A_342 = tpu.memref_slice %arg2[%add3A_74, %dma_start3A_341] : memref<1024x512xi32, #tpu.memory_space<hbm>> -> memref<1x512xi32, #tpu.memory_space<hbm>>
      %dma_start3A_343 = tpu.memref_squeeze %dma_start3A_342 : memref<1x512xi32, #tpu.memory_space<hbm>> -> memref<512xi32, #tpu.memory_space<hbm>>
      tpu.enqueue_dma source(%dma_start3A_343 : memref<512xi32, #tpu.memory_space<hbm>>) target(%dma_start3A_340 : memref<512xi32, #tpu.memory_space<vmem>>) target_semaphore(%run_scoped3A : memref<!tpu.dma_semaphore, #tpu.memory_space<semaphore_mem>>)
      %dma_wait3A_344 = arith.constant 8704 : i32
      %dma_wait3A_345 = tpu.memref_slice %arg7[%dma_wait3A_344] : memref<16384xi32, #tpu.memory_space<vmem>> -> memref<512xi32, #tpu.memory_space<vmem>>
      %dma_wait3A_346 = arith.constant 0 : i32
      %dma_wait3A_347 = tpu.memref_slice %arg2[%add3A_74, %dma_wait3A_346] : memref<1024x512xi32, #tpu.memory_space<hbm>> -> memref<1x512xi32, #tpu.memory_space<hbm>>
      %dma_wait3A_348 = tpu.memref_squeeze %dma_wait3A_347 : memref<1x512xi32, #tpu.memory_space<hbm>> -> memref<512xi32, #tpu.memory_space<hbm>>
      %dma_wait3A_349 = arith.constant 8704 : i32
      %dma_wait3A_350 = tpu.memref_slice %arg7[%dma_wait3A_349] : memref<16384xi32, #tpu.memory_space<vmem>> -> memref<512xi32, #tpu.memory_space<vmem>>
      %dma_wait3A_351 = arith.constant 0 : i32
      %dma_wait3A_352 = tpu.memref_slice %arg2[%add3A_74, %dma_wait3A_351] : memref<1024x512xi32, #tpu.memory_space<hbm>> -> memref<1x512xi32, #tpu.memory_space<hbm>>
      %dma_wait3A_353 = tpu.memref_squeeze %dma_wait3A_352 : memref<1x512xi32, #tpu.memory_space<hbm>> -> memref<512xi32, #tpu.memory_space<hbm>>
      tpu.wait_dma2 semaphore(%run_scoped3A : memref<!tpu.dma_semaphore, #tpu.memory_space<semaphore_mem>>) src(%dma_wait3A_353 : memref<512xi32, #tpu.memory_space<hbm>>) dst(%dma_wait3A_350 : memref<512xi32, #tpu.memory_space<vmem>>)
      tpu.yield
    }) : () -> ()
    %add3A_75 = arith.constant 17 : i32
    %add3A_76 = arith.addi %mul3A_4, %add3A_75 : i32
    "tpu.region"() ({
      %run_scoped3A = tpu.sem_alloc : memref<!tpu.dma_semaphore, #tpu.memory_space<semaphore_mem>>
      %dma_start3A_334 = arith.constant 8704 : i32
      %dma_start3A_335 = tpu.memref_slice %arg8[%dma_start3A_334] : memref<16384xi32, #tpu.memory_space<vmem>> -> memref<512xi32, #tpu.memory_space<vmem>>
      %dma_start3A_336 = arith.constant 0 : i32
      %dma_start3A_337 = tpu.memref_slice %arg3[%add3A_76, %dma_start3A_336] : memref<1024x512xi32, #tpu.memory_space<hbm>> -> memref<1x512xi32, #tpu.memory_space<hbm>>
      %dma_start3A_338 = tpu.memref_squeeze %dma_start3A_337 : memref<1x512xi32, #tpu.memory_space<hbm>> -> memref<512xi32, #tpu.memory_space<hbm>>
      %dma_start3A_339 = arith.constant 8704 : i32
      %dma_start3A_340 = tpu.memref_slice %arg8[%dma_start3A_339] : memref<16384xi32, #tpu.memory_space<vmem>> -> memref<512xi32, #tpu.memory_space<vmem>>
      %dma_start3A_341 = arith.constant 0 : i32
      %dma_start3A_342 = tpu.memref_slice %arg3[%add3A_76, %dma_start3A_341] : memref<1024x512xi32, #tpu.memory_space<hbm>> -> memref<1x512xi32, #tpu.memory_space<hbm>>
      %dma_start3A_343 = tpu.memref_squeeze %dma_start3A_342 : memref<1x512xi32, #tpu.memory_space<hbm>> -> memref<512xi32, #tpu.memory_space<hbm>>
      tpu.enqueue_dma source(%dma_start3A_343 : memref<512xi32, #tpu.memory_space<hbm>>) target(%dma_start3A_340 : memref<512xi32, #tpu.memory_space<vmem>>) target_semaphore(%run_scoped3A : memref<!tpu.dma_semaphore, #tpu.memory_space<semaphore_mem>>)
      %dma_wait3A_344 = arith.constant 8704 : i32
      %dma_wait3A_345 = tpu.memref_slice %arg8[%dma_wait3A_344] : memref<16384xi32, #tpu.memory_space<vmem>> -> memref<512xi32, #tpu.memory_space<vmem>>
      %dma_wait3A_346 = arith.constant 0 : i32
      %dma_wait3A_347 = tpu.memref_slice %arg3[%add3A_76, %dma_wait3A_346] : memref<1024x512xi32, #tpu.memory_space<hbm>> -> memref<1x512xi32, #tpu.memory_space<hbm>>
      %dma_wait3A_348 = tpu.memref_squeeze %dma_wait3A_347 : memref<1x512xi32, #tpu.memory_space<hbm>> -> memref<512xi32, #tpu.memory_space<hbm>>
      %dma_wait3A_349 = arith.constant 8704 : i32
      %dma_wait3A_350 = tpu.memref_slice %arg8[%dma_wait3A_349] : memref<16384xi32, #tpu.memory_space<vmem>> -> memref<512xi32, #tpu.memory_space<vmem>>
      %dma_wait3A_351 = arith.constant 0 : i32
      %dma_wait3A_352 = tpu.memref_slice %arg3[%add3A_76, %dma_wait3A_351] : memref<1024x512xi32, #tpu.memory_space<hbm>> -> memref<1x512xi32, #tpu.memory_space<hbm>>
      %dma_wait3A_353 = tpu.memref_squeeze %dma_wait3A_352 : memref<1x512xi32, #tpu.memory_space<hbm>> -> memref<512xi32, #tpu.memory_space<hbm>>
      tpu.wait_dma2 semaphore(%run_scoped3A : memref<!tpu.dma_semaphore, #tpu.memory_space<semaphore_mem>>) src(%dma_wait3A_353 : memref<512xi32, #tpu.memory_space<hbm>>) dst(%dma_wait3A_350 : memref<512xi32, #tpu.memory_space<vmem>>)
      tpu.yield
    }) : () -> ()
    %add3A_77 = arith.constant 18 : i32
    %add3A_78 = arith.addi %mul3A_4, %add3A_77 : i32
    "tpu.region"() ({
      %run_scoped3A = tpu.sem_alloc : memref<!tpu.dma_semaphore, #tpu.memory_space<semaphore_mem>>
      %dma_start3A_334 = arith.constant 9216 : i32
      %dma_start3A_335 = tpu.memref_slice %arg7[%dma_start3A_334] : memref<16384xi32, #tpu.memory_space<vmem>> -> memref<512xi32, #tpu.memory_space<vmem>>
      %dma_start3A_336 = arith.constant 0 : i32
      %dma_start3A_337 = tpu.memref_slice %arg2[%add3A_78, %dma_start3A_336] : memref<1024x512xi32, #tpu.memory_space<hbm>> -> memref<1x512xi32, #tpu.memory_space<hbm>>
      %dma_start3A_338 = tpu.memref_squeeze %dma_start3A_337 : memref<1x512xi32, #tpu.memory_space<hbm>> -> memref<512xi32, #tpu.memory_space<hbm>>
      %dma_start3A_339 = arith.constant 9216 : i32
      %dma_start3A_340 = tpu.memref_slice %arg7[%dma_start3A_339] : memref<16384xi32, #tpu.memory_space<vmem>> -> memref<512xi32, #tpu.memory_space<vmem>>
      %dma_start3A_341 = arith.constant 0 : i32
      %dma_start3A_342 = tpu.memref_slice %arg2[%add3A_78, %dma_start3A_341] : memref<1024x512xi32, #tpu.memory_space<hbm>> -> memref<1x512xi32, #tpu.memory_space<hbm>>
      %dma_start3A_343 = tpu.memref_squeeze %dma_start3A_342 : memref<1x512xi32, #tpu.memory_space<hbm>> -> memref<512xi32, #tpu.memory_space<hbm>>
      tpu.enqueue_dma source(%dma_start3A_343 : memref<512xi32, #tpu.memory_space<hbm>>) target(%dma_start3A_340 : memref<512xi32, #tpu.memory_space<vmem>>) target_semaphore(%run_scoped3A : memref<!tpu.dma_semaphore, #tpu.memory_space<semaphore_mem>>)
      %dma_wait3A_344 = arith.constant 9216 : i32
      %dma_wait3A_345 = tpu.memref_slice %arg7[%dma_wait3A_344] : memref<16384xi32, #tpu.memory_space<vmem>> -> memref<512xi32, #tpu.memory_space<vmem>>
      %dma_wait3A_346 = arith.constant 0 : i32
      %dma_wait3A_347 = tpu.memref_slice %arg2[%add3A_78, %dma_wait3A_346] : memref<1024x512xi32, #tpu.memory_space<hbm>> -> memref<1x512xi32, #tpu.memory_space<hbm>>
      %dma_wait3A_348 = tpu.memref_squeeze %dma_wait3A_347 : memref<1x512xi32, #tpu.memory_space<hbm>> -> memref<512xi32, #tpu.memory_space<hbm>>
      %dma_wait3A_349 = arith.constant 9216 : i32
      %dma_wait3A_350 = tpu.memref_slice %arg7[%dma_wait3A_349] : memref<16384xi32, #tpu.memory_space<vmem>> -> memref<512xi32, #tpu.memory_space<vmem>>
      %dma_wait3A_351 = arith.constant 0 : i32
      %dma_wait3A_352 = tpu.memref_slice %arg2[%add3A_78, %dma_wait3A_351] : memref<1024x512xi32, #tpu.memory_space<hbm>> -> memref<1x512xi32, #tpu.memory_space<hbm>>
      %dma_wait3A_353 = tpu.memref_squeeze %dma_wait3A_352 : memref<1x512xi32, #tpu.memory_space<hbm>> -> memref<512xi32, #tpu.memory_space<hbm>>
      tpu.wait_dma2 semaphore(%run_scoped3A : memref<!tpu.dma_semaphore, #tpu.memory_space<semaphore_mem>>) src(%dma_wait3A_353 : memref<512xi32, #tpu.memory_space<hbm>>) dst(%dma_wait3A_350 : memref<512xi32, #tpu.memory_space<vmem>>)
      tpu.yield
    }) : () -> ()
    %add3A_79 = arith.constant 18 : i32
    %add3A_80 = arith.addi %mul3A_4, %add3A_79 : i32
    "tpu.region"() ({
      %run_scoped3A = tpu.sem_alloc : memref<!tpu.dma_semaphore, #tpu.memory_space<semaphore_mem>>
      %dma_start3A_334 = arith.constant 9216 : i32
      %dma_start3A_335 = tpu.memref_slice %arg8[%dma_start3A_334] : memref<16384xi32, #tpu.memory_space<vmem>> -> memref<512xi32, #tpu.memory_space<vmem>>
      %dma_start3A_336 = arith.constant 0 : i32
      %dma_start3A_337 = tpu.memref_slice %arg3[%add3A_80, %dma_start3A_336] : memref<1024x512xi32, #tpu.memory_space<hbm>> -> memref<1x512xi32, #tpu.memory_space<hbm>>
      %dma_start3A_338 = tpu.memref_squeeze %dma_start3A_337 : memref<1x512xi32, #tpu.memory_space<hbm>> -> memref<512xi32, #tpu.memory_space<hbm>>
      %dma_start3A_339 = arith.constant 9216 : i32
      %dma_start3A_340 = tpu.memref_slice %arg8[%dma_start3A_339] : memref<16384xi32, #tpu.memory_space<vmem>> -> memref<512xi32, #tpu.memory_space<vmem>>
      %dma_start3A_341 = arith.constant 0 : i32
      %dma_start3A_342 = tpu.memref_slice %arg3[%add3A_80, %dma_start3A_341] : memref<1024x512xi32, #tpu.memory_space<hbm>> -> memref<1x512xi32, #tpu.memory_space<hbm>>
      %dma_start3A_343 = tpu.memref_squeeze %dma_start3A_342 : memref<1x512xi32, #tpu.memory_space<hbm>> -> memref<512xi32, #tpu.memory_space<hbm>>
      tpu.enqueue_dma source(%dma_start3A_343 : memref<512xi32, #tpu.memory_space<hbm>>) target(%dma_start3A_340 : memref<512xi32, #tpu.memory_space<vmem>>) target_semaphore(%run_scoped3A : memref<!tpu.dma_semaphore, #tpu.memory_space<semaphore_mem>>)
      %dma_wait3A_344 = arith.constant 9216 : i32
      %dma_wait3A_345 = tpu.memref_slice %arg8[%dma_wait3A_344] : memref<16384xi32, #tpu.memory_space<vmem>> -> memref<512xi32, #tpu.memory_space<vmem>>
      %dma_wait3A_346 = arith.constant 0 : i32
      %dma_wait3A_347 = tpu.memref_slice %arg3[%add3A_80, %dma_wait3A_346] : memref<1024x512xi32, #tpu.memory_space<hbm>> -> memref<1x512xi32, #tpu.memory_space<hbm>>
      %dma_wait3A_348 = tpu.memref_squeeze %dma_wait3A_347 : memref<1x512xi32, #tpu.memory_space<hbm>> -> memref<512xi32, #tpu.memory_space<hbm>>
      %dma_wait3A_349 = arith.constant 9216 : i32
      %dma_wait3A_350 = tpu.memref_slice %arg8[%dma_wait3A_349] : memref<16384xi32, #tpu.memory_space<vmem>> -> memref<512xi32, #tpu.memory_space<vmem>>
      %dma_wait3A_351 = arith.constant 0 : i32
      %dma_wait3A_352 = tpu.memref_slice %arg3[%add3A_80, %dma_wait3A_351] : memref<1024x512xi32, #tpu.memory_space<hbm>> -> memref<1x512xi32, #tpu.memory_space<hbm>>
      %dma_wait3A_353 = tpu.memref_squeeze %dma_wait3A_352 : memref<1x512xi32, #tpu.memory_space<hbm>> -> memref<512xi32, #tpu.memory_space<hbm>>
      tpu.wait_dma2 semaphore(%run_scoped3A : memref<!tpu.dma_semaphore, #tpu.memory_space<semaphore_mem>>) src(%dma_wait3A_353 : memref<512xi32, #tpu.memory_space<hbm>>) dst(%dma_wait3A_350 : memref<512xi32, #tpu.memory_space<vmem>>)
      tpu.yield
    }) : () -> ()
    %add3A_81 = arith.constant 19 : i32
    %add3A_82 = arith.addi %mul3A_4, %add3A_81 : i32
    "tpu.region"() ({
      %run_scoped3A = tpu.sem_alloc : memref<!tpu.dma_semaphore, #tpu.memory_space<semaphore_mem>>
      %dma_start3A_334 = arith.constant 9728 : i32
      %dma_start3A_335 = tpu.memref_slice %arg7[%dma_start3A_334] : memref<16384xi32, #tpu.memory_space<vmem>> -> memref<512xi32, #tpu.memory_space<vmem>>
      %dma_start3A_336 = arith.constant 0 : i32
      %dma_start3A_337 = tpu.memref_slice %arg2[%add3A_82, %dma_start3A_336] : memref<1024x512xi32, #tpu.memory_space<hbm>> -> memref<1x512xi32, #tpu.memory_space<hbm>>
      %dma_start3A_338 = tpu.memref_squeeze %dma_start3A_337 : memref<1x512xi32, #tpu.memory_space<hbm>> -> memref<512xi32, #tpu.memory_space<hbm>>
      %dma_start3A_339 = arith.constant 9728 : i32
      %dma_start3A_340 = tpu.memref_slice %arg7[%dma_start3A_339] : memref<16384xi32, #tpu.memory_space<vmem>> -> memref<512xi32, #tpu.memory_space<vmem>>
      %dma_start3A_341 = arith.constant 0 : i32
      %dma_start3A_342 = tpu.memref_slice %arg2[%add3A_82, %dma_start3A_341] : memref<1024x512xi32, #tpu.memory_space<hbm>> -> memref<1x512xi32, #tpu.memory_space<hbm>>
      %dma_start3A_343 = tpu.memref_squeeze %dma_start3A_342 : memref<1x512xi32, #tpu.memory_space<hbm>> -> memref<512xi32, #tpu.memory_space<hbm>>
      tpu.enqueue_dma source(%dma_start3A_343 : memref<512xi32, #tpu.memory_space<hbm>>) target(%dma_start3A_340 : memref<512xi32, #tpu.memory_space<vmem>>) target_semaphore(%run_scoped3A : memref<!tpu.dma_semaphore, #tpu.memory_space<semaphore_mem>>)
      %dma_wait3A_344 = arith.constant 9728 : i32
      %dma_wait3A_345 = tpu.memref_slice %arg7[%dma_wait3A_344] : memref<16384xi32, #tpu.memory_space<vmem>> -> memref<512xi32, #tpu.memory_space<vmem>>
      %dma_wait3A_346 = arith.constant 0 : i32
      %dma_wait3A_347 = tpu.memref_slice %arg2[%add3A_82, %dma_wait3A_346] : memref<1024x512xi32, #tpu.memory_space<hbm>> -> memref<1x512xi32, #tpu.memory_space<hbm>>
      %dma_wait3A_348 = tpu.memref_squeeze %dma_wait3A_347 : memref<1x512xi32, #tpu.memory_space<hbm>> -> memref<512xi32, #tpu.memory_space<hbm>>
      %dma_wait3A_349 = arith.constant 9728 : i32
      %dma_wait3A_350 = tpu.memref_slice %arg7[%dma_wait3A_349] : memref<16384xi32, #tpu.memory_space<vmem>> -> memref<512xi32, #tpu.memory_space<vmem>>
      %dma_wait3A_351 = arith.constant 0 : i32
      %dma_wait3A_352 = tpu.memref_slice %arg2[%add3A_82, %dma_wait3A_351] : memref<1024x512xi32, #tpu.memory_space<hbm>> -> memref<1x512xi32, #tpu.memory_space<hbm>>
      %dma_wait3A_353 = tpu.memref_squeeze %dma_wait3A_352 : memref<1x512xi32, #tpu.memory_space<hbm>> -> memref<512xi32, #tpu.memory_space<hbm>>
      tpu.wait_dma2 semaphore(%run_scoped3A : memref<!tpu.dma_semaphore, #tpu.memory_space<semaphore_mem>>) src(%dma_wait3A_353 : memref<512xi32, #tpu.memory_space<hbm>>) dst(%dma_wait3A_350 : memref<512xi32, #tpu.memory_space<vmem>>)
      tpu.yield
    }) : () -> ()
    %add3A_83 = arith.constant 19 : i32
    %add3A_84 = arith.addi %mul3A_4, %add3A_83 : i32
    "tpu.region"() ({
      %run_scoped3A = tpu.sem_alloc : memref<!tpu.dma_semaphore, #tpu.memory_space<semaphore_mem>>
      %dma_start3A_334 = arith.constant 9728 : i32
      %dma_start3A_335 = tpu.memref_slice %arg8[%dma_start3A_334] : memref<16384xi32, #tpu.memory_space<vmem>> -> memref<512xi32, #tpu.memory_space<vmem>>
      %dma_start3A_336 = arith.constant 0 : i32
      %dma_start3A_337 = tpu.memref_slice %arg3[%add3A_84, %dma_start3A_336] : memref<1024x512xi32, #tpu.memory_space<hbm>> -> memref<1x512xi32, #tpu.memory_space<hbm>>
      %dma_start3A_338 = tpu.memref_squeeze %dma_start3A_337 : memref<1x512xi32, #tpu.memory_space<hbm>> -> memref<512xi32, #tpu.memory_space<hbm>>
      %dma_start3A_339 = arith.constant 9728 : i32
      %dma_start3A_340 = tpu.memref_slice %arg8[%dma_start3A_339] : memref<16384xi32, #tpu.memory_space<vmem>> -> memref<512xi32, #tpu.memory_space<vmem>>
      %dma_start3A_341 = arith.constant 0 : i32
      %dma_start3A_342 = tpu.memref_slice %arg3[%add3A_84, %dma_start3A_341] : memref<1024x512xi32, #tpu.memory_space<hbm>> -> memref<1x512xi32, #tpu.memory_space<hbm>>
      %dma_start3A_343 = tpu.memref_squeeze %dma_start3A_342 : memref<1x512xi32, #tpu.memory_space<hbm>> -> memref<512xi32, #tpu.memory_space<hbm>>
      tpu.enqueue_dma source(%dma_start3A_343 : memref<512xi32, #tpu.memory_space<hbm>>) target(%dma_start3A_340 : memref<512xi32, #tpu.memory_space<vmem>>) target_semaphore(%run_scoped3A : memref<!tpu.dma_semaphore, #tpu.memory_space<semaphore_mem>>)
      %dma_wait3A_344 = arith.constant 9728 : i32
      %dma_wait3A_345 = tpu.memref_slice %arg8[%dma_wait3A_344] : memref<16384xi32, #tpu.memory_space<vmem>> -> memref<512xi32, #tpu.memory_space<vmem>>
      %dma_wait3A_346 = arith.constant 0 : i32
      %dma_wait3A_347 = tpu.memref_slice %arg3[%add3A_84, %dma_wait3A_346] : memref<1024x512xi32, #tpu.memory_space<hbm>> -> memref<1x512xi32, #tpu.memory_space<hbm>>
      %dma_wait3A_348 = tpu.memref_squeeze %dma_wait3A_347 : memref<1x512xi32, #tpu.memory_space<hbm>> -> memref<512xi32, #tpu.memory_space<hbm>>
      %dma_wait3A_349 = arith.constant 9728 : i32
      %dma_wait3A_350 = tpu.memref_slice %arg8[%dma_wait3A_349] : memref<16384xi32, #tpu.memory_space<vmem>> -> memref<512xi32, #tpu.memory_space<vmem>>
      %dma_wait3A_351 = arith.constant 0 : i32
      %dma_wait3A_352 = tpu.memref_slice %arg3[%add3A_84, %dma_wait3A_351] : memref<1024x512xi32, #tpu.memory_space<hbm>> -> memref<1x512xi32, #tpu.memory_space<hbm>>
      %dma_wait3A_353 = tpu.memref_squeeze %dma_wait3A_352 : memref<1x512xi32, #tpu.memory_space<hbm>> -> memref<512xi32, #tpu.memory_space<hbm>>
      tpu.wait_dma2 semaphore(%run_scoped3A : memref<!tpu.dma_semaphore, #tpu.memory_space<semaphore_mem>>) src(%dma_wait3A_353 : memref<512xi32, #tpu.memory_space<hbm>>) dst(%dma_wait3A_350 : memref<512xi32, #tpu.memory_space<vmem>>)
      tpu.yield
    }) : () -> ()
    %add3A_85 = arith.constant 20 : i32
    %add3A_86 = arith.addi %mul3A_4, %add3A_85 : i32
    "tpu.region"() ({
      %run_scoped3A = tpu.sem_alloc : memref<!tpu.dma_semaphore, #tpu.memory_space<semaphore_mem>>
      %dma_start3A_334 = arith.constant 10240 : i32
      %dma_start3A_335 = tpu.memref_slice %arg7[%dma_start3A_334] : memref<16384xi32, #tpu.memory_space<vmem>> -> memref<512xi32, #tpu.memory_space<vmem>>
      %dma_start3A_336 = arith.constant 0 : i32
      %dma_start3A_337 = tpu.memref_slice %arg2[%add3A_86, %dma_start3A_336] : memref<1024x512xi32, #tpu.memory_space<hbm>> -> memref<1x512xi32, #tpu.memory_space<hbm>>
      %dma_start3A_338 = tpu.memref_squeeze %dma_start3A_337 : memref<1x512xi32, #tpu.memory_space<hbm>> -> memref<512xi32, #tpu.memory_space<hbm>>
      %dma_start3A_339 = arith.constant 10240 : i32
      %dma_start3A_340 = tpu.memref_slice %arg7[%dma_start3A_339] : memref<16384xi32, #tpu.memory_space<vmem>> -> memref<512xi32, #tpu.memory_space<vmem>>
      %dma_start3A_341 = arith.constant 0 : i32
      %dma_start3A_342 = tpu.memref_slice %arg2[%add3A_86, %dma_start3A_341] : memref<1024x512xi32, #tpu.memory_space<hbm>> -> memref<1x512xi32, #tpu.memory_space<hbm>>
      %dma_start3A_343 = tpu.memref_squeeze %dma_start3A_342 : memref<1x512xi32, #tpu.memory_space<hbm>> -> memref<512xi32, #tpu.memory_space<hbm>>
      tpu.enqueue_dma source(%dma_start3A_343 : memref<512xi32, #tpu.memory_space<hbm>>) target(%dma_start3A_340 : memref<512xi32, #tpu.memory_space<vmem>>) target_semaphore(%run_scoped3A : memref<!tpu.dma_semaphore, #tpu.memory_space<semaphore_mem>>)
      %dma_wait3A_344 = arith.constant 10240 : i32
      %dma_wait3A_345 = tpu.memref_slice %arg7[%dma_wait3A_344] : memref<16384xi32, #tpu.memory_space<vmem>> -> memref<512xi32, #tpu.memory_space<vmem>>
      %dma_wait3A_346 = arith.constant 0 : i32
      %dma_wait3A_347 = tpu.memref_slice %arg2[%add3A_86, %dma_wait3A_346] : memref<1024x512xi32, #tpu.memory_space<hbm>> -> memref<1x512xi32, #tpu.memory_space<hbm>>
      %dma_wait3A_348 = tpu.memref_squeeze %dma_wait3A_347 : memref<1x512xi32, #tpu.memory_space<hbm>> -> memref<512xi32, #tpu.memory_space<hbm>>
      %dma_wait3A_349 = arith.constant 10240 : i32
      %dma_wait3A_350 = tpu.memref_slice %arg7[%dma_wait3A_349] : memref<16384xi32, #tpu.memory_space<vmem>> -> memref<512xi32, #tpu.memory_space<vmem>>
      %dma_wait3A_351 = arith.constant 0 : i32
      %dma_wait3A_352 = tpu.memref_slice %arg2[%add3A_86, %dma_wait3A_351] : memref<1024x512xi32, #tpu.memory_space<hbm>> -> memref<1x512xi32, #tpu.memory_space<hbm>>
      %dma_wait3A_353 = tpu.memref_squeeze %dma_wait3A_352 : memref<1x512xi32, #tpu.memory_space<hbm>> -> memref<512xi32, #tpu.memory_space<hbm>>
      tpu.wait_dma2 semaphore(%run_scoped3A : memref<!tpu.dma_semaphore, #tpu.memory_space<semaphore_mem>>) src(%dma_wait3A_353 : memref<512xi32, #tpu.memory_space<hbm>>) dst(%dma_wait3A_350 : memref<512xi32, #tpu.memory_space<vmem>>)
      tpu.yield
    }) : () -> ()
    %add3A_87 = arith.constant 20 : i32
    %add3A_88 = arith.addi %mul3A_4, %add3A_87 : i32
    "tpu.region"() ({
      %run_scoped3A = tpu.sem_alloc : memref<!tpu.dma_semaphore, #tpu.memory_space<semaphore_mem>>
      %dma_start3A_334 = arith.constant 10240 : i32
      %dma_start3A_335 = tpu.memref_slice %arg8[%dma_start3A_334] : memref<16384xi32, #tpu.memory_space<vmem>> -> memref<512xi32, #tpu.memory_space<vmem>>
      %dma_start3A_336 = arith.constant 0 : i32
      %dma_start3A_337 = tpu.memref_slice %arg3[%add3A_88, %dma_start3A_336] : memref<1024x512xi32, #tpu.memory_space<hbm>> -> memref<1x512xi32, #tpu.memory_space<hbm>>
      %dma_start3A_338 = tpu.memref_squeeze %dma_start3A_337 : memref<1x512xi32, #tpu.memory_space<hbm>> -> memref<512xi32, #tpu.memory_space<hbm>>
      %dma_start3A_339 = arith.constant 10240 : i32
      %dma_start3A_340 = tpu.memref_slice %arg8[%dma_start3A_339] : memref<16384xi32, #tpu.memory_space<vmem>> -> memref<512xi32, #tpu.memory_space<vmem>>
      %dma_start3A_341 = arith.constant 0 : i32
      %dma_start3A_342 = tpu.memref_slice %arg3[%add3A_88, %dma_start3A_341] : memref<1024x512xi32, #tpu.memory_space<hbm>> -> memref<1x512xi32, #tpu.memory_space<hbm>>
      %dma_start3A_343 = tpu.memref_squeeze %dma_start3A_342 : memref<1x512xi32, #tpu.memory_space<hbm>> -> memref<512xi32, #tpu.memory_space<hbm>>
      tpu.enqueue_dma source(%dma_start3A_343 : memref<512xi32, #tpu.memory_space<hbm>>) target(%dma_start3A_340 : memref<512xi32, #tpu.memory_space<vmem>>) target_semaphore(%run_scoped3A : memref<!tpu.dma_semaphore, #tpu.memory_space<semaphore_mem>>)
      %dma_wait3A_344 = arith.constant 10240 : i32
      %dma_wait3A_345 = tpu.memref_slice %arg8[%dma_wait3A_344] : memref<16384xi32, #tpu.memory_space<vmem>> -> memref<512xi32, #tpu.memory_space<vmem>>
      %dma_wait3A_346 = arith.constant 0 : i32
      %dma_wait3A_347 = tpu.memref_slice %arg3[%add3A_88, %dma_wait3A_346] : memref<1024x512xi32, #tpu.memory_space<hbm>> -> memref<1x512xi32, #tpu.memory_space<hbm>>
      %dma_wait3A_348 = tpu.memref_squeeze %dma_wait3A_347 : memref<1x512xi32, #tpu.memory_space<hbm>> -> memref<512xi32, #tpu.memory_space<hbm>>
      %dma_wait3A_349 = arith.constant 10240 : i32
      %dma_wait3A_350 = tpu.memref_slice %arg8[%dma_wait3A_349] : memref<16384xi32, #tpu.memory_space<vmem>> -> memref<512xi32, #tpu.memory_space<vmem>>
      %dma_wait3A_351 = arith.constant 0 : i32
      %dma_wait3A_352 = tpu.memref_slice %arg3[%add3A_88, %dma_wait3A_351] : memref<1024x512xi32, #tpu.memory_space<hbm>> -> memref<1x512xi32, #tpu.memory_space<hbm>>
      %dma_wait3A_353 = tpu.memref_squeeze %dma_wait3A_352 : memref<1x512xi32, #tpu.memory_space<hbm>> -> memref<512xi32, #tpu.memory_space<hbm>>
      tpu.wait_dma2 semaphore(%run_scoped3A : memref<!tpu.dma_semaphore, #tpu.memory_space<semaphore_mem>>) src(%dma_wait3A_353 : memref<512xi32, #tpu.memory_space<hbm>>) dst(%dma_wait3A_350 : memref<512xi32, #tpu.memory_space<vmem>>)
      tpu.yield
    }) : () -> ()
    %add3A_89 = arith.constant 21 : i32
    %add3A_90 = arith.addi %mul3A_4, %add3A_89 : i32
    "tpu.region"() ({
      %run_scoped3A = tpu.sem_alloc : memref<!tpu.dma_semaphore, #tpu.memory_space<semaphore_mem>>
      %dma_start3A_334 = arith.constant 10752 : i32
      %dma_start3A_335 = tpu.memref_slice %arg7[%dma_start3A_334] : memref<16384xi32, #tpu.memory_space<vmem>> -> memref<512xi32, #tpu.memory_space<vmem>>
      %dma_start3A_336 = arith.constant 0 : i32
      %dma_start3A_337 = tpu.memref_slice %arg2[%add3A_90, %dma_start3A_336] : memref<1024x512xi32, #tpu.memory_space<hbm>> -> memref<1x512xi32, #tpu.memory_space<hbm>>
      %dma_start3A_338 = tpu.memref_squeeze %dma_start3A_337 : memref<1x512xi32, #tpu.memory_space<hbm>> -> memref<512xi32, #tpu.memory_space<hbm>>
      %dma_start3A_339 = arith.constant 10752 : i32
      %dma_start3A_340 = tpu.memref_slice %arg7[%dma_start3A_339] : memref<16384xi32, #tpu.memory_space<vmem>> -> memref<512xi32, #tpu.memory_space<vmem>>
      %dma_start3A_341 = arith.constant 0 : i32
      %dma_start3A_342 = tpu.memref_slice %arg2[%add3A_90, %dma_start3A_341] : memref<1024x512xi32, #tpu.memory_space<hbm>> -> memref<1x512xi32, #tpu.memory_space<hbm>>
      %dma_start3A_343 = tpu.memref_squeeze %dma_start3A_342 : memref<1x512xi32, #tpu.memory_space<hbm>> -> memref<512xi32, #tpu.memory_space<hbm>>
      tpu.enqueue_dma source(%dma_start3A_343 : memref<512xi32, #tpu.memory_space<hbm>>) target(%dma_start3A_340 : memref<512xi32, #tpu.memory_space<vmem>>) target_semaphore(%run_scoped3A : memref<!tpu.dma_semaphore, #tpu.memory_space<semaphore_mem>>)
      %dma_wait3A_344 = arith.constant 10752 : i32
      %dma_wait3A_345 = tpu.memref_slice %arg7[%dma_wait3A_344] : memref<16384xi32, #tpu.memory_space<vmem>> -> memref<512xi32, #tpu.memory_space<vmem>>
      %dma_wait3A_346 = arith.constant 0 : i32
      %dma_wait3A_347 = tpu.memref_slice %arg2[%add3A_90, %dma_wait3A_346] : memref<1024x512xi32, #tpu.memory_space<hbm>> -> memref<1x512xi32, #tpu.memory_space<hbm>>
      %dma_wait3A_348 = tpu.memref_squeeze %dma_wait3A_347 : memref<1x512xi32, #tpu.memory_space<hbm>> -> memref<512xi32, #tpu.memory_space<hbm>>
      %dma_wait3A_349 = arith.constant 10752 : i32
      %dma_wait3A_350 = tpu.memref_slice %arg7[%dma_wait3A_349] : memref<16384xi32, #tpu.memory_space<vmem>> -> memref<512xi32, #tpu.memory_space<vmem>>
      %dma_wait3A_351 = arith.constant 0 : i32
      %dma_wait3A_352 = tpu.memref_slice %arg2[%add3A_90, %dma_wait3A_351] : memref<1024x512xi32, #tpu.memory_space<hbm>> -> memref<1x512xi32, #tpu.memory_space<hbm>>
      %dma_wait3A_353 = tpu.memref_squeeze %dma_wait3A_352 : memref<1x512xi32, #tpu.memory_space<hbm>> -> memref<512xi32, #tpu.memory_space<hbm>>
      tpu.wait_dma2 semaphore(%run_scoped3A : memref<!tpu.dma_semaphore, #tpu.memory_space<semaphore_mem>>) src(%dma_wait3A_353 : memref<512xi32, #tpu.memory_space<hbm>>) dst(%dma_wait3A_350 : memref<512xi32, #tpu.memory_space<vmem>>)
      tpu.yield
    }) : () -> ()
    %add3A_91 = arith.constant 21 : i32
    %add3A_92 = arith.addi %mul3A_4, %add3A_91 : i32
    "tpu.region"() ({
      %run_scoped3A = tpu.sem_alloc : memref<!tpu.dma_semaphore, #tpu.memory_space<semaphore_mem>>
      %dma_start3A_334 = arith.constant 10752 : i32
      %dma_start3A_335 = tpu.memref_slice %arg8[%dma_start3A_334] : memref<16384xi32, #tpu.memory_space<vmem>> -> memref<512xi32, #tpu.memory_space<vmem>>
      %dma_start3A_336 = arith.constant 0 : i32
      %dma_start3A_337 = tpu.memref_slice %arg3[%add3A_92, %dma_start3A_336] : memref<1024x512xi32, #tpu.memory_space<hbm>> -> memref<1x512xi32, #tpu.memory_space<hbm>>
      %dma_start3A_338 = tpu.memref_squeeze %dma_start3A_337 : memref<1x512xi32, #tpu.memory_space<hbm>> -> memref<512xi32, #tpu.memory_space<hbm>>
      %dma_start3A_339 = arith.constant 10752 : i32
      %dma_start3A_340 = tpu.memref_slice %arg8[%dma_start3A_339] : memref<16384xi32, #tpu.memory_space<vmem>> -> memref<512xi32, #tpu.memory_space<vmem>>
      %dma_start3A_341 = arith.constant 0 : i32
      %dma_start3A_342 = tpu.memref_slice %arg3[%add3A_92, %dma_start3A_341] : memref<1024x512xi32, #tpu.memory_space<hbm>> -> memref<1x512xi32, #tpu.memory_space<hbm>>
      %dma_start3A_343 = tpu.memref_squeeze %dma_start3A_342 : memref<1x512xi32, #tpu.memory_space<hbm>> -> memref<512xi32, #tpu.memory_space<hbm>>
      tpu.enqueue_dma source(%dma_start3A_343 : memref<512xi32, #tpu.memory_space<hbm>>) target(%dma_start3A_340 : memref<512xi32, #tpu.memory_space<vmem>>) target_semaphore(%run_scoped3A : memref<!tpu.dma_semaphore, #tpu.memory_space<semaphore_mem>>)
      %dma_wait3A_344 = arith.constant 10752 : i32
      %dma_wait3A_345 = tpu.memref_slice %arg8[%dma_wait3A_344] : memref<16384xi32, #tpu.memory_space<vmem>> -> memref<512xi32, #tpu.memory_space<vmem>>
      %dma_wait3A_346 = arith.constant 0 : i32
      %dma_wait3A_347 = tpu.memref_slice %arg3[%add3A_92, %dma_wait3A_346] : memref<1024x512xi32, #tpu.memory_space<hbm>> -> memref<1x512xi32, #tpu.memory_space<hbm>>
      %dma_wait3A_348 = tpu.memref_squeeze %dma_wait3A_347 : memref<1x512xi32, #tpu.memory_space<hbm>> -> memref<512xi32, #tpu.memory_space<hbm>>
      %dma_wait3A_349 = arith.constant 10752 : i32
      %dma_wait3A_350 = tpu.memref_slice %arg8[%dma_wait3A_349] : memref<16384xi32, #tpu.memory_space<vmem>> -> memref<512xi32, #tpu.memory_space<vmem>>
      %dma_wait3A_351 = arith.constant 0 : i32
      %dma_wait3A_352 = tpu.memref_slice %arg3[%add3A_92, %dma_wait3A_351] : memref<1024x512xi32, #tpu.memory_space<hbm>> -> memref<1x512xi32, #tpu.memory_space<hbm>>
      %dma_wait3A_353 = tpu.memref_squeeze %dma_wait3A_352 : memref<1x512xi32, #tpu.memory_space<hbm>> -> memref<512xi32, #tpu.memory_space<hbm>>
      tpu.wait_dma2 semaphore(%run_scoped3A : memref<!tpu.dma_semaphore, #tpu.memory_space<semaphore_mem>>) src(%dma_wait3A_353 : memref<512xi32, #tpu.memory_space<hbm>>) dst(%dma_wait3A_350 : memref<512xi32, #tpu.memory_space<vmem>>)
      tpu.yield
    }) : () -> ()
    %add3A_93 = arith.constant 22 : i32
    %add3A_94 = arith.addi %mul3A_4, %add3A_93 : i32
    "tpu.region"() ({
      %run_scoped3A = tpu.sem_alloc : memref<!tpu.dma_semaphore, #tpu.memory_space<semaphore_mem>>
      %dma_start3A_334 = arith.constant 11264 : i32
      %dma_start3A_335 = tpu.memref_slice %arg7[%dma_start3A_334] : memref<16384xi32, #tpu.memory_space<vmem>> -> memref<512xi32, #tpu.memory_space<vmem>>
      %dma_start3A_336 = arith.constant 0 : i32
      %dma_start3A_337 = tpu.memref_slice %arg2[%add3A_94, %dma_start3A_336] : memref<1024x512xi32, #tpu.memory_space<hbm>> -> memref<1x512xi32, #tpu.memory_space<hbm>>
      %dma_start3A_338 = tpu.memref_squeeze %dma_start3A_337 : memref<1x512xi32, #tpu.memory_space<hbm>> -> memref<512xi32, #tpu.memory_space<hbm>>
      %dma_start3A_339 = arith.constant 11264 : i32
      %dma_start3A_340 = tpu.memref_slice %arg7[%dma_start3A_339] : memref<16384xi32, #tpu.memory_space<vmem>> -> memref<512xi32, #tpu.memory_space<vmem>>
      %dma_start3A_341 = arith.constant 0 : i32
      %dma_start3A_342 = tpu.memref_slice %arg2[%add3A_94, %dma_start3A_341] : memref<1024x512xi32, #tpu.memory_space<hbm>> -> memref<1x512xi32, #tpu.memory_space<hbm>>
      %dma_start3A_343 = tpu.memref_squeeze %dma_start3A_342 : memref<1x512xi32, #tpu.memory_space<hbm>> -> memref<512xi32, #tpu.memory_space<hbm>>
      tpu.enqueue_dma source(%dma_start3A_343 : memref<512xi32, #tpu.memory_space<hbm>>) target(%dma_start3A_340 : memref<512xi32, #tpu.memory_space<vmem>>) target_semaphore(%run_scoped3A : memref<!tpu.dma_semaphore, #tpu.memory_space<semaphore_mem>>)
      %dma_wait3A_344 = arith.constant 11264 : i32
      %dma_wait3A_345 = tpu.memref_slice %arg7[%dma_wait3A_344] : memref<16384xi32, #tpu.memory_space<vmem>> -> memref<512xi32, #tpu.memory_space<vmem>>
      %dma_wait3A_346 = arith.constant 0 : i32
      %dma_wait3A_347 = tpu.memref_slice %arg2[%add3A_94, %dma_wait3A_346] : memref<1024x512xi32, #tpu.memory_space<hbm>> -> memref<1x512xi32, #tpu.memory_space<hbm>>
      %dma_wait3A_348 = tpu.memref_squeeze %dma_wait3A_347 : memref<1x512xi32, #tpu.memory_space<hbm>> -> memref<512xi32, #tpu.memory_space<hbm>>
      %dma_wait3A_349 = arith.constant 11264 : i32
      %dma_wait3A_350 = tpu.memref_slice %arg7[%dma_wait3A_349] : memref<16384xi32, #tpu.memory_space<vmem>> -> memref<512xi32, #tpu.memory_space<vmem>>
      %dma_wait3A_351 = arith.constant 0 : i32
      %dma_wait3A_352 = tpu.memref_slice %arg2[%add3A_94, %dma_wait3A_351] : memref<1024x512xi32, #tpu.memory_space<hbm>> -> memref<1x512xi32, #tpu.memory_space<hbm>>
      %dma_wait3A_353 = tpu.memref_squeeze %dma_wait3A_352 : memref<1x512xi32, #tpu.memory_space<hbm>> -> memref<512xi32, #tpu.memory_space<hbm>>
      tpu.wait_dma2 semaphore(%run_scoped3A : memref<!tpu.dma_semaphore, #tpu.memory_space<semaphore_mem>>) src(%dma_wait3A_353 : memref<512xi32, #tpu.memory_space<hbm>>) dst(%dma_wait3A_350 : memref<512xi32, #tpu.memory_space<vmem>>)
      tpu.yield
    }) : () -> ()
    %add3A_95 = arith.constant 22 : i32
    %add3A_96 = arith.addi %mul3A_4, %add3A_95 : i32
    "tpu.region"() ({
      %run_scoped3A = tpu.sem_alloc : memref<!tpu.dma_semaphore, #tpu.memory_space<semaphore_mem>>
      %dma_start3A_334 = arith.constant 11264 : i32
      %dma_start3A_335 = tpu.memref_slice %arg8[%dma_start3A_334] : memref<16384xi32, #tpu.memory_space<vmem>> -> memref<512xi32, #tpu.memory_space<vmem>>
      %dma_start3A_336 = arith.constant 0 : i32
      %dma_start3A_337 = tpu.memref_slice %arg3[%add3A_96, %dma_start3A_336] : memref<1024x512xi32, #tpu.memory_space<hbm>> -> memref<1x512xi32, #tpu.memory_space<hbm>>
      %dma_start3A_338 = tpu.memref_squeeze %dma_start3A_337 : memref<1x512xi32, #tpu.memory_space<hbm>> -> memref<512xi32, #tpu.memory_space<hbm>>
      %dma_start3A_339 = arith.constant 11264 : i32
      %dma_start3A_340 = tpu.memref_slice %arg8[%dma_start3A_339] : memref<16384xi32, #tpu.memory_space<vmem>> -> memref<512xi32, #tpu.memory_space<vmem>>
      %dma_start3A_341 = arith.constant 0 : i32
      %dma_start3A_342 = tpu.memref_slice %arg3[%add3A_96, %dma_start3A_341] : memref<1024x512xi32, #tpu.memory_space<hbm>> -> memref<1x512xi32, #tpu.memory_space<hbm>>
      %dma_start3A_343 = tpu.memref_squeeze %dma_start3A_342 : memref<1x512xi32, #tpu.memory_space<hbm>> -> memref<512xi32, #tpu.memory_space<hbm>>
      tpu.enqueue_dma source(%dma_start3A_343 : memref<512xi32, #tpu.memory_space<hbm>>) target(%dma_start3A_340 : memref<512xi32, #tpu.memory_space<vmem>>) target_semaphore(%run_scoped3A : memref<!tpu.dma_semaphore, #tpu.memory_space<semaphore_mem>>)
      %dma_wait3A_344 = arith.constant 11264 : i32
      %dma_wait3A_345 = tpu.memref_slice %arg8[%dma_wait3A_344] : memref<16384xi32, #tpu.memory_space<vmem>> -> memref<512xi32, #tpu.memory_space<vmem>>
      %dma_wait3A_346 = arith.constant 0 : i32
      %dma_wait3A_347 = tpu.memref_slice %arg3[%add3A_96, %dma_wait3A_346] : memref<1024x512xi32, #tpu.memory_space<hbm>> -> memref<1x512xi32, #tpu.memory_space<hbm>>
      %dma_wait3A_348 = tpu.memref_squeeze %dma_wait3A_347 : memref<1x512xi32, #tpu.memory_space<hbm>> -> memref<512xi32, #tpu.memory_space<hbm>>
      %dma_wait3A_349 = arith.constant 11264 : i32
      %dma_wait3A_350 = tpu.memref_slice %arg8[%dma_wait3A_349] : memref<16384xi32, #tpu.memory_space<vmem>> -> memref<512xi32, #tpu.memory_space<vmem>>
      %dma_wait3A_351 = arith.constant 0 : i32
      %dma_wait3A_352 = tpu.memref_slice %arg3[%add3A_96, %dma_wait3A_351] : memref<1024x512xi32, #tpu.memory_space<hbm>> -> memref<1x512xi32, #tpu.memory_space<hbm>>
      %dma_wait3A_353 = tpu.memref_squeeze %dma_wait3A_352 : memref<1x512xi32, #tpu.memory_space<hbm>> -> memref<512xi32, #tpu.memory_space<hbm>>
      tpu.wait_dma2 semaphore(%run_scoped3A : memref<!tpu.dma_semaphore, #tpu.memory_space<semaphore_mem>>) src(%dma_wait3A_353 : memref<512xi32, #tpu.memory_space<hbm>>) dst(%dma_wait3A_350 : memref<512xi32, #tpu.memory_space<vmem>>)
      tpu.yield
    }) : () -> ()
    %add3A_97 = arith.constant 23 : i32
    %add3A_98 = arith.addi %mul3A_4, %add3A_97 : i32
    "tpu.region"() ({
      %run_scoped3A = tpu.sem_alloc : memref<!tpu.dma_semaphore, #tpu.memory_space<semaphore_mem>>
      %dma_start3A_334 = arith.constant 11776 : i32
      %dma_start3A_335 = tpu.memref_slice %arg7[%dma_start3A_334] : memref<16384xi32, #tpu.memory_space<vmem>> -> memref<512xi32, #tpu.memory_space<vmem>>
      %dma_start3A_336 = arith.constant 0 : i32
      %dma_start3A_337 = tpu.memref_slice %arg2[%add3A_98, %dma_start3A_336] : memref<1024x512xi32, #tpu.memory_space<hbm>> -> memref<1x512xi32, #tpu.memory_space<hbm>>
      %dma_start3A_338 = tpu.memref_squeeze %dma_start3A_337 : memref<1x512xi32, #tpu.memory_space<hbm>> -> memref<512xi32, #tpu.memory_space<hbm>>
      %dma_start3A_339 = arith.constant 11776 : i32
      %dma_start3A_340 = tpu.memref_slice %arg7[%dma_start3A_339] : memref<16384xi32, #tpu.memory_space<vmem>> -> memref<512xi32, #tpu.memory_space<vmem>>
      %dma_start3A_341 = arith.constant 0 : i32
      %dma_start3A_342 = tpu.memref_slice %arg2[%add3A_98, %dma_start3A_341] : memref<1024x512xi32, #tpu.memory_space<hbm>> -> memref<1x512xi32, #tpu.memory_space<hbm>>
      %dma_start3A_343 = tpu.memref_squeeze %dma_start3A_342 : memref<1x512xi32, #tpu.memory_space<hbm>> -> memref<512xi32, #tpu.memory_space<hbm>>
      tpu.enqueue_dma source(%dma_start3A_343 : memref<512xi32, #tpu.memory_space<hbm>>) target(%dma_start3A_340 : memref<512xi32, #tpu.memory_space<vmem>>) target_semaphore(%run_scoped3A : memref<!tpu.dma_semaphore, #tpu.memory_space<semaphore_mem>>)
      %dma_wait3A_344 = arith.constant 11776 : i32
      %dma_wait3A_345 = tpu.memref_slice %arg7[%dma_wait3A_344] : memref<16384xi32, #tpu.memory_space<vmem>> -> memref<512xi32, #tpu.memory_space<vmem>>
      %dma_wait3A_346 = arith.constant 0 : i32
      %dma_wait3A_347 = tpu.memref_slice %arg2[%add3A_98, %dma_wait3A_346] : memref<1024x512xi32, #tpu.memory_space<hbm>> -> memref<1x512xi32, #tpu.memory_space<hbm>>
      %dma_wait3A_348 = tpu.memref_squeeze %dma_wait3A_347 : memref<1x512xi32, #tpu.memory_space<hbm>> -> memref<512xi32, #tpu.memory_space<hbm>>
      %dma_wait3A_349 = arith.constant 11776 : i32
      %dma_wait3A_350 = tpu.memref_slice %arg7[%dma_wait3A_349] : memref<16384xi32, #tpu.memory_space<vmem>> -> memref<512xi32, #tpu.memory_space<vmem>>
      %dma_wait3A_351 = arith.constant 0 : i32
      %dma_wait3A_352 = tpu.memref_slice %arg2[%add3A_98, %dma_wait3A_351] : memref<1024x512xi32, #tpu.memory_space<hbm>> -> memref<1x512xi32, #tpu.memory_space<hbm>>
      %dma_wait3A_353 = tpu.memref_squeeze %dma_wait3A_352 : memref<1x512xi32, #tpu.memory_space<hbm>> -> memref<512xi32, #tpu.memory_space<hbm>>
      tpu.wait_dma2 semaphore(%run_scoped3A : memref<!tpu.dma_semaphore, #tpu.memory_space<semaphore_mem>>) src(%dma_wait3A_353 : memref<512xi32, #tpu.memory_space<hbm>>) dst(%dma_wait3A_350 : memref<512xi32, #tpu.memory_space<vmem>>)
      tpu.yield
    }) : () -> ()
    %add3A_99 = arith.constant 23 : i32
    %add3A_100 = arith.addi %mul3A_4, %add3A_99 : i32
    "tpu.region"() ({
      %run_scoped3A = tpu.sem_alloc : memref<!tpu.dma_semaphore, #tpu.memory_space<semaphore_mem>>
      %dma_start3A_334 = arith.constant 11776 : i32
      %dma_start3A_335 = tpu.memref_slice %arg8[%dma_start3A_334] : memref<16384xi32, #tpu.memory_space<vmem>> -> memref<512xi32, #tpu.memory_space<vmem>>
      %dma_start3A_336 = arith.constant 0 : i32
      %dma_start3A_337 = tpu.memref_slice %arg3[%add3A_100, %dma_start3A_336] : memref<1024x512xi32, #tpu.memory_space<hbm>> -> memref<1x512xi32, #tpu.memory_space<hbm>>
      %dma_start3A_338 = tpu.memref_squeeze %dma_start3A_337 : memref<1x512xi32, #tpu.memory_space<hbm>> -> memref<512xi32, #tpu.memory_space<hbm>>
      %dma_start3A_339 = arith.constant 11776 : i32
      %dma_start3A_340 = tpu.memref_slice %arg8[%dma_start3A_339] : memref<16384xi32, #tpu.memory_space<vmem>> -> memref<512xi32, #tpu.memory_space<vmem>>
      %dma_start3A_341 = arith.constant 0 : i32
      %dma_start3A_342 = tpu.memref_slice %arg3[%add3A_100, %dma_start3A_341] : memref<1024x512xi32, #tpu.memory_space<hbm>> -> memref<1x512xi32, #tpu.memory_space<hbm>>
      %dma_start3A_343 = tpu.memref_squeeze %dma_start3A_342 : memref<1x512xi32, #tpu.memory_space<hbm>> -> memref<512xi32, #tpu.memory_space<hbm>>
      tpu.enqueue_dma source(%dma_start3A_343 : memref<512xi32, #tpu.memory_space<hbm>>) target(%dma_start3A_340 : memref<512xi32, #tpu.memory_space<vmem>>) target_semaphore(%run_scoped3A : memref<!tpu.dma_semaphore, #tpu.memory_space<semaphore_mem>>)
      %dma_wait3A_344 = arith.constant 11776 : i32
      %dma_wait3A_345 = tpu.memref_slice %arg8[%dma_wait3A_344] : memref<16384xi32, #tpu.memory_space<vmem>> -> memref<512xi32, #tpu.memory_space<vmem>>
      %dma_wait3A_346 = arith.constant 0 : i32
      %dma_wait3A_347 = tpu.memref_slice %arg3[%add3A_100, %dma_wait3A_346] : memref<1024x512xi32, #tpu.memory_space<hbm>> -> memref<1x512xi32, #tpu.memory_space<hbm>>
      %dma_wait3A_348 = tpu.memref_squeeze %dma_wait3A_347 : memref<1x512xi32, #tpu.memory_space<hbm>> -> memref<512xi32, #tpu.memory_space<hbm>>
      %dma_wait3A_349 = arith.constant 11776 : i32
      %dma_wait3A_350 = tpu.memref_slice %arg8[%dma_wait3A_349] : memref<16384xi32, #tpu.memory_space<vmem>> -> memref<512xi32, #tpu.memory_space<vmem>>
      %dma_wait3A_351 = arith.constant 0 : i32
      %dma_wait3A_352 = tpu.memref_slice %arg3[%add3A_100, %dma_wait3A_351] : memref<1024x512xi32, #tpu.memory_space<hbm>> -> memref<1x512xi32, #tpu.memory_space<hbm>>
      %dma_wait3A_353 = tpu.memref_squeeze %dma_wait3A_352 : memref<1x512xi32, #tpu.memory_space<hbm>> -> memref<512xi32, #tpu.memory_space<hbm>>
      tpu.wait_dma2 semaphore(%run_scoped3A : memref<!tpu.dma_semaphore, #tpu.memory_space<semaphore_mem>>) src(%dma_wait3A_353 : memref<512xi32, #tpu.memory_space<hbm>>) dst(%dma_wait3A_350 : memref<512xi32, #tpu.memory_space<vmem>>)
      tpu.yield
    }) : () -> ()
    %add3A_101 = arith.constant 24 : i32
    %add3A_102 = arith.addi %mul3A_4, %add3A_101 : i32
    "tpu.region"() ({
      %run_scoped3A = tpu.sem_alloc : memref<!tpu.dma_semaphore, #tpu.memory_space<semaphore_mem>>
      %dma_start3A_334 = arith.constant 12288 : i32
      %dma_start3A_335 = tpu.memref_slice %arg7[%dma_start3A_334] : memref<16384xi32, #tpu.memory_space<vmem>> -> memref<512xi32, #tpu.memory_space<vmem>>
      %dma_start3A_336 = arith.constant 0 : i32
      %dma_start3A_337 = tpu.memref_slice %arg2[%add3A_102, %dma_start3A_336] : memref<1024x512xi32, #tpu.memory_space<hbm>> -> memref<1x512xi32, #tpu.memory_space<hbm>>
      %dma_start3A_338 = tpu.memref_squeeze %dma_start3A_337 : memref<1x512xi32, #tpu.memory_space<hbm>> -> memref<512xi32, #tpu.memory_space<hbm>>
      %dma_start3A_339 = arith.constant 12288 : i32
      %dma_start3A_340 = tpu.memref_slice %arg7[%dma_start3A_339] : memref<16384xi32, #tpu.memory_space<vmem>> -> memref<512xi32, #tpu.memory_space<vmem>>
      %dma_start3A_341 = arith.constant 0 : i32
      %dma_start3A_342 = tpu.memref_slice %arg2[%add3A_102, %dma_start3A_341] : memref<1024x512xi32, #tpu.memory_space<hbm>> -> memref<1x512xi32, #tpu.memory_space<hbm>>
      %dma_start3A_343 = tpu.memref_squeeze %dma_start3A_342 : memref<1x512xi32, #tpu.memory_space<hbm>> -> memref<512xi32, #tpu.memory_space<hbm>>
      tpu.enqueue_dma source(%dma_start3A_343 : memref<512xi32, #tpu.memory_space<hbm>>) target(%dma_start3A_340 : memref<512xi32, #tpu.memory_space<vmem>>) target_semaphore(%run_scoped3A : memref<!tpu.dma_semaphore, #tpu.memory_space<semaphore_mem>>)
      %dma_wait3A_344 = arith.constant 12288 : i32
      %dma_wait3A_345 = tpu.memref_slice %arg7[%dma_wait3A_344] : memref<16384xi32, #tpu.memory_space<vmem>> -> memref<512xi32, #tpu.memory_space<vmem>>
      %dma_wait3A_346 = arith.constant 0 : i32
      %dma_wait3A_347 = tpu.memref_slice %arg2[%add3A_102, %dma_wait3A_346] : memref<1024x512xi32, #tpu.memory_space<hbm>> -> memref<1x512xi32, #tpu.memory_space<hbm>>
      %dma_wait3A_348 = tpu.memref_squeeze %dma_wait3A_347 : memref<1x512xi32, #tpu.memory_space<hbm>> -> memref<512xi32, #tpu.memory_space<hbm>>
      %dma_wait3A_349 = arith.constant 12288 : i32
      %dma_wait3A_350 = tpu.memref_slice %arg7[%dma_wait3A_349] : memref<16384xi32, #tpu.memory_space<vmem>> -> memref<512xi32, #tpu.memory_space<vmem>>
      %dma_wait3A_351 = arith.constant 0 : i32
      %dma_wait3A_352 = tpu.memref_slice %arg2[%add3A_102, %dma_wait3A_351] : memref<1024x512xi32, #tpu.memory_space<hbm>> -> memref<1x512xi32, #tpu.memory_space<hbm>>
      %dma_wait3A_353 = tpu.memref_squeeze %dma_wait3A_352 : memref<1x512xi32, #tpu.memory_space<hbm>> -> memref<512xi32, #tpu.memory_space<hbm>>
      tpu.wait_dma2 semaphore(%run_scoped3A : memref<!tpu.dma_semaphore, #tpu.memory_space<semaphore_mem>>) src(%dma_wait3A_353 : memref<512xi32, #tpu.memory_space<hbm>>) dst(%dma_wait3A_350 : memref<512xi32, #tpu.memory_space<vmem>>)
      tpu.yield
    }) : () -> ()
    %add3A_103 = arith.constant 24 : i32
    %add3A_104 = arith.addi %mul3A_4, %add3A_103 : i32
    "tpu.region"() ({
      %run_scoped3A = tpu.sem_alloc : memref<!tpu.dma_semaphore, #tpu.memory_space<semaphore_mem>>
      %dma_start3A_334 = arith.constant 12288 : i32
      %dma_start3A_335 = tpu.memref_slice %arg8[%dma_start3A_334] : memref<16384xi32, #tpu.memory_space<vmem>> -> memref<512xi32, #tpu.memory_space<vmem>>
      %dma_start3A_336 = arith.constant 0 : i32
      %dma_start3A_337 = tpu.memref_slice %arg3[%add3A_104, %dma_start3A_336] : memref<1024x512xi32, #tpu.memory_space<hbm>> -> memref<1x512xi32, #tpu.memory_space<hbm>>
      %dma_start3A_338 = tpu.memref_squeeze %dma_start3A_337 : memref<1x512xi32, #tpu.memory_space<hbm>> -> memref<512xi32, #tpu.memory_space<hbm>>
      %dma_start3A_339 = arith.constant 12288 : i32
      %dma_start3A_340 = tpu.memref_slice %arg8[%dma_start3A_339] : memref<16384xi32, #tpu.memory_space<vmem>> -> memref<512xi32, #tpu.memory_space<vmem>>
      %dma_start3A_341 = arith.constant 0 : i32
      %dma_start3A_342 = tpu.memref_slice %arg3[%add3A_104, %dma_start3A_341] : memref<1024x512xi32, #tpu.memory_space<hbm>> -> memref<1x512xi32, #tpu.memory_space<hbm>>
      %dma_start3A_343 = tpu.memref_squeeze %dma_start3A_342 : memref<1x512xi32, #tpu.memory_space<hbm>> -> memref<512xi32, #tpu.memory_space<hbm>>
      tpu.enqueue_dma source(%dma_start3A_343 : memref<512xi32, #tpu.memory_space<hbm>>) target(%dma_start3A_340 : memref<512xi32, #tpu.memory_space<vmem>>) target_semaphore(%run_scoped3A : memref<!tpu.dma_semaphore, #tpu.memory_space<semaphore_mem>>)
      %dma_wait3A_344 = arith.constant 12288 : i32
      %dma_wait3A_345 = tpu.memref_slice %arg8[%dma_wait3A_344] : memref<16384xi32, #tpu.memory_space<vmem>> -> memref<512xi32, #tpu.memory_space<vmem>>
      %dma_wait3A_346 = arith.constant 0 : i32
      %dma_wait3A_347 = tpu.memref_slice %arg3[%add3A_104, %dma_wait3A_346] : memref<1024x512xi32, #tpu.memory_space<hbm>> -> memref<1x512xi32, #tpu.memory_space<hbm>>
      %dma_wait3A_348 = tpu.memref_squeeze %dma_wait3A_347 : memref<1x512xi32, #tpu.memory_space<hbm>> -> memref<512xi32, #tpu.memory_space<hbm>>
      %dma_wait3A_349 = arith.constant 12288 : i32
      %dma_wait3A_350 = tpu.memref_slice %arg8[%dma_wait3A_349] : memref<16384xi32, #tpu.memory_space<vmem>> -> memref<512xi32, #tpu.memory_space<vmem>>
      %dma_wait3A_351 = arith.constant 0 : i32
      %dma_wait3A_352 = tpu.memref_slice %arg3[%add3A_104, %dma_wait3A_351] : memref<1024x512xi32, #tpu.memory_space<hbm>> -> memref<1x512xi32, #tpu.memory_space<hbm>>
      %dma_wait3A_353 = tpu.memref_squeeze %dma_wait3A_352 : memref<1x512xi32, #tpu.memory_space<hbm>> -> memref<512xi32, #tpu.memory_space<hbm>>
      tpu.wait_dma2 semaphore(%run_scoped3A : memref<!tpu.dma_semaphore, #tpu.memory_space<semaphore_mem>>) src(%dma_wait3A_353 : memref<512xi32, #tpu.memory_space<hbm>>) dst(%dma_wait3A_350 : memref<512xi32, #tpu.memory_space<vmem>>)
      tpu.yield
    }) : () -> ()
    %add3A_105 = arith.constant 25 : i32
    %add3A_106 = arith.addi %mul3A_4, %add3A_105 : i32
    "tpu.region"() ({
      %run_scoped3A = tpu.sem_alloc : memref<!tpu.dma_semaphore, #tpu.memory_space<semaphore_mem>>
      %dma_start3A_334 = arith.constant 12800 : i32
      %dma_start3A_335 = tpu.memref_slice %arg7[%dma_start3A_334] : memref<16384xi32, #tpu.memory_space<vmem>> -> memref<512xi32, #tpu.memory_space<vmem>>
      %dma_start3A_336 = arith.constant 0 : i32
      %dma_start3A_337 = tpu.memref_slice %arg2[%add3A_106, %dma_start3A_336] : memref<1024x512xi32, #tpu.memory_space<hbm>> -> memref<1x512xi32, #tpu.memory_space<hbm>>
      %dma_start3A_338 = tpu.memref_squeeze %dma_start3A_337 : memref<1x512xi32, #tpu.memory_space<hbm>> -> memref<512xi32, #tpu.memory_space<hbm>>
      %dma_start3A_339 = arith.constant 12800 : i32
      %dma_start3A_340 = tpu.memref_slice %arg7[%dma_start3A_339] : memref<16384xi32, #tpu.memory_space<vmem>> -> memref<512xi32, #tpu.memory_space<vmem>>
      %dma_start3A_341 = arith.constant 0 : i32
      %dma_start3A_342 = tpu.memref_slice %arg2[%add3A_106, %dma_start3A_341] : memref<1024x512xi32, #tpu.memory_space<hbm>> -> memref<1x512xi32, #tpu.memory_space<hbm>>
      %dma_start3A_343 = tpu.memref_squeeze %dma_start3A_342 : memref<1x512xi32, #tpu.memory_space<hbm>> -> memref<512xi32, #tpu.memory_space<hbm>>
      tpu.enqueue_dma source(%dma_start3A_343 : memref<512xi32, #tpu.memory_space<hbm>>) target(%dma_start3A_340 : memref<512xi32, #tpu.memory_space<vmem>>) target_semaphore(%run_scoped3A : memref<!tpu.dma_semaphore, #tpu.memory_space<semaphore_mem>>)
      %dma_wait3A_344 = arith.constant 12800 : i32
      %dma_wait3A_345 = tpu.memref_slice %arg7[%dma_wait3A_344] : memref<16384xi32, #tpu.memory_space<vmem>> -> memref<512xi32, #tpu.memory_space<vmem>>
      %dma_wait3A_346 = arith.constant 0 : i32
      %dma_wait3A_347 = tpu.memref_slice %arg2[%add3A_106, %dma_wait3A_346] : memref<1024x512xi32, #tpu.memory_space<hbm>> -> memref<1x512xi32, #tpu.memory_space<hbm>>
      %dma_wait3A_348 = tpu.memref_squeeze %dma_wait3A_347 : memref<1x512xi32, #tpu.memory_space<hbm>> -> memref<512xi32, #tpu.memory_space<hbm>>
      %dma_wait3A_349 = arith.constant 12800 : i32
      %dma_wait3A_350 = tpu.memref_slice %arg7[%dma_wait3A_349] : memref<16384xi32, #tpu.memory_space<vmem>> -> memref<512xi32, #tpu.memory_space<vmem>>
      %dma_wait3A_351 = arith.constant 0 : i32
      %dma_wait3A_352 = tpu.memref_slice %arg2[%add3A_106, %dma_wait3A_351] : memref<1024x512xi32, #tpu.memory_space<hbm>> -> memref<1x512xi32, #tpu.memory_space<hbm>>
      %dma_wait3A_353 = tpu.memref_squeeze %dma_wait3A_352 : memref<1x512xi32, #tpu.memory_space<hbm>> -> memref<512xi32, #tpu.memory_space<hbm>>
      tpu.wait_dma2 semaphore(%run_scoped3A : memref<!tpu.dma_semaphore, #tpu.memory_space<semaphore_mem>>) src(%dma_wait3A_353 : memref<512xi32, #tpu.memory_space<hbm>>) dst(%dma_wait3A_350 : memref<512xi32, #tpu.memory_space<vmem>>)
      tpu.yield
    }) : () -> ()
    %add3A_107 = arith.constant 25 : i32
    %add3A_108 = arith.addi %mul3A_4, %add3A_107 : i32
    "tpu.region"() ({
      %run_scoped3A = tpu.sem_alloc : memref<!tpu.dma_semaphore, #tpu.memory_space<semaphore_mem>>
      %dma_start3A_334 = arith.constant 12800 : i32
      %dma_start3A_335 = tpu.memref_slice %arg8[%dma_start3A_334] : memref<16384xi32, #tpu.memory_space<vmem>> -> memref<512xi32, #tpu.memory_space<vmem>>
      %dma_start3A_336 = arith.constant 0 : i32
      %dma_start3A_337 = tpu.memref_slice %arg3[%add3A_108, %dma_start3A_336] : memref<1024x512xi32, #tpu.memory_space<hbm>> -> memref<1x512xi32, #tpu.memory_space<hbm>>
      %dma_start3A_338 = tpu.memref_squeeze %dma_start3A_337 : memref<1x512xi32, #tpu.memory_space<hbm>> -> memref<512xi32, #tpu.memory_space<hbm>>
      %dma_start3A_339 = arith.constant 12800 : i32
      %dma_start3A_340 = tpu.memref_slice %arg8[%dma_start3A_339] : memref<16384xi32, #tpu.memory_space<vmem>> -> memref<512xi32, #tpu.memory_space<vmem>>
      %dma_start3A_341 = arith.constant 0 : i32
      %dma_start3A_342 = tpu.memref_slice %arg3[%add3A_108, %dma_start3A_341] : memref<1024x512xi32, #tpu.memory_space<hbm>> -> memref<1x512xi32, #tpu.memory_space<hbm>>
      %dma_start3A_343 = tpu.memref_squeeze %dma_start3A_342 : memref<1x512xi32, #tpu.memory_space<hbm>> -> memref<512xi32, #tpu.memory_space<hbm>>
      tpu.enqueue_dma source(%dma_start3A_343 : memref<512xi32, #tpu.memory_space<hbm>>) target(%dma_start3A_340 : memref<512xi32, #tpu.memory_space<vmem>>) target_semaphore(%run_scoped3A : memref<!tpu.dma_semaphore, #tpu.memory_space<semaphore_mem>>)
      %dma_wait3A_344 = arith.constant 12800 : i32
      %dma_wait3A_345 = tpu.memref_slice %arg8[%dma_wait3A_344] : memref<16384xi32, #tpu.memory_space<vmem>> -> memref<512xi32, #tpu.memory_space<vmem>>
      %dma_wait3A_346 = arith.constant 0 : i32
      %dma_wait3A_347 = tpu.memref_slice %arg3[%add3A_108, %dma_wait3A_346] : memref<1024x512xi32, #tpu.memory_space<hbm>> -> memref<1x512xi32, #tpu.memory_space<hbm>>
      %dma_wait3A_348 = tpu.memref_squeeze %dma_wait3A_347 : memref<1x512xi32, #tpu.memory_space<hbm>> -> memref<512xi32, #tpu.memory_space<hbm>>
      %dma_wait3A_349 = arith.constant 12800 : i32
      %dma_wait3A_350 = tpu.memref_slice %arg8[%dma_wait3A_349] : memref<16384xi32, #tpu.memory_space<vmem>> -> memref<512xi32, #tpu.memory_space<vmem>>
      %dma_wait3A_351 = arith.constant 0 : i32
      %dma_wait3A_352 = tpu.memref_slice %arg3[%add3A_108, %dma_wait3A_351] : memref<1024x512xi32, #tpu.memory_space<hbm>> -> memref<1x512xi32, #tpu.memory_space<hbm>>
      %dma_wait3A_353 = tpu.memref_squeeze %dma_wait3A_352 : memref<1x512xi32, #tpu.memory_space<hbm>> -> memref<512xi32, #tpu.memory_space<hbm>>
      tpu.wait_dma2 semaphore(%run_scoped3A : memref<!tpu.dma_semaphore, #tpu.memory_space<semaphore_mem>>) src(%dma_wait3A_353 : memref<512xi32, #tpu.memory_space<hbm>>) dst(%dma_wait3A_350 : memref<512xi32, #tpu.memory_space<vmem>>)
      tpu.yield
    }) : () -> ()
    %add3A_109 = arith.constant 26 : i32
    %add3A_110 = arith.addi %mul3A_4, %add3A_109 : i32
    "tpu.region"() ({
      %run_scoped3A = tpu.sem_alloc : memref<!tpu.dma_semaphore, #tpu.memory_space<semaphore_mem>>
      %dma_start3A_334 = arith.constant 13312 : i32
      %dma_start3A_335 = tpu.memref_slice %arg7[%dma_start3A_334] : memref<16384xi32, #tpu.memory_space<vmem>> -> memref<512xi32, #tpu.memory_space<vmem>>
      %dma_start3A_336 = arith.constant 0 : i32
      %dma_start3A_337 = tpu.memref_slice %arg2[%add3A_110, %dma_start3A_336] : memref<1024x512xi32, #tpu.memory_space<hbm>> -> memref<1x512xi32, #tpu.memory_space<hbm>>
      %dma_start3A_338 = tpu.memref_squeeze %dma_start3A_337 : memref<1x512xi32, #tpu.memory_space<hbm>> -> memref<512xi32, #tpu.memory_space<hbm>>
      %dma_start3A_339 = arith.constant 13312 : i32
      %dma_start3A_340 = tpu.memref_slice %arg7[%dma_start3A_339] : memref<16384xi32, #tpu.memory_space<vmem>> -> memref<512xi32, #tpu.memory_space<vmem>>
      %dma_start3A_341 = arith.constant 0 : i32
      %dma_start3A_342 = tpu.memref_slice %arg2[%add3A_110, %dma_start3A_341] : memref<1024x512xi32, #tpu.memory_space<hbm>> -> memref<1x512xi32, #tpu.memory_space<hbm>>
      %dma_start3A_343 = tpu.memref_squeeze %dma_start3A_342 : memref<1x512xi32, #tpu.memory_space<hbm>> -> memref<512xi32, #tpu.memory_space<hbm>>
      tpu.enqueue_dma source(%dma_start3A_343 : memref<512xi32, #tpu.memory_space<hbm>>) target(%dma_start3A_340 : memref<512xi32, #tpu.memory_space<vmem>>) target_semaphore(%run_scoped3A : memref<!tpu.dma_semaphore, #tpu.memory_space<semaphore_mem>>)
      %dma_wait3A_344 = arith.constant 13312 : i32
      %dma_wait3A_345 = tpu.memref_slice %arg7[%dma_wait3A_344] : memref<16384xi32, #tpu.memory_space<vmem>> -> memref<512xi32, #tpu.memory_space<vmem>>
      %dma_wait3A_346 = arith.constant 0 : i32
      %dma_wait3A_347 = tpu.memref_slice %arg2[%add3A_110, %dma_wait3A_346] : memref<1024x512xi32, #tpu.memory_space<hbm>> -> memref<1x512xi32, #tpu.memory_space<hbm>>
      %dma_wait3A_348 = tpu.memref_squeeze %dma_wait3A_347 : memref<1x512xi32, #tpu.memory_space<hbm>> -> memref<512xi32, #tpu.memory_space<hbm>>
      %dma_wait3A_349 = arith.constant 13312 : i32
      %dma_wait3A_350 = tpu.memref_slice %arg7[%dma_wait3A_349] : memref<16384xi32, #tpu.memory_space<vmem>> -> memref<512xi32, #tpu.memory_space<vmem>>
      %dma_wait3A_351 = arith.constant 0 : i32
      %dma_wait3A_352 = tpu.memref_slice %arg2[%add3A_110, %dma_wait3A_351] : memref<1024x512xi32, #tpu.memory_space<hbm>> -> memref<1x512xi32, #tpu.memory_space<hbm>>
      %dma_wait3A_353 = tpu.memref_squeeze %dma_wait3A_352 : memref<1x512xi32, #tpu.memory_space<hbm>> -> memref<512xi32, #tpu.memory_space<hbm>>
      tpu.wait_dma2 semaphore(%run_scoped3A : memref<!tpu.dma_semaphore, #tpu.memory_space<semaphore_mem>>) src(%dma_wait3A_353 : memref<512xi32, #tpu.memory_space<hbm>>) dst(%dma_wait3A_350 : memref<512xi32, #tpu.memory_space<vmem>>)
      tpu.yield
    }) : () -> ()
    %add3A_111 = arith.constant 26 : i32
    %add3A_112 = arith.addi %mul3A_4, %add3A_111 : i32
    "tpu.region"() ({
      %run_scoped3A = tpu.sem_alloc : memref<!tpu.dma_semaphore, #tpu.memory_space<semaphore_mem>>
      %dma_start3A_334 = arith.constant 13312 : i32
      %dma_start3A_335 = tpu.memref_slice %arg8[%dma_start3A_334] : memref<16384xi32, #tpu.memory_space<vmem>> -> memref<512xi32, #tpu.memory_space<vmem>>
      %dma_start3A_336 = arith.constant 0 : i32
      %dma_start3A_337 = tpu.memref_slice %arg3[%add3A_112, %dma_start3A_336] : memref<1024x512xi32, #tpu.memory_space<hbm>> -> memref<1x512xi32, #tpu.memory_space<hbm>>
      %dma_start3A_338 = tpu.memref_squeeze %dma_start3A_337 : memref<1x512xi32, #tpu.memory_space<hbm>> -> memref<512xi32, #tpu.memory_space<hbm>>
      %dma_start3A_339 = arith.constant 13312 : i32
      %dma_start3A_340 = tpu.memref_slice %arg8[%dma_start3A_339] : memref<16384xi32, #tpu.memory_space<vmem>> -> memref<512xi32, #tpu.memory_space<vmem>>
      %dma_start3A_341 = arith.constant 0 : i32
      %dma_start3A_342 = tpu.memref_slice %arg3[%add3A_112, %dma_start3A_341] : memref<1024x512xi32, #tpu.memory_space<hbm>> -> memref<1x512xi32, #tpu.memory_space<hbm>>
      %dma_start3A_343 = tpu.memref_squeeze %dma_start3A_342 : memref<1x512xi32, #tpu.memory_space<hbm>> -> memref<512xi32, #tpu.memory_space<hbm>>
      tpu.enqueue_dma source(%dma_start3A_343 : memref<512xi32, #tpu.memory_space<hbm>>) target(%dma_start3A_340 : memref<512xi32, #tpu.memory_space<vmem>>) target_semaphore(%run_scoped3A : memref<!tpu.dma_semaphore, #tpu.memory_space<semaphore_mem>>)
      %dma_wait3A_344 = arith.constant 13312 : i32
      %dma_wait3A_345 = tpu.memref_slice %arg8[%dma_wait3A_344] : memref<16384xi32, #tpu.memory_space<vmem>> -> memref<512xi32, #tpu.memory_space<vmem>>
      %dma_wait3A_346 = arith.constant 0 : i32
      %dma_wait3A_347 = tpu.memref_slice %arg3[%add3A_112, %dma_wait3A_346] : memref<1024x512xi32, #tpu.memory_space<hbm>> -> memref<1x512xi32, #tpu.memory_space<hbm>>
      %dma_wait3A_348 = tpu.memref_squeeze %dma_wait3A_347 : memref<1x512xi32, #tpu.memory_space<hbm>> -> memref<512xi32, #tpu.memory_space<hbm>>
      %dma_wait3A_349 = arith.constant 13312 : i32
      %dma_wait3A_350 = tpu.memref_slice %arg8[%dma_wait3A_349] : memref<16384xi32, #tpu.memory_space<vmem>> -> memref<512xi32, #tpu.memory_space<vmem>>
      %dma_wait3A_351 = arith.constant 0 : i32
      %dma_wait3A_352 = tpu.memref_slice %arg3[%add3A_112, %dma_wait3A_351] : memref<1024x512xi32, #tpu.memory_space<hbm>> -> memref<1x512xi32, #tpu.memory_space<hbm>>
      %dma_wait3A_353 = tpu.memref_squeeze %dma_wait3A_352 : memref<1x512xi32, #tpu.memory_space<hbm>> -> memref<512xi32, #tpu.memory_space<hbm>>
      tpu.wait_dma2 semaphore(%run_scoped3A : memref<!tpu.dma_semaphore, #tpu.memory_space<semaphore_mem>>) src(%dma_wait3A_353 : memref<512xi32, #tpu.memory_space<hbm>>) dst(%dma_wait3A_350 : memref<512xi32, #tpu.memory_space<vmem>>)
      tpu.yield
    }) : () -> ()
    %add3A_113 = arith.constant 27 : i32
    %add3A_114 = arith.addi %mul3A_4, %add3A_113 : i32
    "tpu.region"() ({
      %run_scoped3A = tpu.sem_alloc : memref<!tpu.dma_semaphore, #tpu.memory_space<semaphore_mem>>
      %dma_start3A_334 = arith.constant 13824 : i32
      %dma_start3A_335 = tpu.memref_slice %arg7[%dma_start3A_334] : memref<16384xi32, #tpu.memory_space<vmem>> -> memref<512xi32, #tpu.memory_space<vmem>>
      %dma_start3A_336 = arith.constant 0 : i32
      %dma_start3A_337 = tpu.memref_slice %arg2[%add3A_114, %dma_start3A_336] : memref<1024x512xi32, #tpu.memory_space<hbm>> -> memref<1x512xi32, #tpu.memory_space<hbm>>
      %dma_start3A_338 = tpu.memref_squeeze %dma_start3A_337 : memref<1x512xi32, #tpu.memory_space<hbm>> -> memref<512xi32, #tpu.memory_space<hbm>>
      %dma_start3A_339 = arith.constant 13824 : i32
      %dma_start3A_340 = tpu.memref_slice %arg7[%dma_start3A_339] : memref<16384xi32, #tpu.memory_space<vmem>> -> memref<512xi32, #tpu.memory_space<vmem>>
      %dma_start3A_341 = arith.constant 0 : i32
      %dma_start3A_342 = tpu.memref_slice %arg2[%add3A_114, %dma_start3A_341] : memref<1024x512xi32, #tpu.memory_space<hbm>> -> memref<1x512xi32, #tpu.memory_space<hbm>>
      %dma_start3A_343 = tpu.memref_squeeze %dma_start3A_342 : memref<1x512xi32, #tpu.memory_space<hbm>> -> memref<512xi32, #tpu.memory_space<hbm>>
      tpu.enqueue_dma source(%dma_start3A_343 : memref<512xi32, #tpu.memory_space<hbm>>) target(%dma_start3A_340 : memref<512xi32, #tpu.memory_space<vmem>>) target_semaphore(%run_scoped3A : memref<!tpu.dma_semaphore, #tpu.memory_space<semaphore_mem>>)
      %dma_wait3A_344 = arith.constant 13824 : i32
      %dma_wait3A_345 = tpu.memref_slice %arg7[%dma_wait3A_344] : memref<16384xi32, #tpu.memory_space<vmem>> -> memref<512xi32, #tpu.memory_space<vmem>>
      %dma_wait3A_346 = arith.constant 0 : i32
      %dma_wait3A_347 = tpu.memref_slice %arg2[%add3A_114, %dma_wait3A_346] : memref<1024x512xi32, #tpu.memory_space<hbm>> -> memref<1x512xi32, #tpu.memory_space<hbm>>
      %dma_wait3A_348 = tpu.memref_squeeze %dma_wait3A_347 : memref<1x512xi32, #tpu.memory_space<hbm>> -> memref<512xi32, #tpu.memory_space<hbm>>
      %dma_wait3A_349 = arith.constant 13824 : i32
      %dma_wait3A_350 = tpu.memref_slice %arg7[%dma_wait3A_349] : memref<16384xi32, #tpu.memory_space<vmem>> -> memref<512xi32, #tpu.memory_space<vmem>>
      %dma_wait3A_351 = arith.constant 0 : i32
      %dma_wait3A_352 = tpu.memref_slice %arg2[%add3A_114, %dma_wait3A_351] : memref<1024x512xi32, #tpu.memory_space<hbm>> -> memref<1x512xi32, #tpu.memory_space<hbm>>
      %dma_wait3A_353 = tpu.memref_squeeze %dma_wait3A_352 : memref<1x512xi32, #tpu.memory_space<hbm>> -> memref<512xi32, #tpu.memory_space<hbm>>
      tpu.wait_dma2 semaphore(%run_scoped3A : memref<!tpu.dma_semaphore, #tpu.memory_space<semaphore_mem>>) src(%dma_wait3A_353 : memref<512xi32, #tpu.memory_space<hbm>>) dst(%dma_wait3A_350 : memref<512xi32, #tpu.memory_space<vmem>>)
      tpu.yield
    }) : () -> ()
    %add3A_115 = arith.constant 27 : i32
    %add3A_116 = arith.addi %mul3A_4, %add3A_115 : i32
    "tpu.region"() ({
      %run_scoped3A = tpu.sem_alloc : memref<!tpu.dma_semaphore, #tpu.memory_space<semaphore_mem>>
      %dma_start3A_334 = arith.constant 13824 : i32
      %dma_start3A_335 = tpu.memref_slice %arg8[%dma_start3A_334] : memref<16384xi32, #tpu.memory_space<vmem>> -> memref<512xi32, #tpu.memory_space<vmem>>
      %dma_start3A_336 = arith.constant 0 : i32
      %dma_start3A_337 = tpu.memref_slice %arg3[%add3A_116, %dma_start3A_336] : memref<1024x512xi32, #tpu.memory_space<hbm>> -> memref<1x512xi32, #tpu.memory_space<hbm>>
      %dma_start3A_338 = tpu.memref_squeeze %dma_start3A_337 : memref<1x512xi32, #tpu.memory_space<hbm>> -> memref<512xi32, #tpu.memory_space<hbm>>
      %dma_start3A_339 = arith.constant 13824 : i32
      %dma_start3A_340 = tpu.memref_slice %arg8[%dma_start3A_339] : memref<16384xi32, #tpu.memory_space<vmem>> -> memref<512xi32, #tpu.memory_space<vmem>>
      %dma_start3A_341 = arith.constant 0 : i32
      %dma_start3A_342 = tpu.memref_slice %arg3[%add3A_116, %dma_start3A_341] : memref<1024x512xi32, #tpu.memory_space<hbm>> -> memref<1x512xi32, #tpu.memory_space<hbm>>
      %dma_start3A_343 = tpu.memref_squeeze %dma_start3A_342 : memref<1x512xi32, #tpu.memory_space<hbm>> -> memref<512xi32, #tpu.memory_space<hbm>>
      tpu.enqueue_dma source(%dma_start3A_343 : memref<512xi32, #tpu.memory_space<hbm>>) target(%dma_start3A_340 : memref<512xi32, #tpu.memory_space<vmem>>) target_semaphore(%run_scoped3A : memref<!tpu.dma_semaphore, #tpu.memory_space<semaphore_mem>>)
      %dma_wait3A_344 = arith.constant 13824 : i32
      %dma_wait3A_345 = tpu.memref_slice %arg8[%dma_wait3A_344] : memref<16384xi32, #tpu.memory_space<vmem>> -> memref<512xi32, #tpu.memory_space<vmem>>
      %dma_wait3A_346 = arith.constant 0 : i32
      %dma_wait3A_347 = tpu.memref_slice %arg3[%add3A_116, %dma_wait3A_346] : memref<1024x512xi32, #tpu.memory_space<hbm>> -> memref<1x512xi32, #tpu.memory_space<hbm>>
      %dma_wait3A_348 = tpu.memref_squeeze %dma_wait3A_347 : memref<1x512xi32, #tpu.memory_space<hbm>> -> memref<512xi32, #tpu.memory_space<hbm>>
      %dma_wait3A_349 = arith.constant 13824 : i32
      %dma_wait3A_350 = tpu.memref_slice %arg8[%dma_wait3A_349] : memref<16384xi32, #tpu.memory_space<vmem>> -> memref<512xi32, #tpu.memory_space<vmem>>
      %dma_wait3A_351 = arith.constant 0 : i32
      %dma_wait3A_352 = tpu.memref_slice %arg3[%add3A_116, %dma_wait3A_351] : memref<1024x512xi32, #tpu.memory_space<hbm>> -> memref<1x512xi32, #tpu.memory_space<hbm>>
      %dma_wait3A_353 = tpu.memref_squeeze %dma_wait3A_352 : memref<1x512xi32, #tpu.memory_space<hbm>> -> memref<512xi32, #tpu.memory_space<hbm>>
      tpu.wait_dma2 semaphore(%run_scoped3A : memref<!tpu.dma_semaphore, #tpu.memory_space<semaphore_mem>>) src(%dma_wait3A_353 : memref<512xi32, #tpu.memory_space<hbm>>) dst(%dma_wait3A_350 : memref<512xi32, #tpu.memory_space<vmem>>)
      tpu.yield
    }) : () -> ()
    %add3A_117 = arith.constant 28 : i32
    %add3A_118 = arith.addi %mul3A_4, %add3A_117 : i32
    "tpu.region"() ({
      %run_scoped3A = tpu.sem_alloc : memref<!tpu.dma_semaphore, #tpu.memory_space<semaphore_mem>>
      %dma_start3A_334 = arith.constant 14336 : i32
      %dma_start3A_335 = tpu.memref_slice %arg7[%dma_start3A_334] : memref<16384xi32, #tpu.memory_space<vmem>> -> memref<512xi32, #tpu.memory_space<vmem>>
      %dma_start3A_336 = arith.constant 0 : i32
      %dma_start3A_337 = tpu.memref_slice %arg2[%add3A_118, %dma_start3A_336] : memref<1024x512xi32, #tpu.memory_space<hbm>> -> memref<1x512xi32, #tpu.memory_space<hbm>>
      %dma_start3A_338 = tpu.memref_squeeze %dma_start3A_337 : memref<1x512xi32, #tpu.memory_space<hbm>> -> memref<512xi32, #tpu.memory_space<hbm>>
      %dma_start3A_339 = arith.constant 14336 : i32
      %dma_start3A_340 = tpu.memref_slice %arg7[%dma_start3A_339] : memref<16384xi32, #tpu.memory_space<vmem>> -> memref<512xi32, #tpu.memory_space<vmem>>
      %dma_start3A_341 = arith.constant 0 : i32
      %dma_start3A_342 = tpu.memref_slice %arg2[%add3A_118, %dma_start3A_341] : memref<1024x512xi32, #tpu.memory_space<hbm>> -> memref<1x512xi32, #tpu.memory_space<hbm>>
      %dma_start3A_343 = tpu.memref_squeeze %dma_start3A_342 : memref<1x512xi32, #tpu.memory_space<hbm>> -> memref<512xi32, #tpu.memory_space<hbm>>
      tpu.enqueue_dma source(%dma_start3A_343 : memref<512xi32, #tpu.memory_space<hbm>>) target(%dma_start3A_340 : memref<512xi32, #tpu.memory_space<vmem>>) target_semaphore(%run_scoped3A : memref<!tpu.dma_semaphore, #tpu.memory_space<semaphore_mem>>)
      %dma_wait3A_344 = arith.constant 14336 : i32
      %dma_wait3A_345 = tpu.memref_slice %arg7[%dma_wait3A_344] : memref<16384xi32, #tpu.memory_space<vmem>> -> memref<512xi32, #tpu.memory_space<vmem>>
      %dma_wait3A_346 = arith.constant 0 : i32
      %dma_wait3A_347 = tpu.memref_slice %arg2[%add3A_118, %dma_wait3A_346] : memref<1024x512xi32, #tpu.memory_space<hbm>> -> memref<1x512xi32, #tpu.memory_space<hbm>>
      %dma_wait3A_348 = tpu.memref_squeeze %dma_wait3A_347 : memref<1x512xi32, #tpu.memory_space<hbm>> -> memref<512xi32, #tpu.memory_space<hbm>>
      %dma_wait3A_349 = arith.constant 14336 : i32
      %dma_wait3A_350 = tpu.memref_slice %arg7[%dma_wait3A_349] : memref<16384xi32, #tpu.memory_space<vmem>> -> memref<512xi32, #tpu.memory_space<vmem>>
      %dma_wait3A_351 = arith.constant 0 : i32
      %dma_wait3A_352 = tpu.memref_slice %arg2[%add3A_118, %dma_wait3A_351] : memref<1024x512xi32, #tpu.memory_space<hbm>> -> memref<1x512xi32, #tpu.memory_space<hbm>>
      %dma_wait3A_353 = tpu.memref_squeeze %dma_wait3A_352 : memref<1x512xi32, #tpu.memory_space<hbm>> -> memref<512xi32, #tpu.memory_space<hbm>>
      tpu.wait_dma2 semaphore(%run_scoped3A : memref<!tpu.dma_semaphore, #tpu.memory_space<semaphore_mem>>) src(%dma_wait3A_353 : memref<512xi32, #tpu.memory_space<hbm>>) dst(%dma_wait3A_350 : memref<512xi32, #tpu.memory_space<vmem>>)
      tpu.yield
    }) : () -> ()
    %add3A_119 = arith.constant 28 : i32
    %add3A_120 = arith.addi %mul3A_4, %add3A_119 : i32
    "tpu.region"() ({
      %run_scoped3A = tpu.sem_alloc : memref<!tpu.dma_semaphore, #tpu.memory_space<semaphore_mem>>
      %dma_start3A_334 = arith.constant 14336 : i32
      %dma_start3A_335 = tpu.memref_slice %arg8[%dma_start3A_334] : memref<16384xi32, #tpu.memory_space<vmem>> -> memref<512xi32, #tpu.memory_space<vmem>>
      %dma_start3A_336 = arith.constant 0 : i32
      %dma_start3A_337 = tpu.memref_slice %arg3[%add3A_120, %dma_start3A_336] : memref<1024x512xi32, #tpu.memory_space<hbm>> -> memref<1x512xi32, #tpu.memory_space<hbm>>
      %dma_start3A_338 = tpu.memref_squeeze %dma_start3A_337 : memref<1x512xi32, #tpu.memory_space<hbm>> -> memref<512xi32, #tpu.memory_space<hbm>>
      %dma_start3A_339 = arith.constant 14336 : i32
      %dma_start3A_340 = tpu.memref_slice %arg8[%dma_start3A_339] : memref<16384xi32, #tpu.memory_space<vmem>> -> memref<512xi32, #tpu.memory_space<vmem>>
      %dma_start3A_341 = arith.constant 0 : i32
      %dma_start3A_342 = tpu.memref_slice %arg3[%add3A_120, %dma_start3A_341] : memref<1024x512xi32, #tpu.memory_space<hbm>> -> memref<1x512xi32, #tpu.memory_space<hbm>>
      %dma_start3A_343 = tpu.memref_squeeze %dma_start3A_342 : memref<1x512xi32, #tpu.memory_space<hbm>> -> memref<512xi32, #tpu.memory_space<hbm>>
      tpu.enqueue_dma source(%dma_start3A_343 : memref<512xi32, #tpu.memory_space<hbm>>) target(%dma_start3A_340 : memref<512xi32, #tpu.memory_space<vmem>>) target_semaphore(%run_scoped3A : memref<!tpu.dma_semaphore, #tpu.memory_space<semaphore_mem>>)
      %dma_wait3A_344 = arith.constant 14336 : i32
      %dma_wait3A_345 = tpu.memref_slice %arg8[%dma_wait3A_344] : memref<16384xi32, #tpu.memory_space<vmem>> -> memref<512xi32, #tpu.memory_space<vmem>>
      %dma_wait3A_346 = arith.constant 0 : i32
      %dma_wait3A_347 = tpu.memref_slice %arg3[%add3A_120, %dma_wait3A_346] : memref<1024x512xi32, #tpu.memory_space<hbm>> -> memref<1x512xi32, #tpu.memory_space<hbm>>
      %dma_wait3A_348 = tpu.memref_squeeze %dma_wait3A_347 : memref<1x512xi32, #tpu.memory_space<hbm>> -> memref<512xi32, #tpu.memory_space<hbm>>
      %dma_wait3A_349 = arith.constant 14336 : i32
      %dma_wait3A_350 = tpu.memref_slice %arg8[%dma_wait3A_349] : memref<16384xi32, #tpu.memory_space<vmem>> -> memref<512xi32, #tpu.memory_space<vmem>>
      %dma_wait3A_351 = arith.constant 0 : i32
      %dma_wait3A_352 = tpu.memref_slice %arg3[%add3A_120, %dma_wait3A_351] : memref<1024x512xi32, #tpu.memory_space<hbm>> -> memref<1x512xi32, #tpu.memory_space<hbm>>
      %dma_wait3A_353 = tpu.memref_squeeze %dma_wait3A_352 : memref<1x512xi32, #tpu.memory_space<hbm>> -> memref<512xi32, #tpu.memory_space<hbm>>
      tpu.wait_dma2 semaphore(%run_scoped3A : memref<!tpu.dma_semaphore, #tpu.memory_space<semaphore_mem>>) src(%dma_wait3A_353 : memref<512xi32, #tpu.memory_space<hbm>>) dst(%dma_wait3A_350 : memref<512xi32, #tpu.memory_space<vmem>>)
      tpu.yield
    }) : () -> ()
    %add3A_121 = arith.constant 29 : i32
    %add3A_122 = arith.addi %mul3A_4, %add3A_121 : i32
    "tpu.region"() ({
      %run_scoped3A = tpu.sem_alloc : memref<!tpu.dma_semaphore, #tpu.memory_space<semaphore_mem>>
      %dma_start3A_334 = arith.constant 14848 : i32
      %dma_start3A_335 = tpu.memref_slice %arg7[%dma_start3A_334] : memref<16384xi32, #tpu.memory_space<vmem>> -> memref<512xi32, #tpu.memory_space<vmem>>
      %dma_start3A_336 = arith.constant 0 : i32
      %dma_start3A_337 = tpu.memref_slice %arg2[%add3A_122, %dma_start3A_336] : memref<1024x512xi32, #tpu.memory_space<hbm>> -> memref<1x512xi32, #tpu.memory_space<hbm>>
      %dma_start3A_338 = tpu.memref_squeeze %dma_start3A_337 : memref<1x512xi32, #tpu.memory_space<hbm>> -> memref<512xi32, #tpu.memory_space<hbm>>
      %dma_start3A_339 = arith.constant 14848 : i32
      %dma_start3A_340 = tpu.memref_slice %arg7[%dma_start3A_339] : memref<16384xi32, #tpu.memory_space<vmem>> -> memref<512xi32, #tpu.memory_space<vmem>>
      %dma_start3A_341 = arith.constant 0 : i32
      %dma_start3A_342 = tpu.memref_slice %arg2[%add3A_122, %dma_start3A_341] : memref<1024x512xi32, #tpu.memory_space<hbm>> -> memref<1x512xi32, #tpu.memory_space<hbm>>
      %dma_start3A_343 = tpu.memref_squeeze %dma_start3A_342 : memref<1x512xi32, #tpu.memory_space<hbm>> -> memref<512xi32, #tpu.memory_space<hbm>>
      tpu.enqueue_dma source(%dma_start3A_343 : memref<512xi32, #tpu.memory_space<hbm>>) target(%dma_start3A_340 : memref<512xi32, #tpu.memory_space<vmem>>) target_semaphore(%run_scoped3A : memref<!tpu.dma_semaphore, #tpu.memory_space<semaphore_mem>>)
      %dma_wait3A_344 = arith.constant 14848 : i32
      %dma_wait3A_345 = tpu.memref_slice %arg7[%dma_wait3A_344] : memref<16384xi32, #tpu.memory_space<vmem>> -> memref<512xi32, #tpu.memory_space<vmem>>
      %dma_wait3A_346 = arith.constant 0 : i32
      %dma_wait3A_347 = tpu.memref_slice %arg2[%add3A_122, %dma_wait3A_346] : memref<1024x512xi32, #tpu.memory_space<hbm>> -> memref<1x512xi32, #tpu.memory_space<hbm>>
      %dma_wait3A_348 = tpu.memref_squeeze %dma_wait3A_347 : memref<1x512xi32, #tpu.memory_space<hbm>> -> memref<512xi32, #tpu.memory_space<hbm>>
      %dma_wait3A_349 = arith.constant 14848 : i32
      %dma_wait3A_350 = tpu.memref_slice %arg7[%dma_wait3A_349] : memref<16384xi32, #tpu.memory_space<vmem>> -> memref<512xi32, #tpu.memory_space<vmem>>
      %dma_wait3A_351 = arith.constant 0 : i32
      %dma_wait3A_352 = tpu.memref_slice %arg2[%add3A_122, %dma_wait3A_351] : memref<1024x512xi32, #tpu.memory_space<hbm>> -> memref<1x512xi32, #tpu.memory_space<hbm>>
      %dma_wait3A_353 = tpu.memref_squeeze %dma_wait3A_352 : memref<1x512xi32, #tpu.memory_space<hbm>> -> memref<512xi32, #tpu.memory_space<hbm>>
      tpu.wait_dma2 semaphore(%run_scoped3A : memref<!tpu.dma_semaphore, #tpu.memory_space<semaphore_mem>>) src(%dma_wait3A_353 : memref<512xi32, #tpu.memory_space<hbm>>) dst(%dma_wait3A_350 : memref<512xi32, #tpu.memory_space<vmem>>)
      tpu.yield
    }) : () -> ()
    %add3A_123 = arith.constant 29 : i32
    %add3A_124 = arith.addi %mul3A_4, %add3A_123 : i32
    "tpu.region"() ({
      %run_scoped3A = tpu.sem_alloc : memref<!tpu.dma_semaphore, #tpu.memory_space<semaphore_mem>>
      %dma_start3A_334 = arith.constant 14848 : i32
      %dma_start3A_335 = tpu.memref_slice %arg8[%dma_start3A_334] : memref<16384xi32, #tpu.memory_space<vmem>> -> memref<512xi32, #tpu.memory_space<vmem>>
      %dma_start3A_336 = arith.constant 0 : i32
      %dma_start3A_337 = tpu.memref_slice %arg3[%add3A_124, %dma_start3A_336] : memref<1024x512xi32, #tpu.memory_space<hbm>> -> memref<1x512xi32, #tpu.memory_space<hbm>>
      %dma_start3A_338 = tpu.memref_squeeze %dma_start3A_337 : memref<1x512xi32, #tpu.memory_space<hbm>> -> memref<512xi32, #tpu.memory_space<hbm>>
      %dma_start3A_339 = arith.constant 14848 : i32
      %dma_start3A_340 = tpu.memref_slice %arg8[%dma_start3A_339] : memref<16384xi32, #tpu.memory_space<vmem>> -> memref<512xi32, #tpu.memory_space<vmem>>
      %dma_start3A_341 = arith.constant 0 : i32
      %dma_start3A_342 = tpu.memref_slice %arg3[%add3A_124, %dma_start3A_341] : memref<1024x512xi32, #tpu.memory_space<hbm>> -> memref<1x512xi32, #tpu.memory_space<hbm>>
      %dma_start3A_343 = tpu.memref_squeeze %dma_start3A_342 : memref<1x512xi32, #tpu.memory_space<hbm>> -> memref<512xi32, #tpu.memory_space<hbm>>
      tpu.enqueue_dma source(%dma_start3A_343 : memref<512xi32, #tpu.memory_space<hbm>>) target(%dma_start3A_340 : memref<512xi32, #tpu.memory_space<vmem>>) target_semaphore(%run_scoped3A : memref<!tpu.dma_semaphore, #tpu.memory_space<semaphore_mem>>)
      %dma_wait3A_344 = arith.constant 14848 : i32
      %dma_wait3A_345 = tpu.memref_slice %arg8[%dma_wait3A_344] : memref<16384xi32, #tpu.memory_space<vmem>> -> memref<512xi32, #tpu.memory_space<vmem>>
      %dma_wait3A_346 = arith.constant 0 : i32
      %dma_wait3A_347 = tpu.memref_slice %arg3[%add3A_124, %dma_wait3A_346] : memref<1024x512xi32, #tpu.memory_space<hbm>> -> memref<1x512xi32, #tpu.memory_space<hbm>>
      %dma_wait3A_348 = tpu.memref_squeeze %dma_wait3A_347 : memref<1x512xi32, #tpu.memory_space<hbm>> -> memref<512xi32, #tpu.memory_space<hbm>>
      %dma_wait3A_349 = arith.constant 14848 : i32
      %dma_wait3A_350 = tpu.memref_slice %arg8[%dma_wait3A_349] : memref<16384xi32, #tpu.memory_space<vmem>> -> memref<512xi32, #tpu.memory_space<vmem>>
      %dma_wait3A_351 = arith.constant 0 : i32
      %dma_wait3A_352 = tpu.memref_slice %arg3[%add3A_124, %dma_wait3A_351] : memref<1024x512xi32, #tpu.memory_space<hbm>> -> memref<1x512xi32, #tpu.memory_space<hbm>>
      %dma_wait3A_353 = tpu.memref_squeeze %dma_wait3A_352 : memref<1x512xi32, #tpu.memory_space<hbm>> -> memref<512xi32, #tpu.memory_space<hbm>>
      tpu.wait_dma2 semaphore(%run_scoped3A : memref<!tpu.dma_semaphore, #tpu.memory_space<semaphore_mem>>) src(%dma_wait3A_353 : memref<512xi32, #tpu.memory_space<hbm>>) dst(%dma_wait3A_350 : memref<512xi32, #tpu.memory_space<vmem>>)
      tpu.yield
    }) : () -> ()
    %add3A_125 = arith.constant 30 : i32
    %add3A_126 = arith.addi %mul3A_4, %add3A_125 : i32
    "tpu.region"() ({
      %run_scoped3A = tpu.sem_alloc : memref<!tpu.dma_semaphore, #tpu.memory_space<semaphore_mem>>
      %dma_start3A_334 = arith.constant 15360 : i32
      %dma_start3A_335 = tpu.memref_slice %arg7[%dma_start3A_334] : memref<16384xi32, #tpu.memory_space<vmem>> -> memref<512xi32, #tpu.memory_space<vmem>>
      %dma_start3A_336 = arith.constant 0 : i32
      %dma_start3A_337 = tpu.memref_slice %arg2[%add3A_126, %dma_start3A_336] : memref<1024x512xi32, #tpu.memory_space<hbm>> -> memref<1x512xi32, #tpu.memory_space<hbm>>
      %dma_start3A_338 = tpu.memref_squeeze %dma_start3A_337 : memref<1x512xi32, #tpu.memory_space<hbm>> -> memref<512xi32, #tpu.memory_space<hbm>>
      %dma_start3A_339 = arith.constant 15360 : i32
      %dma_start3A_340 = tpu.memref_slice %arg7[%dma_start3A_339] : memref<16384xi32, #tpu.memory_space<vmem>> -> memref<512xi32, #tpu.memory_space<vmem>>
      %dma_start3A_341 = arith.constant 0 : i32
      %dma_start3A_342 = tpu.memref_slice %arg2[%add3A_126, %dma_start3A_341] : memref<1024x512xi32, #tpu.memory_space<hbm>> -> memref<1x512xi32, #tpu.memory_space<hbm>>
      %dma_start3A_343 = tpu.memref_squeeze %dma_start3A_342 : memref<1x512xi32, #tpu.memory_space<hbm>> -> memref<512xi32, #tpu.memory_space<hbm>>
      tpu.enqueue_dma source(%dma_start3A_343 : memref<512xi32, #tpu.memory_space<hbm>>) target(%dma_start3A_340 : memref<512xi32, #tpu.memory_space<vmem>>) target_semaphore(%run_scoped3A : memref<!tpu.dma_semaphore, #tpu.memory_space<semaphore_mem>>)
      %dma_wait3A_344 = arith.constant 15360 : i32
      %dma_wait3A_345 = tpu.memref_slice %arg7[%dma_wait3A_344] : memref<16384xi32, #tpu.memory_space<vmem>> -> memref<512xi32, #tpu.memory_space<vmem>>
      %dma_wait3A_346 = arith.constant 0 : i32
      %dma_wait3A_347 = tpu.memref_slice %arg2[%add3A_126, %dma_wait3A_346] : memref<1024x512xi32, #tpu.memory_space<hbm>> -> memref<1x512xi32, #tpu.memory_space<hbm>>
      %dma_wait3A_348 = tpu.memref_squeeze %dma_wait3A_347 : memref<1x512xi32, #tpu.memory_space<hbm>> -> memref<512xi32, #tpu.memory_space<hbm>>
      %dma_wait3A_349 = arith.constant 15360 : i32
      %dma_wait3A_350 = tpu.memref_slice %arg7[%dma_wait3A_349] : memref<16384xi32, #tpu.memory_space<vmem>> -> memref<512xi32, #tpu.memory_space<vmem>>
      %dma_wait3A_351 = arith.constant 0 : i32
      %dma_wait3A_352 = tpu.memref_slice %arg2[%add3A_126, %dma_wait3A_351] : memref<1024x512xi32, #tpu.memory_space<hbm>> -> memref<1x512xi32, #tpu.memory_space<hbm>>
      %dma_wait3A_353 = tpu.memref_squeeze %dma_wait3A_352 : memref<1x512xi32, #tpu.memory_space<hbm>> -> memref<512xi32, #tpu.memory_space<hbm>>
      tpu.wait_dma2 semaphore(%run_scoped3A : memref<!tpu.dma_semaphore, #tpu.memory_space<semaphore_mem>>) src(%dma_wait3A_353 : memref<512xi32, #tpu.memory_space<hbm>>) dst(%dma_wait3A_350 : memref<512xi32, #tpu.memory_space<vmem>>)
      tpu.yield
    }) : () -> ()
    %add3A_127 = arith.constant 30 : i32
    %add3A_128 = arith.addi %mul3A_4, %add3A_127 : i32
    "tpu.region"() ({
      %run_scoped3A = tpu.sem_alloc : memref<!tpu.dma_semaphore, #tpu.memory_space<semaphore_mem>>
      %dma_start3A_334 = arith.constant 15360 : i32
      %dma_start3A_335 = tpu.memref_slice %arg8[%dma_start3A_334] : memref<16384xi32, #tpu.memory_space<vmem>> -> memref<512xi32, #tpu.memory_space<vmem>>
      %dma_start3A_336 = arith.constant 0 : i32
      %dma_start3A_337 = tpu.memref_slice %arg3[%add3A_128, %dma_start3A_336] : memref<1024x512xi32, #tpu.memory_space<hbm>> -> memref<1x512xi32, #tpu.memory_space<hbm>>
      %dma_start3A_338 = tpu.memref_squeeze %dma_start3A_337 : memref<1x512xi32, #tpu.memory_space<hbm>> -> memref<512xi32, #tpu.memory_space<hbm>>
      %dma_start3A_339 = arith.constant 15360 : i32
      %dma_start3A_340 = tpu.memref_slice %arg8[%dma_start3A_339] : memref<16384xi32, #tpu.memory_space<vmem>> -> memref<512xi32, #tpu.memory_space<vmem>>
      %dma_start3A_341 = arith.constant 0 : i32
      %dma_start3A_342 = tpu.memref_slice %arg3[%add3A_128, %dma_start3A_341] : memref<1024x512xi32, #tpu.memory_space<hbm>> -> memref<1x512xi32, #tpu.memory_space<hbm>>
      %dma_start3A_343 = tpu.memref_squeeze %dma_start3A_342 : memref<1x512xi32, #tpu.memory_space<hbm>> -> memref<512xi32, #tpu.memory_space<hbm>>
      tpu.enqueue_dma source(%dma_start3A_343 : memref<512xi32, #tpu.memory_space<hbm>>) target(%dma_start3A_340 : memref<512xi32, #tpu.memory_space<vmem>>) target_semaphore(%run_scoped3A : memref<!tpu.dma_semaphore, #tpu.memory_space<semaphore_mem>>)
      %dma_wait3A_344 = arith.constant 15360 : i32
      %dma_wait3A_345 = tpu.memref_slice %arg8[%dma_wait3A_344] : memref<16384xi32, #tpu.memory_space<vmem>> -> memref<512xi32, #tpu.memory_space<vmem>>
      %dma_wait3A_346 = arith.constant 0 : i32
      %dma_wait3A_347 = tpu.memref_slice %arg3[%add3A_128, %dma_wait3A_346] : memref<1024x512xi32, #tpu.memory_space<hbm>> -> memref<1x512xi32, #tpu.memory_space<hbm>>
      %dma_wait3A_348 = tpu.memref_squeeze %dma_wait3A_347 : memref<1x512xi32, #tpu.memory_space<hbm>> -> memref<512xi32, #tpu.memory_space<hbm>>
      %dma_wait3A_349 = arith.constant 15360 : i32
      %dma_wait3A_350 = tpu.memref_slice %arg8[%dma_wait3A_349] : memref<16384xi32, #tpu.memory_space<vmem>> -> memref<512xi32, #tpu.memory_space<vmem>>
      %dma_wait3A_351 = arith.constant 0 : i32
      %dma_wait3A_352 = tpu.memref_slice %arg3[%add3A_128, %dma_wait3A_351] : memref<1024x512xi32, #tpu.memory_space<hbm>> -> memref<1x512xi32, #tpu.memory_space<hbm>>
      %dma_wait3A_353 = tpu.memref_squeeze %dma_wait3A_352 : memref<1x512xi32, #tpu.memory_space<hbm>> -> memref<512xi32, #tpu.memory_space<hbm>>
      tpu.wait_dma2 semaphore(%run_scoped3A : memref<!tpu.dma_semaphore, #tpu.memory_space<semaphore_mem>>) src(%dma_wait3A_353 : memref<512xi32, #tpu.memory_space<hbm>>) dst(%dma_wait3A_350 : memref<512xi32, #tpu.memory_space<vmem>>)
      tpu.yield
    }) : () -> ()
    %add3A_129 = arith.constant 31 : i32
    %add3A_130 = arith.addi %mul3A_4, %add3A_129 : i32
    "tpu.region"() ({
      %run_scoped3A = tpu.sem_alloc : memref<!tpu.dma_semaphore, #tpu.memory_space<semaphore_mem>>
      %dma_start3A_334 = arith.constant 15872 : i32
      %dma_start3A_335 = tpu.memref_slice %arg7[%dma_start3A_334] : memref<16384xi32, #tpu.memory_space<vmem>> -> memref<512xi32, #tpu.memory_space<vmem>>
      %dma_start3A_336 = arith.constant 0 : i32
      %dma_start3A_337 = tpu.memref_slice %arg2[%add3A_130, %dma_start3A_336] : memref<1024x512xi32, #tpu.memory_space<hbm>> -> memref<1x512xi32, #tpu.memory_space<hbm>>
      %dma_start3A_338 = tpu.memref_squeeze %dma_start3A_337 : memref<1x512xi32, #tpu.memory_space<hbm>> -> memref<512xi32, #tpu.memory_space<hbm>>
      %dma_start3A_339 = arith.constant 15872 : i32
      %dma_start3A_340 = tpu.memref_slice %arg7[%dma_start3A_339] : memref<16384xi32, #tpu.memory_space<vmem>> -> memref<512xi32, #tpu.memory_space<vmem>>
      %dma_start3A_341 = arith.constant 0 : i32
      %dma_start3A_342 = tpu.memref_slice %arg2[%add3A_130, %dma_start3A_341] : memref<1024x512xi32, #tpu.memory_space<hbm>> -> memref<1x512xi32, #tpu.memory_space<hbm>>
      %dma_start3A_343 = tpu.memref_squeeze %dma_start3A_342 : memref<1x512xi32, #tpu.memory_space<hbm>> -> memref<512xi32, #tpu.memory_space<hbm>>
      tpu.enqueue_dma source(%dma_start3A_343 : memref<512xi32, #tpu.memory_space<hbm>>) target(%dma_start3A_340 : memref<512xi32, #tpu.memory_space<vmem>>) target_semaphore(%run_scoped3A : memref<!tpu.dma_semaphore, #tpu.memory_space<semaphore_mem>>)
      %dma_wait3A_344 = arith.constant 15872 : i32
      %dma_wait3A_345 = tpu.memref_slice %arg7[%dma_wait3A_344] : memref<16384xi32, #tpu.memory_space<vmem>> -> memref<512xi32, #tpu.memory_space<vmem>>
      %dma_wait3A_346 = arith.constant 0 : i32
      %dma_wait3A_347 = tpu.memref_slice %arg2[%add3A_130, %dma_wait3A_346] : memref<1024x512xi32, #tpu.memory_space<hbm>> -> memref<1x512xi32, #tpu.memory_space<hbm>>
      %dma_wait3A_348 = tpu.memref_squeeze %dma_wait3A_347 : memref<1x512xi32, #tpu.memory_space<hbm>> -> memref<512xi32, #tpu.memory_space<hbm>>
      %dma_wait3A_349 = arith.constant 15872 : i32
      %dma_wait3A_350 = tpu.memref_slice %arg7[%dma_wait3A_349] : memref<16384xi32, #tpu.memory_space<vmem>> -> memref<512xi32, #tpu.memory_space<vmem>>
      %dma_wait3A_351 = arith.constant 0 : i32
      %dma_wait3A_352 = tpu.memref_slice %arg2[%add3A_130, %dma_wait3A_351] : memref<1024x512xi32, #tpu.memory_space<hbm>> -> memref<1x512xi32, #tpu.memory_space<hbm>>
      %dma_wait3A_353 = tpu.memref_squeeze %dma_wait3A_352 : memref<1x512xi32, #tpu.memory_space<hbm>> -> memref<512xi32, #tpu.memory_space<hbm>>
      tpu.wait_dma2 semaphore(%run_scoped3A : memref<!tpu.dma_semaphore, #tpu.memory_space<semaphore_mem>>) src(%dma_wait3A_353 : memref<512xi32, #tpu.memory_space<hbm>>) dst(%dma_wait3A_350 : memref<512xi32, #tpu.memory_space<vmem>>)
      tpu.yield
    }) : () -> ()
    %add3A_131 = arith.constant 31 : i32
    %add3A_132 = arith.addi %mul3A_4, %add3A_131 : i32
    "tpu.region"() ({
      %run_scoped3A = tpu.sem_alloc : memref<!tpu.dma_semaphore, #tpu.memory_space<semaphore_mem>>
      %dma_start3A_334 = arith.constant 15872 : i32
      %dma_start3A_335 = tpu.memref_slice %arg8[%dma_start3A_334] : memref<16384xi32, #tpu.memory_space<vmem>> -> memref<512xi32, #tpu.memory_space<vmem>>
      %dma_start3A_336 = arith.constant 0 : i32
      %dma_start3A_337 = tpu.memref_slice %arg3[%add3A_132, %dma_start3A_336] : memref<1024x512xi32, #tpu.memory_space<hbm>> -> memref<1x512xi32, #tpu.memory_space<hbm>>
      %dma_start3A_338 = tpu.memref_squeeze %dma_start3A_337 : memref<1x512xi32, #tpu.memory_space<hbm>> -> memref<512xi32, #tpu.memory_space<hbm>>
      %dma_start3A_339 = arith.constant 15872 : i32
      %dma_start3A_340 = tpu.memref_slice %arg8[%dma_start3A_339] : memref<16384xi32, #tpu.memory_space<vmem>> -> memref<512xi32, #tpu.memory_space<vmem>>
      %dma_start3A_341 = arith.constant 0 : i32
      %dma_start3A_342 = tpu.memref_slice %arg3[%add3A_132, %dma_start3A_341] : memref<1024x512xi32, #tpu.memory_space<hbm>> -> memref<1x512xi32, #tpu.memory_space<hbm>>
      %dma_start3A_343 = tpu.memref_squeeze %dma_start3A_342 : memref<1x512xi32, #tpu.memory_space<hbm>> -> memref<512xi32, #tpu.memory_space<hbm>>
      tpu.enqueue_dma source(%dma_start3A_343 : memref<512xi32, #tpu.memory_space<hbm>>) target(%dma_start3A_340 : memref<512xi32, #tpu.memory_space<vmem>>) target_semaphore(%run_scoped3A : memref<!tpu.dma_semaphore, #tpu.memory_space<semaphore_mem>>)
      %dma_wait3A_344 = arith.constant 15872 : i32
      %dma_wait3A_345 = tpu.memref_slice %arg8[%dma_wait3A_344] : memref<16384xi32, #tpu.memory_space<vmem>> -> memref<512xi32, #tpu.memory_space<vmem>>
      %dma_wait3A_346 = arith.constant 0 : i32
      %dma_wait3A_347 = tpu.memref_slice %arg3[%add3A_132, %dma_wait3A_346] : memref<1024x512xi32, #tpu.memory_space<hbm>> -> memref<1x512xi32, #tpu.memory_space<hbm>>
      %dma_wait3A_348 = tpu.memref_squeeze %dma_wait3A_347 : memref<1x512xi32, #tpu.memory_space<hbm>> -> memref<512xi32, #tpu.memory_space<hbm>>
      %dma_wait3A_349 = arith.constant 15872 : i32
      %dma_wait3A_350 = tpu.memref_slice %arg8[%dma_wait3A_349] : memref<16384xi32, #tpu.memory_space<vmem>> -> memref<512xi32, #tpu.memory_space<vmem>>
      %dma_wait3A_351 = arith.constant 0 : i32
      %dma_wait3A_352 = tpu.memref_slice %arg3[%add3A_132, %dma_wait3A_351] : memref<1024x512xi32, #tpu.memory_space<hbm>> -> memref<1x512xi32, #tpu.memory_space<hbm>>
      %dma_wait3A_353 = tpu.memref_squeeze %dma_wait3A_352 : memref<1x512xi32, #tpu.memory_space<hbm>> -> memref<512xi32, #tpu.memory_space<hbm>>
      tpu.wait_dma2 semaphore(%run_scoped3A : memref<!tpu.dma_semaphore, #tpu.memory_space<semaphore_mem>>) src(%dma_wait3A_353 : memref<512xi32, #tpu.memory_space<hbm>>) dst(%dma_wait3A_350 : memref<512xi32, #tpu.memory_space<vmem>>)
      tpu.yield
    }) : () -> ()
    %scan3A = arith.constant 0 : i32
    %scan3A_133 = arith.constant 0 : i32
    %scan3A_134 = arith.constant 1024 : i32
    %scan3A_135 = arith.addi %scan3A_133, %scan3A_134 : i32
    %scan3A_136 = arith.constant 1 : i32
    scf.for %scan3A_334 = %scan3A_133 to %scan3A_135 step %scan3A_136  : i32 {
      %mul3A_335 = arith.constant 16 : i32
      %mul3A_336 = arith.muli %scan3A_334, %mul3A_335 : i32
      %get3A = arith.index_cast %mul3A_336 : i32 to index
      %get3A_337 = tpu.vector_load %arg8[%get3A] {strides = array<i32>} : memref<16384xi32, #tpu.memory_space<vmem>>, vector<16xi32>,
      %get3A_338 = vector.shape_cast %get3A_337 : vector<16xi32> to vector<16xi32>
      %mul3A_339 = arith.constant 512 : i32
      %mul3A_340 = vector.broadcast %mul3A_339 : i32 to vector<16xi32>
      %mul3A_341 = arith.muli %get3A_338, %mul3A_340 : vector<16xi32>
      %rem3A_342 = arith.constant 32 : i32
      %rem3A_343 = arith.remsi %scan3A_334, %rem3A_342 : i32
      %mul3A_344 = arith.constant 16 : i32
      %mul3A_345 = arith.muli %rem3A_343, %mul3A_344 : i32
      %add3A_346 = vector.broadcast %mul3A_345 : i32 to vector<16xi32>
      %add3A_347 = arith.addi %mul3A_341, %add3A_346 : vector<16xi32>
      %add3A_348 = arith.addi %add3A_347, %iota3A : vector<16xi32>
      %swap3A = arith.index_cast %mul3A_336 : i32 to index
      %swap3A_349 = tpu.vector_load %arg8[%swap3A] {strides = array<i32>} : memref<16384xi32, #tpu.memory_space<vmem>>, vector<16xi32>,
      %swap3A_350 = vector.shape_cast %swap3A_349 : vector<16xi32> to vector<16xi32>
      %swap3A_351 = vector.shape_cast %add3A_348 : vector<16xi32> to vector<16xi32>
      tpu.vector_store %arg8[%swap3A], %swap3A_351 {strides = array<i32>} : memref<16384xi32, #tpu.memory_space<vmem>>, vector<16xi32>,
    }
    %scan3A_137 = arith.constant 1024 : i32
    %dma_start3A = arith.constant 0 : i32
    %dma_start3A_138 = arith.constant 0 : i32
    %dma_start3A_139 = tpu.memref_slice %arg9[%dma_start3A, %dma_start3A_138] : memref<128x64xf32, #tpu.memory_space<vmem>> -> memref<128x64xf32, #tpu.memory_space<vmem>>
    %dma_start3A_140 = arith.constant 0 : i32
    %dma_start3A_141 = tpu.memref_slice %arg7[%dma_start3A_140] : memref<16384xi32, #tpu.memory_space<vmem>> -> memref<128xi32, #tpu.memory_space<vmem>>
    %dma_start3A_142 = arith.constant 0 : i32
    %dma_start3A_143 = arith.constant 0 : i32
    %dma_start3A_144 = tpu.memref_slice %arg4[%dma_start3A_142, %dma_start3A_143] : memref<1000000x64xf32, #tpu.memory_space<hbm>> -> memref<1000000x64xf32, #tpu.memory_space<hbm>>
    tpu.enqueue_indirect_dma source(%dma_start3A_144 : memref<1000000x64xf32, #tpu.memory_space<hbm>>) target(%dma_start3A_139 : memref<128x64xf32, #tpu.memory_space<vmem>>) offsets(%dma_start3A_141 : memref<128xi32, #tpu.memory_space<vmem>>) semaphore(%arg17 : memref<!tpu.dma_semaphore, #tpu.memory_space<semaphore_mem>>)
    %dma_start3A_145 = arith.constant 0 : i32
    %dma_start3A_146 = arith.constant 0 : i32
    %dma_start3A_147 = tpu.memref_slice %arg13[%dma_start3A_145, %dma_start3A_146] : memref<128x64xf32, #tpu.memory_space<vmem>> -> memref<128x64xf32, #tpu.memory_space<vmem>>
    %dma_start3A_148 = arith.constant 0 : i32
    %dma_start3A_149 = tpu.memref_slice %arg8[%dma_start3A_148] : memref<16384xi32, #tpu.memory_space<vmem>> -> memref<128xi32, #tpu.memory_space<vmem>>
    %dma_start3A_150 = arith.constant 0 : i32
    %dma_start3A_151 = arith.constant 0 : i32
    %dma_start3A_152 = tpu.memref_slice %arg5[%dma_start3A_150, %dma_start3A_151] : memref<8192x64xf32, #tpu.memory_space<hbm>> -> memref<8192x64xf32, #tpu.memory_space<hbm>>
    tpu.enqueue_indirect_dma source(%dma_start3A_152 : memref<8192x64xf32, #tpu.memory_space<hbm>>) target(%dma_start3A_147 : memref<128x64xf32, #tpu.memory_space<vmem>>) offsets(%dma_start3A_149 : memref<128xi32, #tpu.memory_space<vmem>>) semaphore(%arg21 : memref<!tpu.dma_semaphore, #tpu.memory_space<semaphore_mem>>)
    %dma_start3A_153 = arith.constant 0 : i32
    %dma_start3A_154 = arith.constant 0 : i32
    %dma_start3A_155 = tpu.memref_slice %arg10[%dma_start3A_153, %dma_start3A_154] : memref<128x64xf32, #tpu.memory_space<vmem>> -> memref<128x64xf32, #tpu.memory_space<vmem>>
    %dma_start3A_156 = arith.constant 128 : i32
    %dma_start3A_157 = tpu.memref_slice %arg7[%dma_start3A_156] : memref<16384xi32, #tpu.memory_space<vmem>> -> memref<128xi32, #tpu.memory_space<vmem>>
    %dma_start3A_158 = arith.constant 0 : i32
    %dma_start3A_159 = arith.constant 0 : i32
    %dma_start3A_160 = tpu.memref_slice %arg4[%dma_start3A_158, %dma_start3A_159] : memref<1000000x64xf32, #tpu.memory_space<hbm>> -> memref<1000000x64xf32, #tpu.memory_space<hbm>>
    tpu.enqueue_indirect_dma source(%dma_start3A_160 : memref<1000000x64xf32, #tpu.memory_space<hbm>>) target(%dma_start3A_155 : memref<128x64xf32, #tpu.memory_space<vmem>>) offsets(%dma_start3A_157 : memref<128xi32, #tpu.memory_space<vmem>>) semaphore(%arg18 : memref<!tpu.dma_semaphore, #tpu.memory_space<semaphore_mem>>)
    %dma_start3A_161 = arith.constant 0 : i32
    %dma_start3A_162 = arith.constant 0 : i32
    %dma_start3A_163 = tpu.memref_slice %arg14[%dma_start3A_161, %dma_start3A_162] : memref<128x64xf32, #tpu.memory_space<vmem>> -> memref<128x64xf32, #tpu.memory_space<vmem>>
    %dma_start3A_164 = arith.constant 128 : i32
    %dma_start3A_165 = tpu.memref_slice %arg8[%dma_start3A_164] : memref<16384xi32, #tpu.memory_space<vmem>> -> memref<128xi32, #tpu.memory_space<vmem>>
    %dma_start3A_166 = arith.constant 0 : i32
    %dma_start3A_167 = arith.constant 0 : i32
    %dma_start3A_168 = tpu.memref_slice %arg5[%dma_start3A_166, %dma_start3A_167] : memref<8192x64xf32, #tpu.memory_space<hbm>> -> memref<8192x64xf32, #tpu.memory_space<hbm>>
    tpu.enqueue_indirect_dma source(%dma_start3A_168 : memref<8192x64xf32, #tpu.memory_space<hbm>>) target(%dma_start3A_163 : memref<128x64xf32, #tpu.memory_space<vmem>>) offsets(%dma_start3A_165 : memref<128xi32, #tpu.memory_space<vmem>>) semaphore(%arg22 : memref<!tpu.dma_semaphore, #tpu.memory_space<semaphore_mem>>)
    %dma_start3A_169 = arith.constant 0 : i32
    %dma_start3A_170 = arith.constant 0 : i32
    %dma_start3A_171 = tpu.memref_slice %arg11[%dma_start3A_169, %dma_start3A_170] : memref<128x64xf32, #tpu.memory_space<vmem>> -> memref<128x64xf32, #tpu.memory_space<vmem>>
    %dma_start3A_172 = arith.constant 256 : i32
    %dma_start3A_173 = tpu.memref_slice %arg7[%dma_start3A_172] : memref<16384xi32, #tpu.memory_space<vmem>> -> memref<128xi32, #tpu.memory_space<vmem>>
    %dma_start3A_174 = arith.constant 0 : i32
    %dma_start3A_175 = arith.constant 0 : i32
    %dma_start3A_176 = tpu.memref_slice %arg4[%dma_start3A_174, %dma_start3A_175] : memref<1000000x64xf32, #tpu.memory_space<hbm>> -> memref<1000000x64xf32, #tpu.memory_space<hbm>>
    tpu.enqueue_indirect_dma source(%dma_start3A_176 : memref<1000000x64xf32, #tpu.memory_space<hbm>>) target(%dma_start3A_171 : memref<128x64xf32, #tpu.memory_space<vmem>>) offsets(%dma_start3A_173 : memref<128xi32, #tpu.memory_space<vmem>>) semaphore(%arg19 : memref<!tpu.dma_semaphore, #tpu.memory_space<semaphore_mem>>)
    %dma_start3A_177 = arith.constant 0 : i32
    %dma_start3A_178 = arith.constant 0 : i32
    %dma_start3A_179 = tpu.memref_slice %arg15[%dma_start3A_177, %dma_start3A_178] : memref<128x64xf32, #tpu.memory_space<vmem>> -> memref<128x64xf32, #tpu.memory_space<vmem>>
    %dma_start3A_180 = arith.constant 256 : i32
    %dma_start3A_181 = tpu.memref_slice %arg8[%dma_start3A_180] : memref<16384xi32, #tpu.memory_space<vmem>> -> memref<128xi32, #tpu.memory_space<vmem>>
    %dma_start3A_182 = arith.constant 0 : i32
    %dma_start3A_183 = arith.constant 0 : i32
    %dma_start3A_184 = tpu.memref_slice %arg5[%dma_start3A_182, %dma_start3A_183] : memref<8192x64xf32, #tpu.memory_space<hbm>> -> memref<8192x64xf32, #tpu.memory_space<hbm>>
    tpu.enqueue_indirect_dma source(%dma_start3A_184 : memref<8192x64xf32, #tpu.memory_space<hbm>>) target(%dma_start3A_179 : memref<128x64xf32, #tpu.memory_space<vmem>>) offsets(%dma_start3A_181 : memref<128xi32, #tpu.memory_space<vmem>>) semaphore(%arg23 : memref<!tpu.dma_semaphore, #tpu.memory_space<semaphore_mem>>)
    %dma_start3A_185 = arith.constant 0 : i32
    %dma_start3A_186 = arith.constant 0 : i32
    %dma_start3A_187 = tpu.memref_slice %arg12[%dma_start3A_185, %dma_start3A_186] : memref<128x64xf32, #tpu.memory_space<vmem>> -> memref<128x64xf32, #tpu.memory_space<vmem>>
    %dma_start3A_188 = arith.constant 384 : i32
    %dma_start3A_189 = tpu.memref_slice %arg7[%dma_start3A_188] : memref<16384xi32, #tpu.memory_space<vmem>> -> memref<128xi32, #tpu.memory_space<vmem>>
    %dma_start3A_190 = arith.constant 0 : i32
    %dma_start3A_191 = arith.constant 0 : i32
    %dma_start3A_192 = tpu.memref_slice %arg4[%dma_start3A_190, %dma_start3A_191] : memref<1000000x64xf32, #tpu.memory_space<hbm>> -> memref<1000000x64xf32, #tpu.memory_space<hbm>>
    tpu.enqueue_indirect_dma source(%dma_start3A_192 : memref<1000000x64xf32, #tpu.memory_space<hbm>>) target(%dma_start3A_187 : memref<128x64xf32, #tpu.memory_space<vmem>>) offsets(%dma_start3A_189 : memref<128xi32, #tpu.memory_space<vmem>>) semaphore(%arg20 : memref<!tpu.dma_semaphore, #tpu.memory_space<semaphore_mem>>)
    %dma_start3A_193 = arith.constant 0 : i32
    %dma_start3A_194 = arith.constant 0 : i32
    %dma_start3A_195 = tpu.memref_slice %arg16[%dma_start3A_193, %dma_start3A_194] : memref<128x64xf32, #tpu.memory_space<vmem>> -> memref<128x64xf32, #tpu.memory_space<vmem>>
    %dma_start3A_196 = arith.constant 384 : i32
    %dma_start3A_197 = tpu.memref_slice %arg8[%dma_start3A_196] : memref<16384xi32, #tpu.memory_space<vmem>> -> memref<128xi32, #tpu.memory_space<vmem>>
    %dma_start3A_198 = arith.constant 0 : i32
    %dma_start3A_199 = arith.constant 0 : i32
    %dma_start3A_200 = tpu.memref_slice %arg5[%dma_start3A_198, %dma_start3A_199] : memref<8192x64xf32, #tpu.memory_space<hbm>> -> memref<8192x64xf32, #tpu.memory_space<hbm>>
    tpu.enqueue_indirect_dma source(%dma_start3A_200 : memref<8192x64xf32, #tpu.memory_space<hbm>>) target(%dma_start3A_195 : memref<128x64xf32, #tpu.memory_space<vmem>>) offsets(%dma_start3A_197 : memref<128xi32, #tpu.memory_space<vmem>>) semaphore(%arg24 : memref<!tpu.dma_semaphore, #tpu.memory_space<semaphore_mem>>)
    %scan3A_201 = arith.constant 0 : i32
    %scan3A_202 = arith.constant 0 : i32
    %scan3A_203 = arith.constant 32 : i32
    %scan3A_204 = arith.addi %scan3A_202, %scan3A_203 : i32
    %scan3A_205 = arith.constant 1 : i32
    scf.for %scan3A_334 = %scan3A_202 to %scan3A_204 step %scan3A_205  : i32 {
      %mul3A_335 = arith.constant 4 : i32
      %mul3A_336 = arith.muli %scan3A_334, %mul3A_335 : i32
      %add3A_337 = arith.constant 0 : i32
      %add3A_338 = arith.addi %mul3A_336, %add3A_337 : i32
      %mul3A_339 = arith.constant 128 : i32
      %mul3A_340 = arith.muli %add3A_338, %mul3A_339 : i32
      %add3A_341 = arith.constant 0 : i32
      %add3A_342 = arith.addi %mul3A_340, %add3A_341 : i32
      %dma_wait3A_343 = arith.constant 0 : i32
      %dma_wait3A_344 = arith.constant 0 : i32
      %dma_wait3A_345 = tpu.memref_slice %arg9[%dma_wait3A_343, %dma_wait3A_344] : memref<128x64xf32, #tpu.memory_space<vmem>> -> memref<128x64xf32, #tpu.memory_space<vmem>>
      %dma_wait3A_346 = tpu.memref_slice %arg7[%add3A_342] : memref<16384xi32, #tpu.memory_space<vmem>> -> memref<128xi32, #tpu.memory_space<vmem>>
      %dma_wait3A_347 = arith.constant 0 : i32
      %dma_wait3A_348 = arith.constant 0 : i32
      %dma_wait3A_349 = tpu.memref_slice %arg4[%dma_wait3A_347, %dma_wait3A_348] : memref<1000000x64xf32, #tpu.memory_space<hbm>> -> memref<1000000x64xf32, #tpu.memory_space<hbm>>
      tpu.wait_indirect_dma semaphore(%arg17 : memref<!tpu.dma_semaphore, #tpu.memory_space<semaphore_mem>>) src(%dma_wait3A_349 : memref<1000000x64xf32, #tpu.memory_space<hbm>>) dst(%dma_wait3A_345 : memref<128x64xf32, #tpu.memory_space<vmem>>)
      %dma_wait3A_350 = arith.constant 0 : i32
      %dma_wait3A_351 = arith.constant 0 : i32
      %dma_wait3A_352 = tpu.memref_slice %arg13[%dma_wait3A_350, %dma_wait3A_351] : memref<128x64xf32, #tpu.memory_space<vmem>> -> memref<128x64xf32, #tpu.memory_space<vmem>>
      %dma_wait3A_353 = tpu.memref_slice %arg8[%add3A_342] : memref<16384xi32, #tpu.memory_space<vmem>> -> memref<128xi32, #tpu.memory_space<vmem>>
      %dma_wait3A_354 = arith.constant 0 : i32
      %dma_wait3A_355 = arith.constant 0 : i32
      %dma_wait3A_356 = tpu.memref_slice %arg5[%dma_wait3A_354, %dma_wait3A_355] : memref<8192x64xf32, #tpu.memory_space<hbm>> -> memref<8192x64xf32, #tpu.memory_space<hbm>>
      tpu.wait_indirect_dma semaphore(%arg21 : memref<!tpu.dma_semaphore, #tpu.memory_space<semaphore_mem>>) src(%dma_wait3A_356 : memref<8192x64xf32, #tpu.memory_space<hbm>>) dst(%dma_wait3A_352 : memref<128x64xf32, #tpu.memory_space<vmem>>)
      %scan3A_357 = arith.constant 0 : i32
      %scan3A_358 = arith.constant 0 : i32
      %scan3A_359 = arith.constant 128 : i32
      %scan3A_360 = arith.addi %scan3A_358, %scan3A_359 : i32
      %scan3A_361 = arith.constant 1 : i32
      scf.for %scan3A_612 = %scan3A_358 to %scan3A_360 step %scan3A_361  : i32 {
        %get3A = arith.index_cast %scan3A_612 : i32 to index
        %get3A_613 = arith.constant 0 : index
        %get3A_614 = tpu.vector_load %arg9[%get3A, %get3A_613] {strides = array<i32>} : memref<128x64xf32, #tpu.memory_space<vmem>>, vector<1x16xf32>,
        %get3A_615 = vector.shape_cast %get3A_614 : vector<1x16xf32> to vector<16xf32>
        %get3A_616 = arith.index_cast %scan3A_612 : i32 to index
        %get3A_617 = arith.constant 0 : index
        %get3A_618 = tpu.vector_load %arg13[%get3A_616, %get3A_617] {strides = array<i32>} : memref<128x64xf32, #tpu.memory_space<vmem>>, vector<1x16xf32>,
        %get3A_619 = vector.shape_cast %get3A_618 : vector<1x16xf32> to vector<16xf32>
        %add3A_620 = arith.addf %get3A_615, %get3A_619 : vector<16xf32>
        %swap3A = arith.index_cast %scan3A_612 : i32 to index
        %swap3A_621 = arith.constant 0 : index
        %swap3A_622 = tpu.vector_load %arg9[%swap3A, %swap3A_621] {strides = array<i32>} : memref<128x64xf32, #tpu.memory_space<vmem>>, vector<1x16xf32>,
        %swap3A_623 = vector.shape_cast %swap3A_622 : vector<1x16xf32> to vector<16xf32>
        %swap3A_624 = vector.shape_cast %add3A_620 : vector<16xf32> to vector<1x16xf32>
        tpu.vector_store %arg9[%swap3A, %swap3A_621], %swap3A_624 {strides = array<i32>} : memref<128x64xf32, #tpu.memory_space<vmem>>, vector<1x16xf32>,
        %get3A_625 = arith.index_cast %scan3A_612 : i32 to index
        %get3A_626 = arith.constant 16 : index
        %get3A_627 = tpu.vector_load %arg9[%get3A_625, %get3A_626] {strides = array<i32>} : memref<128x64xf32, #tpu.memory_space<vmem>>, vector<1x16xf32>,
        %get3A_628 = vector.shape_cast %get3A_627 : vector<1x16xf32> to vector<16xf32>
        %get3A_629 = arith.index_cast %scan3A_612 : i32 to index
        %get3A_630 = arith.constant 16 : index
        %get3A_631 = tpu.vector_load %arg13[%get3A_629, %get3A_630] {strides = array<i32>} : memref<128x64xf32, #tpu.memory_space<vmem>>, vector<1x16xf32>,
        %get3A_632 = vector.shape_cast %get3A_631 : vector<1x16xf32> to vector<16xf32>
        %add3A_633 = arith.addf %get3A_628, %get3A_632 : vector<16xf32>
        %swap3A_634 = arith.index_cast %scan3A_612 : i32 to index
        %swap3A_635 = arith.constant 16 : index
        %swap3A_636 = tpu.vector_load %arg9[%swap3A_634, %swap3A_635] {strides = array<i32>} : memref<128x64xf32, #tpu.memory_space<vmem>>, vector<1x16xf32>,
        %swap3A_637 = vector.shape_cast %swap3A_636 : vector<1x16xf32> to vector<16xf32>
        %swap3A_638 = vector.shape_cast %add3A_633 : vector<16xf32> to vector<1x16xf32>
        tpu.vector_store %arg9[%swap3A_634, %swap3A_635], %swap3A_638 {strides = array<i32>} : memref<128x64xf32, #tpu.memory_space<vmem>>, vector<1x16xf32>,
        %get3A_639 = arith.index_cast %scan3A_612 : i32 to index
        %get3A_640 = arith.constant 32 : index
        %get3A_641 = tpu.vector_load %arg9[%get3A_639, %get3A_640] {strides = array<i32>} : memref<128x64xf32, #tpu.memory_space<vmem>>, vector<1x16xf32>,
        %get3A_642 = vector.shape_cast %get3A_641 : vector<1x16xf32> to vector<16xf32>
        %get3A_643 = arith.index_cast %scan3A_612 : i32 to index
        %get3A_644 = arith.constant 32 : index
        %get3A_645 = tpu.vector_load %arg13[%get3A_643, %get3A_644] {strides = array<i32>} : memref<128x64xf32, #tpu.memory_space<vmem>>, vector<1x16xf32>,
        %get3A_646 = vector.shape_cast %get3A_645 : vector<1x16xf32> to vector<16xf32>
        %add3A_647 = arith.addf %get3A_642, %get3A_646 : vector<16xf32>
        %swap3A_648 = arith.index_cast %scan3A_612 : i32 to index
        %swap3A_649 = arith.constant 32 : index
        %swap3A_650 = tpu.vector_load %arg9[%swap3A_648, %swap3A_649] {strides = array<i32>} : memref<128x64xf32, #tpu.memory_space<vmem>>, vector<1x16xf32>,
        %swap3A_651 = vector.shape_cast %swap3A_650 : vector<1x16xf32> to vector<16xf32>
        %swap3A_652 = vector.shape_cast %add3A_647 : vector<16xf32> to vector<1x16xf32>
        tpu.vector_store %arg9[%swap3A_648, %swap3A_649], %swap3A_652 {strides = array<i32>} : memref<128x64xf32, #tpu.memory_space<vmem>>, vector<1x16xf32>,
        %get3A_653 = arith.index_cast %scan3A_612 : i32 to index
        %get3A_654 = arith.constant 48 : index
        %get3A_655 = tpu.vector_load %arg9[%get3A_653, %get3A_654] {strides = array<i32>} : memref<128x64xf32, #tpu.memory_space<vmem>>, vector<1x16xf32>,
        %get3A_656 = vector.shape_cast %get3A_655 : vector<1x16xf32> to vector<16xf32>
        %get3A_657 = arith.index_cast %scan3A_612 : i32 to index
        %get3A_658 = arith.constant 48 : index
        %get3A_659 = tpu.vector_load %arg13[%get3A_657, %get3A_658] {strides = array<i32>} : memref<128x64xf32, #tpu.memory_space<vmem>>, vector<1x16xf32>,
        %get3A_660 = vector.shape_cast %get3A_659 : vector<1x16xf32> to vector<16xf32>
        %add3A_661 = arith.addf %get3A_656, %get3A_660 : vector<16xf32>
        %swap3A_662 = arith.index_cast %scan3A_612 : i32 to index
        %swap3A_663 = arith.constant 48 : index
        %swap3A_664 = tpu.vector_load %arg9[%swap3A_662, %swap3A_663] {strides = array<i32>} : memref<128x64xf32, #tpu.memory_space<vmem>>, vector<1x16xf32>,
        %swap3A_665 = vector.shape_cast %swap3A_664 : vector<1x16xf32> to vector<16xf32>
        %swap3A_666 = vector.shape_cast %add3A_661 : vector<16xf32> to vector<1x16xf32>
        tpu.vector_store %arg9[%swap3A_662, %swap3A_663], %swap3A_666 {strides = array<i32>} : memref<128x64xf32, #tpu.memory_space<vmem>>, vector<1x16xf32>,
      }
      %scan3A_362 = arith.constant 128 : i32
      %mul3A_363 = arith.constant 128 : i32
      %mul3A_364 = arith.muli %add3A_338, %mul3A_363 : i32
      %add3A_365 = arith.addi %mul3A_2, %mul3A_364 : i32
      %jit3A_366 = arith.constant 512 : i32
      %div3A_367 = arith.divsi %add3A_365, %jit3A_366 : i32
      %sign3A_368 = arith.constant 0 : i32
      %sign3A_369 = arith.cmpi sgt, %add3A_365, %sign3A_368 : i32
      %sign3A_370 = arith.extui %sign3A_369 : i1 to i32
      %sign3A_371 = arith.constant 0 : i32
      %sign3A_372 = arith.cmpi slt, %add3A_365, %sign3A_371 : i32
      %sign3A_373 = arith.extui %sign3A_372 : i1 to i32
      %sign3A_374 = arith.subi %sign3A_370, %sign3A_373 : i32
      %sign3A_375 = arith.constant 0 : i32
      %sign3A_376 = arith.cmpi sgt, %jit3A_366, %sign3A_375 : i32
      %sign3A_377 = arith.extui %sign3A_376 : i1 to i32
      %sign3A_378 = arith.constant 0 : i32
      %sign3A_379 = arith.cmpi slt, %jit3A_366, %sign3A_378 : i32
      %sign3A_380 = arith.extui %sign3A_379 : i1 to i32
      %sign3A_381 = arith.subi %sign3A_377, %sign3A_380 : i32
      %ne3A_382 = arith.cmpi ne, %sign3A_374, %sign3A_381 : i32
      %rem3A_383 = arith.remsi %add3A_365, %jit3A_366 : i32
      %ne3A_384 = arith.constant 0 : i32
      %ne3A_385 = arith.cmpi ne, %rem3A_383, %ne3A_384 : i32
      %and3A_386 = arith.andi %ne3A_382, %ne3A_385 : i1
      %sub3A_387 = arith.constant 1 : i32
      %sub3A_388 = arith.subi %div3A_367, %sub3A_387 : i32
      %select_n3A_389 = arith.select %and3A_386, %sub3A_388, %div3A_367 : i32
      %rem3A_390 = arith.constant 512 : i32
      %rem3A_391 = arith.remsi %add3A_365, %rem3A_390 : i32
      %dma_start3A_392 = arith.constant 0 : i32
      %dma_start3A_393 = tpu.memref_slice %arg6[%select_n3A_389, %rem3A_391, %dma_start3A_392] : memref<1024x512x64xf32, #tpu.memory_space<hbm>> -> memref<1x128x64xf32, #tpu.memory_space<hbm>>
      %dma_start3A_394 = tpu.memref_squeeze %dma_start3A_393 : memref<1x128x64xf32, #tpu.memory_space<hbm>> -> memref<128x64xf32, #tpu.memory_space<hbm>>
      %dma_start3A_395 = arith.constant 0 : i32
      %dma_start3A_396 = tpu.memref_slice %arg6[%select_n3A_389, %rem3A_391, %dma_start3A_395] : memref<1024x512x64xf32, #tpu.memory_space<hbm>> -> memref<1x128x64xf32, #tpu.memory_space<hbm>>
      %dma_start3A_397 = tpu.memref_squeeze %dma_start3A_396 : memref<1x128x64xf32, #tpu.memory_space<hbm>> -> memref<128x64xf32, #tpu.memory_space<hbm>>
      tpu.enqueue_dma source(%arg9 : memref<128x64xf32, #tpu.memory_space<vmem>>) target(%dma_start3A_397 : memref<128x64xf32, #tpu.memory_space<hbm>>) target_semaphore(%arg25 : memref<!tpu.dma_semaphore, #tpu.memory_space<semaphore_mem>>)
      %add3A_398 = arith.constant 4 : i32
      %add3A_399 = arith.addi %add3A_338, %add3A_398 : i32
      %lt3A = arith.constant 128 : i32
      %lt3A_400 = arith.cmpi slt, %add3A_399, %lt3A : i32
      %convert_element_type3A = arith.extui %lt3A_400 : i1 to i32
      %cond3A = arith.constant 0 : i32
      %cond3A_401 = arith.cmpi ne, %convert_element_type3A, %cond3A : i32
      scf.if %cond3A_401 {
        %add3A_612 = arith.constant 4 : i32
        %add3A_613 = arith.addi %add3A_338, %add3A_612 : i32
        %ge3A = arith.constant 4 : i32
        %ge3A_614 = arith.cmpi sge, %add3A_613, %ge3A : i32
        %convert_element_type3A_615 = arith.extui %ge3A_614 : i1 to i32
        %cond3A_616 = arith.constant 0 : i32
        %cond3A_617 = arith.cmpi ne, %convert_element_type3A_615, %cond3A_616 : i32
        scf.if %cond3A_617 {
          %mul3A_636 = arith.constant 128 : i32
          %mul3A_637 = arith.muli %add3A_613, %mul3A_636 : i32
          %add3A_638 = arith.addi %mul3A_2, %mul3A_637 : i32
          %jit3A_639 = arith.constant 512 : i32
          %div3A_640 = arith.divsi %add3A_638, %jit3A_639 : i32
          %sign3A_641 = arith.constant 0 : i32
          %sign3A_642 = arith.cmpi sgt, %add3A_638, %sign3A_641 : i32
          %sign3A_643 = arith.extui %sign3A_642 : i1 to i32
          %sign3A_644 = arith.constant 0 : i32
          %sign3A_645 = arith.cmpi slt, %add3A_638, %sign3A_644 : i32
          %sign3A_646 = arith.extui %sign3A_645 : i1 to i32
          %sign3A_647 = arith.subi %sign3A_643, %sign3A_646 : i32
          %sign3A_648 = arith.constant 0 : i32
          %sign3A_649 = arith.cmpi sgt, %jit3A_639, %sign3A_648 : i32
          %sign3A_650 = arith.extui %sign3A_649 : i1 to i32
          %sign3A_651 = arith.constant 0 : i32
          %sign3A_652 = arith.cmpi slt, %jit3A_639, %sign3A_651 : i32
          %sign3A_653 = arith.extui %sign3A_652 : i1 to i32
          %sign3A_654 = arith.subi %sign3A_650, %sign3A_653 : i32
          %ne3A_655 = arith.cmpi ne, %sign3A_647, %sign3A_654 : i32
          %rem3A_656 = arith.remsi %add3A_638, %jit3A_639 : i32
          %ne3A_657 = arith.constant 0 : i32
          %ne3A_658 = arith.cmpi ne, %rem3A_656, %ne3A_657 : i32
          %and3A_659 = arith.andi %ne3A_655, %ne3A_658 : i1
          %sub3A_660 = arith.constant 1 : i32
          %sub3A_661 = arith.subi %div3A_640, %sub3A_660 : i32
          %select_n3A_662 = arith.select %and3A_659, %sub3A_661, %div3A_640 : i32
          %rem3A_663 = arith.constant 512 : i32
          %rem3A_664 = arith.remsi %add3A_638, %rem3A_663 : i32
          %dma_wait3A_665 = arith.constant 0 : i32
          %dma_wait3A_666 = tpu.memref_slice %arg6[%select_n3A_662, %rem3A_664, %dma_wait3A_665] : memref<1024x512x64xf32, #tpu.memory_space<hbm>> -> memref<1x128x64xf32, #tpu.memory_space<hbm>>
          %dma_wait3A_667 = tpu.memref_squeeze %dma_wait3A_666 : memref<1x128x64xf32, #tpu.memory_space<hbm>> -> memref<128x64xf32, #tpu.memory_space<hbm>>
          %dma_wait3A_668 = arith.constant 0 : i32
          %dma_wait3A_669 = tpu.memref_slice %arg6[%select_n3A_662, %rem3A_664, %dma_wait3A_668] : memref<1024x512x64xf32, #tpu.memory_space<hbm>> -> memref<1x128x64xf32, #tpu.memory_space<hbm>>
          %dma_wait3A_670 = tpu.memref_squeeze %dma_wait3A_669 : memref<1x128x64xf32, #tpu.memory_space<hbm>> -> memref<128x64xf32, #tpu.memory_space<hbm>>
          tpu.wait_dma2 semaphore(%arg25 : memref<!tpu.dma_semaphore, #tpu.memory_space<semaphore_mem>>) src(%arg9 : memref<128x64xf32, #tpu.memory_space<vmem>>) dst(%dma_wait3A_670 : memref<128x64xf32, #tpu.memory_space<hbm>>)
        } else {
        }
        %mul3A_618 = arith.constant 128 : i32
        %mul3A_619 = arith.muli %add3A_613, %mul3A_618 : i32
        %add3A_620 = arith.constant 0 : i32
        %add3A_621 = arith.addi %mul3A_619, %add3A_620 : i32
        %dma_start3A_622 = arith.constant 0 : i32
        %dma_start3A_623 = arith.constant 0 : i32
        %dma_start3A_624 = tpu.memref_slice %arg9[%dma_start3A_622, %dma_start3A_623] : memref<128x64xf32, #tpu.memory_space<vmem>> -> memref<128x64xf32, #tpu.memory_space<vmem>>
        %dma_start3A_625 = tpu.memref_slice %arg7[%add3A_621] : memref<16384xi32, #tpu.memory_space<vmem>> -> memref<128xi32, #tpu.memory_space<vmem>>
        %dma_start3A_626 = arith.constant 0 : i32
        %dma_start3A_627 = arith.constant 0 : i32
        %dma_start3A_628 = tpu.memref_slice %arg4[%dma_start3A_626, %dma_start3A_627] : memref<1000000x64xf32, #tpu.memory_space<hbm>> -> memref<1000000x64xf32, #tpu.memory_space<hbm>>
        tpu.enqueue_indirect_dma source(%dma_start3A_628 : memref<1000000x64xf32, #tpu.memory_space<hbm>>) target(%dma_start3A_624 : memref<128x64xf32, #tpu.memory_space<vmem>>) offsets(%dma_start3A_625 : memref<128xi32, #tpu.memory_space<vmem>>) semaphore(%arg17 : memref<!tpu.dma_semaphore, #tpu.memory_space<semaphore_mem>>)
        %dma_start3A_629 = arith.constant 0 : i32
        %dma_start3A_630 = arith.constant 0 : i32
        %dma_start3A_631 = tpu.memref_slice %arg13[%dma_start3A_629, %dma_start3A_630] : memref<128x64xf32, #tpu.memory_space<vmem>> -> memref<128x64xf32, #tpu.memory_space<vmem>>
        %dma_start3A_632 = tpu.memref_slice %arg8[%add3A_621] : memref<16384xi32, #tpu.memory_space<vmem>> -> memref<128xi32, #tpu.memory_space<vmem>>
        %dma_start3A_633 = arith.constant 0 : i32
        %dma_start3A_634 = arith.constant 0 : i32
        %dma_start3A_635 = tpu.memref_slice %arg5[%dma_start3A_633, %dma_start3A_634] : memref<8192x64xf32, #tpu.memory_space<hbm>> -> memref<8192x64xf32, #tpu.memory_space<hbm>>
        tpu.enqueue_indirect_dma source(%dma_start3A_635 : memref<8192x64xf32, #tpu.memory_space<hbm>>) target(%dma_start3A_631 : memref<128x64xf32, #tpu.memory_space<vmem>>) offsets(%dma_start3A_632 : memref<128xi32, #tpu.memory_space<vmem>>) semaphore(%arg21 : memref<!tpu.dma_semaphore, #tpu.memory_space<semaphore_mem>>)
      } else {
      }
      %mul3A_402 = arith.constant 4 : i32
      %mul3A_403 = arith.muli %scan3A_334, %mul3A_402 : i32
      %add3A_404 = arith.constant 1 : i32
      %add3A_405 = arith.addi %mul3A_403, %add3A_404 : i32
      %mul3A_406 = arith.constant 128 : i32
      %mul3A_407 = arith.muli %add3A_405, %mul3A_406 : i32
      %add3A_408 = arith.constant 0 : i32
      %add3A_409 = arith.addi %mul3A_407, %add3A_408 : i32
      %dma_wait3A_410 = arith.constant 0 : i32
      %dma_wait3A_411 = arith.constant 0 : i32
      %dma_wait3A_412 = tpu.memref_slice %arg10[%dma_wait3A_410, %dma_wait3A_411] : memref<128x64xf32, #tpu.memory_space<vmem>> -> memref<128x64xf32, #tpu.memory_space<vmem>>
      %dma_wait3A_413 = tpu.memref_slice %arg7[%add3A_409] : memref<16384xi32, #tpu.memory_space<vmem>> -> memref<128xi32, #tpu.memory_space<vmem>>
      %dma_wait3A_414 = arith.constant 0 : i32
      %dma_wait3A_415 = arith.constant 0 : i32
      %dma_wait3A_416 = tpu.memref_slice %arg4[%dma_wait3A_414, %dma_wait3A_415] : memref<1000000x64xf32, #tpu.memory_space<hbm>> -> memref<1000000x64xf32, #tpu.memory_space<hbm>>
      tpu.wait_indirect_dma semaphore(%arg18 : memref<!tpu.dma_semaphore, #tpu.memory_space<semaphore_mem>>) src(%dma_wait3A_416 : memref<1000000x64xf32, #tpu.memory_space<hbm>>) dst(%dma_wait3A_412 : memref<128x64xf32, #tpu.memory_space<vmem>>)
      %dma_wait3A_417 = arith.constant 0 : i32
      %dma_wait3A_418 = arith.constant 0 : i32
      %dma_wait3A_419 = tpu.memref_slice %arg14[%dma_wait3A_417, %dma_wait3A_418] : memref<128x64xf32, #tpu.memory_space<vmem>> -> memref<128x64xf32, #tpu.memory_space<vmem>>
      %dma_wait3A_420 = tpu.memref_slice %arg8[%add3A_409] : memref<16384xi32, #tpu.memory_space<vmem>> -> memref<128xi32, #tpu.memory_space<vmem>>
      %dma_wait3A_421 = arith.constant 0 : i32
      %dma_wait3A_422 = arith.constant 0 : i32
      %dma_wait3A_423 = tpu.memref_slice %arg5[%dma_wait3A_421, %dma_wait3A_422] : memref<8192x64xf32, #tpu.memory_space<hbm>> -> memref<8192x64xf32, #tpu.memory_space<hbm>>
      tpu.wait_indirect_dma semaphore(%arg22 : memref<!tpu.dma_semaphore, #tpu.memory_space<semaphore_mem>>) src(%dma_wait3A_423 : memref<8192x64xf32, #tpu.memory_space<hbm>>) dst(%dma_wait3A_419 : memref<128x64xf32, #tpu.memory_space<vmem>>)
      %scan3A_424 = arith.constant 0 : i32
      %scan3A_425 = arith.constant 0 : i32
      %scan3A_426 = arith.constant 128 : i32
      %scan3A_427 = arith.addi %scan3A_425, %scan3A_426 : i32
      %scan3A_428 = arith.constant 1 : i32
      scf.for %scan3A_612 = %scan3A_425 to %scan3A_427 step %scan3A_428  : i32 {
        %get3A = arith.index_cast %scan3A_612 : i32 to index
        %get3A_613 = arith.constant 0 : index
        %get3A_614 = tpu.vector_load %arg10[%get3A, %get3A_613] {strides = array<i32>} : memref<128x64xf32, #tpu.memory_space<vmem>>, vector<1x16xf32>,
        %get3A_615 = vector.shape_cast %get3A_614 : vector<1x16xf32> to vector<16xf32>
        %get3A_616 = arith.index_cast %scan3A_612 : i32 to index
        %get3A_617 = arith.constant 0 : index
        %get3A_618 = tpu.vector_load %arg14[%get3A_616, %get3A_617] {strides = array<i32>} : memref<128x64xf32, #tpu.memory_space<vmem>>, vector<1x16xf32>,
        %get3A_619 = vector.shape_cast %get3A_618 : vector<1x16xf32> to vector<16xf32>
        %add3A_620 = arith.addf %get3A_615, %get3A_619 : vector<16xf32>
        %swap3A = arith.index_cast %scan3A_612 : i32 to index
        %swap3A_621 = arith.constant 0 : index
        %swap3A_622 = tpu.vector_load %arg10[%swap3A, %swap3A_621] {strides = array<i32>} : memref<128x64xf32, #tpu.memory_space<vmem>>, vector<1x16xf32>,
        %swap3A_623 = vector.shape_cast %swap3A_622 : vector<1x16xf32> to vector<16xf32>
        %swap3A_624 = vector.shape_cast %add3A_620 : vector<16xf32> to vector<1x16xf32>
        tpu.vector_store %arg10[%swap3A, %swap3A_621], %swap3A_624 {strides = array<i32>} : memref<128x64xf32, #tpu.memory_space<vmem>>, vector<1x16xf32>,
        %get3A_625 = arith.index_cast %scan3A_612 : i32 to index
        %get3A_626 = arith.constant 16 : index
        %get3A_627 = tpu.vector_load %arg10[%get3A_625, %get3A_626] {strides = array<i32>} : memref<128x64xf32, #tpu.memory_space<vmem>>, vector<1x16xf32>,
        %get3A_628 = vector.shape_cast %get3A_627 : vector<1x16xf32> to vector<16xf32>
        %get3A_629 = arith.index_cast %scan3A_612 : i32 to index
        %get3A_630 = arith.constant 16 : index
        %get3A_631 = tpu.vector_load %arg14[%get3A_629, %get3A_630] {strides = array<i32>} : memref<128x64xf32, #tpu.memory_space<vmem>>, vector<1x16xf32>,
        %get3A_632 = vector.shape_cast %get3A_631 : vector<1x16xf32> to vector<16xf32>
        %add3A_633 = arith.addf %get3A_628, %get3A_632 : vector<16xf32>
        %swap3A_634 = arith.index_cast %scan3A_612 : i32 to index
        %swap3A_635 = arith.constant 16 : index
        %swap3A_636 = tpu.vector_load %arg10[%swap3A_634, %swap3A_635] {strides = array<i32>} : memref<128x64xf32, #tpu.memory_space<vmem>>, vector<1x16xf32>,
        %swap3A_637 = vector.shape_cast %swap3A_636 : vector<1x16xf32> to vector<16xf32>
        %swap3A_638 = vector.shape_cast %add3A_633 : vector<16xf32> to vector<1x16xf32>
        tpu.vector_store %arg10[%swap3A_634, %swap3A_635], %swap3A_638 {strides = array<i32>} : memref<128x64xf32, #tpu.memory_space<vmem>>, vector<1x16xf32>,
        %get3A_639 = arith.index_cast %scan3A_612 : i32 to index
        %get3A_640 = arith.constant 32 : index
        %get3A_641 = tpu.vector_load %arg10[%get3A_639, %get3A_640] {strides = array<i32>} : memref<128x64xf32, #tpu.memory_space<vmem>>, vector<1x16xf32>,
        %get3A_642 = vector.shape_cast %get3A_641 : vector<1x16xf32> to vector<16xf32>
        %get3A_643 = arith.index_cast %scan3A_612 : i32 to index
        %get3A_644 = arith.constant 32 : index
        %get3A_645 = tpu.vector_load %arg14[%get3A_643, %get3A_644] {strides = array<i32>} : memref<128x64xf32, #tpu.memory_space<vmem>>, vector<1x16xf32>,
        %get3A_646 = vector.shape_cast %get3A_645 : vector<1x16xf32> to vector<16xf32>
        %add3A_647 = arith.addf %get3A_642, %get3A_646 : vector<16xf32>
        %swap3A_648 = arith.index_cast %scan3A_612 : i32 to index
        %swap3A_649 = arith.constant 32 : index
        %swap3A_650 = tpu.vector_load %arg10[%swap3A_648, %swap3A_649] {strides = array<i32>} : memref<128x64xf32, #tpu.memory_space<vmem>>, vector<1x16xf32>,
        %swap3A_651 = vector.shape_cast %swap3A_650 : vector<1x16xf32> to vector<16xf32>
        %swap3A_652 = vector.shape_cast %add3A_647 : vector<16xf32> to vector<1x16xf32>
        tpu.vector_store %arg10[%swap3A_648, %swap3A_649], %swap3A_652 {strides = array<i32>} : memref<128x64xf32, #tpu.memory_space<vmem>>, vector<1x16xf32>,
        %get3A_653 = arith.index_cast %scan3A_612 : i32 to index
        %get3A_654 = arith.constant 48 : index
        %get3A_655 = tpu.vector_load %arg10[%get3A_653, %get3A_654] {strides = array<i32>} : memref<128x64xf32, #tpu.memory_space<vmem>>, vector<1x16xf32>,
        %get3A_656 = vector.shape_cast %get3A_655 : vector<1x16xf32> to vector<16xf32>
        %get3A_657 = arith.index_cast %scan3A_612 : i32 to index
        %get3A_658 = arith.constant 48 : index
        %get3A_659 = tpu.vector_load %arg14[%get3A_657, %get3A_658] {strides = array<i32>} : memref<128x64xf32, #tpu.memory_space<vmem>>, vector<1x16xf32>,
        %get3A_660 = vector.shape_cast %get3A_659 : vector<1x16xf32> to vector<16xf32>
        %add3A_661 = arith.addf %get3A_656, %get3A_660 : vector<16xf32>
        %swap3A_662 = arith.index_cast %scan3A_612 : i32 to index
        %swap3A_663 = arith.constant 48 : index
        %swap3A_664 = tpu.vector_load %arg10[%swap3A_662, %swap3A_663] {strides = array<i32>} : memref<128x64xf32, #tpu.memory_space<vmem>>, vector<1x16xf32>,
        %swap3A_665 = vector.shape_cast %swap3A_664 : vector<1x16xf32> to vector<16xf32>
        %swap3A_666 = vector.shape_cast %add3A_661 : vector<16xf32> to vector<1x16xf32>
        tpu.vector_store %arg10[%swap3A_662, %swap3A_663], %swap3A_666 {strides = array<i32>} : memref<128x64xf32, #tpu.memory_space<vmem>>, vector<1x16xf32>,
      }
      %scan3A_429 = arith.constant 128 : i32
      %mul3A_430 = arith.constant 128 : i32
      %mul3A_431 = arith.muli %add3A_405, %mul3A_430 : i32
      %add3A_432 = arith.addi %mul3A_2, %mul3A_431 : i32
      %jit3A_433 = arith.constant 512 : i32
      %div3A_434 = arith.divsi %add3A_432, %jit3A_433 : i32
      %sign3A_435 = arith.constant 0 : i32
      %sign3A_436 = arith.cmpi sgt, %add3A_432, %sign3A_435 : i32
      %sign3A_437 = arith.extui %sign3A_436 : i1 to i32
      %sign3A_438 = arith.constant 0 : i32
      %sign3A_439 = arith.cmpi slt, %add3A_432, %sign3A_438 : i32
      %sign3A_440 = arith.extui %sign3A_439 : i1 to i32
      %sign3A_441 = arith.subi %sign3A_437, %sign3A_440 : i32
      %sign3A_442 = arith.constant 0 : i32
      %sign3A_443 = arith.cmpi sgt, %jit3A_433, %sign3A_442 : i32
      %sign3A_444 = arith.extui %sign3A_443 : i1 to i32
      %sign3A_445 = arith.constant 0 : i32
      %sign3A_446 = arith.cmpi slt, %jit3A_433, %sign3A_445 : i32
      %sign3A_447 = arith.extui %sign3A_446 : i1 to i32
      %sign3A_448 = arith.subi %sign3A_444, %sign3A_447 : i32
      %ne3A_449 = arith.cmpi ne, %sign3A_441, %sign3A_448 : i32
      %rem3A_450 = arith.remsi %add3A_432, %jit3A_433 : i32
      %ne3A_451 = arith.constant 0 : i32
      %ne3A_452 = arith.cmpi ne, %rem3A_450, %ne3A_451 : i32
      %and3A_453 = arith.andi %ne3A_449, %ne3A_452 : i1
      %sub3A_454 = arith.constant 1 : i32
      %sub3A_455 = arith.subi %div3A_434, %sub3A_454 : i32
      %select_n3A_456 = arith.select %and3A_453, %sub3A_455, %div3A_434 : i32
      %rem3A_457 = arith.constant 512 : i32
      %rem3A_458 = arith.remsi %add3A_432, %rem3A_457 : i32
      %dma_start3A_459 = arith.constant 0 : i32
      %dma_start3A_460 = tpu.memref_slice %arg6[%select_n3A_456, %rem3A_458, %dma_start3A_459] : memref<1024x512x64xf32, #tpu.memory_space<hbm>> -> memref<1x128x64xf32, #tpu.memory_space<hbm>>
      %dma_start3A_461 = tpu.memref_squeeze %dma_start3A_460 : memref<1x128x64xf32, #tpu.memory_space<hbm>> -> memref<128x64xf32, #tpu.memory_space<hbm>>
      %dma_start3A_462 = arith.constant 0 : i32
      %dma_start3A_463 = tpu.memref_slice %arg6[%select_n3A_456, %rem3A_458, %dma_start3A_462] : memref<1024x512x64xf32, #tpu.memory_space<hbm>> -> memref<1x128x64xf32, #tpu.memory_space<hbm>>
      %dma_start3A_464 = tpu.memref_squeeze %dma_start3A_463 : memref<1x128x64xf32, #tpu.memory_space<hbm>> -> memref<128x64xf32, #tpu.memory_space<hbm>>
      tpu.enqueue_dma source(%arg10 : memref<128x64xf32, #tpu.memory_space<vmem>>) target(%dma_start3A_464 : memref<128x64xf32, #tpu.memory_space<hbm>>) target_semaphore(%arg26 : memref<!tpu.dma_semaphore, #tpu.memory_space<semaphore_mem>>)
      %add3A_465 = arith.constant 4 : i32
      %add3A_466 = arith.addi %add3A_405, %add3A_465 : i32
      %lt3A_467 = arith.constant 128 : i32
      %lt3A_468 = arith.cmpi slt, %add3A_466, %lt3A_467 : i32
      %convert_element_type3A_469 = arith.extui %lt3A_468 : i1 to i32
      %cond3A_470 = arith.constant 0 : i32
      %cond3A_471 = arith.cmpi ne, %convert_element_type3A_469, %cond3A_470 : i32
      scf.if %cond3A_471 {
        %add3A_612 = arith.constant 4 : i32
        %add3A_613 = arith.addi %add3A_405, %add3A_612 : i32
        %ge3A = arith.constant 4 : i32
        %ge3A_614 = arith.cmpi sge, %add3A_613, %ge3A : i32
        %convert_element_type3A_615 = arith.extui %ge3A_614 : i1 to i32
        %cond3A_616 = arith.constant 0 : i32
        %cond3A_617 = arith.cmpi ne, %convert_element_type3A_615, %cond3A_616 : i32
        scf.if %cond3A_617 {
          %mul3A_636 = arith.constant 128 : i32
          %mul3A_637 = arith.muli %add3A_613, %mul3A_636 : i32
          %add3A_638 = arith.addi %mul3A_2, %mul3A_637 : i32
          %jit3A_639 = arith.constant 512 : i32
          %div3A_640 = arith.divsi %add3A_638, %jit3A_639 : i32
          %sign3A_641 = arith.constant 0 : i32
          %sign3A_642 = arith.cmpi sgt, %add3A_638, %sign3A_641 : i32
          %sign3A_643 = arith.extui %sign3A_642 : i1 to i32
          %sign3A_644 = arith.constant 0 : i32
          %sign3A_645 = arith.cmpi slt, %add3A_638, %sign3A_644 : i32
          %sign3A_646 = arith.extui %sign3A_645 : i1 to i32
          %sign3A_647 = arith.subi %sign3A_643, %sign3A_646 : i32
          %sign3A_648 = arith.constant 0 : i32
          %sign3A_649 = arith.cmpi sgt, %jit3A_639, %sign3A_648 : i32
          %sign3A_650 = arith.extui %sign3A_649 : i1 to i32
          %sign3A_651 = arith.constant 0 : i32
          %sign3A_652 = arith.cmpi slt, %jit3A_639, %sign3A_651 : i32
          %sign3A_653 = arith.extui %sign3A_652 : i1 to i32
          %sign3A_654 = arith.subi %sign3A_650, %sign3A_653 : i32
          %ne3A_655 = arith.cmpi ne, %sign3A_647, %sign3A_654 : i32
          %rem3A_656 = arith.remsi %add3A_638, %jit3A_639 : i32
          %ne3A_657 = arith.constant 0 : i32
          %ne3A_658 = arith.cmpi ne, %rem3A_656, %ne3A_657 : i32
          %and3A_659 = arith.andi %ne3A_655, %ne3A_658 : i1
          %sub3A_660 = arith.constant 1 : i32
          %sub3A_661 = arith.subi %div3A_640, %sub3A_660 : i32
          %select_n3A_662 = arith.select %and3A_659, %sub3A_661, %div3A_640 : i32
          %rem3A_663 = arith.constant 512 : i32
          %rem3A_664 = arith.remsi %add3A_638, %rem3A_663 : i32
          %dma_wait3A_665 = arith.constant 0 : i32
          %dma_wait3A_666 = tpu.memref_slice %arg6[%select_n3A_662, %rem3A_664, %dma_wait3A_665] : memref<1024x512x64xf32, #tpu.memory_space<hbm>> -> memref<1x128x64xf32, #tpu.memory_space<hbm>>
          %dma_wait3A_667 = tpu.memref_squeeze %dma_wait3A_666 : memref<1x128x64xf32, #tpu.memory_space<hbm>> -> memref<128x64xf32, #tpu.memory_space<hbm>>
          %dma_wait3A_668 = arith.constant 0 : i32
          %dma_wait3A_669 = tpu.memref_slice %arg6[%select_n3A_662, %rem3A_664, %dma_wait3A_668] : memref<1024x512x64xf32, #tpu.memory_space<hbm>> -> memref<1x128x64xf32, #tpu.memory_space<hbm>>
          %dma_wait3A_670 = tpu.memref_squeeze %dma_wait3A_669 : memref<1x128x64xf32, #tpu.memory_space<hbm>> -> memref<128x64xf32, #tpu.memory_space<hbm>>
          tpu.wait_dma2 semaphore(%arg26 : memref<!tpu.dma_semaphore, #tpu.memory_space<semaphore_mem>>) src(%arg10 : memref<128x64xf32, #tpu.memory_space<vmem>>) dst(%dma_wait3A_670 : memref<128x64xf32, #tpu.memory_space<hbm>>)
        } else {
        }
        %mul3A_618 = arith.constant 128 : i32
        %mul3A_619 = arith.muli %add3A_613, %mul3A_618 : i32
        %add3A_620 = arith.constant 0 : i32
        %add3A_621 = arith.addi %mul3A_619, %add3A_620 : i32
        %dma_start3A_622 = arith.constant 0 : i32
        %dma_start3A_623 = arith.constant 0 : i32
        %dma_start3A_624 = tpu.memref_slice %arg10[%dma_start3A_622, %dma_start3A_623] : memref<128x64xf32, #tpu.memory_space<vmem>> -> memref<128x64xf32, #tpu.memory_space<vmem>>
        %dma_start3A_625 = tpu.memref_slice %arg7[%add3A_621] : memref<16384xi32, #tpu.memory_space<vmem>> -> memref<128xi32, #tpu.memory_space<vmem>>
        %dma_start3A_626 = arith.constant 0 : i32
        %dma_start3A_627 = arith.constant 0 : i32
        %dma_start3A_628 = tpu.memref_slice %arg4[%dma_start3A_626, %dma_start3A_627] : memref<1000000x64xf32, #tpu.memory_space<hbm>> -> memref<1000000x64xf32, #tpu.memory_space<hbm>>
        tpu.enqueue_indirect_dma source(%dma_start3A_628 : memref<1000000x64xf32, #tpu.memory_space<hbm>>) target(%dma_start3A_624 : memref<128x64xf32, #tpu.memory_space<vmem>>) offsets(%dma_start3A_625 : memref<128xi32, #tpu.memory_space<vmem>>) semaphore(%arg18 : memref<!tpu.dma_semaphore, #tpu.memory_space<semaphore_mem>>)
        %dma_start3A_629 = arith.constant 0 : i32
        %dma_start3A_630 = arith.constant 0 : i32
        %dma_start3A_631 = tpu.memref_slice %arg14[%dma_start3A_629, %dma_start3A_630] : memref<128x64xf32, #tpu.memory_space<vmem>> -> memref<128x64xf32, #tpu.memory_space<vmem>>
        %dma_start3A_632 = tpu.memref_slice %arg8[%add3A_621] : memref<16384xi32, #tpu.memory_space<vmem>> -> memref<128xi32, #tpu.memory_space<vmem>>
        %dma_start3A_633 = arith.constant 0 : i32
        %dma_start3A_634 = arith.constant 0 : i32
        %dma_start3A_635 = tpu.memref_slice %arg5[%dma_start3A_633, %dma_start3A_634] : memref<8192x64xf32, #tpu.memory_space<hbm>> -> memref<8192x64xf32, #tpu.memory_space<hbm>>
        tpu.enqueue_indirect_dma source(%dma_start3A_635 : memref<8192x64xf32, #tpu.memory_space<hbm>>) target(%dma_start3A_631 : memref<128x64xf32, #tpu.memory_space<vmem>>) offsets(%dma_start3A_632 : memref<128xi32, #tpu.memory_space<vmem>>) semaphore(%arg22 : memref<!tpu.dma_semaphore, #tpu.memory_space<semaphore_mem>>)
      } else {
      }
      %mul3A_472 = arith.constant 4 : i32
      %mul3A_473 = arith.muli %scan3A_334, %mul3A_472 : i32
      %add3A_474 = arith.constant 2 : i32
      %add3A_475 = arith.addi %mul3A_473, %add3A_474 : i32
      %mul3A_476 = arith.constant 128 : i32
      %mul3A_477 = arith.muli %add3A_475, %mul3A_476 : i32
      %add3A_478 = arith.constant 0 : i32
      %add3A_479 = arith.addi %mul3A_477, %add3A_478 : i32
      %dma_wait3A_480 = arith.constant 0 : i32
      %dma_wait3A_481 = arith.constant 0 : i32
      %dma_wait3A_482 = tpu.memref_slice %arg11[%dma_wait3A_480, %dma_wait3A_481] : memref<128x64xf32, #tpu.memory_space<vmem>> -> memref<128x64xf32, #tpu.memory_space<vmem>>
      %dma_wait3A_483 = tpu.memref_slice %arg7[%add3A_479] : memref<16384xi32, #tpu.memory_space<vmem>> -> memref<128xi32, #tpu.memory_space<vmem>>
      %dma_wait3A_484 = arith.constant 0 : i32
      %dma_wait3A_485 = arith.constant 0 : i32
      %dma_wait3A_486 = tpu.memref_slice %arg4[%dma_wait3A_484, %dma_wait3A_485] : memref<1000000x64xf32, #tpu.memory_space<hbm>> -> memref<1000000x64xf32, #tpu.memory_space<hbm>>
      tpu.wait_indirect_dma semaphore(%arg19 : memref<!tpu.dma_semaphore, #tpu.memory_space<semaphore_mem>>) src(%dma_wait3A_486 : memref<1000000x64xf32, #tpu.memory_space<hbm>>) dst(%dma_wait3A_482 : memref<128x64xf32, #tpu.memory_space<vmem>>)
      %dma_wait3A_487 = arith.constant 0 : i32
      %dma_wait3A_488 = arith.constant 0 : i32
      %dma_wait3A_489 = tpu.memref_slice %arg15[%dma_wait3A_487, %dma_wait3A_488] : memref<128x64xf32, #tpu.memory_space<vmem>> -> memref<128x64xf32, #tpu.memory_space<vmem>>
      %dma_wait3A_490 = tpu.memref_slice %arg8[%add3A_479] : memref<16384xi32, #tpu.memory_space<vmem>> -> memref<128xi32, #tpu.memory_space<vmem>>
      %dma_wait3A_491 = arith.constant 0 : i32
      %dma_wait3A_492 = arith.constant 0 : i32
      %dma_wait3A_493 = tpu.memref_slice %arg5[%dma_wait3A_491, %dma_wait3A_492] : memref<8192x64xf32, #tpu.memory_space<hbm>> -> memref<8192x64xf32, #tpu.memory_space<hbm>>
      tpu.wait_indirect_dma semaphore(%arg23 : memref<!tpu.dma_semaphore, #tpu.memory_space<semaphore_mem>>) src(%dma_wait3A_493 : memref<8192x64xf32, #tpu.memory_space<hbm>>) dst(%dma_wait3A_489 : memref<128x64xf32, #tpu.memory_space<vmem>>)
      %scan3A_494 = arith.constant 0 : i32
      %scan3A_495 = arith.constant 0 : i32
      %scan3A_496 = arith.constant 128 : i32
      %scan3A_497 = arith.addi %scan3A_495, %scan3A_496 : i32
      %scan3A_498 = arith.constant 1 : i32
      scf.for %scan3A_612 = %scan3A_495 to %scan3A_497 step %scan3A_498  : i32 {
        %get3A = arith.index_cast %scan3A_612 : i32 to index
        %get3A_613 = arith.constant 0 : index
        %get3A_614 = tpu.vector_load %arg11[%get3A, %get3A_613] {strides = array<i32>} : memref<128x64xf32, #tpu.memory_space<vmem>>, vector<1x16xf32>,
        %get3A_615 = vector.shape_cast %get3A_614 : vector<1x16xf32> to vector<16xf32>
        %get3A_616 = arith.index_cast %scan3A_612 : i32 to index
        %get3A_617 = arith.constant 0 : index
        %get3A_618 = tpu.vector_load %arg15[%get3A_616, %get3A_617] {strides = array<i32>} : memref<128x64xf32, #tpu.memory_space<vmem>>, vector<1x16xf32>,
        %get3A_619 = vector.shape_cast %get3A_618 : vector<1x16xf32> to vector<16xf32>
        %add3A_620 = arith.addf %get3A_615, %get3A_619 : vector<16xf32>
        %swap3A = arith.index_cast %scan3A_612 : i32 to index
        %swap3A_621 = arith.constant 0 : index
        %swap3A_622 = tpu.vector_load %arg11[%swap3A, %swap3A_621] {strides = array<i32>} : memref<128x64xf32, #tpu.memory_space<vmem>>, vector<1x16xf32>,
        %swap3A_623 = vector.shape_cast %swap3A_622 : vector<1x16xf32> to vector<16xf32>
        %swap3A_624 = vector.shape_cast %add3A_620 : vector<16xf32> to vector<1x16xf32>
        tpu.vector_store %arg11[%swap3A, %swap3A_621], %swap3A_624 {strides = array<i32>} : memref<128x64xf32, #tpu.memory_space<vmem>>, vector<1x16xf32>,
        %get3A_625 = arith.index_cast %scan3A_612 : i32 to index
        %get3A_626 = arith.constant 16 : index
        %get3A_627 = tpu.vector_load %arg11[%get3A_625, %get3A_626] {strides = array<i32>} : memref<128x64xf32, #tpu.memory_space<vmem>>, vector<1x16xf32>,
        %get3A_628 = vector.shape_cast %get3A_627 : vector<1x16xf32> to vector<16xf32>
        %get3A_629 = arith.index_cast %scan3A_612 : i32 to index
        %get3A_630 = arith.constant 16 : index
        %get3A_631 = tpu.vector_load %arg15[%get3A_629, %get3A_630] {strides = array<i32>} : memref<128x64xf32, #tpu.memory_space<vmem>>, vector<1x16xf32>,
        %get3A_632 = vector.shape_cast %get3A_631 : vector<1x16xf32> to vector<16xf32>
        %add3A_633 = arith.addf %get3A_628, %get3A_632 : vector<16xf32>
        %swap3A_634 = arith.index_cast %scan3A_612 : i32 to index
        %swap3A_635 = arith.constant 16 : index
        %swap3A_636 = tpu.vector_load %arg11[%swap3A_634, %swap3A_635] {strides = array<i32>} : memref<128x64xf32, #tpu.memory_space<vmem>>, vector<1x16xf32>,
        %swap3A_637 = vector.shape_cast %swap3A_636 : vector<1x16xf32> to vector<16xf32>
        %swap3A_638 = vector.shape_cast %add3A_633 : vector<16xf32> to vector<1x16xf32>
        tpu.vector_store %arg11[%swap3A_634, %swap3A_635], %swap3A_638 {strides = array<i32>} : memref<128x64xf32, #tpu.memory_space<vmem>>, vector<1x16xf32>,
        %get3A_639 = arith.index_cast %scan3A_612 : i32 to index
        %get3A_640 = arith.constant 32 : index
        %get3A_641 = tpu.vector_load %arg11[%get3A_639, %get3A_640] {strides = array<i32>} : memref<128x64xf32, #tpu.memory_space<vmem>>, vector<1x16xf32>,
        %get3A_642 = vector.shape_cast %get3A_641 : vector<1x16xf32> to vector<16xf32>
        %get3A_643 = arith.index_cast %scan3A_612 : i32 to index
        %get3A_644 = arith.constant 32 : index
        %get3A_645 = tpu.vector_load %arg15[%get3A_643, %get3A_644] {strides = array<i32>} : memref<128x64xf32, #tpu.memory_space<vmem>>, vector<1x16xf32>,
        %get3A_646 = vector.shape_cast %get3A_645 : vector<1x16xf32> to vector<16xf32>
        %add3A_647 = arith.addf %get3A_642, %get3A_646 : vector<16xf32>
        %swap3A_648 = arith.index_cast %scan3A_612 : i32 to index
        %swap3A_649 = arith.constant 32 : index
        %swap3A_650 = tpu.vector_load %arg11[%swap3A_648, %swap3A_649] {strides = array<i32>} : memref<128x64xf32, #tpu.memory_space<vmem>>, vector<1x16xf32>,
        %swap3A_651 = vector.shape_cast %swap3A_650 : vector<1x16xf32> to vector<16xf32>
        %swap3A_652 = vector.shape_cast %add3A_647 : vector<16xf32> to vector<1x16xf32>
        tpu.vector_store %arg11[%swap3A_648, %swap3A_649], %swap3A_652 {strides = array<i32>} : memref<128x64xf32, #tpu.memory_space<vmem>>, vector<1x16xf32>,
        %get3A_653 = arith.index_cast %scan3A_612 : i32 to index
        %get3A_654 = arith.constant 48 : index
        %get3A_655 = tpu.vector_load %arg11[%get3A_653, %get3A_654] {strides = array<i32>} : memref<128x64xf32, #tpu.memory_space<vmem>>, vector<1x16xf32>,
        %get3A_656 = vector.shape_cast %get3A_655 : vector<1x16xf32> to vector<16xf32>
        %get3A_657 = arith.index_cast %scan3A_612 : i32 to index
        %get3A_658 = arith.constant 48 : index
        %get3A_659 = tpu.vector_load %arg15[%get3A_657, %get3A_658] {strides = array<i32>} : memref<128x64xf32, #tpu.memory_space<vmem>>, vector<1x16xf32>,
        %get3A_660 = vector.shape_cast %get3A_659 : vector<1x16xf32> to vector<16xf32>
        %add3A_661 = arith.addf %get3A_656, %get3A_660 : vector<16xf32>
        %swap3A_662 = arith.index_cast %scan3A_612 : i32 to index
        %swap3A_663 = arith.constant 48 : index
        %swap3A_664 = tpu.vector_load %arg11[%swap3A_662, %swap3A_663] {strides = array<i32>} : memref<128x64xf32, #tpu.memory_space<vmem>>, vector<1x16xf32>,
        %swap3A_665 = vector.shape_cast %swap3A_664 : vector<1x16xf32> to vector<16xf32>
        %swap3A_666 = vector.shape_cast %add3A_661 : vector<16xf32> to vector<1x16xf32>
        tpu.vector_store %arg11[%swap3A_662, %swap3A_663], %swap3A_666 {strides = array<i32>} : memref<128x64xf32, #tpu.memory_space<vmem>>, vector<1x16xf32>,
      }
      %scan3A_499 = arith.constant 128 : i32
      %mul3A_500 = arith.constant 128 : i32
      %mul3A_501 = arith.muli %add3A_475, %mul3A_500 : i32
      %add3A_502 = arith.addi %mul3A_2, %mul3A_501 : i32
      %jit3A_503 = arith.constant 512 : i32
      %div3A_504 = arith.divsi %add3A_502, %jit3A_503 : i32
      %sign3A_505 = arith.constant 0 : i32
      %sign3A_506 = arith.cmpi sgt, %add3A_502, %sign3A_505 : i32
      %sign3A_507 = arith.extui %sign3A_506 : i1 to i32
      %sign3A_508 = arith.constant 0 : i32
      %sign3A_509 = arith.cmpi slt, %add3A_502, %sign3A_508 : i32
      %sign3A_510 = arith.extui %sign3A_509 : i1 to i32
      %sign3A_511 = arith.subi %sign3A_507, %sign3A_510 : i32
      %sign3A_512 = arith.constant 0 : i32
      %sign3A_513 = arith.cmpi sgt, %jit3A_503, %sign3A_512 : i32
      %sign3A_514 = arith.extui %sign3A_513 : i1 to i32
      %sign3A_515 = arith.constant 0 : i32
      %sign3A_516 = arith.cmpi slt, %jit3A_503, %sign3A_515 : i32
      %sign3A_517 = arith.extui %sign3A_516 : i1 to i32
      %sign3A_518 = arith.subi %sign3A_514, %sign3A_517 : i32
      %ne3A_519 = arith.cmpi ne, %sign3A_511, %sign3A_518 : i32
      %rem3A_520 = arith.remsi %add3A_502, %jit3A_503 : i32
      %ne3A_521 = arith.constant 0 : i32
      %ne3A_522 = arith.cmpi ne, %rem3A_520, %ne3A_521 : i32
      %and3A_523 = arith.andi %ne3A_519, %ne3A_522 : i1
      %sub3A_524 = arith.constant 1 : i32
      %sub3A_525 = arith.subi %div3A_504, %sub3A_524 : i32
      %select_n3A_526 = arith.select %and3A_523, %sub3A_525, %div3A_504 : i32
      %rem3A_527 = arith.constant 512 : i32
      %rem3A_528 = arith.remsi %add3A_502, %rem3A_527 : i32
      %dma_start3A_529 = arith.constant 0 : i32
      %dma_start3A_530 = tpu.memref_slice %arg6[%select_n3A_526, %rem3A_528, %dma_start3A_529] : memref<1024x512x64xf32, #tpu.memory_space<hbm>> -> memref<1x128x64xf32, #tpu.memory_space<hbm>>
      %dma_start3A_531 = tpu.memref_squeeze %dma_start3A_530 : memref<1x128x64xf32, #tpu.memory_space<hbm>> -> memref<128x64xf32, #tpu.memory_space<hbm>>
      %dma_start3A_532 = arith.constant 0 : i32
      %dma_start3A_533 = tpu.memref_slice %arg6[%select_n3A_526, %rem3A_528, %dma_start3A_532] : memref<1024x512x64xf32, #tpu.memory_space<hbm>> -> memref<1x128x64xf32, #tpu.memory_space<hbm>>
      %dma_start3A_534 = tpu.memref_squeeze %dma_start3A_533 : memref<1x128x64xf32, #tpu.memory_space<hbm>> -> memref<128x64xf32, #tpu.memory_space<hbm>>
      tpu.enqueue_dma source(%arg11 : memref<128x64xf32, #tpu.memory_space<vmem>>) target(%dma_start3A_534 : memref<128x64xf32, #tpu.memory_space<hbm>>) target_semaphore(%arg27 : memref<!tpu.dma_semaphore, #tpu.memory_space<semaphore_mem>>)
      %add3A_535 = arith.constant 4 : i32
      %add3A_536 = arith.addi %add3A_475, %add3A_535 : i32
      %lt3A_537 = arith.constant 128 : i32
      %lt3A_538 = arith.cmpi slt, %add3A_536, %lt3A_537 : i32
      %convert_element_type3A_539 = arith.extui %lt3A_538 : i1 to i32
      %cond3A_540 = arith.constant 0 : i32
      %cond3A_541 = arith.cmpi ne, %convert_element_type3A_539, %cond3A_540 : i32
      scf.if %cond3A_541 {
        %add3A_612 = arith.constant 4 : i32
        %add3A_613 = arith.addi %add3A_475, %add3A_612 : i32
        %ge3A = arith.constant 4 : i32
        %ge3A_614 = arith.cmpi sge, %add3A_613, %ge3A : i32
        %convert_element_type3A_615 = arith.extui %ge3A_614 : i1 to i32
        %cond3A_616 = arith.constant 0 : i32
        %cond3A_617 = arith.cmpi ne, %convert_element_type3A_615, %cond3A_616 : i32
        scf.if %cond3A_617 {
          %mul3A_636 = arith.constant 128 : i32
          %mul3A_637 = arith.muli %add3A_613, %mul3A_636 : i32
          %add3A_638 = arith.addi %mul3A_2, %mul3A_637 : i32
          %jit3A_639 = arith.constant 512 : i32
          %div3A_640 = arith.divsi %add3A_638, %jit3A_639 : i32
          %sign3A_641 = arith.constant 0 : i32
          %sign3A_642 = arith.cmpi sgt, %add3A_638, %sign3A_641 : i32
          %sign3A_643 = arith.extui %sign3A_642 : i1 to i32
          %sign3A_644 = arith.constant 0 : i32
          %sign3A_645 = arith.cmpi slt, %add3A_638, %sign3A_644 : i32
          %sign3A_646 = arith.extui %sign3A_645 : i1 to i32
          %sign3A_647 = arith.subi %sign3A_643, %sign3A_646 : i32
          %sign3A_648 = arith.constant 0 : i32
          %sign3A_649 = arith.cmpi sgt, %jit3A_639, %sign3A_648 : i32
          %sign3A_650 = arith.extui %sign3A_649 : i1 to i32
          %sign3A_651 = arith.constant 0 : i32
          %sign3A_652 = arith.cmpi slt, %jit3A_639, %sign3A_651 : i32
          %sign3A_653 = arith.extui %sign3A_652 : i1 to i32
          %sign3A_654 = arith.subi %sign3A_650, %sign3A_653 : i32
          %ne3A_655 = arith.cmpi ne, %sign3A_647, %sign3A_654 : i32
          %rem3A_656 = arith.remsi %add3A_638, %jit3A_639 : i32
          %ne3A_657 = arith.constant 0 : i32
          %ne3A_658 = arith.cmpi ne, %rem3A_656, %ne3A_657 : i32
          %and3A_659 = arith.andi %ne3A_655, %ne3A_658 : i1
          %sub3A_660 = arith.constant 1 : i32
          %sub3A_661 = arith.subi %div3A_640, %sub3A_660 : i32
          %select_n3A_662 = arith.select %and3A_659, %sub3A_661, %div3A_640 : i32
          %rem3A_663 = arith.constant 512 : i32
          %rem3A_664 = arith.remsi %add3A_638, %rem3A_663 : i32
          %dma_wait3A_665 = arith.constant 0 : i32
          %dma_wait3A_666 = tpu.memref_slice %arg6[%select_n3A_662, %rem3A_664, %dma_wait3A_665] : memref<1024x512x64xf32, #tpu.memory_space<hbm>> -> memref<1x128x64xf32, #tpu.memory_space<hbm>>
          %dma_wait3A_667 = tpu.memref_squeeze %dma_wait3A_666 : memref<1x128x64xf32, #tpu.memory_space<hbm>> -> memref<128x64xf32, #tpu.memory_space<hbm>>
          %dma_wait3A_668 = arith.constant 0 : i32
          %dma_wait3A_669 = tpu.memref_slice %arg6[%select_n3A_662, %rem3A_664, %dma_wait3A_668] : memref<1024x512x64xf32, #tpu.memory_space<hbm>> -> memref<1x128x64xf32, #tpu.memory_space<hbm>>
          %dma_wait3A_670 = tpu.memref_squeeze %dma_wait3A_669 : memref<1x128x64xf32, #tpu.memory_space<hbm>> -> memref<128x64xf32, #tpu.memory_space<hbm>>
          tpu.wait_dma2 semaphore(%arg27 : memref<!tpu.dma_semaphore, #tpu.memory_space<semaphore_mem>>) src(%arg11 : memref<128x64xf32, #tpu.memory_space<vmem>>) dst(%dma_wait3A_670 : memref<128x64xf32, #tpu.memory_space<hbm>>)
        } else {
        }
        %mul3A_618 = arith.constant 128 : i32
        %mul3A_619 = arith.muli %add3A_613, %mul3A_618 : i32
        %add3A_620 = arith.constant 0 : i32
        %add3A_621 = arith.addi %mul3A_619, %add3A_620 : i32
        %dma_start3A_622 = arith.constant 0 : i32
        %dma_start3A_623 = arith.constant 0 : i32
        %dma_start3A_624 = tpu.memref_slice %arg11[%dma_start3A_622, %dma_start3A_623] : memref<128x64xf32, #tpu.memory_space<vmem>> -> memref<128x64xf32, #tpu.memory_space<vmem>>
        %dma_start3A_625 = tpu.memref_slice %arg7[%add3A_621] : memref<16384xi32, #tpu.memory_space<vmem>> -> memref<128xi32, #tpu.memory_space<vmem>>
        %dma_start3A_626 = arith.constant 0 : i32
        %dma_start3A_627 = arith.constant 0 : i32
        %dma_start3A_628 = tpu.memref_slice %arg4[%dma_start3A_626, %dma_start3A_627] : memref<1000000x64xf32, #tpu.memory_space<hbm>> -> memref<1000000x64xf32, #tpu.memory_space<hbm>>
        tpu.enqueue_indirect_dma source(%dma_start3A_628 : memref<1000000x64xf32, #tpu.memory_space<hbm>>) target(%dma_start3A_624 : memref<128x64xf32, #tpu.memory_space<vmem>>) offsets(%dma_start3A_625 : memref<128xi32, #tpu.memory_space<vmem>>) semaphore(%arg19 : memref<!tpu.dma_semaphore, #tpu.memory_space<semaphore_mem>>)
        %dma_start3A_629 = arith.constant 0 : i32
        %dma_start3A_630 = arith.constant 0 : i32
        %dma_start3A_631 = tpu.memref_slice %arg15[%dma_start3A_629, %dma_start3A_630] : memref<128x64xf32, #tpu.memory_space<vmem>> -> memref<128x64xf32, #tpu.memory_space<vmem>>
        %dma_start3A_632 = tpu.memref_slice %arg8[%add3A_621] : memref<16384xi32, #tpu.memory_space<vmem>> -> memref<128xi32, #tpu.memory_space<vmem>>
        %dma_start3A_633 = arith.constant 0 : i32
        %dma_start3A_634 = arith.constant 0 : i32
        %dma_start3A_635 = tpu.memref_slice %arg5[%dma_start3A_633, %dma_start3A_634] : memref<8192x64xf32, #tpu.memory_space<hbm>> -> memref<8192x64xf32, #tpu.memory_space<hbm>>
        tpu.enqueue_indirect_dma source(%dma_start3A_635 : memref<8192x64xf32, #tpu.memory_space<hbm>>) target(%dma_start3A_631 : memref<128x64xf32, #tpu.memory_space<vmem>>) offsets(%dma_start3A_632 : memref<128xi32, #tpu.memory_space<vmem>>) semaphore(%arg23 : memref<!tpu.dma_semaphore, #tpu.memory_space<semaphore_mem>>)
      } else {
      }
      %mul3A_542 = arith.constant 4 : i32
      %mul3A_543 = arith.muli %scan3A_334, %mul3A_542 : i32
      %add3A_544 = arith.constant 3 : i32
      %add3A_545 = arith.addi %mul3A_543, %add3A_544 : i32
      %mul3A_546 = arith.constant 128 : i32
      %mul3A_547 = arith.muli %add3A_545, %mul3A_546 : i32
      %add3A_548 = arith.constant 0 : i32
      %add3A_549 = arith.addi %mul3A_547, %add3A_548 : i32
      %dma_wait3A_550 = arith.constant 0 : i32
      %dma_wait3A_551 = arith.constant 0 : i32
      %dma_wait3A_552 = tpu.memref_slice %arg12[%dma_wait3A_550, %dma_wait3A_551] : memref<128x64xf32, #tpu.memory_space<vmem>> -> memref<128x64xf32, #tpu.memory_space<vmem>>
      %dma_wait3A_553 = tpu.memref_slice %arg7[%add3A_549] : memref<16384xi32, #tpu.memory_space<vmem>> -> memref<128xi32, #tpu.memory_space<vmem>>
      %dma_wait3A_554 = arith.constant 0 : i32
      %dma_wait3A_555 = arith.constant 0 : i32
      %dma_wait3A_556 = tpu.memref_slice %arg4[%dma_wait3A_554, %dma_wait3A_555] : memref<1000000x64xf32, #tpu.memory_space<hbm>> -> memref<1000000x64xf32, #tpu.memory_space<hbm>>
      tpu.wait_indirect_dma semaphore(%arg20 : memref<!tpu.dma_semaphore, #tpu.memory_space<semaphore_mem>>) src(%dma_wait3A_556 : memref<1000000x64xf32, #tpu.memory_space<hbm>>) dst(%dma_wait3A_552 : memref<128x64xf32, #tpu.memory_space<vmem>>)
      %dma_wait3A_557 = arith.constant 0 : i32
      %dma_wait3A_558 = arith.constant 0 : i32
      %dma_wait3A_559 = tpu.memref_slice %arg16[%dma_wait3A_557, %dma_wait3A_558] : memref<128x64xf32, #tpu.memory_space<vmem>> -> memref<128x64xf32, #tpu.memory_space<vmem>>
      %dma_wait3A_560 = tpu.memref_slice %arg8[%add3A_549] : memref<16384xi32, #tpu.memory_space<vmem>> -> memref<128xi32, #tpu.memory_space<vmem>>
      %dma_wait3A_561 = arith.constant 0 : i32
      %dma_wait3A_562 = arith.constant 0 : i32
      %dma_wait3A_563 = tpu.memref_slice %arg5[%dma_wait3A_561, %dma_wait3A_562] : memref<8192x64xf32, #tpu.memory_space<hbm>> -> memref<8192x64xf32, #tpu.memory_space<hbm>>
      tpu.wait_indirect_dma semaphore(%arg24 : memref<!tpu.dma_semaphore, #tpu.memory_space<semaphore_mem>>) src(%dma_wait3A_563 : memref<8192x64xf32, #tpu.memory_space<hbm>>) dst(%dma_wait3A_559 : memref<128x64xf32, #tpu.memory_space<vmem>>)
      %scan3A_564 = arith.constant 0 : i32
      %scan3A_565 = arith.constant 0 : i32
      %scan3A_566 = arith.constant 128 : i32
      %scan3A_567 = arith.addi %scan3A_565, %scan3A_566 : i32
      %scan3A_568 = arith.constant 1 : i32
      scf.for %scan3A_612 = %scan3A_565 to %scan3A_567 step %scan3A_568  : i32 {
        %get3A = arith.index_cast %scan3A_612 : i32 to index
        %get3A_613 = arith.constant 0 : index
        %get3A_614 = tpu.vector_load %arg12[%get3A, %get3A_613] {strides = array<i32>} : memref<128x64xf32, #tpu.memory_space<vmem>>, vector<1x16xf32>,
        %get3A_615 = vector.shape_cast %get3A_614 : vector<1x16xf32> to vector<16xf32>
        %get3A_616 = arith.index_cast %scan3A_612 : i32 to index
        %get3A_617 = arith.constant 0 : index
        %get3A_618 = tpu.vector_load %arg16[%get3A_616, %get3A_617] {strides = array<i32>} : memref<128x64xf32, #tpu.memory_space<vmem>>, vector<1x16xf32>,
        %get3A_619 = vector.shape_cast %get3A_618 : vector<1x16xf32> to vector<16xf32>
        %add3A_620 = arith.addf %get3A_615, %get3A_619 : vector<16xf32>
        %swap3A = arith.index_cast %scan3A_612 : i32 to index
        %swap3A_621 = arith.constant 0 : index
        %swap3A_622 = tpu.vector_load %arg12[%swap3A, %swap3A_621] {strides = array<i32>} : memref<128x64xf32, #tpu.memory_space<vmem>>, vector<1x16xf32>,
        %swap3A_623 = vector.shape_cast %swap3A_622 : vector<1x16xf32> to vector<16xf32>
        %swap3A_624 = vector.shape_cast %add3A_620 : vector<16xf32> to vector<1x16xf32>
        tpu.vector_store %arg12[%swap3A, %swap3A_621], %swap3A_624 {strides = array<i32>} : memref<128x64xf32, #tpu.memory_space<vmem>>, vector<1x16xf32>,
        %get3A_625 = arith.index_cast %scan3A_612 : i32 to index
        %get3A_626 = arith.constant 16 : index
        %get3A_627 = tpu.vector_load %arg12[%get3A_625, %get3A_626] {strides = array<i32>} : memref<128x64xf32, #tpu.memory_space<vmem>>, vector<1x16xf32>,
        %get3A_628 = vector.shape_cast %get3A_627 : vector<1x16xf32> to vector<16xf32>
        %get3A_629 = arith.index_cast %scan3A_612 : i32 to index
        %get3A_630 = arith.constant 16 : index
        %get3A_631 = tpu.vector_load %arg16[%get3A_629, %get3A_630] {strides = array<i32>} : memref<128x64xf32, #tpu.memory_space<vmem>>, vector<1x16xf32>,
        %get3A_632 = vector.shape_cast %get3A_631 : vector<1x16xf32> to vector<16xf32>
        %add3A_633 = arith.addf %get3A_628, %get3A_632 : vector<16xf32>
        %swap3A_634 = arith.index_cast %scan3A_612 : i32 to index
        %swap3A_635 = arith.constant 16 : index
        %swap3A_636 = tpu.vector_load %arg12[%swap3A_634, %swap3A_635] {strides = array<i32>} : memref<128x64xf32, #tpu.memory_space<vmem>>, vector<1x16xf32>,
        %swap3A_637 = vector.shape_cast %swap3A_636 : vector<1x16xf32> to vector<16xf32>
        %swap3A_638 = vector.shape_cast %add3A_633 : vector<16xf32> to vector<1x16xf32>
        tpu.vector_store %arg12[%swap3A_634, %swap3A_635], %swap3A_638 {strides = array<i32>} : memref<128x64xf32, #tpu.memory_space<vmem>>, vector<1x16xf32>,
        %get3A_639 = arith.index_cast %scan3A_612 : i32 to index
        %get3A_640 = arith.constant 32 : index
        %get3A_641 = tpu.vector_load %arg12[%get3A_639, %get3A_640] {strides = array<i32>} : memref<128x64xf32, #tpu.memory_space<vmem>>, vector<1x16xf32>,
        %get3A_642 = vector.shape_cast %get3A_641 : vector<1x16xf32> to vector<16xf32>
        %get3A_643 = arith.index_cast %scan3A_612 : i32 to index
        %get3A_644 = arith.constant 32 : index
        %get3A_645 = tpu.vector_load %arg16[%get3A_643, %get3A_644] {strides = array<i32>} : memref<128x64xf32, #tpu.memory_space<vmem>>, vector<1x16xf32>,
        %get3A_646 = vector.shape_cast %get3A_645 : vector<1x16xf32> to vector<16xf32>
        %add3A_647 = arith.addf %get3A_642, %get3A_646 : vector<16xf32>
        %swap3A_648 = arith.index_cast %scan3A_612 : i32 to index
        %swap3A_649 = arith.constant 32 : index
        %swap3A_650 = tpu.vector_load %arg12[%swap3A_648, %swap3A_649] {strides = array<i32>} : memref<128x64xf32, #tpu.memory_space<vmem>>, vector<1x16xf32>,
        %swap3A_651 = vector.shape_cast %swap3A_650 : vector<1x16xf32> to vector<16xf32>
        %swap3A_652 = vector.shape_cast %add3A_647 : vector<16xf32> to vector<1x16xf32>
        tpu.vector_store %arg12[%swap3A_648, %swap3A_649], %swap3A_652 {strides = array<i32>} : memref<128x64xf32, #tpu.memory_space<vmem>>, vector<1x16xf32>,
        %get3A_653 = arith.index_cast %scan3A_612 : i32 to index
        %get3A_654 = arith.constant 48 : index
        %get3A_655 = tpu.vector_load %arg12[%get3A_653, %get3A_654] {strides = array<i32>} : memref<128x64xf32, #tpu.memory_space<vmem>>, vector<1x16xf32>,
        %get3A_656 = vector.shape_cast %get3A_655 : vector<1x16xf32> to vector<16xf32>
        %get3A_657 = arith.index_cast %scan3A_612 : i32 to index
        %get3A_658 = arith.constant 48 : index
        %get3A_659 = tpu.vector_load %arg16[%get3A_657, %get3A_658] {strides = array<i32>} : memref<128x64xf32, #tpu.memory_space<vmem>>, vector<1x16xf32>,
        %get3A_660 = vector.shape_cast %get3A_659 : vector<1x16xf32> to vector<16xf32>
        %add3A_661 = arith.addf %get3A_656, %get3A_660 : vector<16xf32>
        %swap3A_662 = arith.index_cast %scan3A_612 : i32 to index
        %swap3A_663 = arith.constant 48 : index
        %swap3A_664 = tpu.vector_load %arg12[%swap3A_662, %swap3A_663] {strides = array<i32>} : memref<128x64xf32, #tpu.memory_space<vmem>>, vector<1x16xf32>,
        %swap3A_665 = vector.shape_cast %swap3A_664 : vector<1x16xf32> to vector<16xf32>
        %swap3A_666 = vector.shape_cast %add3A_661 : vector<16xf32> to vector<1x16xf32>
        tpu.vector_store %arg12[%swap3A_662, %swap3A_663], %swap3A_666 {strides = array<i32>} : memref<128x64xf32, #tpu.memory_space<vmem>>, vector<1x16xf32>,
      }
      %scan3A_569 = arith.constant 128 : i32
      %mul3A_570 = arith.constant 128 : i32
      %mul3A_571 = arith.muli %add3A_545, %mul3A_570 : i32
      %add3A_572 = arith.addi %mul3A_2, %mul3A_571 : i32
      %jit3A_573 = arith.constant 512 : i32
      %div3A_574 = arith.divsi %add3A_572, %jit3A_573 : i32
      %sign3A_575 = arith.constant 0 : i32
      %sign3A_576 = arith.cmpi sgt, %add3A_572, %sign3A_575 : i32
      %sign3A_577 = arith.extui %sign3A_576 : i1 to i32
      %sign3A_578 = arith.constant 0 : i32
      %sign3A_579 = arith.cmpi slt, %add3A_572, %sign3A_578 : i32
      %sign3A_580 = arith.extui %sign3A_579 : i1 to i32
      %sign3A_581 = arith.subi %sign3A_577, %sign3A_580 : i32
      %sign3A_582 = arith.constant 0 : i32
      %sign3A_583 = arith.cmpi sgt, %jit3A_573, %sign3A_582 : i32
      %sign3A_584 = arith.extui %sign3A_583 : i1 to i32
      %sign3A_585 = arith.constant 0 : i32
      %sign3A_586 = arith.cmpi slt, %jit3A_573, %sign3A_585 : i32
      %sign3A_587 = arith.extui %sign3A_586 : i1 to i32
      %sign3A_588 = arith.subi %sign3A_584, %sign3A_587 : i32
      %ne3A_589 = arith.cmpi ne, %sign3A_581, %sign3A_588 : i32
      %rem3A_590 = arith.remsi %add3A_572, %jit3A_573 : i32
      %ne3A_591 = arith.constant 0 : i32
      %ne3A_592 = arith.cmpi ne, %rem3A_590, %ne3A_591 : i32
      %and3A_593 = arith.andi %ne3A_589, %ne3A_592 : i1
      %sub3A_594 = arith.constant 1 : i32
      %sub3A_595 = arith.subi %div3A_574, %sub3A_594 : i32
      %select_n3A_596 = arith.select %and3A_593, %sub3A_595, %div3A_574 : i32
      %rem3A_597 = arith.constant 512 : i32
      %rem3A_598 = arith.remsi %add3A_572, %rem3A_597 : i32
      %dma_start3A_599 = arith.constant 0 : i32
      %dma_start3A_600 = tpu.memref_slice %arg6[%select_n3A_596, %rem3A_598, %dma_start3A_599] : memref<1024x512x64xf32, #tpu.memory_space<hbm>> -> memref<1x128x64xf32, #tpu.memory_space<hbm>>
      %dma_start3A_601 = tpu.memref_squeeze %dma_start3A_600 : memref<1x128x64xf32, #tpu.memory_space<hbm>> -> memref<128x64xf32, #tpu.memory_space<hbm>>
      %dma_start3A_602 = arith.constant 0 : i32
      %dma_start3A_603 = tpu.memref_slice %arg6[%select_n3A_596, %rem3A_598, %dma_start3A_602] : memref<1024x512x64xf32, #tpu.memory_space<hbm>> -> memref<1x128x64xf32, #tpu.memory_space<hbm>>
      %dma_start3A_604 = tpu.memref_squeeze %dma_start3A_603 : memref<1x128x64xf32, #tpu.memory_space<hbm>> -> memref<128x64xf32, #tpu.memory_space<hbm>>
      tpu.enqueue_dma source(%arg12 : memref<128x64xf32, #tpu.memory_space<vmem>>) target(%dma_start3A_604 : memref<128x64xf32, #tpu.memory_space<hbm>>) target_semaphore(%arg28 : memref<!tpu.dma_semaphore, #tpu.memory_space<semaphore_mem>>)
      %add3A_605 = arith.constant 4 : i32
      %add3A_606 = arith.addi %add3A_545, %add3A_605 : i32
      %lt3A_607 = arith.constant 128 : i32
      %lt3A_608 = arith.cmpi slt, %add3A_606, %lt3A_607 : i32
      %convert_element_type3A_609 = arith.extui %lt3A_608 : i1 to i32
      %cond3A_610 = arith.constant 0 : i32
      %cond3A_611 = arith.cmpi ne, %convert_element_type3A_609, %cond3A_610 : i32
      scf.if %cond3A_611 {
        %add3A_612 = arith.constant 4 : i32
        %add3A_613 = arith.addi %add3A_545, %add3A_612 : i32
        %ge3A = arith.constant 4 : i32
        %ge3A_614 = arith.cmpi sge, %add3A_613, %ge3A : i32
        %convert_element_type3A_615 = arith.extui %ge3A_614 : i1 to i32
        %cond3A_616 = arith.constant 0 : i32
        %cond3A_617 = arith.cmpi ne, %convert_element_type3A_615, %cond3A_616 : i32
        scf.if %cond3A_617 {
          %mul3A_636 = arith.constant 128 : i32
          %mul3A_637 = arith.muli %add3A_613, %mul3A_636 : i32
          %add3A_638 = arith.addi %mul3A_2, %mul3A_637 : i32
          %jit3A_639 = arith.constant 512 : i32
          %div3A_640 = arith.divsi %add3A_638, %jit3A_639 : i32
          %sign3A_641 = arith.constant 0 : i32
          %sign3A_642 = arith.cmpi sgt, %add3A_638, %sign3A_641 : i32
          %sign3A_643 = arith.extui %sign3A_642 : i1 to i32
          %sign3A_644 = arith.constant 0 : i32
          %sign3A_645 = arith.cmpi slt, %add3A_638, %sign3A_644 : i32
          %sign3A_646 = arith.extui %sign3A_645 : i1 to i32
          %sign3A_647 = arith.subi %sign3A_643, %sign3A_646 : i32
          %sign3A_648 = arith.constant 0 : i32
          %sign3A_649 = arith.cmpi sgt, %jit3A_639, %sign3A_648 : i32
          %sign3A_650 = arith.extui %sign3A_649 : i1 to i32
          %sign3A_651 = arith.constant 0 : i32
          %sign3A_652 = arith.cmpi slt, %jit3A_639, %sign3A_651 : i32
          %sign3A_653 = arith.extui %sign3A_652 : i1 to i32
          %sign3A_654 = arith.subi %sign3A_650, %sign3A_653 : i32
          %ne3A_655 = arith.cmpi ne, %sign3A_647, %sign3A_654 : i32
          %rem3A_656 = arith.remsi %add3A_638, %jit3A_639 : i32
          %ne3A_657 = arith.constant 0 : i32
          %ne3A_658 = arith.cmpi ne, %rem3A_656, %ne3A_657 : i32
          %and3A_659 = arith.andi %ne3A_655, %ne3A_658 : i1
          %sub3A_660 = arith.constant 1 : i32
          %sub3A_661 = arith.subi %div3A_640, %sub3A_660 : i32
          %select_n3A_662 = arith.select %and3A_659, %sub3A_661, %div3A_640 : i32
          %rem3A_663 = arith.constant 512 : i32
          %rem3A_664 = arith.remsi %add3A_638, %rem3A_663 : i32
          %dma_wait3A_665 = arith.constant 0 : i32
          %dma_wait3A_666 = tpu.memref_slice %arg6[%select_n3A_662, %rem3A_664, %dma_wait3A_665] : memref<1024x512x64xf32, #tpu.memory_space<hbm>> -> memref<1x128x64xf32, #tpu.memory_space<hbm>>
          %dma_wait3A_667 = tpu.memref_squeeze %dma_wait3A_666 : memref<1x128x64xf32, #tpu.memory_space<hbm>> -> memref<128x64xf32, #tpu.memory_space<hbm>>
          %dma_wait3A_668 = arith.constant 0 : i32
          %dma_wait3A_669 = tpu.memref_slice %arg6[%select_n3A_662, %rem3A_664, %dma_wait3A_668] : memref<1024x512x64xf32, #tpu.memory_space<hbm>> -> memref<1x128x64xf32, #tpu.memory_space<hbm>>
          %dma_wait3A_670 = tpu.memref_squeeze %dma_wait3A_669 : memref<1x128x64xf32, #tpu.memory_space<hbm>> -> memref<128x64xf32, #tpu.memory_space<hbm>>
          tpu.wait_dma2 semaphore(%arg28 : memref<!tpu.dma_semaphore, #tpu.memory_space<semaphore_mem>>) src(%arg12 : memref<128x64xf32, #tpu.memory_space<vmem>>) dst(%dma_wait3A_670 : memref<128x64xf32, #tpu.memory_space<hbm>>)
        } else {
        }
        %mul3A_618 = arith.constant 128 : i32
        %mul3A_619 = arith.muli %add3A_613, %mul3A_618 : i32
        %add3A_620 = arith.constant 0 : i32
        %add3A_621 = arith.addi %mul3A_619, %add3A_620 : i32
        %dma_start3A_622 = arith.constant 0 : i32
        %dma_start3A_623 = arith.constant 0 : i32
        %dma_start3A_624 = tpu.memref_slice %arg12[%dma_start3A_622, %dma_start3A_623] : memref<128x64xf32, #tpu.memory_space<vmem>> -> memref<128x64xf32, #tpu.memory_space<vmem>>
        %dma_start3A_625 = tpu.memref_slice %arg7[%add3A_621] : memref<16384xi32, #tpu.memory_space<vmem>> -> memref<128xi32, #tpu.memory_space<vmem>>
        %dma_start3A_626 = arith.constant 0 : i32
        %dma_start3A_627 = arith.constant 0 : i32
        %dma_start3A_628 = tpu.memref_slice %arg4[%dma_start3A_626, %dma_start3A_627] : memref<1000000x64xf32, #tpu.memory_space<hbm>> -> memref<1000000x64xf32, #tpu.memory_space<hbm>>
        tpu.enqueue_indirect_dma source(%dma_start3A_628 : memref<1000000x64xf32, #tpu.memory_space<hbm>>) target(%dma_start3A_624 : memref<128x64xf32, #tpu.memory_space<vmem>>) offsets(%dma_start3A_625 : memref<128xi32, #tpu.memory_space<vmem>>) semaphore(%arg20 : memref<!tpu.dma_semaphore, #tpu.memory_space<semaphore_mem>>)
        %dma_start3A_629 = arith.constant 0 : i32
        %dma_start3A_630 = arith.constant 0 : i32
        %dma_start3A_631 = tpu.memref_slice %arg16[%dma_start3A_629, %dma_start3A_630] : memref<128x64xf32, #tpu.memory_space<vmem>> -> memref<128x64xf32, #tpu.memory_space<vmem>>
        %dma_start3A_632 = tpu.memref_slice %arg8[%add3A_621] : memref<16384xi32, #tpu.memory_space<vmem>> -> memref<128xi32, #tpu.memory_space<vmem>>
        %dma_start3A_633 = arith.constant 0 : i32
        %dma_start3A_634 = arith.constant 0 : i32
        %dma_start3A_635 = tpu.memref_slice %arg5[%dma_start3A_633, %dma_start3A_634] : memref<8192x64xf32, #tpu.memory_space<hbm>> -> memref<8192x64xf32, #tpu.memory_space<hbm>>
        tpu.enqueue_indirect_dma source(%dma_start3A_635 : memref<8192x64xf32, #tpu.memory_space<hbm>>) target(%dma_start3A_631 : memref<128x64xf32, #tpu.memory_space<vmem>>) offsets(%dma_start3A_632 : memref<128xi32, #tpu.memory_space<vmem>>) semaphore(%arg24 : memref<!tpu.dma_semaphore, #tpu.memory_space<semaphore_mem>>)
      } else {
      }
    }
    %scan3A_206 = arith.constant 32 : i32
    %add3A_207 = arith.constant 0 : i32
    %add3A_208 = arith.addi %mul3A_2, %add3A_207 : i32
    %jit3A = arith.constant 512 : i32
    %div3A = arith.divsi %add3A_208, %jit3A : i32
    %sign3A = arith.constant 0 : i32
    %sign3A_209 = arith.cmpi sgt, %add3A_208, %sign3A : i32
    %sign3A_210 = arith.extui %sign3A_209 : i1 to i32
    %sign3A_211 = arith.constant 0 : i32
    %sign3A_212 = arith.cmpi slt, %add3A_208, %sign3A_211 : i32
    %sign3A_213 = arith.extui %sign3A_212 : i1 to i32
    %sign3A_214 = arith.subi %sign3A_210, %sign3A_213 : i32
    %sign3A_215 = arith.constant 0 : i32
    %sign3A_216 = arith.cmpi sgt, %jit3A, %sign3A_215 : i32
    %sign3A_217 = arith.extui %sign3A_216 : i1 to i32
    %sign3A_218 = arith.constant 0 : i32
    %sign3A_219 = arith.cmpi slt, %jit3A, %sign3A_218 : i32
    %sign3A_220 = arith.extui %sign3A_219 : i1 to i32
    %sign3A_221 = arith.subi %sign3A_217, %sign3A_220 : i32
    %ne3A = arith.cmpi ne, %sign3A_214, %sign3A_221 : i32
    %rem3A = arith.remsi %add3A_208, %jit3A : i32
    %ne3A_222 = arith.constant 0 : i32
    %ne3A_223 = arith.cmpi ne, %rem3A, %ne3A_222 : i32
    %and3A = arith.andi %ne3A, %ne3A_223 : i1
    %sub3A = arith.constant 1 : i32
    %sub3A_224 = arith.subi %div3A, %sub3A : i32
    %select_n3A = arith.select %and3A, %sub3A_224, %div3A : i32
    %rem3A_225 = arith.constant 512 : i32
    %rem3A_226 = arith.remsi %add3A_208, %rem3A_225 : i32
    %dma_wait3A = arith.constant 0 : i32
    %dma_wait3A_227 = tpu.memref_slice %arg6[%select_n3A, %rem3A_226, %dma_wait3A] : memref<1024x512x64xf32, #tpu.memory_space<hbm>> -> memref<1x128x64xf32, #tpu.memory_space<hbm>>
    %dma_wait3A_228 = tpu.memref_squeeze %dma_wait3A_227 : memref<1x128x64xf32, #tpu.memory_space<hbm>> -> memref<128x64xf32, #tpu.memory_space<hbm>>
    %dma_wait3A_229 = arith.constant 0 : i32
    %dma_wait3A_230 = tpu.memref_slice %arg6[%select_n3A, %rem3A_226, %dma_wait3A_229] : memref<1024x512x64xf32, #tpu.memory_space<hbm>> -> memref<1x128x64xf32, #tpu.memory_space<hbm>>
    %dma_wait3A_231 = tpu.memref_squeeze %dma_wait3A_230 : memref<1x128x64xf32, #tpu.memory_space<hbm>> -> memref<128x64xf32, #tpu.memory_space<hbm>>
    tpu.wait_dma2 semaphore(%arg25 : memref<!tpu.dma_semaphore, #tpu.memory_space<semaphore_mem>>) src(%arg9 : memref<128x64xf32, #tpu.memory_space<vmem>>) dst(%dma_wait3A_231 : memref<128x64xf32, #tpu.memory_space<hbm>>)
    %add3A_232 = arith.constant 0 : i32
    %add3A_233 = arith.addi %mul3A_2, %add3A_232 : i32
    %jit3A_234 = arith.constant 512 : i32
    %div3A_235 = arith.divsi %add3A_233, %jit3A_234 : i32
    %sign3A_236 = arith.constant 0 : i32
    %sign3A_237 = arith.cmpi sgt, %add3A_233, %sign3A_236 : i32
    %sign3A_238 = arith.extui %sign3A_237 : i1 to i32
    %sign3A_239 = arith.constant 0 : i32
    %sign3A_240 = arith.cmpi slt, %add3A_233, %sign3A_239 : i32
    %sign3A_241 = arith.extui %sign3A_240 : i1 to i32
    %sign3A_242 = arith.subi %sign3A_238, %sign3A_241 : i32
    %sign3A_243 = arith.constant 0 : i32
    %sign3A_244 = arith.cmpi sgt, %jit3A_234, %sign3A_243 : i32
    %sign3A_245 = arith.extui %sign3A_244 : i1 to i32
    %sign3A_246 = arith.constant 0 : i32
    %sign3A_247 = arith.cmpi slt, %jit3A_234, %sign3A_246 : i32
    %sign3A_248 = arith.extui %sign3A_247 : i1 to i32
    %sign3A_249 = arith.subi %sign3A_245, %sign3A_248 : i32
    %ne3A_250 = arith.cmpi ne, %sign3A_242, %sign3A_249 : i32
    %rem3A_251 = arith.remsi %add3A_233, %jit3A_234 : i32
    %ne3A_252 = arith.constant 0 : i32
    %ne3A_253 = arith.cmpi ne, %rem3A_251, %ne3A_252 : i32
    %and3A_254 = arith.andi %ne3A_250, %ne3A_253 : i1
    %sub3A_255 = arith.constant 1 : i32
    %sub3A_256 = arith.subi %div3A_235, %sub3A_255 : i32
    %select_n3A_257 = arith.select %and3A_254, %sub3A_256, %div3A_235 : i32
    %rem3A_258 = arith.constant 512 : i32
    %rem3A_259 = arith.remsi %add3A_233, %rem3A_258 : i32
    %dma_wait3A_260 = arith.constant 0 : i32
    %dma_wait3A_261 = tpu.memref_slice %arg6[%select_n3A_257, %rem3A_259, %dma_wait3A_260] : memref<1024x512x64xf32, #tpu.memory_space<hbm>> -> memref<1x128x64xf32, #tpu.memory_space<hbm>>
    %dma_wait3A_262 = tpu.memref_squeeze %dma_wait3A_261 : memref<1x128x64xf32, #tpu.memory_space<hbm>> -> memref<128x64xf32, #tpu.memory_space<hbm>>
    %dma_wait3A_263 = arith.constant 0 : i32
    %dma_wait3A_264 = tpu.memref_slice %arg6[%select_n3A_257, %rem3A_259, %dma_wait3A_263] : memref<1024x512x64xf32, #tpu.memory_space<hbm>> -> memref<1x128x64xf32, #tpu.memory_space<hbm>>
    %dma_wait3A_265 = tpu.memref_squeeze %dma_wait3A_264 : memref<1x128x64xf32, #tpu.memory_space<hbm>> -> memref<128x64xf32, #tpu.memory_space<hbm>>
    tpu.wait_dma2 semaphore(%arg26 : memref<!tpu.dma_semaphore, #tpu.memory_space<semaphore_mem>>) src(%arg10 : memref<128x64xf32, #tpu.memory_space<vmem>>) dst(%dma_wait3A_265 : memref<128x64xf32, #tpu.memory_space<hbm>>)
    %add3A_266 = arith.constant 0 : i32
    %add3A_267 = arith.addi %mul3A_2, %add3A_266 : i32
    %jit3A_268 = arith.constant 512 : i32
    %div3A_269 = arith.divsi %add3A_267, %jit3A_268 : i32
    %sign3A_270 = arith.constant 0 : i32
    %sign3A_271 = arith.cmpi sgt, %add3A_267, %sign3A_270 : i32
    %sign3A_272 = arith.extui %sign3A_271 : i1 to i32
    %sign3A_273 = arith.constant 0 : i32
    %sign3A_274 = arith.cmpi slt, %add3A_267, %sign3A_273 : i32
    %sign3A_275 = arith.extui %sign3A_274 : i1 to i32
    %sign3A_276 = arith.subi %sign3A_272, %sign3A_275 : i32
    %sign3A_277 = arith.constant 0 : i32
    %sign3A_278 = arith.cmpi sgt, %jit3A_268, %sign3A_277 : i32
    %sign3A_279 = arith.extui %sign3A_278 : i1 to i32
    %sign3A_280 = arith.constant 0 : i32
    %sign3A_281 = arith.cmpi slt, %jit3A_268, %sign3A_280 : i32
    %sign3A_282 = arith.extui %sign3A_281 : i1 to i32
    %sign3A_283 = arith.subi %sign3A_279, %sign3A_282 : i32
    %ne3A_284 = arith.cmpi ne, %sign3A_276, %sign3A_283 : i32
    %rem3A_285 = arith.remsi %add3A_267, %jit3A_268 : i32
    %ne3A_286 = arith.constant 0 : i32
    %ne3A_287 = arith.cmpi ne, %rem3A_285, %ne3A_286 : i32
    %and3A_288 = arith.andi %ne3A_284, %ne3A_287 : i1
    %sub3A_289 = arith.constant 1 : i32
    %sub3A_290 = arith.subi %div3A_269, %sub3A_289 : i32
    %select_n3A_291 = arith.select %and3A_288, %sub3A_290, %div3A_269 : i32
    %rem3A_292 = arith.constant 512 : i32
    %rem3A_293 = arith.remsi %add3A_267, %rem3A_292 : i32
    %dma_wait3A_294 = arith.constant 0 : i32
    %dma_wait3A_295 = tpu.memref_slice %arg6[%select_n3A_291, %rem3A_293, %dma_wait3A_294] : memref<1024x512x64xf32, #tpu.memory_space<hbm>> -> memref<1x128x64xf32, #tpu.memory_space<hbm>>
    %dma_wait3A_296 = tpu.memref_squeeze %dma_wait3A_295 : memref<1x128x64xf32, #tpu.memory_space<hbm>> -> memref<128x64xf32, #tpu.memory_space<hbm>>
    %dma_wait3A_297 = arith.constant 0 : i32
    %dma_wait3A_298 = tpu.memref_slice %arg6[%select_n3A_291, %rem3A_293, %dma_wait3A_297] : memref<1024x512x64xf32, #tpu.memory_space<hbm>> -> memref<1x128x64xf32, #tpu.memory_space<hbm>>
    %dma_wait3A_299 = tpu.memref_squeeze %dma_wait3A_298 : memref<1x128x64xf32, #tpu.memory_space<hbm>> -> memref<128x64xf32, #tpu.memory_space<hbm>>
    tpu.wait_dma2 semaphore(%arg27 : memref<!tpu.dma_semaphore, #tpu.memory_space<semaphore_mem>>) src(%arg11 : memref<128x64xf32, #tpu.memory_space<vmem>>) dst(%dma_wait3A_299 : memref<128x64xf32, #tpu.memory_space<hbm>>)
    %add3A_300 = arith.constant 0 : i32
    %add3A_301 = arith.addi %mul3A_2, %add3A_300 : i32
    %jit3A_302 = arith.constant 512 : i32
    %div3A_303 = arith.divsi %add3A_301, %jit3A_302 : i32
    %sign3A_304 = arith.constant 0 : i32
    %sign3A_305 = arith.cmpi sgt, %add3A_301, %sign3A_304 : i32
    %sign3A_306 = arith.extui %sign3A_305 : i1 to i32
    %sign3A_307 = arith.constant 0 : i32
    %sign3A_308 = arith.cmpi slt, %add3A_301, %sign3A_307 : i32
    %sign3A_309 = arith.extui %sign3A_308 : i1 to i32
    %sign3A_310 = arith.subi %sign3A_306, %sign3A_309 : i32
    %sign3A_311 = arith.constant 0 : i32
    %sign3A_312 = arith.cmpi sgt, %jit3A_302, %sign3A_311 : i32
    %sign3A_313 = arith.extui %sign3A_312 : i1 to i32
    %sign3A_314 = arith.constant 0 : i32
    %sign3A_315 = arith.cmpi slt, %jit3A_302, %sign3A_314 : i32
    %sign3A_316 = arith.extui %sign3A_315 : i1 to i32
    %sign3A_317 = arith.subi %sign3A_313, %sign3A_316 : i32
    %ne3A_318 = arith.cmpi ne, %sign3A_310, %sign3A_317 : i32
    %rem3A_319 = arith.remsi %add3A_301, %jit3A_302 : i32
    %ne3A_320 = arith.constant 0 : i32
    %ne3A_321 = arith.cmpi ne, %rem3A_319, %ne3A_320 : i32
    %and3A_322 = arith.andi %ne3A_318, %ne3A_321 : i1
    %sub3A_323 = arith.constant 1 : i32
    %sub3A_324 = arith.subi %div3A_303, %sub3A_323 : i32
    %select_n3A_325 = arith.select %and3A_322, %sub3A_324, %div3A_303 : i32
    %rem3A_326 = arith.constant 512 : i32
    %rem3A_327 = arith.remsi %add3A_301, %rem3A_326 : i32
    %dma_wait3A_328 = arith.constant 0 : i32
    %dma_wait3A_329 = tpu.memref_slice %arg6[%select_n3A_325, %rem3A_327, %dma_wait3A_328] : memref<1024x512x64xf32, #tpu.memory_space<hbm>> -> memref<1x128x64xf32, #tpu.memory_space<hbm>>
    %dma_wait3A_330 = tpu.memref_squeeze %dma_wait3A_329 : memref<1x128x64xf32, #tpu.memory_space<hbm>> -> memref<128x64xf32, #tpu.memory_space<hbm>>
    %dma_wait3A_331 = arith.constant 0 : i32
    %dma_wait3A_332 = tpu.memref_slice %arg6[%select_n3A_325, %rem3A_327, %dma_wait3A_331] : memref<1024x512x64xf32, #tpu.memory_space<hbm>> -> memref<1x128x64xf32, #tpu.memory_space<hbm>>
    %dma_wait3A_333 = tpu.memref_squeeze %dma_wait3A_332 : memref<1x128x64xf32, #tpu.memory_space<hbm>> -> memref<128x64xf32, #tpu.memory_space<hbm>>
    tpu.wait_dma2 semaphore(%arg28 : memref<!tpu.dma_semaphore, #tpu.memory_space<semaphore_mem>>) src(%arg12 : memref<128x64xf32, #tpu.memory_space<vmem>>) dst(%dma_wait3A_333 : memref<128x64xf32, #tpu.memory_space<hbm>>)
    return
  }
}

</mosaic_0001>

<sc_bundles>
// kernel: kernel.3.cloned.1.call-start
scs
__scs_entry_jumppad:
0x0: {  	(pc) =	sbr.rel $0x88, $3  }
0x1: {  	(tag) =	ssettag $0x0;
	lr =	simm.s32 $0x1  }
0x2: {  	[smem:$0x3F9C] =	sst lr;
	_ =	strace $0xD0000000  }
0x3: {  	_ = 	snop  }
0x4: {  	_ = 	snop  }
0x5: {  	_ = 	snop  }
0x6: {  	_ = 	snop  }
0x7: {  	_ = 	snop  }
__scs_overlays_trampoline_lowered:
0x8: {  	[smem:$0x3FAB] =	sst s0  }
0x9: {  	[smem:$0x3FAC] =	sst s1  }
0xa: {  	[smem:$0x3FAD] =	sst s2  }
0xb: {  	[smem:$0x3FAE] =	sst s3  }
0xc: {  	[smem:$0x3FAF] =	sst s4  }
0xd: {  	[smem:$0x3FB0] =	sst s5  }
0xe: {  	[smem:$0x3FB1] =	sst s6  }
0xf: {  	[smem:$0x3FB2] =	sst s7  }
0x10: {  	[smem:$0x3FB3] =	sst s8  }
0x11: {  	[smem:$0x3FB4] =	sst s9;
	s0 =	simm.s32 @!p0 $0x0  }
0x12: {  	s1 =	sld [smem:$0x3F9A];
	s0 =	simm.s32 @p0 $0x1  }
0x13: {  	[smem:$0x3FB5] =	sst s0;
	s0 =	simm.s32 @!p1 $0x0  }
0x14: {  	s2 =	sld [smem:$0x3F99];
	s0 =	simm.s32 @p1 $0x1  }
0x15: {  	[smem:$0x3FB6] =	sst s0;
	s0 =	simm.s32 @!p2 $0x0  }
0x16: {  	s3 =	sld [smem:$0x3FDB];
	s0 =	simm.s32 @p2 $0x1  }
0x17: {  	s4 =	simm.s32 $0x1BF5;
	[smem:$0x3FB8] =	sst s0  }
0x18: {  	s0 =	sld [smem:$0x3F9B];
	_ =	swait.ge [sflag:s4], $0x0  }
0x19: {  	s7 =	sld [smem:$0x3F9C]  }
0x1a: {  	s8 =	sadd.s32 $0xFFFFE003, lr  }
0x1b: {  	s9 =	sadd.s32 $0xFFFFFEF7, lr;
	s5 =	simm.s32 $0xFFFFFFFF;
	p2 =	slt.u32 s8, $0xFFFFF086  }
0x1c: {  	p1 =	slt.u32 s9, $0xF7A;
	s5 =	simm.s32 @!p2 $0x0  }
0x1d: {  	s5 =	simm.s32 @p1 $0x1;
	p0 =	seq.s32 s7, s2  }
0x1e: {  	s7 =	smul.u32 @!p0 $0xF7A, s2;
	p2 =	seq.s32 @!p0 s5, $0x0  }
0x1f: {  	s9 =	smul.u32 $0xF7A, s1;
	s8 =	simm.s32 @!p0 $0x1BF5;
	p2 =	por !p2, p0  }
0x20: {  	[sflag:s8] =	ssyncset.s32 @!p0 $0xFFFFF086;
	s6 =	sadd.s32 @!p0 s3, s7;
	s7 =	simm.s32 @!p0 $0x108  }
0x21: {  	s3 =	sadd.s32 s3, s9;
	s6 =	sadd.s32 @!p0 $0x88, s6;
	s7 =	simm.s32 @p2 $0x1082  }
0x22: {  	[simem:s7], [sflag:s8] =	dma.local @!p0 [hbm:s6], $0xF7A  }
0x23: {  	s9 =	sor.u32 $0xD0000000, s2;
	s6 =	simm.s32 $0x108;
	_ =	swait.ge @!p0 [sflag:s8], $0x0  }
0x24: {  	s3 =	sadd.s32 $0x88, s3;
	s6 =	simm.s32 @!p1 $0x1082;
	[sflag:s4] =	ssyncset.s32 $0xFFFFF086  }
0x25: {  	[simem:s6], [sflag:s4] =	dma.local [hbm:s3], $0xF7A  }
0x26: {  	[smem:$0x3F9C] =	sst s1;
	(tag) =	ssettag s2;
	_ =	strace s9  }
0x27: {  	s1 =	sld [smem:$0x3FAC]  }
0x28: {  	s2 =	sld [smem:$0x3FAD]  }
0x29: {  	s4 =	sld [smem:$0x3FAF]  }
0x2a: {  	p0 =	seq.s32 s5, $0x0;
	s5 =	sld [smem:$0x3FB0]  }
0x2b: {  	s6 =	sld [smem:$0x3FB1]  }
0x2c: {  	s7 =	sld [smem:$0x3FB2]  }
0x2d: {  	s3 =	simm.s32 $0x108;
	s8 =	sld [smem:$0x3FB3]  }
0x2e: {  	s3 =	simm.s32 @!p0 $0x1082;
	s9 =	sld [smem:$0x3FB4]  }
0x2f: {  	lr =	sadd.s32 s0, s3;
	s0 =	sld [smem:$0x3FAB]  }
0x30: {  	s3 =	sld [smem:$0x3FAE]  }
0x31: {  	[smem:$0x3FB7] =	sst s10  }
0x32: {  	s10 =	sld [smem:$0x3FB5];
	_ =	sdelay $0x3  }
0x33: {  	p0 =	seq.s32 s10, $0x1;
	s10 =	sld [smem:$0x3FB7];
	_ =	sdelay $0x3  }
0x34: {  	[smem:$0x3FB7] =	sst s10  }
0x35: {  	s10 =	sld [smem:$0x3FB6];
	_ =	sdelay $0x3  }
0x36: {  	p1 =	seq.s32 s10, $0x1;
	s10 =	sld [smem:$0x3FB7];
	_ =	sdelay $0x3  }
0x37: {  	[smem:$0x3FB7] =	sst s10  }
0x38: {  	s10 =	sld [smem:$0x3FB8]  }
0x39: {  	_ = 	snop;
	(pc) =	sbr.ind lr, $3  }
0x3a: {  	_ = 	snop  }
0x3b: {  	_ = 	snop  }
0x3c: {  	p2 =	seq.s32 s10, $0x1;
	s10 =	sld [smem:$0x3FB7]  }
0x3d: {  	_ =	shalt  }
0x3e: {  	_ =	shalt  }
0x3f: {  	_ =	shalt  }
0x40: {  	_ =	shalt  }
0x41: {  	_ =	shalt  }
0x42: {  	_ =	shalt  }
0x43: {  	_ =	shalt  }
0x44: {  	_ =	shalt  }
0x45: {  	_ =	shalt  }
0x46: {  	_ =	shalt  }
0x47: {  	_ =	shalt  }
0x48: {  	_ =	shalt  }
0x49: {  	_ =	shalt  }
0x4a: {  	_ =	shalt  }
0x4b: {  	_ =	shalt  }
0x4c: {  	_ =	shalt  }
0x4d: {  	_ =	shalt  }
0x4e: {  	_ =	shalt  }
0x4f: {  	_ =	shalt  }
0x50: {  	_ =	shalt  }
0x51: {  	_ =	shalt  }
0x52: {  	_ =	shalt  }
0x53: {  	_ =	shalt  }
0x54: {  	_ =	shalt  }
0x55: {  	_ =	shalt  }
0x56: {  	_ =	shalt  }
0x57: {  	_ =	shalt  }
0x58: {  	_ =	shalt  }
0x59: {  	_ =	shalt  }
0x5a: {  	_ =	shalt  }
0x5b: {  	_ =	shalt  }
0x5c: {  	_ =	shalt  }
0x5d: {  	_ =	shalt  }
0x5e: {  	_ =	shalt  }
0x5f: {  	_ =	shalt  }
0x60: {  	_ =	shalt  }
0x61: {  	_ =	shalt  }
0x62: {  	_ =	shalt  }
0x63: {  	_ =	shalt  }
0x64: {  	_ =	shalt  }
0x65: {  	_ =	shalt  }
0x66: {  	_ =	shalt  }
0x67: {  	_ =	shalt  }
0x68: {  	_ =	shalt  }
0x69: {  	_ =	shalt  }
0x6a: {  	_ =	shalt  }
0x6b: {  	_ =	shalt  }
0x6c: {  	_ =	shalt  }
0x6d: {  	_ =	shalt  }
0x6e: {  	_ =	shalt  }
0x6f: {  	_ =	shalt  }
0x70: {  	_ =	shalt  }
0x71: {  	_ =	shalt  }
0x72: {  	_ =	shalt  }
0x73: {  	_ =	shalt  }
0x74: {  	_ =	shalt  }
0x75: {  	_ =	shalt  }
0x76: {  	_ =	shalt  }
0x77: {  	_ =	shalt  }
0x78: {  	_ =	shalt  }
0x79: {  	_ =	shalt  }
0x7a: {  	_ =	shalt  }
0x7b: {  	_ =	shalt  }
0x7c: {  	_ =	shalt  }
0x7d: {  	_ =	shalt  }
0x7e: {  	_ =	shalt  }
0x7f: {  	_ =	shalt  }
0x80: {  	_ =	shalt  }
0x81: {  	_ =	shalt  }
0x82: {  	_ =	shalt  }
0x83: {  	_ =	shalt  }
0x84: {  	_ =	shalt  }
0x85: {  	_ =	shalt  }
0x86: {  	_ =	shalt  }
0x87: {  	_ =	shalt  }
.Lfunc_end0:
.L_simem_size_0:
called_computation.1_lowered:
.L_overlay_start_0:
0x88: {  	s2 =	sld [smem:$0x3FD9]  }
0x89: {  	s3 =	sld [smem:$0x3FFE];
	_ =	sdelay $0x1  }
0x8a: {  	s1 =	srdreg.scid  }
0x8b: {  	s0 =	sand.u32 $0x1, s1  }
0x8c: {  	s17 =	sshll.u32 s0, $0xA;
	s2 =	sadd.s32 s3, s2  }
0x8d: {  	s2 =	sadd.s32 s2, s17  }
0x8e: {  	[smem:$0x3FC3] =	sst s2  }
0x8f: {  	_ = 	snop  }
0x90: {  	s2 =	sld [smem:$0x3FD0];
	(tm) =	ssettm $0x1  }
0x91: {  	s18 =	sld [smem:$0x3FFB];
	_ =	sdelay $0x3  }
0x92: {  	_ =	strace s18  }
0x93: {  	s3 =	sld [smem:$0x3FFC];
	_ =	sdelay $0x3  }
0x94: {  	_ =	strace s3  }
0x95: {  	s3 =	sld [smem:$0x3FFD];
	_ =	sdelay $0x3  }
0x96: {  	_ =	strace s3  }
0x97: {  	_ =	strace $0x8FFFFFFF  }
0x98: {  	s19 =	sld [smem:$0x3FDB];
	_ =	sdelay $0x1  }
0x99: {  	s4 =	simm.s32 $_scs_section_size  }
0x9a: {  	s5 =	simm.s32 $_size__tile_overlayer_lowered;
	s6 =	simm.s32 $_tile_overlayer_lowered  }
0x9b: {  	s22 =	simm.s32 $0x1BFF;
	s21 =	sshll.u32 s6, $0x1;
	s3 =	sadd.s32 s4, s19  }
0x9c: {  	s7 =	simm.s32 $0x0;
	s20 =	sshll.u32 s5, $0x1;
	s5 =	sadd.s32 s21, s3  }
0x9d: {  	[timem:s7], [sflag:s22] =	dma.local [hbm:s5], s20  }
0x9e: {  	_ =	swait.ge [sflag:s22], s20  }
0x9f: {  	s4 =	ssub.s32 $0x0, s20;
	[sflag:s22] =	ssyncset.done $0x0  }
0xa0: {  	[sflag:s22] =	ssyncadd.s32 s4;
	_ =	sdelay $0x1  }
0xa1: {  	s23 =	simm.s32 $0x1B8B  }
0xa2: {  	_ =	swait.ge [sflag:s23], $0x1  }
0xa3: {  	[sflag:s23] =	ssyncset.done $0x0  }
0xa4: {  	s25 =	simm.s32 $0x1B8E;
	s24 =	sld [smem:$0x3FFE];
	[sflag:s23] =	ssyncadd.s32 $0xFFFFFFFF  }
0xa5: {  	s26 =	simm.s32 $execute0_lowered;
	[smem:$0x3FD2] =	sst s25  }
0xa6: {  	s5 =	sshll.u32 s26, $0x1;
	_ =	strace $0x80000046;
	[dreg:$0x1] =	wrdreg $0xFFFFFFFF  }
0xa7: {  	s28 =	simm.s32 $_size_execute0_lowered;
	s3 =	sadd.s32 s3, s5;
	[dreg:$0x0] =	wrdreg $0x0  }
0xa8: {  	s5 =	sshll.u32 s28, $0x1;
	[dreg:$0x2] =	wrdreg s3  }
0xa9: {  	[dreg:$0x3] =	wrdreg s5  }
0xaa: {  	[dreg:$0x4] =	wrdreg $0xC0  }
0xab: {  	_ =	task [dreg:s7], $0x5FFFF  }
0xac: {  	[dreg:$0x1] =	wrdreg $0xFFFFFFFF  }
0xad: {  	[dreg:$0x0] =	wrdreg $0x60  }
0xae: {  	[dreg:$0x2] =	wrdreg s24  }
0xaf: {  	[dreg:$0x3] =	wrdreg s2  }
0xb0: {  	[dreg:$0x4] =	wrdreg $0x9  }
0xb1: {  	_ =	task.clear_ibuf [dreg:s7], $0x5FFFF;
	_ =	strace $0x90000046  }
0xb2: {  	s29 =	simm.s32 $0x9;
	_ =	strace $0x80000048  }
0xb3: {  	_ =	swait.ge [sflag:s29], $0x1  }
0xb4: {  	[sflag:s29] =	ssyncadd.s32 $0xFFFFFFFF  }
0xb5: {  	_ =	strace $0x90000048  }
0xb6: {  	_ =	sfence  }
0xb7: {  	s30 =	sld [smem:$0x0];
	_ =	sdelay $0x2  }
0xb8: {  	s31 =	sshll.u32 s1, $0xD;
	s1 =	sshrl.u32 s1, $0x2  }
0xb9: {  	s3 =	sand.u32 $0x4000, s31;
	s1 =	sadd.s32 s1, s30  }
0xba: {  	s0 =	sor.u32 s3, s0;
	s1 =	sshll.u32 s1, $0x11  }
0xbb: {  	s0 =	sor.u32 s1, s0  }
0xbc: {  	s0 =	sadd.s32 $0x8F2B, s0  }
0xbd: {  	[sflag:s0] =	ssyncadd.remote.s32 $0x1  }
0xbe: {  	_ =	sfence.sel $0xFFFF  }
0xbf: {  	[dreg:$0x0] =	wrdreg $0xFFFFFFFF;
	(pc) =	sbr.abs _section_cstart, $3  }
0xc0: {  	[dreg:$0x1] =	wrdreg $0xFFFFFFFF  }
0xc1: {  	_ =	task.clear_ibuf [dreg:s7], $0x2FFFF;
	_ =	strace $0x9FFFFFFF  }
0xc2: {  	(tm) =	ssettm $0x7FFFFFFF  }
0xc3: {  	_ =	shalt  }
tec
execute0_lowered:
.L_overlay_start_1:
0x0: {  	(tag) =	ssettag $0x1  }
0x1: {  	s2 =	srdreg.scid  }
0x2: {  	s0 =	rddreg [dreg:$0x0];
	s2 =	sand.u32 $0x1, s2  }
0x3: {  	s1 =	rddreg [dreg:$0x1];
	s5 =	stileid.u32;
	s4 =	sshll.u32 s2, $0x4  }
0x4: {  	s3 =	simm.s32 $0x0;
	s8 =	ssub.s32 $0x2, s2;
	s2 =	sor.u32 s5, s4  }
0x5: {  	[smem:$0x7FF] =	sst s3;
	s6 =	sadd.s32 $0x11000, s0;
	s7 =	sshll.u32 s2, $0xB  }
0x6: {  	s5 =	sadd.s32 $0x21000, s0;
	s14 =	sshrl.u32 s8, $0x1;
	s15 =	sor.u32 $0x40, s7  }
0x7: {  	_ =	strace $0x80000047;
	s4 =	ssub.s32 s8, s14;
	s9 =	sadd.s32 s5, s15  }
0x8: {  	s16 =	sor.u32 $0x80, s7;
	s8 =	sadd.s32 s6, s15;
	[dreg:$0x3] =	wrdreg s9  }
0x9: {  	s18 =	sor.u32 $0xC0, s7;
	s17 =	sadd.s32 s5, s16;
	[dreg:$0x4] =	wrdreg s8  }
0xa: {  	s20 =	sor.u32 $0x100, s7;
	s19 =	sadd.s32 s5, s18;
	[dreg:$0x5] =	wrdreg s17  }
0xb: {  	s22 =	sor.u32 $0x140, s7;
	s21 =	sadd.s32 s5, s20;
	[dreg:$0x7] =	wrdreg s19  }
0xc: {  	s24 =	sor.u32 $0x180, s7;
	s23 =	sadd.s32 s5, s22;
	[dreg:$0x9] =	wrdreg s21  }
0xd: {  	s26 =	sor.u32 $0x1C0, s7;
	s25 =	sadd.s32 s5, s24;
	[dreg:$0xb] =	wrdreg s23  }
0xe: {  	s11 =	sor.u32 $0x200, s7;
	s10 =	sadd.s32 s5, s26;
	[dreg:$0xd] =	wrdreg s25  }
0xf: {  	s13 =	sor.u32 $0x240, s7;
	s12 =	sadd.s32 s5, s11;
	[dreg:$0xf] =	wrdreg s10  }
0x10: {  	s14 =	sadd.s32 s5, s13;
	[dreg:$0x11] =	wrdreg s12  }
0x11: {  	s15 =	sor.u32 $0x280, s7;
	s8 =	sadd.s32 s6, s16;
	[dreg:$0x13] =	wrdreg s14  }
0x12: {  	s16 =	sadd.s32 s5, s15;
	[dreg:$0x6] =	wrdreg s8  }
0x13: {  	s17 =	sor.u32 $0x2C0, s7;
	s8 =	sadd.s32 s6, s18;
	[dreg:$0x15] =	wrdreg s16  }
0x14: {  	s18 =	sadd.s32 s5, s17;
	[dreg:$0x8] =	wrdreg s8  }
0x15: {  	s19 =	sor.u32 $0x300, s7;
	s8 =	sadd.s32 s6, s20;
	[dreg:$0x17] =	wrdreg s18  }
0x16: {  	s20 =	sadd.s32 s5, s19;
	[dreg:$0xa] =	wrdreg s8  }
0x17: {  	s21 =	sor.u32 $0x340, s7;
	s8 =	sadd.s32 s6, s22;
	[dreg:$0x19] =	wrdreg s20  }
0x18: {  	s22 =	sadd.s32 s5, s21;
	[dreg:$0xc] =	wrdreg s8  }
0x19: {  	s23 =	sor.u32 $0x380, s7;
	s8 =	sadd.s32 s6, s24;
	[dreg:$0x1b] =	wrdreg s22  }
0x1a: {  	s24 =	sadd.s32 s5, s23;
	[dreg:$0xe] =	wrdreg s8  }
0x1b: {  	s25 =	sor.u32 $0x3C0, s7;
	s8 =	sadd.s32 s6, s26;
	[dreg:$0x1d] =	wrdreg s24  }
0x1c: {  	s26 =	sadd.s32 s5, s25;
	[dreg:$0x10] =	wrdreg s8  }
0x1d: {  	s10 =	sor.u32 $0x400, s7;
	s8 =	sadd.s32 s6, s11;
	[dreg:$0x1f] =	wrdreg s26  }
0x1e: {  	s11 =	sadd.s32 s5, s10;
	[dreg:$0x12] =	wrdreg s8  }
0x1f: {  	s12 =	sor.u32 $0x440, s7;
	s8 =	sadd.s32 s6, s13;
	[smem:$0x7DB] =	sst s11  }
0x20: {  	s13 =	sadd.s32 s5, s12;
	[dreg:$0x14] =	wrdreg s8  }
0x21: {  	s14 =	sor.u32 $0x480, s7;
	s8 =	sadd.s32 s6, s15;
	[smem:$0x7DD] =	sst s13  }
0x22: {  	s15 =	sadd.s32 s5, s14;
	[dreg:$0x16] =	wrdreg s8  }
0x23: {  	s16 =	sor.u32 $0x4C0, s7;
	s8 =	sadd.s32 s6, s17;
	[smem:$0x7DF] =	sst s15  }
0x24: {  	s17 =	sadd.s32 s5, s16;
	[dreg:$0x18] =	wrdreg s8  }
0x25: {  	s18 =	sor.u32 $0x500, s7;
	s8 =	sadd.s32 s6, s19;
	[smem:$0x7E1] =	sst s17  }
0x26: {  	s19 =	sadd.s32 s5, s18;
	[dreg:$0x1a] =	wrdreg s8  }
0x27: {  	s20 =	sor.u32 $0x540, s7;
	s8 =	sadd.s32 s6, s21;
	[smem:$0x7E3] =	sst s19  }
0x28: {  	s28 =	simm.s32 $0x2;
	s21 =	sadd.s32 s5, s20;
	[dreg:$0x1c] =	wrdreg s8  }
0x29: {  	s22 =	sor.u32 $0x580, s7;
	s8 =	sadd.s32 s6, s23;
	[smem:$0x7E5] =	sst s21  }
0x2a: {  	s29 =	simm.s32 $0x6;
	s23 =	sadd.s32 s5, s22;
	[dreg:$0x1e] =	wrdreg s8  }
0x2b: {  	s30 =	simm.s32 $0x3;
	s21 =	sadd.s32 s5, s7;
	[smem:$0x7E7] =	sst s23  }
0x2c: {  	s24 =	sor.u32 $0x5C0, s7;
	s8 =	sadd.s32 s6, s25;
	[smem:$0x7F7] =	sst s21  }
0x2d: {  	s31 =	simm.s32 $0x7;
	s25 =	sadd.s32 s5, s24;
	[smem:$0x7DA] =	sst s8  }
0x2e: {  	s26 =	sor.u32 $0x600, s7;
	s8 =	sadd.s32 s6, s10;
	[smem:$0x7E9] =	sst s25  }
0x2f: {  	s11 =	sor.u32 $0x640, s7;
	s10 =	sadd.s32 s5, s26;
	[smem:$0x7DC] =	sst s8  }
0x30: {  	s13 =	sor.u32 $0x680, s7;
	s8 =	sadd.s32 s6, s12;
	[smem:$0x7EB] =	sst s10  }
0x31: {  	s15 =	sor.u32 $0x6C0, s7;
	s12 =	sadd.s32 s5, s11;
	[smem:$0x7DE] =	sst s8  }
0x32: {  	s17 =	sor.u32 $0x700, s7;
	s8 =	sadd.s32 s6, s14;
	[smem:$0x7ED] =	sst s12  }
0x33: {  	s19 =	sor.u32 $0x740, s7;
	s14 =	sadd.s32 s5, s13;
	[smem:$0x7E0] =	sst s8  }
0x34: {  	s23 =	sor.u32 $0x780, s7;
	s8 =	sadd.s32 s6, s16;
	[smem:$0x7EF] =	sst s14  }
0x35: {  	s21 =	simm.s32 $0xA000;
	s16 =	sadd.s32 s5, s15;
	[smem:$0x7E2] =	sst s8  }
0x36: {  	s10 =	sadd.s32 $0xF43400, s0;
	s8 =	sadd.s32 s6, s18;
	[smem:$0x7F1] =	sst s16  }
0x37: {  	s12 =	sshll.u32 s2, $0x11;
	s18 =	sadd.s32 s5, s17;
	[smem:$0x7E4] =	sst s8  }
0x38: {  	s2 =	simm.s32 $0x8;
	s8 =	sadd.s32 s6, s20;
	[smem:$0x7F3] =	sst s18  }
0x39: {  	s14 =	sadd.s32 $0x400, s1;
	s20 =	sadd.s32 s5, s19;
	[smem:$0x7E6] =	sst s8  }
0x3a: {  	s16 =	sadd.s32 $0xC00, s1;
	s8 =	sadd.s32 s6, s22;
	[smem:$0x7F5] =	sst s20  }
0x3b: {  	s18 =	simm.s32 $0x80;
	s22 =	sadd.s32 s6, s7;
	[smem:$0x7E8] =	sst s8  }
0x3c: {  	s7 =	sor.u32 $0x7C0, s7;
	s8 =	sadd.s32 s6, s24;
	[smem:$0x7F8] =	sst s22  }
0x3d: {  	s24 =	sadd.s32 s5, s23;
	s5 =	sadd.s32 s5, s7;
	[smem:$0x7EA] =	sst s8  }
0x3e: {  	s25 =	sadd.s32 s6, s7;
	s22 =	simm.s32 $0xC000;
	[smem:$0x7F9] =	sst s24  }
0x3f: {  	s7 =	simm.s32 $0xC;
	s8 =	sadd.s32 s6, s26;
	[smem:$0x7FB] =	sst s5  }
0x40: {  	[smem:$0x7FC] =	sst s25;
	s26 =	smax.u32 s4, $0x1;
	s24 =	simm.s32 $0x16000  }
0x41: {  	s25 =	simm.s32 $0x1;
	[smem:$0x7EC] =	sst s8;
	s8 =	sadd.s32 s6, s11  }
0x42: {  	s11 =	sadd.s32 $0x1000, s0;
	[smem:$0x7FD] =	sst s26;
	s26 =	simm.s32 $0x5  }
0x43: {  	s0 =	simm.s32 $0x4;
	[smem:$0x7EE] =	sst s8;
	s8 =	sadd.s32 s6, s13  }
.Ltmp0:
0x44: {  	[smem:$0x7F0] =	sst s8;
	s8 =	sadd.s32 s6, s15;
	(pc) =	sbr.rel .LBB2_1-.Ltmp0, $4  }
0x45: {  	s15 =	sadd.s32 $0x800, s1;
	[smem:$0x7F2] =	sst s8;
	s8 =	sadd.s32 s6, s17  }
0x46: {  	s17 =	simm.s32 $0xD;
	[smem:$0x7F4] =	sst s8;
	s8 =	sadd.s32 s6, s19  }
0x47: {  	s19 =	simm.s32 $0x8000;
	[smem:$0x7F6] =	sst s8;
	s8 =	sadd.s32 s6, s23  }
0x48: {  	v0 =	vlaneseq.u32;
	s23 =	simm.s32 $0xE000;
	[smem:$0x7FA] =	sst s8;
	s8 =	simm.s32 $0x0  }
.LBB2_14:
0x49: {  	s4 =	simm.s32 $0x9  }
0x4a: {  	_ =	swait.ge [sflag:s4], $0x2000  }
0x4b: {  	[sflag:s4] =	ssyncset.done $0x0  }
0x4c: {  	s9 =	simm.s32 $0xA;
	[sflag:s4] =	ssyncadd.s32 $0xFFFFE000  }
0x4d: {  	_ =	swait.ge [sflag:s9], $0x2000  }
0x4e: {  	[sflag:s9] =	ssyncset.done $0x0  }
0x4f: {  	s13 =	simm.s32 $0xB;
	[sflag:s9] =	ssyncadd.s32 $0xFFFFE000  }
0x50: {  	_ =	swait.ge [sflag:s13], $0x2000  }
0x51: {  	[sflag:s13] =	ssyncset.done $0x0  }
0x52: {  	[sflag:s13] =	ssyncadd.s32 $0xFFFFE000  }
0x53: {  	_ =	swait.ge [sflag:s7], $0x2000  }
0x54: {  	s20 =	sld [smem:$0x7FD];
	_ =	sdelay $0x1  }
0x55: {  	s8 =	sadd.s32 $0x1, s8  }
0x56: {  	p0 =	sne.s32 s8, s20  }
.Ltmp1:
0x57: {  	_ = 	snop;
	(pc) =	sbr.rel @!p0 .LBB2_15-.Ltmp1, $3  }
0x58: {  	_ =	sdelay $0x1  }
0x59: {  	[sflag:s7] =	ssyncset.done $0x0  }
0x5a: {  	[sflag:s7] =	ssyncadd.s32 $0xFFFFE000  }
.LBB2_1:
0x5b: {  	s4 =	sld [smem:$0x7F7];
	_ =	sdelay $0x2  }
0x5c: {  	[tilespmem:s3], [sflag:$0xD] =	stream.linear.gather [hbm4b:s4+s3], $0x200, $0x38;
	[tilespmem:$0x18000] =	vst v63  }
0x5d: {  	_ =	swait.ge [sflag:s17], $0x200  }
0x5e: {  	s5 =	sld [smem:$0x7F8]  }
0x5f: {  	[sflag:s17] =	ssyncset.done $0x0  }
0x60: {  	s6 =	simm.s32 $0x4000;
	[sflag:s17] =	ssyncadd.s32 $0xFFFFFE00  }
0x61: {  	[tilespmem:s6], [sflag:$0xD] =	stream.linear.gather [hbm4b:s5+s3], $0x200, $0x38;
	[tilespmem:$0x18000] =	vst v63  }
0x62: {  	_ =	swait.ge [sflag:s17], $0x200  }
0x63: {  	[sflag:s17] =	ssyncset.done $0x0  }
0x64: {  	s5 =	simm.s32 $0x200;
	s9 =	rddreg [dreg:$0x3];
	[sflag:s17] =	ssyncadd.s32 $0xFFFFFE00  }
0x65: {  	[tilespmem:s5], [sflag:$0xD] =	stream.linear.gather [hbm4b:s9+s3], $0x200, $0x38;
	[tilespmem:$0x18000] =	vst v63  }
0x66: {  	_ =	swait.ge [sflag:s17], $0x200  }
0x67: {  	[sflag:s17] =	ssyncset.done $0x0  }
0x68: {  	s20 =	simm.s32 $0x4200;
	s13 =	rddreg [dreg:$0x4];
	[sflag:s17] =	ssyncadd.s32 $0xFFFFFE00  }
0x69: {  	[tilespmem:s20], [sflag:$0xD] =	stream.linear.gather [hbm4b:s13+s3], $0x200, $0x38;
	[tilespmem:$0x18000] =	vst v63  }
0x6a: {  	_ =	swait.ge [sflag:s17], $0x200  }
0x6b: {  	[sflag:s17] =	ssyncset.done $0x0  }
0x6c: {  	s9 =	simm.s32 $0x400;
	s5 =	rddreg [dreg:$0x5];
	[sflag:s17] =	ssyncadd.s32 $0xFFFFFE00  }
0x6d: {  	[tilespmem:s9], [sflag:$0xD] =	stream.linear.gather [hbm4b:s5+s3], $0x200, $0x38;
	[tilespmem:$0x18000] =	vst v63  }
0x6e: {  	_ =	swait.ge [sflag:s17], $0x200  }
0x6f: {  	[sflag:s17] =	ssyncset.done $0x0  }
0x70: {  	s20 =	simm.s32 $0x4400;
	s13 =	rddreg [dreg:$0x6];
	[sflag:s17] =	ssyncadd.s32 $0xFFFFFE00  }
0x71: {  	[tilespmem:s20], [sflag:$0xD] =	stream.linear.gather [hbm4b:s13+s3], $0x200, $0x38;
	[tilespmem:$0x18000] =	vst v63  }
0x72: {  	_ =	swait.ge [sflag:s17], $0x200  }
0x73: {  	[sflag:s17] =	ssyncset.done $0x0  }
0x74: {  	s9 =	simm.s32 $0x600;
	s5 =	rddreg [dreg:$0x7];
	[sflag:s17] =	ssyncadd.s32 $0xFFFFFE00  }
0x75: {  	[tilespmem:s9], [sflag:$0xD] =	stream.linear.gather [hbm4b:s5+s3], $0x200, $0x38;
	[tilespmem:$0x18000] =	vst v63  }
0x76: {  	_ =	swait.ge [sflag:s17], $0x200  }
0x77: {  	[sflag:s17] =	ssyncset.done $0x0  }
0x78: {  	s20 =	simm.s32 $0x4600;
	s13 =	rddreg [dreg:$0x8];
	[sflag:s17] =	ssyncadd.s32 $0xFFFFFE00  }
0x79: {  	[tilespmem:s20], [sflag:$0xD] =	stream.linear.gather [hbm4b:s13+s3], $0x200, $0x38;
	[tilespmem:$0x18000] =	vst v63  }
0x7a: {  	_ =	swait.ge [sflag:s17], $0x200  }
0x7b: {  	[sflag:s17] =	ssyncset.done $0x0  }
0x7c: {  	s9 =	simm.s32 $0x800;
	s5 =	rddreg [dreg:$0x9];
	[sflag:s17] =	ssyncadd.s32 $0xFFFFFE00  }
0x7d: {  	[tilespmem:s9], [sflag:$0xD] =	stream.linear.gather [hbm4b:s5+s3], $0x200, $0x38;
	[tilespmem:$0x18000] =	vst v63  }
0x7e: {  	_ =	swait.ge [sflag:s17], $0x200  }
0x7f: {  	[sflag:s17] =	ssyncset.done $0x0  }
0x80: {  	s20 =	simm.s32 $0x4800;
	s13 =	rddreg [dreg:$0xa];
	[sflag:s17] =	ssyncadd.s32 $0xFFFFFE00  }
0x81: {  	[tilespmem:s20], [sflag:$0xD] =	stream.linear.gather [hbm4b:s13+s3], $0x200, $0x38;
	[tilespmem:$0x18000] =	vst v63  }
0x82: {  	_ =	swait.ge [sflag:s17], $0x200  }
0x83: {  	[sflag:s17] =	ssyncset.done $0x0  }
0x84: {  	s9 =	simm.s32 $0xA00;
	s5 =	rddreg [dreg:$0xb];
	[sflag:s17] =	ssyncadd.s32 $0xFFFFFE00  }
0x85: {  	[tilespmem:s9], [sflag:$0xD] =	stream.linear.gather [hbm4b:s5+s3], $0x200, $0x38;
	[tilespmem:$0x18000] =	vst v63  }
0x86: {  	_ =	swait.ge [sflag:s17], $0x200  }
0x87: {  	[sflag:s17] =	ssyncset.done $0x0  }
0x88: {  	s20 =	simm.s32 $0x4A00;
	s13 =	rddreg [dreg:$0xc];
	[sflag:s17] =	ssyncadd.s32 $0xFFFFFE00  }
0x89: {  	[tilespmem:s20], [sflag:$0xD] =	stream.linear.gather [hbm4b:s13+s3], $0x200, $0x38;
	[tilespmem:$0x18000] =	vst v63  }
0x8a: {  	_ =	swait.ge [sflag:s17], $0x200  }
0x8b: {  	[sflag:s17] =	ssyncset.done $0x0  }
0x8c: {  	s9 =	simm.s32 $0xC00;
	s5 =	rddreg [dreg:$0xd];
	[sflag:s17] =	ssyncadd.s32 $0xFFFFFE00  }
0x8d: {  	[tilespmem:s9], [sflag:$0xD] =	stream.linear.gather [hbm4b:s5+s3], $0x200, $0x38;
	[tilespmem:$0x18000] =	vst v63  }
0x8e: {  	_ =	swait.ge [sflag:s17], $0x200  }
0x8f: {  	[sflag:s17] =	ssyncset.done $0x0  }
0x90: {  	s20 =	simm.s32 $0x4C00;
	s13 =	rddreg [dreg:$0xe];
	[sflag:s17] =	ssyncadd.s32 $0xFFFFFE00  }
0x91: {  	[tilespmem:s20], [sflag:$0xD] =	stream.linear.gather [hbm4b:s13+s3], $0x200, $0x38;
	[tilespmem:$0x18000] =	vst v63  }
0x92: {  	_ =	swait.ge [sflag:s17], $0x200  }
0x93: {  	[sflag:s17] =	ssyncset.done $0x0  }
0x94: {  	s9 =	simm.s32 $0xE00;
	s5 =	rddreg [dreg:$0xf];
	[sflag:s17] =	ssyncadd.s32 $0xFFFFFE00  }
0x95: {  	[tilespmem:s9], [sflag:$0xD] =	stream.linear.gather [hbm4b:s5+s3], $0x200, $0x38;
	[tilespmem:$0x18000] =	vst v63  }
0x96: {  	_ =	swait.ge [sflag:s17], $0x200  }
0x97: {  	[sflag:s17] =	ssyncset.done $0x0  }
0x98: {  	s20 =	simm.s32 $0x4E00;
	s13 =	rddreg [dreg:$0x10];
	[sflag:s17] =	ssyncadd.s32 $0xFFFFFE00  }
0x99: {  	[tilespmem:s20], [sflag:$0xD] =	stream.linear.gather [hbm4b:s13+s3], $0x200, $0x38;
	[tilespmem:$0x18000] =	vst v63  }
0x9a: {  	_ =	swait.ge [sflag:s17], $0x200  }
0x9b: {  	[sflag:s17] =	ssyncset.done $0x0  }
0x9c: {  	s9 =	simm.s32 $0x1000;
	s5 =	rddreg [dreg:$0x11];
	[sflag:s17] =	ssyncadd.s32 $0xFFFFFE00  }
0x9d: {  	[tilespmem:s9], [sflag:$0xD] =	stream.linear.gather [hbm4b:s5+s3], $0x200, $0x38;
	[tilespmem:$0x18000] =	vst v63  }
0x9e: {  	_ =	swait.ge [sflag:s17], $0x200  }
0x9f: {  	[sflag:s17] =	ssyncset.done $0x0  }
0xa0: {  	s20 =	simm.s32 $0x5000;
	s13 =	rddreg [dreg:$0x12];
	[sflag:s17] =	ssyncadd.s32 $0xFFFFFE00  }
0xa1: {  	[tilespmem:s20], [sflag:$0xD] =	stream.linear.gather [hbm4b:s13+s3], $0x200, $0x38;
	[tilespmem:$0x18000] =	vst v63  }
0xa2: {  	_ =	swait.ge [sflag:s17], $0x200  }
0xa3: {  	[sflag:s17] =	ssyncset.done $0x0  }
0xa4: {  	s9 =	simm.s32 $0x1200;
	s5 =	rddreg [dreg:$0x13];
	[sflag:s17] =	ssyncadd.s32 $0xFFFFFE00  }
0xa5: {  	[tilespmem:s9], [sflag:$0xD] =	stream.linear.gather [hbm4b:s5+s3], $0x200, $0x38;
	[tilespmem:$0x18000] =	vst v63  }
0xa6: {  	_ =	swait.ge [sflag:s17], $0x200  }
0xa7: {  	[sflag:s17] =	ssyncset.done $0x0  }
0xa8: {  	s20 =	simm.s32 $0x5200;
	s13 =	rddreg [dreg:$0x14];
	[sflag:s17] =	ssyncadd.s32 $0xFFFFFE00  }
0xa9: {  	[tilespmem:s20], [sflag:$0xD] =	stream.linear.gather [hbm4b:s13+s3], $0x200, $0x38;
	[tilespmem:$0x18000] =	vst v63  }
0xaa: {  	_ =	swait.ge [sflag:s17], $0x200  }
0xab: {  	[sflag:s17] =	ssyncset.done $0x0  }
0xac: {  	s9 =	simm.s32 $0x1400;
	s5 =	rddreg [dreg:$0x15];
	[sflag:s17] =	ssyncadd.s32 $0xFFFFFE00  }
0xad: {  	[tilespmem:s9], [sflag:$0xD] =	stream.linear.gather [hbm4b:s5+s3], $0x200, $0x38;
	[tilespmem:$0x18000] =	vst v63  }
0xae: {  	_ =	swait.ge [sflag:s17], $0x200  }
0xaf: {  	[sflag:s17] =	ssyncset.done $0x0  }
0xb0: {  	s20 =	simm.s32 $0x5400;
	s13 =	rddreg [dreg:$0x16];
	[sflag:s17] =	ssyncadd.s32 $0xFFFFFE00  }
0xb1: {  	[tilespmem:s20], [sflag:$0xD] =	stream.linear.gather [hbm4b:s13+s3], $0x200, $0x38;
	[tilespmem:$0x18000] =	vst v63  }
0xb2: {  	_ =	swait.ge [sflag:s17], $0x200  }
0xb3: {  	[sflag:s17] =	ssyncset.done $0x0  }
0xb4: {  	s9 =	simm.s32 $0x1600;
	s5 =	rddreg [dreg:$0x17];
	[sflag:s17] =	ssyncadd.s32 $0xFFFFFE00  }
0xb5: {  	[tilespmem:s9], [sflag:$0xD] =	stream.linear.gather [hbm4b:s5+s3], $0x200, $0x38;
	[tilespmem:$0x18000] =	vst v63  }
0xb6: {  	_ =	swait.ge [sflag:s17], $0x200  }
0xb7: {  	[sflag:s17] =	ssyncset.done $0x0  }
0xb8: {  	s20 =	simm.s32 $0x5600;
	s13 =	rddreg [dreg:$0x18];
	[sflag:s17] =	ssyncadd.s32 $0xFFFFFE00  }
0xb9: {  	[tilespmem:s20], [sflag:$0xD] =	stream.linear.gather [hbm4b:s13+s3], $0x200, $0x38;
	[tilespmem:$0x18000] =	vst v63  }
0xba: {  	_ =	swait.ge [sflag:s17], $0x200  }
0xbb: {  	[sflag:s17] =	ssyncset.done $0x0  }
0xbc: {  	s9 =	simm.s32 $0x1800;
	s5 =	rddreg [dreg:$0x19];
	[sflag:s17] =	ssyncadd.s32 $0xFFFFFE00  }
0xbd: {  	[tilespmem:s9], [sflag:$0xD] =	stream.linear.gather [hbm4b:s5+s3], $0x200, $0x38;
	[tilespmem:$0x18000] =	vst v63  }
0xbe: {  	_ =	swait.ge [sflag:s17], $0x200  }
0xbf: {  	[sflag:s17] =	ssyncset.done $0x0  }
0xc0: {  	s20 =	simm.s32 $0x5800;
	s13 =	rddreg [dreg:$0x1a];
	[sflag:s17] =	ssyncadd.s32 $0xFFFFFE00  }
0xc1: {  	[tilespmem:s20], [sflag:$0xD] =	stream.linear.gather [hbm4b:s13+s3], $0x200, $0x38;
	[tilespmem:$0x18000] =	vst v63  }
0xc2: {  	_ =	swait.ge [sflag:s17], $0x200  }
0xc3: {  	[sflag:s17] =	ssyncset.done $0x0  }
0xc4: {  	s9 =	simm.s32 $0x1A00;
	s5 =	rddreg [dreg:$0x1b];
	[sflag:s17] =	ssyncadd.s32 $0xFFFFFE00  }
0xc5: {  	[tilespmem:s9], [sflag:$0xD] =	stream.linear.gather [hbm4b:s5+s3], $0x200, $0x38;
	[tilespmem:$0x18000] =	vst v63  }
0xc6: {  	_ =	swait.ge [sflag:s17], $0x200  }
0xc7: {  	[sflag:s17] =	ssyncset.done $0x0  }
0xc8: {  	s20 =	simm.s32 $0x5A00;
	s13 =	rddreg [dreg:$0x1c];
	[sflag:s17] =	ssyncadd.s32 $0xFFFFFE00  }
0xc9: {  	[tilespmem:s20], [sflag:$0xD] =	stream.linear.gather [hbm4b:s13+s3], $0x200, $0x38;
	[tilespmem:$0x18000] =	vst v63  }
0xca: {  	_ =	swait.ge [sflag:s17], $0x200  }
0xcb: {  	[sflag:s17] =	ssyncset.done $0x0  }
0xcc: {  	s9 =	simm.s32 $0x1C00;
	s5 =	rddreg [dreg:$0x1d];
	[sflag:s17] =	ssyncadd.s32 $0xFFFFFE00  }
0xcd: {  	[tilespmem:s9], [sflag:$0xD] =	stream.linear.gather [hbm4b:s5+s3], $0x200, $0x38;
	[tilespmem:$0x18000] =	vst v63  }
0xce: {  	_ =	swait.ge [sflag:s17], $0x200  }
0xcf: {  	[sflag:s17] =	ssyncset.done $0x0  }
0xd0: {  	s20 =	simm.s32 $0x5C00;
	s13 =	rddreg [dreg:$0x1e];
	[sflag:s17] =	ssyncadd.s32 $0xFFFFFE00  }
0xd1: {  	[tilespmem:s20], [sflag:$0xD] =	stream.linear.gather [hbm4b:s13+s3], $0x200, $0x38;
	[tilespmem:$0x18000] =	vst v63  }
0xd2: {  	_ =	swait.ge [sflag:s17], $0x200  }
0xd3: {  	[sflag:s17] =	ssyncset.done $0x0  }
0xd4: {  	s9 =	simm.s32 $0x1E00;
	s5 =	rddreg [dreg:$0x1f];
	[sflag:s17] =	ssyncadd.s32 $0xFFFFFE00  }
0xd5: {  	[tilespmem:s9], [sflag:$0xD] =	stream.linear.gather [hbm4b:s5+s3], $0x200, $0x38;
	[tilespmem:$0x18000] =	vst v63  }
0xd6: {  	_ =	swait.ge [sflag:s17], $0x200  }
0xd7: {  	s13 =	sld [smem:$0x7DA]  }
0xd8: {  	[sflag:s17] =	ssyncset.done $0x0  }
0xd9: {  	s20 =	simm.s32 $0x5E00;
	[sflag:s17] =	ssyncadd.s32 $0xFFFFFE00  }
0xda: {  	[tilespmem:s20], [sflag:$0xD] =	stream.linear.gather [hbm4b:s13+s3], $0x200, $0x38;
	[tilespmem:$0x18000] =	vst v63  }
0xdb: {  	_ =	swait.ge [sflag:s17], $0x200  }
0xdc: {  	s5 =	sld [smem:$0x7DB]  }
0xdd: {  	[sflag:s17] =	ssyncset.done $0x0  }
0xde: {  	s9 =	simm.s32 $0x2000;
	[sflag:s17] =	ssyncadd.s32 $0xFFFFFE00  }
0xdf: {  	[tilespmem:s9], [sflag:$0xD] =	stream.linear.gather [hbm4b:s5+s3], $0x200, $0x38;
	[tilespmem:$0x18000] =	vst v63  }
0xe0: {  	_ =	swait.ge [sflag:s17], $0x200  }
0xe1: {  	s13 =	sld [smem:$0x7DC]  }
0xe2: {  	[sflag:s17] =	ssyncset.done $0x0  }
0xe3: {  	s20 =	simm.s32 $0x6000;
	[sflag:s17] =	ssyncadd.s32 $0xFFFFFE00  }
0xe4: {  	[tilespmem:s20], [sflag:$0xD] =	stream.linear.gather [hbm4b:s13+s3], $0x200, $0x38;
	[tilespmem:$0x18000] =	vst v63  }
0xe5: {  	_ =	swait.ge [sflag:s17], $0x200  }
0xe6: {  	s5 =	sld [smem:$0x7DD]  }
0xe7: {  	[sflag:s17] =	ssyncset.done $0x0  }
0xe8: {  	s9 =	simm.s32 $0x2200;
	[sflag:s17] =	ssyncadd.s32 $0xFFFFFE00  }
0xe9: {  	[tilespmem:s9], [sflag:$0xD] =	stream.linear.gather [hbm4b:s5+s3], $0x200, $0x38;
	[tilespmem:$0x18000] =	vst v63  }
0xea: {  	_ =	swait.ge [sflag:s17], $0x200  }
0xeb: {  	s13 =	sld [smem:$0x7DE]  }
0xec: {  	[sflag:s17] =	ssyncset.done $0x0  }
0xed: {  	s20 =	simm.s32 $0x6200;
	[sflag:s17] =	ssyncadd.s32 $0xFFFFFE00  }
0xee: {  	[tilespmem:s20], [sflag:$0xD] =	stream.linear.gather [hbm4b:s13+s3], $0x200, $0x38;
	[tilespmem:$0x18000] =	vst v63  }
0xef: {  	_ =	swait.ge [sflag:s17], $0x200  }
0xf0: {  	s5 =	sld [smem:$0x7DF]  }
0xf1: {  	[sflag:s17] =	ssyncset.done $0x0  }
0xf2: {  	s9 =	simm.s32 $0x2400;
	[sflag:s17] =	ssyncadd.s32 $0xFFFFFE00  }
0xf3: {  	[tilespmem:s9], [sflag:$0xD] =	stream.linear.gather [hbm4b:s5+s3], $0x200, $0x38;
	[tilespmem:$0x18000] =	vst v63  }
0xf4: {  	_ =	swait.ge [sflag:s17], $0x200  }
0xf5: {  	s13 =	sld [smem:$0x7E0]  }
0xf6: {  	[sflag:s17] =	ssyncset.done $0x0  }
0xf7: {  	s20 =	simm.s32 $0x6400;
	[sflag:s17] =	ssyncadd.s32 $0xFFFFFE00  }
0xf8: {  	[tilespmem:s20], [sflag:$0xD] =	stream.linear.gather [hbm4b:s13+s3], $0x200, $0x38;
	[tilespmem:$0x18000] =	vst v63  }
0xf9: {  	_ =	swait.ge [sflag:s17], $0x200  }
0xfa: {  	s5 =	sld [smem:$0x7E1]  }
0xfb: {  	[sflag:s17] =	ssyncset.done $0x0  }
0xfc: {  	s9 =	simm.s32 $0x2600;
	[sflag:s17] =	ssyncadd.s32 $0xFFFFFE00  }
0xfd: {  	[tilespmem:s9], [sflag:$0xD] =	stream.linear.gather [hbm4b:s5+s3], $0x200, $0x38;
	[tilespmem:$0x18000] =	vst v63  }
0xfe: {  	_ =	swait.ge [sflag:s17], $0x200  }
0xff: {  	s13 =	sld [smem:$0x7E2]  }
0x100: {  	[sflag:s17] =	ssyncset.done $0x0  }
0x101: {  	s20 =	simm.s32 $0x6600;
	[sflag:s17] =	ssyncadd.s32 $0xFFFFFE00  }
0x102: {  	[tilespmem:s20], [sflag:$0xD] =	stream.linear.gather [hbm4b:s13+s3], $0x200, $0x38;
	[tilespmem:$0x18000] =	vst v63  }
0x103: {  	_ =	swait.ge [sflag:s17], $0x200  }
0x104: {  	s5 =	sld [smem:$0x7E3]  }
0x105: {  	[sflag:s17] =	ssyncset.done $0x0  }
0x106: {  	s9 =	simm.s32 $0x2800;
	[sflag:s17] =	ssyncadd.s32 $0xFFFFFE00  }
0x107: {  	[tilespmem:s9], [sflag:$0xD] =	stream.linear.gather [hbm4b:s5+s3], $0x200, $0x38;
	[tilespmem:$0x18000] =	vst v63  }
0x108: {  	_ =	swait.ge [sflag:s17], $0x200  }
0x109: {  	s13 =	sld [smem:$0x7E4]  }
0x10a: {  	[sflag:s17] =	ssyncset.done $0x0  }
0x10b: {  	s20 =	simm.s32 $0x6800;
	[sflag:s17] =	ssyncadd.s32 $0xFFFFFE00  }
0x10c: {  	[tilespmem:s20], [sflag:$0xD] =	stream.linear.gather [hbm4b:s13+s3], $0x200, $0x38;
	[tilespmem:$0x18000] =	vst v63  }
0x10d: {  	_ =	swait.ge [sflag:s17], $0x200  }
0x10e: {  	s5 =	sld [smem:$0x7E5]  }
0x10f: {  	[sflag:s17] =	ssyncset.done $0x0  }
0x110: {  	s9 =	simm.s32 $0x2A00;
	[sflag:s17] =	ssyncadd.s32 $0xFFFFFE00  }
0x111: {  	[tilespmem:s9], [sflag:$0xD] =	stream.linear.gather [hbm4b:s5+s3], $0x200, $0x38;
	[tilespmem:$0x18000] =	vst v63  }
0x112: {  	_ =	swait.ge [sflag:s17], $0x200  }
0x113: {  	s13 =	sld [smem:$0x7E6]  }
0x114: {  	[sflag:s17] =	ssyncset.done $0x0  }
0x115: {  	s20 =	simm.s32 $0x6A00;
	[sflag:s17] =	ssyncadd.s32 $0xFFFFFE00  }
0x116: {  	[tilespmem:s20], [sflag:$0xD] =	stream.linear.gather [hbm4b:s13+s3], $0x200, $0x38;
	[tilespmem:$0x18000] =	vst v63  }
0x117: {  	_ =	swait.ge [sflag:s17], $0x200  }
0x118: {  	s5 =	sld [smem:$0x7E7]  }
0x119: {  	[sflag:s17] =	ssyncset.done $0x0  }
0x11a: {  	s9 =	simm.s32 $0x2C00;
	[sflag:s17] =	ssyncadd.s32 $0xFFFFFE00  }
0x11b: {  	[tilespmem:s9], [sflag:$0xD] =	stream.linear.gather [hbm4b:s5+s3], $0x200, $0x38;
	[tilespmem:$0x18000] =	vst v63  }
0x11c: {  	_ =	swait.ge [sflag:s17], $0x200  }
0x11d: {  	s13 =	sld [smem:$0x7E8]  }
0x11e: {  	[sflag:s17] =	ssyncset.done $0x0  }
0x11f: {  	s20 =	simm.s32 $0x6C00;
	[sflag:s17] =	ssyncadd.s32 $0xFFFFFE00  }
0x120: {  	[tilespmem:s20], [sflag:$0xD] =	stream.linear.gather [hbm4b:s13+s3], $0x200, $0x38;
	[tilespmem:$0x18000] =	vst v63  }
0x121: {  	_ =	swait.ge [sflag:s17], $0x200  }
0x122: {  	s5 =	sld [smem:$0x7E9]  }
0x123: {  	[sflag:s17] =	ssyncset.done $0x0  }
0x124: {  	s9 =	simm.s32 $0x2E00;
	[sflag:s17] =	ssyncadd.s32 $0xFFFFFE00  }
0x125: {  	[tilespmem:s9], [sflag:$0xD] =	stream.linear.gather [hbm4b:s5+s3], $0x200, $0x38;
	[tilespmem:$0x18000] =	vst v63  }
0x126: {  	_ =	swait.ge [sflag:s17], $0x200  }
0x127: {  	s13 =	sld [smem:$0x7EA]  }
0x128: {  	[sflag:s17] =	ssyncset.done $0x0  }
0x129: {  	s20 =	simm.s32 $0x6E00;
	[sflag:s17] =	ssyncadd.s32 $0xFFFFFE00  }
0x12a: {  	[tilespmem:s20], [sflag:$0xD] =	stream.linear.gather [hbm4b:s13+s3], $0x200, $0x38;
	[tilespmem:$0x18000] =	vst v63  }
0x12b: {  	_ =	swait.ge [sflag:s17], $0x200  }
0x12c: {  	s5 =	sld [smem:$0x7EB]  }
0x12d: {  	[sflag:s17] =	ssyncset.done $0x0  }
0x12e: {  	s9 =	simm.s32 $0x3000;
	[sflag:s17] =	ssyncadd.s32 $0xFFFFFE00  }
0x12f: {  	[tilespmem:s9], [sflag:$0xD] =	stream.linear.gather [hbm4b:s5+s3], $0x200, $0x38;
	[tilespmem:$0x18000] =	vst v63  }
0x130: {  	_ =	swait.ge [sflag:s17], $0x200  }
0x131: {  	s13 =	sld [smem:$0x7EC]  }
0x132: {  	[sflag:s17] =	ssyncset.done $0x0  }
0x133: {  	s20 =	simm.s32 $0x7000;
	[sflag:s17] =	ssyncadd.s32 $0xFFFFFE00  }
0x134: {  	[tilespmem:s20], [sflag:$0xD] =	stream.linear.gather [hbm4b:s13+s3], $0x200, $0x38;
	[tilespmem:$0x18000] =	vst v63  }
0x135: {  	_ =	swait.ge [sflag:s17], $0x200  }
0x136: {  	s5 =	sld [smem:$0x7ED]  }
0x137: {  	[sflag:s17] =	ssyncset.done $0x0  }
0x138: {  	s9 =	simm.s32 $0x3200;
	[sflag:s17] =	ssyncadd.s32 $0xFFFFFE00  }
0x139: {  	[tilespmem:s9], [sflag:$0xD] =	stream.linear.gather [hbm4b:s5+s3], $0x200, $0x38;
	[tilespmem:$0x18000] =	vst v63  }
0x13a: {  	_ =	swait.ge [sflag:s17], $0x200  }
0x13b: {  	s13 =	sld [smem:$0x7EE]  }
0x13c: {  	[sflag:s17] =	ssyncset.done $0x0  }
0x13d: {  	s20 =	simm.s32 $0x7200;
	[sflag:s17] =	ssyncadd.s32 $0xFFFFFE00  }
0x13e: {  	[tilespmem:s20], [sflag:$0xD] =	stream.linear.gather [hbm4b:s13+s3], $0x200, $0x38;
	[tilespmem:$0x18000] =	vst v63  }
0x13f: {  	_ =	swait.ge [sflag:s17], $0x200  }
0x140: {  	s5 =	sld [smem:$0x7EF]  }
0x141: {  	[sflag:s17] =	ssyncset.done $0x0  }
0x142: {  	s9 =	simm.s32 $0x3400;
	[sflag:s17] =	ssyncadd.s32 $0xFFFFFE00  }
0x143: {  	[tilespmem:s9], [sflag:$0xD] =	stream.linear.gather [hbm4b:s5+s3], $0x200, $0x38;
	[tilespmem:$0x18000] =	vst v63  }
0x144: {  	_ =	swait.ge [sflag:s17], $0x200  }
0x145: {  	s13 =	sld [smem:$0x7F0]  }
0x146: {  	[sflag:s17] =	ssyncset.done $0x0  }
0x147: {  	s20 =	simm.s32 $0x7400;
	[sflag:s17] =	ssyncadd.s32 $0xFFFFFE00  }
0x148: {  	[tilespmem:s20], [sflag:$0xD] =	stream.linear.gather [hbm4b:s13+s3], $0x200, $0x38;
	[tilespmem:$0x18000] =	vst v63  }
0x149: {  	_ =	swait.ge [sflag:s17], $0x200  }
0x14a: {  	s5 =	sld [smem:$0x7F1]  }
0x14b: {  	[sflag:s17] =	ssyncset.done $0x0  }
0x14c: {  	s9 =	simm.s32 $0x3600;
	[sflag:s17] =	ssyncadd.s32 $0xFFFFFE00  }
0x14d: {  	[tilespmem:s9], [sflag:$0xD] =	stream.linear.gather [hbm4b:s5+s3], $0x200, $0x38;
	[tilespmem:$0x18000] =	vst v63  }
0x14e: {  	_ =	swait.ge [sflag:s17], $0x200  }
0x14f: {  	s13 =	sld [smem:$0x7F2]  }
0x150: {  	[sflag:s17] =	ssyncset.done $0x0  }
0x151: {  	s20 =	simm.s32 $0x7600;
	[sflag:s17] =	ssyncadd.s32 $0xFFFFFE00  }
0x152: {  	[tilespmem:s20], [sflag:$0xD] =	stream.linear.gather [hbm4b:s13+s3], $0x200, $0x38;
	[tilespmem:$0x18000] =	vst v63  }
0x153: {  	_ =	swait.ge [sflag:s17], $0x200  }
0x154: {  	s5 =	sld [smem:$0x7F3]  }
0x155: {  	[sflag:s17] =	ssyncset.done $0x0  }
0x156: {  	s9 =	simm.s32 $0x3800;
	[sflag:s17] =	ssyncadd.s32 $0xFFFFFE00  }
0x157: {  	[tilespmem:s9], [sflag:$0xD] =	stream.linear.gather [hbm4b:s5+s3], $0x200, $0x38;
	[tilespmem:$0x18000] =	vst v63  }
0x158: {  	_ =	swait.ge [sflag:s17], $0x200  }
0x159: {  	s13 =	sld [smem:$0x7F4]  }
0x15a: {  	[sflag:s17] =	ssyncset.done $0x0  }
0x15b: {  	s20 =	simm.s32 $0x7800;
	[sflag:s17] =	ssyncadd.s32 $0xFFFFFE00  }
0x15c: {  	[tilespmem:s20], [sflag:$0xD] =	stream.linear.gather [hbm4b:s13+s3], $0x200, $0x38;
	[tilespmem:$0x18000] =	vst v63  }
0x15d: {  	_ =	swait.ge [sflag:s17], $0x200  }
0x15e: {  	s5 =	sld [smem:$0x7F5]  }
0x15f: {  	[sflag:s17] =	ssyncset.done $0x0  }
0x160: {  	s9 =	simm.s32 $0x3A00;
	[sflag:s17] =	ssyncadd.s32 $0xFFFFFE00  }
0x161: {  	[tilespmem:s9], [sflag:$0xD] =	stream.linear.gather [hbm4b:s5+s3], $0x200, $0x38;
	[tilespmem:$0x18000] =	vst v63  }
0x162: {  	_ =	swait.ge [sflag:s17], $0x200  }
0x163: {  	s13 =	sld [smem:$0x7F6]  }
0x164: {  	[sflag:s17] =	ssyncset.done $0x0  }
0x165: {  	s20 =	simm.s32 $0x7A00;
	[sflag:s17] =	ssyncadd.s32 $0xFFFFFE00  }
0x166: {  	[tilespmem:s20], [sflag:$0xD] =	stream.linear.gather [hbm4b:s13+s3], $0x200, $0x38;
	[tilespmem:$0x18000] =	vst v63  }
0x167: {  	_ =	swait.ge [sflag:s17], $0x200  }
0x168: {  	s5 =	sld [smem:$0x7F9]  }
0x169: {  	[sflag:s17] =	ssyncset.done $0x0  }
0x16a: {  	s9 =	simm.s32 $0x3C00;
	[sflag:s17] =	ssyncadd.s32 $0xFFFFFE00  }
0x16b: {  	[tilespmem:s9], [sflag:$0xD] =	stream.linear.gather [hbm4b:s5+s3], $0x200, $0x38;
	[tilespmem:$0x18000] =	vst v63  }
0x16c: {  	_ =	swait.ge [sflag:s17], $0x200  }
0x16d: {  	s13 =	sld [smem:$0x7FA]  }
0x16e: {  	[sflag:s17] =	ssyncset.done $0x0  }
0x16f: {  	s20 =	simm.s32 $0x7C00;
	[sflag:s17] =	ssyncadd.s32 $0xFFFFFE00  }
0x170: {  	[tilespmem:s20], [sflag:$0xD] =	stream.linear.gather [hbm4b:s13+s3], $0x200, $0x38;
	[tilespmem:$0x18000] =	vst v63  }
0x171: {  	_ =	swait.ge [sflag:s17], $0x200  }
0x172: {  	s5 =	sld [smem:$0x7FB]  }
0x173: {  	[sflag:s17] =	ssyncset.done $0x0  }
0x174: {  	s9 =	simm.s32 $0x3E00;
	[sflag:s17] =	ssyncadd.s32 $0xFFFFFE00  }
0x175: {  	[tilespmem:s9], [sflag:$0xD] =	stream.linear.gather [hbm4b:s5+s3], $0x200, $0x38;
	[tilespmem:$0x18000] =	vst v63  }
0x176: {  	_ =	swait.ge [sflag:s17], $0x200  }
0x177: {  	s13 =	sld [smem:$0x7FC]  }
0x178: {  	[sflag:s17] =	ssyncset.done $0x0  }
0x179: {  	s20 =	simm.s32 $0x7E00;
	[sflag:s17] =	ssyncadd.s32 $0xFFFFFE00  }
0x17a: {  	[tilespmem:s20], [sflag:$0xD] =	stream.linear.gather [hbm4b:s13+s3], $0x200, $0x38;
	[tilespmem:$0x18000] =	vst v63  }
0x17b: {  	_ =	swait.ge [sflag:s17], $0x200  }
0x17c: {  	[sflag:s17] =	ssyncset.done $0x0  }
0x17d: {  	s4 =	simm.s32 $0x4000;
	[sflag:s17] =	ssyncadd.s32 $0xFFFFFE00  }
0x17e: {  	s9 =	simm.s32 $0x10;
	s5 =	simm.s32 $0x0;
	s20 =	simm.s32 $0x4000;
	v1 =	vld [tilespmem:s6+$0x0]  }
.LBB2_2:
0x17f: {  	p0 =	sne.s32 s9, $0x3FF0;
	_ =	sdelay $0x3  }
.Ltmp2:
0x180: {  	s13 =	sand.u32 $0x1F0, s5;
	s5 =	smov.u32 s9;
	v1 =	vshll.u32 v1, $0x9;
	(pc) =	sbr.rel @p0 .LBB2_2-.Ltmp2, $4  }
0x181: {  	v1 =	vor.u32 s13, v1  }
0x182: {  	v1 =	vor.u32 v0, v1  }
0x183: {  	[tilespmem:s4+$0x0] =	vst v1;
	s4 =	sadd.s32 $0x10, s4  }
0x184: {  	s9 =	sadd.s32 $0x10, s9;
	v1 =	vld [tilespmem:s4+$0x0]  }
0x185: {  	_ =	sdelay $0x3  }
0x186: {  	s5 =	sand.u32 $0x1F0, s5;
	v1 =	vshll.u32 v1, $0x9  }
0x187: {  	v1 =	vor.u32 s5, v1  }
0x188: {  	v1 =	vor.u32 v0, v1  }
0x189: {  	s9 =	simm.s32 $0x0;
	[tilespmem:s4+$0x0] =	vst v1  }
0x18a: {  	[tilespmem:s19], [sflag:$0x1] =	stream.indirect.gather [hbm4b:s10+s18], $0x40, s9, s18, $0xb8;
	[tilespmem:$0x18000] =	vst v63  }
0x18b: {  	s5 =	simm.s32 $0x10000  }
0x18c: {  	[tilespmem:s5], [sflag:$0x5] =	stream.indirect.gather [hbm4b:s11+s18], $0x40, s20, s18, $0xb8;
	[tilespmem:$0x18000] =	vst v63  }
0x18d: {  	_ = 	snop  }
0x18e: {  	[tilespmem:s21], [sflag:$0x2] =	stream.indirect.gather [hbm4b:s10+s18], $0x40, s18, s18, $0xb8;
	[tilespmem:$0x18000] =	vst v63  }
0x18f: {  	s6 =	simm.s32 $0x4080;
	s13 =	simm.s32 $0x12000  }
0x190: {  	[tilespmem:s13], [sflag:$0x6] =	stream.indirect.gather [hbm4b:s11+s18], $0x40, s6, s18, $0xb8;
	[tilespmem:$0x18000] =	vst v63  }
0x191: {  	s20 =	simm.s32 $0x100  }
0x192: {  	[tilespmem:s22], [sflag:$0x3] =	stream.indirect.gather [hbm4b:s10+s18], $0x40, s20, s18, $0xb8;
	[tilespmem:$0x18000] =	vst v63  }
0x193: {  	s5 =	simm.s32 $0x4100;
	s6 =	simm.s32 $0x14000  }
0x194: {  	[tilespmem:s6], [sflag:$0x7] =	stream.indirect.gather [hbm4b:s11+s18], $0x40, s5, s18, $0xb8;
	[tilespmem:$0x18000] =	vst v63  }
0x195: {  	s13 =	simm.s32 $0x180  }
0x196: {  	[tilespmem:s23], [sflag:$0x4] =	stream.indirect.gather [hbm4b:s10+s18], $0x40, s13, s18, $0xb8;
	[tilespmem:$0x18000] =	vst v63  }
0x197: {  	s20 =	simm.s32 $0x4180  }
0x198: {  	[tilespmem:s24], [sflag:$0x8] =	stream.indirect.gather [hbm4b:s11+s18], $0x40, s20, s18, $0xb8;
	[tilespmem:$0x18000] =	vst v63  }
.LBB2_4:
0x199: {  	_ =	swait.ge [sflag:s25], $0x2000  }
0x19a: {  	[sflag:s25] =	ssyncset.done $0x0  }
0x19b: {  	[sflag:s25] =	ssyncadd.s32 $0xFFFFE000  }
0x19c: {  	_ =	swait.ge [sflag:s26], $0x2000  }
0x19d: {  	[sflag:s26] =	ssyncset.done $0x0  }
0x19e: {  	s13 =	simm.s32 $0x0;
	[sflag:s26] =	ssyncadd.s32 $0xFFFFE000  }
0x19f: {  	v6 =	vld [tilespmem:s13+$0x10000]  }
0x1a0: {  	v7 =	vld [tilespmem:s13+$0x10010]  }
0x1a1: {  	v2 =	vld [tilespmem:s13+$0x10020]  }
0x1a2: {  	v1 =	vld [tilespmem:s13+$0x10030]  }
0x1a3: {  	v3 =	vld [tilespmem:s13+$0x8000]  }
0x1a4: {  	v5 =	vld [tilespmem:s13+$0x8010]  }
0x1a5: {  	s4 =	simm.s32 $0x100;
	v4 =	vld [tilespmem:s13+$0x8020]  }
.LBB2_5:
0x1a6: {  	s5 =	sshra.s32 s4, $0x2;
	p0 =	sne.s32 s4, $0x7F00;
	v8 =	vld [tilespmem:s13+$0x8030];
	v9 =	vmov v2  }
0x1a7: {  	v10 =	vld [tilespmem:s5+$0x10000];
	v11 =	vmov v1  }
0x1a8: {  	v12 =	vld [tilespmem:s5+$0x10010];
	v3 =	vadd.f32 v6, v3  }
.Ltmp3:
0x1a9: {  	v2 =	vld [tilespmem:s5+$0x10020];
	v5 =	vadd.f32 v7, v5;
	(pc) =	sbr.rel @p0 .LBB2_5-.Ltmp3, $4  }
0x1aa: {  	v1 =	vld [tilespmem:s5+$0x10030];
	[tilespmem:s13+$0x8000] =	vst v3;
	v4 =	vadd.f32 v9, v4  }
0x1ab: {  	v3 =	vld [tilespmem:s5+$0x8000];
	[tilespmem:s13+$0x8010] =	vst v5;
	v8 =	vadd.f32 v11, v8  }
0x1ac: {  	v5 =	vld [tilespmem:s5+$0x8010];
	[tilespmem:s13+$0x8020] =	vst v4;
	v6 =	vmov v10  }
0x1ad: {  	s4 =	sadd.s32 $0x100, s4;
	v4 =	vld [tilespmem:s5+$0x8020];
	[tilespmem:s13+$0x8030] =	vst v8;
	v7 =	vmov v12;
	s13 =	smov.u32 s5  }
0x1ae: {  	v8 =	vld [tilespmem:s13+$0x8030];
	_ =	sdelay $0x1  }
0x1af: {  	v3 =	vadd.f32 v6, v3  }
0x1b0: {  	v5 =	vadd.f32 v7, v5  }
0x1b1: {  	[tilespmem:s13+$0x8000] =	vst v3;
	v2 =	vadd.f32 v2, v4  }
0x1b2: {  	s4 =	sshll.u32 s9, $0xC;
	[tilespmem:s13+$0x8010] =	vst v5;
	v1 =	vadd.f32 v1, v8  }
0x1b3: {  	s20 =	sadd.s32 s12, s4;
	[tilespmem:s13+$0x8020] =	vst v2  }
0x1b4: {  	p0 =	seq.s32 s9, $0x1F;
	s4 =	sadd.s32 s1, s20;
	[tilespmem:s13+$0x8030] =	vst v1  }
0x1b5: {  	[hbm4b:s4+s3] =	stream.linear.scatter [tilespmem:s19], [sflag:$0x9], $0x2000, $0x38;
	[tilespmem:$0x18000] =	vst v63  }
0x1b6: {  	s4 =	simm.s32 @!p0 $0x9  }
0x1b7: {  	_ =	swait.ge @!p0 [sflag:s4], $0x2000  }
0x1b8: {  	s5 =	simm.s32 @!p0 $0x80;
	s13 =	sshll.u32 s9, $0x9;
	[sflag:s4] =	ssyncset.done @!p0 $0x0  }
0x1b9: {  	s6 =	simm.s32 @!p0 $0x8000;
	[sflag:s4] =	ssyncadd.s32 @!p0 $0xFFFFE000;
	s4 =	sadd.s32 @!p0 $0x200, s13  }
0x1ba: {  	[tilespmem:s6], [sflag:$0x1] =	stream.indirect.gather @!p0 [hbm4b:s10+s5], $0x40, s4, s5, $0xb8;
	[tilespmem:$0x18000] =	vst v63  }
0x1bb: {  	s4 =	sadd.s32 @!p0 $0x4200, s13;
	s6 =	simm.s32 @!p0 $0x10000  }
0x1bc: {  	[tilespmem:s6], [sflag:$0x5] =	stream.indirect.gather @!p0 [hbm4b:s11+s5], $0x40, s4, s5, $0xb8;
	[tilespmem:$0x18000] =	vst v63  }
0x1bd: {  	_ =	swait.ge [sflag:s28], $0x2000  }
0x1be: {  	[sflag:s28] =	ssyncset.done $0x0  }
0x1bf: {  	[sflag:s28] =	ssyncadd.s32 $0xFFFFE000  }
0x1c0: {  	_ =	swait.ge [sflag:s29], $0x2000  }
0x1c1: {  	[sflag:s29] =	ssyncset.done $0x0  }
0x1c2: {  	s4 =	simm.s32 $0x0;
	[sflag:s29] =	ssyncadd.s32 $0xFFFFE000  }
0x1c3: {  	v6 =	vld [tilespmem:s4+$0x12000]  }
0x1c4: {  	v7 =	vld [tilespmem:s4+$0x12010]  }
0x1c5: {  	v2 =	vld [tilespmem:s4+$0x12020]  }
0x1c6: {  	v1 =	vld [tilespmem:s4+$0x12030]  }
0x1c7: {  	v3 =	vld [tilespmem:s4+$0xA000]  }
0x1c8: {  	v5 =	vld [tilespmem:s4+$0xA010]  }
0x1c9: {  	s5 =	simm.s32 $0x100;
	v4 =	vld [tilespmem:s4+$0xA020]  }
.LBB2_7:
0x1ca: {  	s6 =	sshra.s32 s5, $0x2;
	p1 =	sne.s32 s5, $0x7F00;
	v8 =	vld [tilespmem:s4+$0xA030];
	v9 =	vmov v2  }
0x1cb: {  	v10 =	vld [tilespmem:s6+$0x12000];
	v11 =	vmov v1  }
0x1cc: {  	v12 =	vld [tilespmem:s6+$0x12010];
	v3 =	vadd.f32 v6, v3  }
.Ltmp4:
0x1cd: {  	v2 =	vld [tilespmem:s6+$0x12020];
	v5 =	vadd.f32 v7, v5;
	(pc) =	sbr.rel @p1 .LBB2_7-.Ltmp4, $4  }
0x1ce: {  	v1 =	vld [tilespmem:s6+$0x12030];
	[tilespmem:s4+$0xA000] =	vst v3;
	v4 =	vadd.f32 v9, v4  }
0x1cf: {  	v3 =	vld [tilespmem:s6+$0xA000];
	[tilespmem:s4+$0xA010] =	vst v5;
	v8 =	vadd.f32 v11, v8  }
0x1d0: {  	v5 =	vld [tilespmem:s6+$0xA010];
	[tilespmem:s4+$0xA020] =	vst v4;
	v6 =	vmov v10  }
0x1d1: {  	s5 =	sadd.s32 $0x100, s5;
	v4 =	vld [tilespmem:s6+$0xA020];
	[tilespmem:s4+$0xA030] =	vst v8;
	v7 =	vmov v12;
	s4 =	smov.u32 s6  }
0x1d2: {  	v8 =	vld [tilespmem:s4+$0xA030];
	_ =	sdelay $0x1  }
0x1d3: {  	v3 =	vadd.f32 v6, v3  }
0x1d4: {  	v5 =	vadd.f32 v7, v5  }
0x1d5: {  	[tilespmem:s4+$0xA000] =	vst v3;
	v2 =	vadd.f32 v2, v4  }
0x1d6: {  	[tilespmem:s4+$0xA010] =	vst v5;
	v1 =	vadd.f32 v1, v8  }
0x1d7: {  	[tilespmem:s4+$0xA020] =	vst v2  }
0x1d8: {  	s6 =	sadd.s32 s20, s14;
	[tilespmem:s4+$0xA030] =	vst v1;
	s4 =	simm.s32 @!p0 $0xA  }
0x1d9: {  	[hbm4b:s6+s3] =	stream.linear.scatter [tilespmem:s21], [sflag:$0xA], $0x2000, $0x38;
	[tilespmem:$0x18000] =	vst v63  }
0x1da: {  	_ =	swait.ge @!p0 [sflag:s4], $0x2000  }
0x1db: {  	s5 =	simm.s32 @!p0 $0x80;
	[sflag:s4] =	ssyncset.done @!p0 $0x0  }
0x1dc: {  	s6 =	simm.s32 @!p0 $0xA000;
	[sflag:s4] =	ssyncadd.s32 @!p0 $0xFFFFE000;
	s4 =	sadd.s32 @!p0 $0x280, s13  }
0x1dd: {  	[tilespmem:s6], [sflag:$0x2] =	stream.indirect.gather @!p0 [hbm4b:s10+s5], $0x40, s4, s5, $0xb8;
	[tilespmem:$0x18000] =	vst v63  }
0x1de: {  	s4 =	sadd.s32 @!p0 $0x4280, s13;
	s6 =	simm.s32 @!p0 $0x12000  }
0x1df: {  	[tilespmem:s6], [sflag:$0x6] =	stream.indirect.gather @!p0 [hbm4b:s11+s5], $0x40, s4, s5, $0xb8;
	[tilespmem:$0x18000] =	vst v63  }
0x1e0: {  	_ =	swait.ge [sflag:s30], $0x2000  }
0x1e1: {  	[sflag:s30] =	ssyncset.done $0x0  }
0x1e2: {  	[sflag:s30] =	ssyncadd.s32 $0xFFFFE000  }
0x1e3: {  	_ =	swait.ge [sflag:s31], $0x2000  }
0x1e4: {  	[sflag:s31] =	ssyncset.done $0x0  }
0x1e5: {  	s4 =	simm.s32 $0x0;
	[sflag:s31] =	ssyncadd.s32 $0xFFFFE000  }
0x1e6: {  	v6 =	vld [tilespmem:s4+$0x14000]  }
0x1e7: {  	v7 =	vld [tilespmem:s4+$0x14010]  }
0x1e8: {  	v2 =	vld [tilespmem:s4+$0x14020]  }
0x1e9: {  	v1 =	vld [tilespmem:s4+$0x14030]  }
0x1ea: {  	v3 =	vld [tilespmem:s4+$0xC000]  }
0x1eb: {  	v5 =	vld [tilespmem:s4+$0xC010]  }
0x1ec: {  	s5 =	simm.s32 $0x100;
	v4 =	vld [tilespmem:s4+$0xC020]  }
.LBB2_9:
0x1ed: {  	s6 =	sshra.s32 s5, $0x2;
	p1 =	sne.s32 s5, $0x7F00;
	v8 =	vld [tilespmem:s4+$0xC030];
	v9 =	vmov v2  }
0x1ee: {  	v10 =	vld [tilespmem:s6+$0x14000];
	v11 =	vmov v1  }
0x1ef: {  	v12 =	vld [tilespmem:s6+$0x14010];
	v3 =	vadd.f32 v6, v3  }
.Ltmp5:
0x1f0: {  	v2 =	vld [tilespmem:s6+$0x14020];
	v5 =	vadd.f32 v7, v5;
	(pc) =	sbr.rel @p1 .LBB2_9-.Ltmp5, $4  }
0x1f1: {  	v1 =	vld [tilespmem:s6+$0x14030];
	[tilespmem:s4+$0xC000] =	vst v3;
	v4 =	vadd.f32 v9, v4  }
0x1f2: {  	v3 =	vld [tilespmem:s6+$0xC000];
	[tilespmem:s4+$0xC010] =	vst v5;
	v8 =	vadd.f32 v11, v8  }
0x1f3: {  	v5 =	vld [tilespmem:s6+$0xC010];
	[tilespmem:s4+$0xC020] =	vst v4;
	v6 =	vmov v10  }
0x1f4: {  	s5 =	sadd.s32 $0x100, s5;
	v4 =	vld [tilespmem:s6+$0xC020];
	[tilespmem:s4+$0xC030] =	vst v8;
	v7 =	vmov v12;
	s4 =	smov.u32 s6  }
0x1f5: {  	v8 =	vld [tilespmem:s4+$0xC030];
	_ =	sdelay $0x1  }
0x1f6: {  	v3 =	vadd.f32 v6, v3  }
0x1f7: {  	v5 =	vadd.f32 v7, v5  }
0x1f8: {  	[tilespmem:s4+$0xC000] =	vst v3;
	v2 =	vadd.f32 v2, v4  }
0x1f9: {  	[tilespmem:s4+$0xC010] =	vst v5;
	v1 =	vadd.f32 v1, v8  }
0x1fa: {  	[tilespmem:s4+$0xC020] =	vst v2  }
0x1fb: {  	s6 =	sadd.s32 s20, s15;
	[tilespmem:s4+$0xC030] =	vst v1;
	s4 =	simm.s32 @!p0 $0xB  }
0x1fc: {  	[hbm4b:s6+s3] =	stream.linear.scatter [tilespmem:s22], [sflag:$0xB], $0x2000, $0x38;
	[tilespmem:$0x18000] =	vst v63  }
0x1fd: {  	_ =	swait.ge @!p0 [sflag:s4], $0x2000  }
0x1fe: {  	s5 =	simm.s32 @!p0 $0x80;
	[sflag:s4] =	ssyncset.done @!p0 $0x0  }
0x1ff: {  	s6 =	simm.s32 @!p0 $0xC000;
	[sflag:s4] =	ssyncadd.s32 @!p0 $0xFFFFE000;
	s4 =	sadd.s32 @!p0 $0x300, s13  }
0x200: {  	[tilespmem:s6], [sflag:$0x3] =	stream.indirect.gather @!p0 [hbm4b:s10+s5], $0x40, s4, s5, $0xb8;
	[tilespmem:$0x18000] =	vst v63  }
0x201: {  	s4 =	sadd.s32 @!p0 $0x4300, s13;
	s6 =	simm.s32 @!p0 $0x14000  }
0x202: {  	[tilespmem:s6], [sflag:$0x7] =	stream.indirect.gather @!p0 [hbm4b:s11+s5], $0x40, s4, s5, $0xb8;
	[tilespmem:$0x18000] =	vst v63  }
0x203: {  	_ =	swait.ge [sflag:s0], $0x2000  }
0x204: {  	[sflag:s0] =	ssyncset.done $0x0  }
0x205: {  	[sflag:s0] =	ssyncadd.s32 $0xFFFFE000  }
0x206: {  	_ =	swait.ge [sflag:s2], $0x2000  }
0x207: {  	[sflag:s2] =	ssyncset.done $0x0  }
0x208: {  	s4 =	simm.s32 $0x0;
	[sflag:s2] =	ssyncadd.s32 $0xFFFFE000  }
0x209: {  	v6 =	vld [tilespmem:s4+$0x16000]  }
0x20a: {  	v7 =	vld [tilespmem:s4+$0x16010]  }
0x20b: {  	v2 =	vld [tilespmem:s4+$0x16020]  }
0x20c: {  	v1 =	vld [tilespmem:s4+$0x16030]  }
0x20d: {  	v3 =	vld [tilespmem:s4+$0xE000]  }
0x20e: {  	v5 =	vld [tilespmem:s4+$0xE010]  }
0x20f: {  	s5 =	simm.s32 $0x100;
	v4 =	vld [tilespmem:s4+$0xE020]  }
.LBB2_11:
0x210: {  	s6 =	sshra.s32 s5, $0x2;
	p1 =	sne.s32 s5, $0x7F00;
	v8 =	vld [tilespmem:s4+$0xE030];
	v9 =	vmov v2  }
0x211: {  	v10 =	vld [tilespmem:s6+$0x16000];
	v11 =	vmov v1  }
0x212: {  	v12 =	vld [tilespmem:s6+$0x16010];
	v3 =	vadd.f32 v6, v3  }
.Ltmp6:
0x213: {  	v2 =	vld [tilespmem:s6+$0x16020];
	v5 =	vadd.f32 v7, v5;
	(pc) =	sbr.rel @p1 .LBB2_11-.Ltmp6, $4  }
0x214: {  	v1 =	vld [tilespmem:s6+$0x16030];
	[tilespmem:s4+$0xE000] =	vst v3;
	v4 =	vadd.f32 v9, v4  }
0x215: {  	v3 =	vld [tilespmem:s6+$0xE000];
	[tilespmem:s4+$0xE010] =	vst v5;
	v8 =	vadd.f32 v11, v8  }
0x216: {  	v5 =	vld [tilespmem:s6+$0xE010];
	[tilespmem:s4+$0xE020] =	vst v4;
	v6 =	vmov v10  }
0x217: {  	s5 =	sadd.s32 $0x100, s5;
	v4 =	vld [tilespmem:s6+$0xE020];
	[tilespmem:s4+$0xE030] =	vst v8;
	v7 =	vmov v12;
	s4 =	smov.u32 s6  }
0x218: {  	v8 =	vld [tilespmem:s4+$0xE030];
	_ =	sdelay $0x1  }
0x219: {  	v3 =	vadd.f32 v6, v3  }
0x21a: {  	v5 =	vadd.f32 v7, v5  }
.Ltmp7:
0x21b: {  	[tilespmem:s4+$0xE000] =	vst v3;
	v2 =	vadd.f32 v2, v4;
	(pc) =	sbr.rel @p0 .LBB2_14-.Ltmp7, $4  }
0x21c: {  	[tilespmem:s4+$0xE010] =	vst v5;
	v1 =	vadd.f32 v1, v8  }
0x21d: {  	[tilespmem:s4+$0xE020] =	vst v2  }
0x21e: {  	s20 =	sadd.s32 s20, s16;
	[tilespmem:s4+$0xE030] =	vst v1  }
0x21f: {  	[hbm4b:s20+s3] =	stream.linear.scatter [tilespmem:s23], [sflag:$0xC], $0x2000, $0x38;
	[tilespmem:$0x18000] =	vst v63  }
0x220: {  	_ =	swait.ge [sflag:s7], $0x2000  }
.Ltmp8:
0x221: {  	[sflag:s7] =	ssyncset.done $0x0;
	(pc) =	sbr.rel .LBB2_4-.Ltmp8, $4  }
0x222: {  	s4 =	sadd.s32 $0x380, s13;
	[sflag:s7] =	ssyncadd.s32 $0xFFFFE000  }
0x223: {  	[tilespmem:s23], [sflag:$0x4] =	stream.indirect.gather [hbm4b:s10+s18], $0x40, s4, s18, $0xb8;
	[tilespmem:$0x18000] =	vst v63  }
0x224: {  	s20 =	sadd.s32 $0x4380, s13;
	s9 =	sadd.s32 $0x1, s9  }
0x225: {  	[tilespmem:s24], [sflag:$0x8] =	stream.indirect.gather [hbm4b:s11+s18], $0x40, s20, s18, $0xb8;
	[tilespmem:$0x18000] =	vst v63  }
.LBB2_15:
0x226: {  	_ =	sfence.sel $0x180000  }
0x227: {  	[bflag:$0x0] =	sbarrier.arrive $0xFFFF  }
0x228: {  	_ =	strace $0x90000047  }
0x229: {  	s0 =	stileid.u32;
	[bflag:$0x2] =	sbarrier.arrive $0xFFFF  }
0x22a: {  	p0 =	sne.s32 s0, $0x0;
	s0 =	rddreg [dreg:$0x2]  }
0x22b: {  	s0 =	sadd.s32 @!p0 $0x100000, s0  }
0x22c: {  	[sflag:s0] =	ssyncadd.tile.s32 @!p0 $0x1;
	_ =	shalt  }
.Lfunc_end2:
_tile_overlayer_lowered:
.L_overlay_start_2:
0x22d: {  	(tag) =	ssettag $0x2  }
0x22e: {  	s0 =	rddreg [dreg:$0x0];
	s2 =	stileid.u32  }
0x22f: {  	s1 =	rddreg [dreg:$0x1];
	p0 =	sne.s32 s2, $0x0  }
0x230: {  	s3 =	rddreg [dreg:$0x2];
	[bflag:$0x3] =	sbarrier.arrive $0xFFFF;
	s2 =	simm.s32 @!p0 $0x1C0D  }
0x231: {  	[timem:s3], [sflag:s2] =	dma.local @!p0 [hbm:s0], s1  }
0x232: {  	s0 =	simm.s32 @!p0 $0xD  }
0x233: {  	_ =	swait.ge @!p0 [sflag:s0], s1  }
0x234: {  	s1 =	ssub.s32 @!p0 $0x0, s1;
	[sflag:s0] =	ssyncset.done @!p0 $0x0  }
0x235: {  	[sflag:s0] =	ssyncadd.s32 @!p0 s1  }
0x236: {  	[bflag:$0x3] =	sbarrier.arrive $0xFFFF  }
0x237: {  	_ =	shalt  }

// kernel: sparse-core-data-format-call.cloned.1.call-start
scs
called_computation_lowered:
.L_overlay_start_0:
0x0: {  	s2 =	sld [smem:$0x3FD9]  }
0x1: {  	s3 =	sld [smem:$0x3FFE];
	_ =	sdelay $0x1  }
0x2: {  	s1 =	srdreg.scid  }
0x3: {  	s0 =	sand.u32 $0x1, s1  }
0x4: {  	s18 =	sshll.u32 s0, $0xA;
	s2 =	sadd.s32 s3, s2  }
0x5: {  	s2 =	sadd.s32 s2, s18  }
0x6: {  	[smem:$0x3FC3] =	sst s2  }
0x7: {  	_ = 	snop  }
0x8: {  	s2 =	sld [smem:$0x3FD0];
	(tm) =	ssettm $0x1  }
0x9: {  	s19 =	sld [smem:$0x3FFB];
	_ =	sdelay $0x3  }
0xa: {  	_ =	strace s19  }
0xb: {  	s3 =	sld [smem:$0x3FFC];
	_ =	sdelay $0x3  }
0xc: {  	_ =	strace s3  }
0xd: {  	s3 =	sld [smem:$0x3FFD];
	_ =	sdelay $0x3  }
0xe: {  	_ =	strace s3  }
0xf: {  	_ =	strace $0x8FFFFFFF  }
0x10: {  	s20 =	sld [smem:$0x3FDB];
	_ =	sdelay $0x1  }
0x11: {  	s4 =	simm.s32 $_scs_section_size  }
0x12: {  	s5 =	simm.s32 $_size__tile_overlayer_lowered;
	s6 =	simm.s32 $_tile_overlayer_lowered  }
0x13: {  	s23 =	simm.s32 $0x1BFF;
	s22 =	sshll.u32 s6, $0x1;
	s3 =	sadd.s32 s4, s20  }
0x14: {  	s7 =	simm.s32 $0x0;
	s21 =	sshll.u32 s5, $0x1;
	s5 =	sadd.s32 s22, s3  }
0x15: {  	[timem:s7], [sflag:s23] =	dma.local [hbm:s5], s21  }
0x16: {  	_ =	swait.ge [sflag:s23], s21  }
0x17: {  	s4 =	ssub.s32 $0x0, s21;
	[sflag:s23] =	ssyncset.done $0x0  }
0x18: {  	[sflag:s23] =	ssyncadd.s32 s4;
	_ =	sdelay $0x1  }
0x19: {  	s24 =	simm.s32 $0x1B8B  }
0x1a: {  	_ =	swait.ge [sflag:s24], $0x1  }
0x1b: {  	[sflag:s24] =	ssyncset.done $0x0  }
0x1c: {  	s26 =	simm.s32 $0x1B8E;
	s25 =	sld [smem:$0x3FFE];
	[sflag:s24] =	ssyncadd.s32 $0xFFFFFFFF  }
0x1d: {  	s27 =	simm.s32 $execute0_lowered;
	[smem:$0x3FD2] =	sst s26  }
0x1e: {  	s5 =	sshll.u32 s27, $0x1;
	_ =	strace $0x80000049;
	[dreg:$0x1] =	wrdreg $0xFFFFFFFF  }
0x1f: {  	s28 =	simm.s32 $_size_execute0_lowered;
	s3 =	sadd.s32 s3, s5;
	[dreg:$0x0] =	wrdreg $0x0  }
0x20: {  	s5 =	sshll.u32 s28, $0x1;
	[dreg:$0x2] =	wrdreg s3  }
0x21: {  	[dreg:$0x3] =	wrdreg s5  }
0x22: {  	[dreg:$0x4] =	wrdreg $0xC0  }
0x23: {  	_ =	task [dreg:s7], $0x5FFFF  }
0x24: {  	[dreg:$0x1] =	wrdreg $0xFFFFFFFF  }
0x25: {  	[dreg:$0x0] =	wrdreg $0x60  }
0x26: {  	[dreg:$0x2] =	wrdreg s25  }
0x27: {  	[dreg:$0x3] =	wrdreg s2  }
0x28: {  	[dreg:$0x4] =	wrdreg $0x9  }
0x29: {  	_ =	task.clear_ibuf [dreg:s7], $0x5FFFF;
	_ =	strace $0x90000049  }
0x2a: {  	s29 =	simm.s32 $0x9;
	_ =	strace $0x8000004B  }
0x2b: {  	_ =	swait.ge [sflag:s29], $0x1  }
0x2c: {  	[sflag:s29] =	ssyncadd.s32 $0xFFFFFFFF  }
0x2d: {  	_ =	strace $0x9000004B  }
0x2e: {  	_ =	sfence  }
0x2f: {  	s30 =	sld [smem:$0x0];
	_ =	sdelay $0x2  }
0x30: {  	s31 =	sshll.u32 s1, $0xD;
	s1 =	sshrl.u32 s1, $0x2  }
0x31: {  	s3 =	sand.u32 $0x4000, s31;
	s1 =	sadd.s32 s1, s30  }
0x32: {  	s0 =	sor.u32 s3, s0;
	s1 =	sshll.u32 s1, $0x11  }
0x33: {  	s0 =	sor.u32 s1, s0  }
0x34: {  	s0 =	sadd.s32 $0x8F2B, s0  }
0x35: {  	[sflag:s0] =	ssyncadd.remote.s32 $0x1  }
0x36: {  	_ =	sfence.sel $0xFFFF  }
0x37: {  	[dreg:$0x0] =	wrdreg $0xFFFFFFFF;
	(pc) =	sbr.abs _section_cstart, $3  }
0x38: {  	[dreg:$0x1] =	wrdreg $0xFFFFFFFF  }
0x39: {  	_ =	task.clear_ibuf [dreg:s7], $0x2FFFF;
	_ =	strace $0x9FFFFFFF  }
0x3a: {  	(tm) =	ssettm $0x7FFFFFFF  }
0x3b: {  	_ =	shalt  }
tec
execute0_lowered:
.L_overlay_start_1:
0x0: {  	(tag) =	ssettag $0x1  }
0x1: {  	s0 =	srdreg.scid  }
0x2: {  	s7 =	rddreg [dreg:$0x0];
	s1 =	sshll.u32 s0, $0x4  }
0x3: {  	s3 =	rddreg [dreg:$0x1];
	s0 =	stileid.u32;
	s1 =	sand.u32 $0x10, s1  }
0x4: {  	s6 =	simm.s32 $0x1;
	s31 =	simm.s32 $0x2;
	s1 =	sor.u32 s0, s1  }
0x5: {  	s13 =	simm.s32 $0x0;
	s9 =	simm.s32 $0x1000;
	s2 =	sshll.u32 s1, $0x1  }
0x6: {  	s14 =	simm.s32 $0x0;
	s10 =	simm.s32 $0x0;
	s4 =	ssub.s32 $0x400, s2  }
0x7: {  	s12 =	simm.s32 $0x0;
	s1 =	rddreg [dreg:$0x2];
	s5 =	sand.u32 $0x3E, s4  }
.Ltmp0:
0x8: {  	_ =	strace $0x8000004A;
	p0 =	sne.s32 s5, $0x0;
	(pc) =	sbr.rel .LBB1_1-.Ltmp0, $4  }
0x9: {  	s11 =	smov.u32 s2;
	s8 =	sshrl.u32 s4, $0x6;
	s6 =	simm.s32 @!p0 $0x0  }
0xa: {  	s4 =	sadd.s32 $0x1000, s7;
	s5 =	simm.s32 $0x1;
	s6 =	sadd.s32 s6, s8  }
0xb: {  	s7 =	sadd.s32 $0x3000, s7;
	[sflag:s5] =	ssyncpa.u1 $0x0;
	s6 =	sshll.u32 s6, $0x2  }
0xc: {  	p0 =	por $0x0, $0x0;
	[sflag:s31] =	ssyncpa.u1 $0x0;
	s8 =	sor.u32 $0x1, s6  }
.LBB1_7:
0xd: {  	s15 =	sadd.s32 $0x80, s10  }
0xe: {  	s13 =	sadd.s32 $0x40, s11;
	s17 =	smov.u32 s11;
	p2 =	sgt.s32 s15, $0x1FF  }
0xf: {  	s17 =	smov.u32 @p2 s13  }
0x10: {  	s15 =	simm.s32 @p2 $0x0;
	p2 =	sgt.s32 s17, $0x3FF  }
0x11: {  	s17 =	smov.u32 @p2 s2;
	p2 =	sne.s32 s12, s8  }
.Ltmp1:
0x12: {  	p1 =	slt.u32 s12, $0x2;
	(pc) =	sbr.rel @!p2 .LBB1_8-.Ltmp1, $4  }
0x13: {  	s16 =	simm.s32 @!p1 $0x2  }
0x14: {  	s14 =	smov.u32 s11;
	p0 =	por !p0, !p0;
	_ =	swait.ge @!p1 [sflag:s16], $0x4000  }
0x15: {  	s13 =	smov.u32 s10;
	[sflag:s16] =	ssyncset.done @!p1 $0x0;
	s10 =	smov.u32 s15  }
0x16: {  	s12 =	sadd.s32 $0x1, s12;
	[sflag:s16] =	ssyncadd.s32 @!p1 $0xFFFFC000;
	s11 =	smov.u32 s17  }
.LBB1_1:
0x17: {  	p1 =	sge.u32 s12, s6  }
0x18: {  	s15 =	sxor.u32 @!p1 $0xFFFFFFFF, s12;
	s16 =	sshll.u32 @!p1 s11, $0xD  }
0x19: {  	s17 =	sshll.u32 @!p1 s10, $0x4;
	s19 =	simm.s32 @!p1 $0x40;
	s20 =	simm.s32 @!p1 $0x80  }
0x1a: {  	s15 =	sshll.u32 @!p1 s15, $0xE;
	s17 =	sand.u32 @!p1 $0x1FF0, s17;
	s18 =	sadd.s32 @!p1 s4, s16  }
0x1b: {  	s16 =	sadd.s32 @!p1 s16, s7;
	s15 =	sand.u32 @!p1 $0x4000, s15;
	s18 =	sadd.s32 @!p1 s17, s18  }
0x1c: {  	[tilespmem:s15], [sflag:$0x1] =	stream.strided.gather @!p1 [hbm4b:s18+s19], $0x2000, s20, s19, $0x38;
	[tilespmem:$0x10100] =	vst v63  }
0x1d: {  	s31 =	sadd.s32 $0xFFFFFFFF, s12;
	s16 =	sadd.s32 @!p1 s17, s16;
	s15 =	sor.u32 @!p1 $0x2000, s15  }
0x1e: {  	[tilespmem:s15], [sflag:$0x1] =	stream.strided.gather @!p1 [hbm4b:s16+s19], $0x2000, s20, s19, $0x38;
	[tilespmem:$0x10100] =	vst v63  }
0x1f: {  	p1 =	sge.u32 s31, s6  }
.Ltmp2:
0x20: {  	_ = 	snop;
	(pc) =	sbr.rel @p1 .LBB1_7-.Ltmp2, $1  }
0x21: {  	_ =	sdelay $0x3  }
0x22: {  	s15 =	simm.s32 $0x1;
	s17 =	sand.u32 $0x1, s12  }
0x23: {  	_ =	swait.ge [sflag:s5], $0x4000;
	s15 =	simm.s32 @!p0 $0x0;
	s17 =	smul.u32 $0x10200, s17  }
0x24: {  	p2 =	por $0x1, $0x1;
	[sflag:s5] =	ssyncset.done $0x0;
	s16 =	smul.u32 $0x10200, s15  }
0x25: {  	s18 =	sshll.u32 s15, $0x10;
	[sflag:s5] =	ssyncadd.s32 $0xFFFFC000;
	s30 =	sshrl.u32 s17, $0x2  }
0x26: {  	s31 =	sshrl.u32 s18, $0x2;
	s18 =	simm.s32 $0x0;
	s16 =	sshrl.u32 s16, $0x2  }
0x27: {  	s15 =	sor.u32 $0x8000, s30;
	s17 =	sadd.s32 $0x20, s31;
	s16 =	sor.u32 $0x8000, s16  }
.LBB1_3:
0x28: {  	s19 =	sshll.u32 s18, $0xD  }
0x29: {  	s19 =	sand.u32 $0x3FFFE000, s19  }
0x2a: {  	s21 =	sadd.s32 s19, s17  }
0x2b: {  	s31 =	smul.u32 $0x8100, s18;
	v3 =	vld [tilespmem:s21+$0x10]  }
0x2c: {  	v1 =	vld [tilespmem:s21+$0xFFFFFFF0]  }
0x2d: {  	s18 =	sshra.s32 s31, $0x2;
	v0 =	vld [tilespmem:s21+$0x0]  }
0x2e: {  	s18 =	sadd.s32 s18, s16;
	v2 =	vld [tilespmem:s21+$0xFFFFFFE0]  }
0x2f: {  	s19 =	sadd.s32 $0x0, s18  }
0x30: {  	p1 =	por p2, p2;
	s20 =	simm.s32 $0x4;
	s21 =	sadd.s32 $0x40, s21;
	[tilespmem:s19+$0x1830 ss:$0x81] =	vst.msk $0xffff, v3  }
.LBB1_4:
0x31: {  	v3 =	vld [tilespmem:s21+$0x10];
	p2 =	sne.s32 s20, $0x1FC;
	[tilespmem:s19+$0x810 ss:$0x81] =	vst.msk $0xffff, v1;
	s22 =	smov.u32 s20;
	s20 =	sadd.s32 $0x4, s20  }
.Ltmp3:
0x32: {  	v1 =	vld [tilespmem:s21+$0xFFFFFFF0];
	[tilespmem:s19+$0x1020 ss:$0x81] =	vst.msk $0xffff, v0;
	(pc) =	sbr.rel @p2 .LBB1_4-.Ltmp3, $4  }
0x33: {  	v0 =	vld [tilespmem:s21+$0x0];
	[tilespmem:s19+$0x0 ss:$0x81] =	vst.msk $0xffff, v2  }
0x34: {  	s19 =	sshra.s32 s22, $0x2;
	v2 =	vld [tilespmem:s21+$0xFFFFFFE0]  }
0x35: {  	s19 =	sadd.s32 s19, s18  }
0x36: {  	s21 =	sadd.s32 $0x40, s21;
	[tilespmem:s19+$0x1830 ss:$0x81] =	vst.msk $0xffff, v3  }
.Ltmp4:
0x37: {  	(pc) =	sbr.rel @p1 .LBB1_3-.Ltmp4, $4  }
0x38: {  	_ = 	snop  }
0x39: {  	[tilespmem:s19+$0x810 ss:$0x81] =	vst.msk $0xffff, v1  }
0x3a: {  	[tilespmem:s19+$0x1020 ss:$0x81] =	vst.msk $0xffff, v0  }
0x3b: {  	s18 =	simm.s32 $0x1;
	p2 =	por $0x0, $0x0;
	[tilespmem:s19+$0x0 ss:$0x81] =	vst.msk $0xffff, v2  }
.Ltmp5:
0x3c: {  	s16 =	sand.u32 $0xF80, s13;
	s14 =	sshll.u32 s14, $0xC;
	(pc) =	sbr.rel .LBB1_7-.Ltmp5, $4  }
0x3d: {  	s17 =	sshrl.u32 s13, $0x3;
	s31 =	sand.u32 $0x7, s13;
	s14 =	sadd.s32 s3, s14  }
0x3e: {  	s17 =	sand.u32 $0xF, s17;
	s13 =	sshll.u32 s31, $0x12;
	s14 =	sadd.s32 s16, s14  }
0x3f: {  	s13 =	sor.u32 $0x400, s13;
	s14 =	sadd.s32 s17, s14  }
0x40: {  	[hbm4b:s14+s13] =	stream.strided.scatter [tilespmem:s15], [sflag:$0x2], $0x4000, s9, s13, $0x20;
	[tilespmem:$0x10100] =	vst v63  }
.LBB1_8:
0x41: {  	_ =	sfence.sel $0x180000  }
0x42: {  	s2 =	simm.s32 $0x1;
	[bflag:$0x0] =	sbarrier.arrive $0xFFFF  }
0x43: {  	s31 =	simm.s32 $0x2;
	[sflag:s2] =	ssyncpa.u1 $0x1  }
0x44: {  	[sflag:s31] =	ssyncpa.u1 $0x1  }
0x45: {  	p0 =	sne.s32 s0, $0x0;
	_ =	strace $0x9000004A  }
0x46: {  	s0 =	sadd.s32 @!p0 $0x100000, s1;
	[bflag:$0x2] =	sbarrier.arrive $0xFFFF  }
0x47: {  	[sflag:s0] =	ssyncadd.tile.s32 @!p0 $0x1;
	_ =	shalt  }
.Lfunc_end1:
_tile_overlayer_lowered:
.L_overlay_start_2:
0x48: {  	(tag) =	ssettag $0x2  }
0x49: {  	s0 =	rddreg [dreg:$0x0];
	s2 =	stileid.u32  }
0x4a: {  	s1 =	rddreg [dreg:$0x1];
	p0 =	sne.s32 s2, $0x0  }
0x4b: {  	s3 =	rddreg [dreg:$0x2];
	[bflag:$0x3] =	sbarrier.arrive $0xFFFF;
	s2 =	simm.s32 @!p0 $0x1C01  }
0x4c: {  	[timem:s3], [sflag:s2] =	dma.local @!p0 [hbm:s0], s1  }
0x4d: {  	s0 =	simm.s32 @!p0 $0x1  }
0x4e: {  	_ =	swait.ge @!p0 [sflag:s0], s1  }
0x4f: {  	s1 =	ssub.s32 @!p0 $0x0, s1;
	[sflag:s0] =	ssyncset.done @!p0 $0x0  }
0x50: {  	[sflag:s0] =	ssyncadd.s32 @!p0 s1  }
0x51: {  	[bflag:$0x3] =	sbarrier.arrive $0xFFFF  }
0x52: {  	_ =	shalt  }

</sc_bundles>
